<compile_context>
chip_gen: v7x
topology: tpu7x:2x2x1
jax: 0.10.2.dev20260603
libtpu: 0.0.44.dev20260713+nightly
codegen_flags: <defaults>
</compile_context>

<pallas_src>
import functools
import jax
import jax.numpy as jnp
from jax import lax
from jax.experimental import pallas as pl
from jax.experimental.pallas import tpu as pltpu
from jax.experimental.pallas import tpu_sc as plsc

N_NODES = 50000
N_EDGES = 800000
D_NODE = 128
D_EDGE = 16
B = 1024
K = 20
EPS = 1e-6
NEG = -3.4e38

NC = 2
NS = 16
NW = NC * NS

PAIR_N = B * K + B * K * K
NROUND = 2
PER_TILE = PAIR_N // NS // NROUND
PCHUNK = 2688
NVREG = PCHUNK // 16
SEG = N_EDGES // NW
LOCAL_SZ = PER_TILE + NS * 256


def _bucket_of(idv, inv_seg, seg):
  g = (idv.astype(jnp.float32) * inv_seg).astype(jnp.int32)
  r = idv - g * seg
  g = jnp.where(r < 0, g - 1, g)
  g = jnp.where(idv - g * seg >= seg, g + 1, g)
  return g


def _scmax_body(ids_hbm, ws_hbm, ew_hbm,
                ids_st, ws_st, hist_v, offs_v, allcnt_v, cnt256_v, cntraw_v, lb_v,
                ids_rt, ws_rt, ew_v, ids_sc, ws_sc, stg_i, stg_w,
                cnt_sp, ids_sp, ws_sp, sem):
  cid = lax.axis_index("c")
  tid = lax.axis_index("s")
  lane = lax.iota(jnp.int32, 16)
  zero_i = jnp.zeros((16,), jnp.int32)
  inv_seg = 1.0 / SEG

  seg_base = (cid * NS + tid) * SEG

  def zseg(i, _):
    ew_v[pl.ds(i * 16, 16)] = jnp.zeros((16,), jnp.float32)
    return _

  lax.fori_loop(0, (SEG + 15) // 16, zseg, None)

  ids_sc[pl.ds(0, 16)] = zero_i - 1
  ids_sc[pl.ds(24, 16)] = zero_i - 1

  for rnd in range(NROUND):
    pair0 = rnd * (PAIR_N // NROUND) + tid * PER_TILE

    for i in range(16):
      hist_v[pl.ds(i * 16, 16)] = zero_i

    cpi = pltpu.async_copy(
        ids_hbm.at[pl.ds(pl.multiple_of(pair0, 8), PER_TILE)], ids_st, sem)
    cpw = pltpu.async_copy(
        ws_hbm.at[pl.ds(pl.multiple_of(pair0, 8), PER_TILE)], ws_st, sem)
    cpi.wait()
    cpw.wait()

    def vr_a(v, _):
      idv = ids_st[pl.ds(v * 16, 16)]
      g = _bucket_of(idv, inv_seg, SEG)
      b = g - cid * NS
      bc = jnp.clip(b, 0, NS - 1)
      validi = jnp.where(b >= 0, 1, 0) * jnp.where(b < NS, 1, 0)
      plsc.addupdate_scatter(hist_v, [bc * 16 + lane], validi)
      return _

    lax.fori_loop(0, PER_TILE // 16, vr_a, None)

    pltpu.sync_copy(hist_v, cnt_sp.at[pl.ds(pl.multiple_of(tid * 256, 8), 256)])
    plsc.subcore_barrier()
    pltpu.sync_copy(cnt_sp, allcnt_v)

    def grp(g, _):
      i = g * 16 + lane
      t = i >> 4
      bb = i & (NS - 1)
      def lsum(l, a):
        return a + plsc.load_gather(allcnt_v, [t * 256 + bb * 16 + l])
      acc = lax.fori_loop(0, 16, lsum, zero_i)
      cnt256_v[pl.ds(g * 16, 16)] = ((acc + 255) >> 8) << 8
      cntraw_v[pl.ds(g * 16, 16)] = acc
      return _

    lax.fori_loop(0, 16, grp, None)

    def lb_t(t, _):
      v = cnt256_v[pl.ds(t * 16, 16)]
      lb_v[pl.ds(t * 16, 16)] = plsc.cumsum(v) - v
      return _

    lax.fori_loop(0, 16, lb_t, None)

    def offs_b(b, _):
      hv = hist_v[pl.ds(b * 16, 16)]
      excl = plsc.cumsum(hv) - hv
      base = lb_v[pl.ds(tid * 16 + b, 16)][0]
      offs_v[pl.ds(b * 16, 16)] = base + excl
      return _

    lax.fori_loop(0, NS, offs_b, None)

    def sent(i, _):
      ids_rt[pl.ds(i * 16, 16)] = zero_i - 1
      return _

    lax.fori_loop(0, LOCAL_SZ // 16, sent, None)

    def vr_b(v, _):
      idv = ids_st[pl.ds(v * 16, 16)]
      wv = ws_st[pl.ds(v * 16, 16)]
      g = _bucket_of(idv, inv_seg, SEG)
      b = g - cid * NS
      bc = jnp.clip(b, 0, NS - 1)
      validi = jnp.where(b >= 0, 1, 0) * jnp.where(b < NS, 1, 0)
      valid = validi > 0
      oidx = bc * 16 + lane
      cur = plsc.load_gather(offs_v, [oidx])
      plsc.store_scatter(ids_rt, [cur], idv, mask=valid)
      plsc.store_scatter(ws_rt, [cur], wv, mask=valid)
      plsc.store_scatter(offs_v, [oidx], cur + validi)
      return _

    lax.fori_loop(0, PER_TILE // 16, vr_b, None)

    pltpu.sync_copy(ids_rt, ids_sp.at[pl.ds(pl.multiple_of(tid * LOCAL_SZ, 8), LOCAL_SZ)])
    pltpu.sync_copy(ws_rt, ws_sp.at[pl.ds(pl.multiple_of(tid * LOCAL_SZ, 8), LOCAL_SZ)])
    plsc.subcore_barrier()

    def prod_t(t, _):
      lb_s = lb_v[pl.ds(t * 16 + tid, 16)][0]
      units = cnt256_v[pl.ds(t * 16 + tid, 16)][0] >> 8
      nvreg_raw = (cntraw_v[pl.ds(t * 16 + tid, 16)][0] + 15) >> 4
      src0 = pl.multiple_of(t * LOCAL_SZ + lb_s, 8)

      def unit_u(u, __):
        ci = pltpu.async_copy(
            ids_sp.at[pl.ds(pl.multiple_of(src0 + u * 256, 8), 256)], stg_i, sem)
        cw = pltpu.async_copy(
            ws_sp.at[pl.ds(pl.multiple_of(src0 + u * 256, 8), 256)], stg_w, sem)
        ci.wait()
        cw.wait()

        def vr(v, ___):
          idv = stg_i[pl.ds(v * 16, 16)]
          wv = stg_w[pl.ds(v * 16, 16)]
          valid = idv >= 0
          idl = jnp.where(valid, idv - seg_base, 0)
          wv = jnp.where(valid, wv, NEG)
          ks, vs = plsc.sort_key_val(idl, wv)
          ids_sc[pl.ds(8, 16)] = ks
          cur = vs
          for k in (1, 2, 4, 8):
            ws_sc[pl.ds(8, 16)] = cur
            idk = ids_sc[pl.ds(8 - k, 16)]
            wk = ws_sc[pl.ds(8 - k, 16)]
            cur = jnp.where(idk == ks, jnp.maximum(cur, wk), cur)
          lastm = ids_sc[pl.ds(9, 16)] != ks
          old = plsc.load_gather(ew_v, [ks], mask=lastm)
          plsc.store_scatter(ew_v, [ks], jnp.maximum(old, cur), mask=lastm)
          return ___

        lax.fori_loop(0, jnp.clip(nvreg_raw - u * 16, 0, 16), vr, None)
        return __

      lax.fori_loop(0, units, unit_u, None)
      return _

    lax.fori_loop(0, NS, prod_t, None)
    plsc.subcore_barrier()

  pltpu.sync_copy(ew_v.at[pl.ds(0, SEG)], ew_hbm.at[pl.ds(pl.multiple_of(seg_base, 8), SEG)])


_scmax = pl.kernel(
    _scmax_body,
    out_type=jax.ShapeDtypeStruct((N_EDGES,), jnp.float32),
    mesh=plsc.VectorSubcoreMesh(core_axis_name="c", subcore_axis_name="s"),
    compiler_params=pltpu.CompilerParams(
        use_tc_tiling_on_sc=False, needs_layout_passes=False),
    scratch_types=[
        pltpu.VMEM((PER_TILE,), jnp.int32),
        pltpu.VMEM((PER_TILE,), jnp.float32),
        pltpu.VMEM((256,), jnp.int32),
        pltpu.VMEM((256,), jnp.int32),
        pltpu.VMEM((16 * 256,), jnp.int32),
        pltpu.VMEM((256 + 16,), jnp.int32),
        pltpu.VMEM((256 + 16,), jnp.int32),
        pltpu.VMEM((256 + 16,), jnp.int32),
        pltpu.VMEM((LOCAL_SZ,), jnp.int32),
        pltpu.VMEM((LOCAL_SZ,), jnp.float32),
        pltpu.VMEM((SEG + 16,), jnp.float32),
        pltpu.VMEM((40,), jnp.int32),
        pltpu.VMEM((40,), jnp.float32),
        pltpu.VMEM((256,), jnp.int32),
        pltpu.VMEM((256,), jnp.float32),
        pltpu.VMEM_SHARED((NS * 256,), jnp.int32),
        pltpu.VMEM_SHARED((NS * LOCAL_SZ + 256,), jnp.int32),
        pltpu.VMEM_SHARED((NS * LOCAL_SZ + 256,), jnp.float32),
        pltpu.SemaphoreType.DMA,
    ],
)

B_PER_W = B // NW
NG = K * K + K + 4
NG_PAD = 512
CHUNKS = ((0, 128), (128, 128), (256, 128), (384, 40))
OUT_W = 384


def _sc_body(nidx_hbm, eidx_hbm, ew_hbm, node_hbm, edge_hbm,
             out_hbm,
             idxn_a, idxe_a, ewg_a, w_a, rows_a, erows_a,
             idxn_b, idxe_b, ewg_b, w_b, rows_b, erows_b,
             out_v, sem_a, sem_b):
  wid = lax.axis_index("s") * NC + lax.axis_index("c")
  zero = jnp.zeros((16,), jnp.float32)

  for z in range(304 // 16, OUT_W // 16):
    out_v[pl.ds(z * 16, 16)] = zero

  bufs = ((idxn_a, idxe_a, ewg_a, w_a, rows_a, erows_a, sem_a),
          (idxn_b, idxe_b, ewg_b, w_b, rows_b, erows_b, sem_b))

  def stage_and_fire(gb, bufset):
    idxn_v, idxe_v, ewg_v, w_v, rows_v, erows_v, sem = bufset
    ci = pltpu.async_copy(nidx_hbm.at[gb], idxn_v, sem)
    ce = pltpu.async_copy(eidx_hbm.at[gb], idxe_v, sem)
    ci.wait()
    ce.wait()
    for off, ln in CHUNKS:
      pltpu.async_copy(
          node_hbm.at[idxn_v.at[pl.ds(off, ln)]], rows_v.at[pl.ds(off, ln)], sem)
      pltpu.async_copy(
          edge_hbm.at[idxe_v.at[pl.ds(off, ln)]], erows_v.at[pl.ds(off, ln)], sem)
      pltpu.async_copy(
          ew_hbm.at[idxe_v.at[pl.ds(off, ln)]], ewg_v.at[pl.ds(off, ln)], sem)

  def drain(bufset):
    idxn_v, idxe_v, ewg_v, w_v, rows_v, erows_v, sem = bufset
    for off, ln in CHUNKS:
      pltpu.make_async_copy(
          node_hbm.at[idxn_v.at[pl.ds(off, ln)]], rows_v.at[pl.ds(off, ln)], sem).wait()
      pltpu.make_async_copy(
          edge_hbm.at[idxe_v.at[pl.ds(off, ln)]], erows_v.at[pl.ds(off, ln)], sem).wait()
      pltpu.make_async_copy(
          ew_hbm.at[idxe_v.at[pl.ds(off, ln)]], ewg_v.at[pl.ds(off, ln)], sem).wait()

  def compute(gb, bufset):
    idxn_v, idxe_v, ewg_v, w_v, rows_v, erows_v, sem = bufset

    for v in range(NG // 16 + 1):
      idn = idxn_v[pl.ds(v * 16, 16)]
      ewv = ewg_v[pl.ds(v * 16, 16)]
      w_v[pl.ds(v * 16, 16)] = jnp.where(idn > 0, ewv, 0.0)

    def hop2_i(i, pcar):
      def hop2_j(j, jcar):
        r = i * K + j
        w = w_v[pl.ds(r, 16)][0]
        accs = tuple(jcar[v] + w * rows_v[r, pl.ds(v * 16, 16)] for v in range(8))
        acce = jcar[8] + w * erows_v[r, :]
        s2 = jcar[9] + w
        return accs + (acce, s2)

      jcar = lax.fori_loop(0, K, hop2_j, (zero,) * 10)
      w1_i = w_v[pl.ds(K * K + i, 16)][0]
      u2 = (w1_i + zero) / (jcar[9] + EPS)
      pf = tuple(pcar[v] + u2 * jcar[v] for v in range(8))
      pe = pcar[8] + u2 * jcar[8]
      return pf + (pe,)

    pcar = lax.fori_loop(0, K, hop2_i, (zero,) * 9)

    def hop1_i(i, fcar):
      r = K * K + i
      w = w_v[pl.ds(r, 16)][0]
      accs = tuple(fcar[v] + w * rows_v[r, pl.ds(v * 16, 16)] for v in range(8))
      acce = fcar[8] + w * erows_v[r, :]
      s1 = fcar[9] + w
      return accs + (acce, s1)

    fcar = lax.fori_loop(0, K, hop1_i, (zero,) * 10)

    for v in range(8):
      out_v[pl.ds(v * 16, 16)] = pcar[v]
      out_v[pl.ds(128 + v * 16, 16)] = fcar[v]
    out_v[pl.ds(256, 16)] = pcar[8]
    out_v[pl.ds(272, 16)] = fcar[8]
    out_v[pl.ds(288, 16)] = fcar[9]
    pltpu.sync_copy(out_v, out_hbm.at[gb])

  stage_and_fire(wid * B_PER_W, bufs[0])

  def pair(p, _):
    s0 = wid * B_PER_W + 2 * p
    stage_and_fire(s0 + 1, bufs[1])
    drain(bufs[0])
    compute(s0, bufs[0])
    stage_and_fire(jnp.minimum(s0 + 2, B - 1), bufs[0])
    drain(bufs[1])
    compute(s0 + 1, bufs[1])
    return _

  lax.fori_loop(0, B_PER_W // 2, pair, None)
  drain(bufs[0])


_sc_gather = pl.kernel(
    _sc_body,
    out_type=jax.ShapeDtypeStruct((B, OUT_W), jnp.float32),
    mesh=plsc.VectorSubcoreMesh(core_axis_name="c", subcore_axis_name="s"),
    compiler_params=pltpu.CompilerParams(use_tc_tiling_on_sc=False),
    scratch_types=[
        pltpu.VMEM((NG_PAD,), jnp.int32),
        pltpu.VMEM((NG_PAD,), jnp.int32),
        pltpu.VMEM((NG_PAD,), jnp.float32),
        pltpu.VMEM((NG_PAD + 16,), jnp.float32),
        pltpu.VMEM((NG, D_NODE), jnp.float32),
        pltpu.VMEM((NG, D_EDGE), jnp.float32),
        pltpu.VMEM((NG_PAD,), jnp.int32),
        pltpu.VMEM((NG_PAD,), jnp.int32),
        pltpu.VMEM((NG_PAD,), jnp.float32),
        pltpu.VMEM((NG_PAD + 16,), jnp.float32),
        pltpu.VMEM((NG, D_NODE), jnp.float32),
        pltpu.VMEM((NG, D_EDGE), jnp.float32),
        pltpu.VMEM((OUT_W,), jnp.float32),
        pltpu.SemaphoreType.DMA,
        pltpu.SemaphoreType.DMA,
    ],
)


def _tc_body(agg_ref, we_ref, wproj_ref, out_ref):
  a = agg_ref[...]
  pf = a[:, 0:128]
  accf1 = a[:, 128:256]
  pe = a[:, 256:272]
  acce1 = a[:, 272:288]
  s1 = a[:, 288:289]
  we = we_ref[...]
  t = pf + jnp.dot(pe, we, preferred_element_type=jnp.float32)
  out = (accf1 + jnp.dot(acce1, we, preferred_element_type=jnp.float32)
         + jnp.dot(t, wproj_ref[...], preferred_element_type=jnp.float32))
  out_ref[...] = out / (s1 + EPS)


def kernel(node_table, edge_table, W_e, W_proj, edge_imp_0, edge_imp_1,
           hop1_nodes, hop1_eidx, hop2_nodes, hop2_eidx):
  flat_e = jnp.concatenate(
      [hop1_eidx.reshape(-1), hop2_eidx.reshape(-1)]).astype(jnp.int32)
  flat_w = jnp.concatenate([edge_imp_0.reshape(-1), edge_imp_1.reshape(-1)])

  ew = _scmax(flat_e, flat_w)

  npad = NG_PAD - (K * K + K)
  pad_n = (jnp.arange(B, dtype=jnp.int32)[:, None] * npad
           + jnp.arange(npad, dtype=jnp.int32)[None, :]) % N_NODES
  pad_e = (jnp.arange(B, dtype=jnp.int32)[:, None] * npad
           + jnp.arange(npad, dtype=jnp.int32)[None, :]) % N_EDGES
  nidx = jnp.concatenate(
      [hop2_nodes.reshape(B, K * K), hop1_nodes, pad_n], axis=1).astype(jnp.int32)
  eidx = jnp.concatenate(
      [hop2_eidx.reshape(B, K * K), hop1_eidx, pad_e], axis=1).astype(jnp.int32)

  agg = _sc_gather(nidx, eidx, ew, node_table, edge_table)

  return pl.pallas_call(
      _tc_body,
      out_shape=jax.ShapeDtypeStruct((B, D_NODE), jnp.float32),
  )(agg, W_e, W_proj)

# --- scband reference (transcript-rebuilt; emitter-appended) ---
"""Pipeline reference for scband-temp-mebase-adapter-87711822119540 (READ-ONLY COPY).

The authoritative reference and input builder live on the scoring server;
editing this copy changes nothing except your own understanding.
"""

import jax, jax.numpy as jnp
import numpy as np

N_NODES = 50000
N_EDGES = 800000
D_NODE = 128
D_EDGE = 16
B = 1024
K = 20
EPS = 1e-6


def setup_inputs(seed: int = 0) -> dict:
    key = jax.random.key(seed)
    ks = jax.random.split(key, 10)
    hop1_nodes = jax.random.randint(ks[0], (B, K), 0, N_NODES)
    hop1_eidx = jax.random.randint(ks[1], (B, K), 0, N_EDGES)
    hop2_nodes = jax.random.randint(ks[2], (B, K, K), 0, N_NODES)
    hop2_eidx = jax.random.randint(ks[3], (B, K, K), 0, N_EDGES)
    edge_imp_0 = jax.random.uniform(ks[4], (B, K), dtype=jnp.float32)
    edge_imp_1 = jax.random.uniform(ks[5], (B, K, K), dtype=jnp.float32)
    node_table = jax.random.normal(ks[6], (N_NODES, D_NODE), dtype=jnp.float32) * 0.02
    edge_table = jax.random.normal(ks[7], (N_EDGES, D_EDGE), dtype=jnp.float32) * 0.02
    W_e = jax.random.normal(ks[8], (D_EDGE, D_NODE), dtype=jnp.float32) * 0.05
    W_proj = jax.random.normal(ks[9], (D_NODE, D_NODE), dtype=jnp.float32) * 0.05
    return {
        'node_table': node_table,
        'edge_table': edge_table,
        'W_e': W_e,
        'W_proj': W_proj,
        'edge_imp_0': edge_imp_0,
        'edge_imp_1': edge_imp_1,
        'hop1_nodes': hop1_nodes,
        'hop1_eidx': hop1_eidx,
        'hop2_nodes': hop2_nodes,
        'hop2_eidx': hop2_eidx,
    }


def reference(node_table, edge_table, W_e, W_proj, edge_imp_0, edge_imp_1,
              hop1_nodes, hop1_eidx, hop2_nodes, hop2_eidx):
    # TempME-style: deduplicate edge importances across the 2-hop subgraph,
    # keeping the max weight per edge id (mirrors _build_candidate_weights),
    # then run masked 2-hop message passing over frozen node/edge embeddings
    # (mirrors the adapter's node_raw_features / edge_raw_features lookups
    # with 'mult' weight_mode).
    flat_e = jnp.concatenate([hop1_eidx.reshape(-1), hop2_eidx.reshape(-1)])
    flat_w = jnp.concatenate([edge_imp_0.reshape(-1), edge_imp_1.reshape(-1)])
    # scatter-max aggregation of per-edge importance (agg[eid] = max weight)
    ew = jnp.zeros((N_EDGES,), dtype=jnp.float32).at[flat_e].max(flat_w)
    # padding mask: node/edge id 0 is padding (edge_ids > 0 in the adapter)
    m1 = (hop1_nodes > 0).astype(jnp.float32)
    m2 = (hop2_nodes > 0).astype(jnp.float32)
    w1 = ew[hop1_eidx] * m1
    w2 = ew[hop2_eidx] * m2
    # embedding lookups (frozen tables)
    f1 = jnp.take(node_table, hop1_nodes, axis=0)            # [B, K, D]
    f2 = jnp.take(node_table, hop2_nodes, axis=0)            # [B, K, K, D]
    e1 = jnp.take(edge_table, hop1_eidx, axis=0) @ W_e       # [B, K, D]
    e2 = jnp.take(edge_table, hop2_eidx, axis=0) @ W_e       # [B, K, K, D]
    # hop-2 weighted aggregation ('mult' weight mode)
    msg2 = (f2 + e2) * w2[..., None]
    agg2 = msg2.sum(axis=2) / (w2.sum(axis=2) + EPS)[..., None]   # [B, K, D]
    # hop-1 weighted aggregation
    h1 = (f1 + e1 + agg2 @ W_proj) * w1[..., None]
    out = h1.sum(axis=1) / (w1.sum(axis=1) + EPS)[..., None]       # [B, D]
    return out

if __name__ == "__main__":
    import jax
    _d = setup_inputs()
    print(jax.jit(kernel)(*tuple(_d.values())))

</pallas_src>

<mosaic_0001>
#map = affine_map<(d0, d1) -> (0)>
module attributes {stable_mosaic.version = 14 : i64} {
  func.func @_scmax_body(%arg0: i32, %arg1: i32, %arg2: memref<430080xi32, #tpu.memory_space<hbm>>, %arg3: memref<430080xf32, #tpu.memory_space<hbm>>, %arg4: memref<800000xf32, #tpu.memory_space<hbm>>, %arg5: memref<13440xi32, #tpu.memory_space<vmem>>, %arg6: memref<13440xf32, #tpu.memory_space<vmem>>, %arg7: memref<256xi32, #tpu.memory_space<vmem>>, %arg8: memref<256xi32, #tpu.memory_space<vmem>>, %arg9: memref<4096xi32, #tpu.memory_space<vmem>>, %arg10: memref<272xi32, #tpu.memory_space<vmem>>, %arg11: memref<272xi32, #tpu.memory_space<vmem>>, %arg12: memref<272xi32, #tpu.memory_space<vmem>>, %arg13: memref<17536xi32, #tpu.memory_space<vmem>>, %arg14: memref<17536xf32, #tpu.memory_space<vmem>>, %arg15: memref<25016xf32, #tpu.memory_space<vmem>>, %arg16: memref<40xi32, #tpu.memory_space<vmem>>, %arg17: memref<40xf32, #tpu.memory_space<vmem>>, %arg18: memref<256xi32, #tpu.memory_space<vmem>>, %arg19: memref<256xf32, #tpu.memory_space<vmem>>, %arg20: memref<4096xi32, #tpu.memory_space<vmem_shared>>, %arg21: memref<280832xi32, #tpu.memory_space<vmem_shared>>, %arg22: memref<280832xf32, #tpu.memory_space<vmem_shared>>, %arg23: memref<!tpu.dma_semaphore, #tpu.memory_space<semaphore_mem>>) attributes {dimension_semantics = [#tpu.dimension_semantics<core_parallel>, #tpu.dimension_semantics<subcore_parallel>], iteration_bounds = array<i64: 2, 16>, scalar_prefetch = 0 : i64, scratch_operands = 19 : i64, tpu.core_type = #tpu.core_type<sc_vector_subcore>, window_params = [{transform_indices = #map}, {transform_indices = #map}, {transform_indices = #map}]} {
    %iota3A = tpu.iota {dimensions = array<i32: 0>} : vector<16xi32>
    %broadcast_in_dim3A = arith.constant 0 : i32
    %broadcast_in_dim3A_0 = vector.broadcast %broadcast_in_dim3A : i32 to vector<16xi32>
    %mul3A = arith.constant 16 : i32
    %mul3A_1 = arith.muli %arg0, %mul3A : i32
    %add3A = arith.addi %mul3A_1, %arg1 : i32
    %mul3A_2 = arith.constant 25000 : i32
    %mul3A_3 = arith.muli %add3A, %mul3A_2 : i32
    %scan3A = arith.constant 0 : i32
    %scan3A_4 = arith.constant 1563 : i32
    %scan3A_5 = arith.addi %scan3A, %scan3A_4 : i32
    %scan3A_6 = arith.constant 1 : i32
    scf.for %scan3A_199 = %scan3A to %scan3A_5 step %scan3A_6  : i32 {
      %broadcast_in_dim3A_200 = arith.constant 0.000000e+00 : f32
      %broadcast_in_dim3A_201 = vector.broadcast %broadcast_in_dim3A_200 : f32 to vector<16xf32>
      %mul3A_202 = arith.constant 16 : i32
      %mul3A_203 = arith.muli %scan3A_199, %mul3A_202 : i32
      %swap3A_204 = arith.index_cast %mul3A_203 : i32 to index
      %swap3A_205 = tpu.vector_load %arg15[%swap3A_204] {strides = array<i32>} : memref<25016xf32, #tpu.memory_space<vmem>>, vector<16xf32>,
      tpu.vector_store %arg15[%swap3A_204], %broadcast_in_dim3A_201 {strides = array<i32>} : memref<25016xf32, #tpu.memory_space<vmem>>, vector<16xf32>,
    }
    %scan3A_7 = arith.constant 1563 : i32
    %sub3A = arith.constant 1 : i32
    %sub3A_8 = vector.broadcast %sub3A : i32 to vector<16xi32>
    %sub3A_9 = arith.subi %broadcast_in_dim3A_0, %sub3A_8 : vector<16xi32>
    %swap3A = arith.constant 0 : index
    %swap3A_10 = tpu.vector_load %arg16[%swap3A] {strides = array<i32>} : memref<40xi32, #tpu.memory_space<vmem>>, vector<16xi32>,
    tpu.vector_store %arg16[%swap3A], %sub3A_9 {strides = array<i32>} : memref<40xi32, #tpu.memory_space<vmem>>, vector<16xi32>,
    %sub3A_11 = arith.constant 1 : i32
    %sub3A_12 = vector.broadcast %sub3A_11 : i32 to vector<16xi32>
    %sub3A_13 = arith.subi %broadcast_in_dim3A_0, %sub3A_12 : vector<16xi32>
    %swap3A_14 = arith.constant 24 : index
    %swap3A_15 = tpu.vector_load %arg16[%swap3A_14] {strides = array<i32>} : memref<40xi32, #tpu.memory_space<vmem>>, vector<16xi32>,
    tpu.vector_store %arg16[%swap3A_14], %sub3A_13 {strides = array<i32>} : memref<40xi32, #tpu.memory_space<vmem>>, vector<16xi32>,
    %mul3A_16 = arith.constant 13440 : i32
    %mul3A_17 = arith.muli %arg1, %mul3A_16 : i32
    %add3A_18 = arith.constant 0 : i32
    %add3A_19 = arith.addi %add3A_18, %mul3A_17 : i32
    %swap3A_20 = arith.constant 0 : index
    %swap3A_21 = tpu.vector_load %arg7[%swap3A_20] {strides = array<i32>} : memref<256xi32, #tpu.memory_space<vmem>>, vector<16xi32>,
    tpu.vector_store %arg7[%swap3A_20], %broadcast_in_dim3A_0 {strides = array<i32>} : memref<256xi32, #tpu.memory_space<vmem>>, vector<16xi32>,
    %swap3A_22 = arith.constant 16 : index
    %swap3A_23 = tpu.vector_load %arg7[%swap3A_22] {strides = array<i32>} : memref<256xi32, #tpu.memory_space<vmem>>, vector<16xi32>,
    tpu.vector_store %arg7[%swap3A_22], %broadcast_in_dim3A_0 {strides = array<i32>} : memref<256xi32, #tpu.memory_space<vmem>>, vector<16xi32>,
    %swap3A_24 = arith.constant 32 : index
    %swap3A_25 = tpu.vector_load %arg7[%swap3A_24] {strides = array<i32>} : memref<256xi32, #tpu.memory_space<vmem>>, vector<16xi32>,
    tpu.vector_store %arg7[%swap3A_24], %broadcast_in_dim3A_0 {strides = array<i32>} : memref<256xi32, #tpu.memory_space<vmem>>, vector<16xi32>,
    %swap3A_26 = arith.constant 48 : index
    %swap3A_27 = tpu.vector_load %arg7[%swap3A_26] {strides = array<i32>} : memref<256xi32, #tpu.memory_space<vmem>>, vector<16xi32>,
    tpu.vector_store %arg7[%swap3A_26], %broadcast_in_dim3A_0 {strides = array<i32>} : memref<256xi32, #tpu.memory_space<vmem>>, vector<16xi32>,
    %swap3A_28 = arith.constant 64 : index
    %swap3A_29 = tpu.vector_load %arg7[%swap3A_28] {strides = array<i32>} : memref<256xi32, #tpu.memory_space<vmem>>, vector<16xi32>,
    tpu.vector_store %arg7[%swap3A_28], %broadcast_in_dim3A_0 {strides = array<i32>} : memref<256xi32, #tpu.memory_space<vmem>>, vector<16xi32>,
    %swap3A_30 = arith.constant 80 : index
    %swap3A_31 = tpu.vector_load %arg7[%swap3A_30] {strides = array<i32>} : memref<256xi32, #tpu.memory_space<vmem>>, vector<16xi32>,
    tpu.vector_store %arg7[%swap3A_30], %broadcast_in_dim3A_0 {strides = array<i32>} : memref<256xi32, #tpu.memory_space<vmem>>, vector<16xi32>,
    %swap3A_32 = arith.constant 96 : index
    %swap3A_33 = tpu.vector_load %arg7[%swap3A_32] {strides = array<i32>} : memref<256xi32, #tpu.memory_space<vmem>>, vector<16xi32>,
    tpu.vector_store %arg7[%swap3A_32], %broadcast_in_dim3A_0 {strides = array<i32>} : memref<256xi32, #tpu.memory_space<vmem>>, vector<16xi32>,
    %swap3A_34 = arith.constant 112 : index
    %swap3A_35 = tpu.vector_load %arg7[%swap3A_34] {strides = array<i32>} : memref<256xi32, #tpu.memory_space<vmem>>, vector<16xi32>,
    tpu.vector_store %arg7[%swap3A_34], %broadcast_in_dim3A_0 {strides = array<i32>} : memref<256xi32, #tpu.memory_space<vmem>>, vector<16xi32>,
    %swap3A_36 = arith.constant 128 : index
    %swap3A_37 = tpu.vector_load %arg7[%swap3A_36] {strides = array<i32>} : memref<256xi32, #tpu.memory_space<vmem>>, vector<16xi32>,
    tpu.vector_store %arg7[%swap3A_36], %broadcast_in_dim3A_0 {strides = array<i32>} : memref<256xi32, #tpu.memory_space<vmem>>, vector<16xi32>,
    %swap3A_38 = arith.constant 144 : index
    %swap3A_39 = tpu.vector_load %arg7[%swap3A_38] {strides = array<i32>} : memref<256xi32, #tpu.memory_space<vmem>>, vector<16xi32>,
    tpu.vector_store %arg7[%swap3A_38], %broadcast_in_dim3A_0 {strides = array<i32>} : memref<256xi32, #tpu.memory_space<vmem>>, vector<16xi32>,
    %swap3A_40 = arith.constant 160 : index
    %swap3A_41 = tpu.vector_load %arg7[%swap3A_40] {strides = array<i32>} : memref<256xi32, #tpu.memory_space<vmem>>, vector<16xi32>,
    tpu.vector_store %arg7[%swap3A_40], %broadcast_in_dim3A_0 {strides = array<i32>} : memref<256xi32, #tpu.memory_space<vmem>>, vector<16xi32>,
    %swap3A_42 = arith.constant 176 : index
    %swap3A_43 = tpu.vector_load %arg7[%swap3A_42] {strides = array<i32>} : memref<256xi32, #tpu.memory_space<vmem>>, vector<16xi32>,
    tpu.vector_store %arg7[%swap3A_42], %broadcast_in_dim3A_0 {strides = array<i32>} : memref<256xi32, #tpu.memory_space<vmem>>, vector<16xi32>,
    %swap3A_44 = arith.constant 192 : index
    %swap3A_45 = tpu.vector_load %arg7[%swap3A_44] {strides = array<i32>} : memref<256xi32, #tpu.memory_space<vmem>>, vector<16xi32>,
    tpu.vector_store %arg7[%swap3A_44], %broadcast_in_dim3A_0 {strides = array<i32>} : memref<256xi32, #tpu.memory_space<vmem>>, vector<16xi32>,
    %swap3A_46 = arith.constant 208 : index
    %swap3A_47 = tpu.vector_load %arg7[%swap3A_46] {strides = array<i32>} : memref<256xi32, #tpu.memory_space<vmem>>, vector<16xi32>,
    tpu.vector_store %arg7[%swap3A_46], %broadcast_in_dim3A_0 {strides = array<i32>} : memref<256xi32, #tpu.memory_space<vmem>>, vector<16xi32>,
    %swap3A_48 = arith.constant 224 : index
    %swap3A_49 = tpu.vector_load %arg7[%swap3A_48] {strides = array<i32>} : memref<256xi32, #tpu.memory_space<vmem>>, vector<16xi32>,
    tpu.vector_store %arg7[%swap3A_48], %broadcast_in_dim3A_0 {strides = array<i32>} : memref<256xi32, #tpu.memory_space<vmem>>, vector<16xi32>,
    %swap3A_50 = arith.constant 240 : index
    %swap3A_51 = tpu.vector_load %arg7[%swap3A_50] {strides = array<i32>} : memref<256xi32, #tpu.memory_space<vmem>>, vector<16xi32>,
    tpu.vector_store %arg7[%swap3A_50], %broadcast_in_dim3A_0 {strides = array<i32>} : memref<256xi32, #tpu.memory_space<vmem>>, vector<16xi32>,
    %multiple_of3A = tpu.assume_multiple %add3A_19, 8 : i32
    %dma_start3A = tpu.memref_slice %arg2[%multiple_of3A] : memref<430080xi32, #tpu.memory_space<hbm>> -> memref<13440xi32, #tpu.memory_space<hbm>>
    %dma_start3A_52 = tpu.memref_slice %arg2[%multiple_of3A] : memref<430080xi32, #tpu.memory_space<hbm>> -> memref<13440xi32, #tpu.memory_space<hbm>>
    tpu.enqueue_dma source(%dma_start3A_52 : memref<13440xi32, #tpu.memory_space<hbm>>) target(%arg5 : memref<13440xi32, #tpu.memory_space<vmem>>) target_semaphore(%arg23 : memref<!tpu.dma_semaphore, #tpu.memory_space<semaphore_mem>>)
    %multiple_of3A_53 = tpu.assume_multiple %add3A_19, 8 : i32
    %dma_start3A_54 = tpu.memref_slice %arg3[%multiple_of3A_53] : memref<430080xf32, #tpu.memory_space<hbm>> -> memref<13440xf32, #tpu.memory_space<hbm>>
    %dma_start3A_55 = tpu.memref_slice %arg3[%multiple_of3A_53] : memref<430080xf32, #tpu.memory_space<hbm>> -> memref<13440xf32, #tpu.memory_space<hbm>>
    tpu.enqueue_dma source(%dma_start3A_55 : memref<13440xf32, #tpu.memory_space<hbm>>) target(%arg6 : memref<13440xf32, #tpu.memory_space<vmem>>) target_semaphore(%arg23 : memref<!tpu.dma_semaphore, #tpu.memory_space<semaphore_mem>>)
    %dma_wait3A = tpu.memref_slice %arg2[%multiple_of3A] : memref<430080xi32, #tpu.memory_space<hbm>> -> memref<13440xi32, #tpu.memory_space<hbm>>
    %dma_wait3A_56 = tpu.memref_slice %arg2[%multiple_of3A] : memref<430080xi32, #tpu.memory_space<hbm>> -> memref<13440xi32, #tpu.memory_space<hbm>>
    tpu.wait_dma2 semaphore(%arg23 : memref<!tpu.dma_semaphore, #tpu.memory_space<semaphore_mem>>) src(%dma_wait3A_56 : memref<13440xi32, #tpu.memory_space<hbm>>) dst(%arg5 : memref<13440xi32, #tpu.memory_space<vmem>>)
    %dma_wait3A_57 = tpu.memref_slice %arg3[%multiple_of3A_53] : memref<430080xf32, #tpu.memory_space<hbm>> -> memref<13440xf32, #tpu.memory_space<hbm>>
    %dma_wait3A_58 = tpu.memref_slice %arg3[%multiple_of3A_53] : memref<430080xf32, #tpu.memory_space<hbm>> -> memref<13440xf32, #tpu.memory_space<hbm>>
    tpu.wait_dma2 semaphore(%arg23 : memref<!tpu.dma_semaphore, #tpu.memory_space<semaphore_mem>>) src(%dma_wait3A_58 : memref<13440xf32, #tpu.memory_space<hbm>>) dst(%arg6 : memref<13440xf32, #tpu.memory_space<vmem>>)
    %scan3A_59 = arith.constant 0 : i32
    %scan3A_60 = arith.constant 840 : i32
    %scan3A_61 = arith.addi %scan3A_59, %scan3A_60 : i32
    %scan3A_62 = arith.constant 1 : i32
    scf.for %scan3A_199 = %scan3A_59 to %scan3A_61 step %scan3A_62  : i32 {
      %mul3A_200 = arith.constant 16 : i32
      %mul3A_201 = arith.muli %scan3A_199, %mul3A_200 : i32
      %get3A = arith.index_cast %mul3A_201 : i32 to index
      %get3A_202 = tpu.vector_load %arg5[%get3A] {strides = array<i32>} : memref<13440xi32, #tpu.memory_space<vmem>>, vector<16xi32>,
      %convert_element_type3A = arith.sitofp %get3A_202 : vector<16xi32> to vector<16xf32>
      %mul3A_203 = arith.constant 4.000000e-05 : f32
      %mul3A_204 = vector.broadcast %mul3A_203 : f32 to vector<16xf32>
      %mul3A_205 = arith.mulf %convert_element_type3A, %mul3A_204 : vector<16xf32>
      %convert_element_type3A_206 = arith.fptosi %mul3A_205 : vector<16xf32> to vector<16xi32>
      %mul3A_207 = arith.constant 25000 : i32
      %mul3A_208 = vector.broadcast %mul3A_207 : i32 to vector<16xi32>
      %mul3A_209 = arith.muli %convert_element_type3A_206, %mul3A_208 : vector<16xi32>
      %sub3A_210 = arith.subi %get3A_202, %mul3A_209 : vector<16xi32>
      %lt3A = arith.constant 0 : i32
      %lt3A_211 = vector.broadcast %lt3A : i32 to vector<16xi32>
      %lt3A_212 = arith.cmpi slt, %sub3A_210, %lt3A_211 : vector<16xi32>
      %sub3A_213 = arith.constant 1 : i32
      %sub3A_214 = vector.broadcast %sub3A_213 : i32 to vector<16xi32>
      %sub3A_215 = arith.subi %convert_element_type3A_206, %sub3A_214 : vector<16xi32>
      %select_n3A = arith.select %lt3A_212, %sub3A_215, %convert_element_type3A_206 : vector<16xi1>, vector<16xi32>
      %mul3A_216 = arith.constant 25000 : i32
      %mul3A_217 = vector.broadcast %mul3A_216 : i32 to vector<16xi32>
      %mul3A_218 = arith.muli %select_n3A, %mul3A_217 : vector<16xi32>
      %sub3A_219 = arith.subi %get3A_202, %mul3A_218 : vector<16xi32>
      %ge3A = arith.constant 25000 : i32
      %ge3A_220 = vector.broadcast %ge3A : i32 to vector<16xi32>
      %ge3A_221 = arith.cmpi sge, %sub3A_219, %ge3A_220 : vector<16xi32>
      %add3A_222 = arith.constant 1 : i32
      %add3A_223 = vector.broadcast %add3A_222 : i32 to vector<16xi32>
      %add3A_224 = arith.addi %select_n3A, %add3A_223 : vector<16xi32>
      %select_n3A_225 = arith.select %ge3A_221, %add3A_224, %select_n3A : vector<16xi1>, vector<16xi32>
      %mul3A_226 = arith.constant 16 : i32
      %mul3A_227 = arith.muli %arg0, %mul3A_226 : i32
      %sub3A_228 = vector.broadcast %mul3A_227 : i32 to vector<16xi32>
      %sub3A_229 = arith.subi %select_n3A_225, %sub3A_228 : vector<16xi32>
      %jit3A = arith.constant 0 : i32
      %jit3A_230 = arith.constant 15 : i32
      %max3A = vector.broadcast %jit3A : i32 to vector<16xi32>
      %max3A_231 = arith.maxsi %max3A, %sub3A_229 : vector<16xi32>
      %min3A = vector.broadcast %jit3A_230 : i32 to vector<16xi32>
      %min3A_232 = arith.minsi %min3A, %max3A_231 : vector<16xi32>
      %ge3A_233 = arith.constant 0 : i32
      %ge3A_234 = vector.broadcast %ge3A_233 : i32 to vector<16xi32>
      %ge3A_235 = arith.cmpi sge, %sub3A_229, %ge3A_234 : vector<16xi32>
      %jit3A_236 = arith.constant 1 : i32
      %jit3A_237 = arith.constant 0 : i32
      %broadcast_in_dim3A_238 = vector.broadcast %jit3A_236 : i32 to vector<16xi32>
      %broadcast_in_dim3A_239 = vector.broadcast %jit3A_237 : i32 to vector<16xi32>
      %select_n3A_240 = arith.select %ge3A_235, %broadcast_in_dim3A_238, %broadcast_in_dim3A_239 : vector<16xi1>, vector<16xi32>
      %lt3A_241 = arith.constant 16 : i32
      %lt3A_242 = vector.broadcast %lt3A_241 : i32 to vector<16xi32>
      %lt3A_243 = arith.cmpi slt, %sub3A_229, %lt3A_242 : vector<16xi32>
      %jit3A_244 = arith.constant 1 : i32
      %jit3A_245 = arith.constant 0 : i32
      %broadcast_in_dim3A_246 = vector.broadcast %jit3A_244 : i32 to vector<16xi32>
      %broadcast_in_dim3A_247 = vector.broadcast %jit3A_245 : i32 to vector<16xi32>
      %select_n3A_248 = arith.select %lt3A_243, %broadcast_in_dim3A_246, %broadcast_in_dim3A_247 : vector<16xi1>, vector<16xi32>
      %mul3A_249 = arith.muli %select_n3A_240, %select_n3A_248 : vector<16xi32>
      %mul3A_250 = arith.constant 16 : i32
      %mul3A_251 = vector.broadcast %mul3A_250 : i32 to vector<16xi32>
      %mul3A_252 = arith.muli %min3A_232, %mul3A_251 : vector<16xi32>
      %add3A_253 = arith.addi %mul3A_252, %iota3A : vector<16xi32>
      tpu.vector_store_idx %arg7[%add3A_253], %mul3A_249 {add = true} : memref<256xi32, #tpu.memory_space<vmem>>[vector<16xi32>], vector<16xi32>,
    }
    %scan3A_63 = arith.constant 840 : i32
    %mul3A_64 = arith.constant 256 : i32
    %mul3A_65 = arith.muli %arg1, %mul3A_64 : i32
    %multiple_of3A_66 = tpu.assume_multiple %mul3A_65, 8 : i32
    "tpu.region"() ({
      %run_scoped3A = tpu.sem_alloc : memref<!tpu.dma_semaphore, #tpu.memory_space<semaphore_mem>>
      %dma_start3A_199 = tpu.memref_slice %arg20[%multiple_of3A_66] : memref<4096xi32, #tpu.memory_space<vmem_shared>> -> memref<256xi32, #tpu.memory_space<vmem_shared>>
      %dma_start3A_200 = tpu.memref_slice %arg20[%multiple_of3A_66] : memref<4096xi32, #tpu.memory_space<vmem_shared>> -> memref<256xi32, #tpu.memory_space<vmem_shared>>
      tpu.enqueue_dma source(%arg7 : memref<256xi32, #tpu.memory_space<vmem>>) target(%dma_start3A_200 : memref<256xi32, #tpu.memory_space<vmem_shared>>) target_semaphore(%run_scoped3A : memref<!tpu.dma_semaphore, #tpu.memory_space<semaphore_mem>>)
      %dma_wait3A_201 = tpu.memref_slice %arg20[%multiple_of3A_66] : memref<4096xi32, #tpu.memory_space<vmem_shared>> -> memref<256xi32, #tpu.memory_space<vmem_shared>>
      %dma_wait3A_202 = tpu.memref_slice %arg20[%multiple_of3A_66] : memref<4096xi32, #tpu.memory_space<vmem_shared>> -> memref<256xi32, #tpu.memory_space<vmem_shared>>
      tpu.wait_dma2 semaphore(%run_scoped3A : memref<!tpu.dma_semaphore, #tpu.memory_space<semaphore_mem>>) src(%arg7 : memref<256xi32, #tpu.memory_space<vmem>>) dst(%dma_wait3A_202 : memref<256xi32, #tpu.memory_space<vmem_shared>>)
      tpu.yield
    }) : () -> ()
    %barrier3A = arith.constant 0 : index
    tpu.barrier barrier_id(%barrier3A)
    "tpu.region"() ({
      %run_scoped3A = tpu.sem_alloc : memref<!tpu.dma_semaphore, #tpu.memory_space<semaphore_mem>>
      tpu.enqueue_dma source(%arg20 : memref<4096xi32, #tpu.memory_space<vmem_shared>>) target(%arg9 : memref<4096xi32, #tpu.memory_space<vmem>>) target_semaphore(%run_scoped3A : memref<!tpu.dma_semaphore, #tpu.memory_space<semaphore_mem>>)
      tpu.wait_dma2 semaphore(%run_scoped3A : memref<!tpu.dma_semaphore, #tpu.memory_space<semaphore_mem>>) src(%arg20 : memref<4096xi32, #tpu.memory_space<vmem_shared>>) dst(%arg9 : memref<4096xi32, #tpu.memory_space<vmem>>)
      tpu.yield
    }) : () -> ()
    %scan3A_67 = arith.constant 0 : i32
    %scan3A_68 = arith.constant 16 : i32
    %scan3A_69 = arith.addi %scan3A_67, %scan3A_68 : i32
    %scan3A_70 = arith.constant 1 : i32
    scf.for %scan3A_199 = %scan3A_67 to %scan3A_69 step %scan3A_70  : i32 {
      %mul3A_200 = arith.constant 16 : i32
      %mul3A_201 = arith.muli %scan3A_199, %mul3A_200 : i32
      %add3A_202 = vector.broadcast %mul3A_201 : i32 to vector<16xi32>
      %add3A_203 = arith.addi %add3A_202, %iota3A : vector<16xi32>
      %shift_right_arithmetic3A = arith.constant 4 : i32
      %shift_right_arithmetic3A_204 = vector.broadcast %shift_right_arithmetic3A : i32 to vector<16xi32>
      %shift_right_arithmetic3A_205 = arith.shrsi %add3A_203, %shift_right_arithmetic3A_204 : vector<16xi32>
      %and3A = arith.constant 15 : i32
      %and3A_206 = vector.broadcast %and3A : i32 to vector<16xi32>
      %and3A_207 = arith.andi %add3A_203, %and3A_206 : vector<16xi32>
      %scan3A_208 = arith.constant 0 : i32
      %scan3A_209 = arith.constant 16 : i32
      %scan3A_210 = arith.addi %scan3A_208, %scan3A_209 : i32
      %scan3A_211 = arith.constant 1 : i32
      %scan3A_212 = scf.for %scan3A_230 = %scan3A_208 to %scan3A_210 step %scan3A_211 iter_args(%scan3A_231 = %broadcast_in_dim3A_0) -> (vector<16xi32>)  : i32 {
        %mul3A_232 = arith.constant 256 : i32
        %mul3A_233 = vector.broadcast %mul3A_232 : i32 to vector<16xi32>
        %mul3A_234 = arith.muli %shift_right_arithmetic3A_205, %mul3A_233 : vector<16xi32>
        %mul3A_235 = arith.constant 16 : i32
        %mul3A_236 = vector.broadcast %mul3A_235 : i32 to vector<16xi32>
        %mul3A_237 = arith.muli %and3A_207, %mul3A_236 : vector<16xi32>
        %add3A_238 = arith.addi %mul3A_234, %mul3A_237 : vector<16xi32>
        %add3A_239 = vector.broadcast %scan3A_230 : i32 to vector<16xi32>
        %add3A_240 = arith.addi %add3A_238, %add3A_239 : vector<16xi32>
        %gather3A = tpu.vector_load_idx %arg9[%add3A_240] : memref<4096xi32, #tpu.memory_space<vmem>>[vector<16xi32>], vector<16xi32>,
        %add3A_241 = arith.addi %scan3A_231, %gather3A : vector<16xi32>
        scf.yield %add3A_241 : vector<16xi32>
      }
      %scan3A_213 = arith.constant 16 : i32
      %add3A_214 = arith.constant 255 : i32
      %add3A_215 = vector.broadcast %add3A_214 : i32 to vector<16xi32>
      %add3A_216 = arith.addi %scan3A_212, %add3A_215 : vector<16xi32>
      %shift_right_arithmetic3A_217 = arith.constant 8 : i32
      %shift_right_arithmetic3A_218 = vector.broadcast %shift_right_arithmetic3A_217 : i32 to vector<16xi32>
      %shift_right_arithmetic3A_219 = arith.shrsi %add3A_216, %shift_right_arithmetic3A_218 : vector<16xi32>
      %shift_left3A = arith.constant 8 : i32
      %shift_left3A_220 = vector.broadcast %shift_left3A : i32 to vector<16xi32>
      %shift_left3A_221 = arith.shli %shift_right_arithmetic3A_219, %shift_left3A_220 : vector<16xi32>
      %mul3A_222 = arith.constant 16 : i32
      %mul3A_223 = arith.muli %scan3A_199, %mul3A_222 : i32
      %swap3A_224 = arith.index_cast %mul3A_223 : i32 to index
      %swap3A_225 = tpu.vector_load %arg10[%swap3A_224] {strides = array<i32>} : memref<272xi32, #tpu.memory_space<vmem>>, vector<16xi32>,
      tpu.vector_store %arg10[%swap3A_224], %shift_left3A_221 {strides = array<i32>} : memref<272xi32, #tpu.memory_space<vmem>>, vector<16xi32>,
      %mul3A_226 = arith.constant 16 : i32
      %mul3A_227 = arith.muli %scan3A_199, %mul3A_226 : i32
      %swap3A_228 = arith.index_cast %mul3A_227 : i32 to index
      %swap3A_229 = tpu.vector_load %arg11[%swap3A_228] {strides = array<i32>} : memref<272xi32, #tpu.memory_space<vmem>>, vector<16xi32>,
      tpu.vector_store %arg11[%swap3A_228], %scan3A_212 {strides = array<i32>} : memref<272xi32, #tpu.memory_space<vmem>>, vector<16xi32>,
    }
    %scan3A_71 = arith.constant 16 : i32
    %scan3A_72 = arith.constant 0 : i32
    %scan3A_73 = arith.constant 16 : i32
    %scan3A_74 = arith.addi %scan3A_72, %scan3A_73 : i32
    %scan3A_75 = arith.constant 1 : i32
    scf.for %scan3A_199 = %scan3A_72 to %scan3A_74 step %scan3A_75  : i32 {
      %mul3A_200 = arith.constant 16 : i32
      %mul3A_201 = arith.muli %scan3A_199, %mul3A_200 : i32
      %get3A = arith.index_cast %mul3A_201 : i32 to index
      %get3A_202 = tpu.vector_load %arg10[%get3A] {strides = array<i32>} : memref<272xi32, #tpu.memory_space<vmem>>, vector<16xi32>,
      %broadcast_in_dim3A_203 = arith.constant true
      %broadcast_in_dim3A_204 = vector.broadcast %broadcast_in_dim3A_203 : i1 to vector<16xi1>
      %masked_cumsum3A = tpu.scan <sum>, %get3A_202 masked %broadcast_in_dim3A_204 : vector<16xi32>, vector<16xi1> -> vector<16xi32>
      %sub3A_205 = arith.subi %masked_cumsum3A, %get3A_202 : vector<16xi32>
      %mul3A_206 = arith.constant 16 : i32
      %mul3A_207 = arith.muli %scan3A_199, %mul3A_206 : i32
      %swap3A_208 = arith.index_cast %mul3A_207 : i32 to index
      %swap3A_209 = tpu.vector_load %arg12[%swap3A_208] {strides = array<i32>} : memref<272xi32, #tpu.memory_space<vmem>>, vector<16xi32>,
      tpu.vector_store %arg12[%swap3A_208], %sub3A_205 {strides = array<i32>} : memref<272xi32, #tpu.memory_space<vmem>>, vector<16xi32>,
    }
    %scan3A_76 = arith.constant 16 : i32
    %scan3A_77 = arith.constant 0 : i32
    %scan3A_78 = arith.constant 16 : i32
    %scan3A_79 = arith.addi %scan3A_77, %scan3A_78 : i32
    %scan3A_80 = arith.constant 1 : i32
    scf.for %scan3A_199 = %scan3A_77 to %scan3A_79 step %scan3A_80  : i32 {
      %mul3A_200 = arith.constant 16 : i32
      %mul3A_201 = arith.muli %scan3A_199, %mul3A_200 : i32
      %get3A = arith.index_cast %mul3A_201 : i32 to index
      %get3A_202 = tpu.vector_load %arg7[%get3A] {strides = array<i32>} : memref<256xi32, #tpu.memory_space<vmem>>, vector<16xi32>,
      %broadcast_in_dim3A_203 = arith.constant true
      %broadcast_in_dim3A_204 = vector.broadcast %broadcast_in_dim3A_203 : i1 to vector<16xi1>
      %masked_cumsum3A = tpu.scan <sum>, %get3A_202 masked %broadcast_in_dim3A_204 : vector<16xi32>, vector<16xi1> -> vector<16xi32>
      %sub3A_205 = arith.subi %masked_cumsum3A, %get3A_202 : vector<16xi32>
      %mul3A_206 = arith.constant 16 : i32
      %mul3A_207 = arith.muli %arg1, %mul3A_206 : i32
      %add3A_208 = arith.addi %mul3A_207, %scan3A_199 : i32
      %get3A_209 = arith.index_cast %add3A_208 : i32 to index
      %get3A_210 = tpu.vector_load %arg12[%get3A_209] {strides = array<i32>} : memref<272xi32, #tpu.memory_space<vmem>>, vector<16xi32>,
      %slice3A = vector.extract_strided_slice %get3A_210 {offsets = [0], sizes = [1], strides = [1]} : vector<16xi32> to vector<1xi32>
      %squeeze3A = vector.extract %slice3A[0] : i32 from vector<1xi32>
      %add3A_211 = vector.broadcast %squeeze3A : i32 to vector<16xi32>
      %add3A_212 = arith.addi %add3A_211, %sub3A_205 : vector<16xi32>
      %mul3A_213 = arith.constant 16 : i32
      %mul3A_214 = arith.muli %scan3A_199, %mul3A_213 : i32
      %swap3A_215 = arith.index_cast %mul3A_214 : i32 to index
      %swap3A_216 = tpu.vector_load %arg8[%swap3A_215] {strides = array<i32>} : memref<256xi32, #tpu.memory_space<vmem>>, vector<16xi32>,
      tpu.vector_store %arg8[%swap3A_215], %add3A_212 {strides = array<i32>} : memref<256xi32, #tpu.memory_space<vmem>>, vector<16xi32>,
    }
    %scan3A_81 = arith.constant 16 : i32
    %scan3A_82 = arith.constant 0 : i32
    %scan3A_83 = arith.constant 1096 : i32
    %scan3A_84 = arith.addi %scan3A_82, %scan3A_83 : i32
    %scan3A_85 = arith.constant 1 : i32
    scf.for %scan3A_199 = %scan3A_82 to %scan3A_84 step %scan3A_85  : i32 {
      %sub3A_200 = arith.constant 1 : i32
      %sub3A_201 = vector.broadcast %sub3A_200 : i32 to vector<16xi32>
      %sub3A_202 = arith.subi %broadcast_in_dim3A_0, %sub3A_201 : vector<16xi32>
      %mul3A_203 = arith.constant 16 : i32
      %mul3A_204 = arith.muli %scan3A_199, %mul3A_203 : i32
      %swap3A_205 = arith.index_cast %mul3A_204 : i32 to index
      %swap3A_206 = tpu.vector_load %arg13[%swap3A_205] {strides = array<i32>} : memref<17536xi32, #tpu.memory_space<vmem>>, vector<16xi32>,
      tpu.vector_store %arg13[%swap3A_205], %sub3A_202 {strides = array<i32>} : memref<17536xi32, #tpu.memory_space<vmem>>, vector<16xi32>,
    }
    %scan3A_86 = arith.constant 1096 : i32
    %scan3A_87 = arith.constant 0 : i32
    %scan3A_88 = arith.constant 840 : i32
    %scan3A_89 = arith.addi %scan3A_87, %scan3A_88 : i32
    %scan3A_90 = arith.constant 1 : i32
    scf.for %scan3A_199 = %scan3A_87 to %scan3A_89 step %scan3A_90  : i32 {
      %mul3A_200 = arith.constant 16 : i32
      %mul3A_201 = arith.muli %scan3A_199, %mul3A_200 : i32
      %get3A = arith.index_cast %mul3A_201 : i32 to index
      %get3A_202 = tpu.vector_load %arg5[%get3A] {strides = array<i32>} : memref<13440xi32, #tpu.memory_space<vmem>>, vector<16xi32>,
      %mul3A_203 = arith.constant 16 : i32
      %mul3A_204 = arith.muli %scan3A_199, %mul3A_203 : i32
      %get3A_205 = arith.index_cast %mul3A_204 : i32 to index
      %get3A_206 = tpu.vector_load %arg6[%get3A_205] {strides = array<i32>} : memref<13440xf32, #tpu.memory_space<vmem>>, vector<16xf32>,
      %convert_element_type3A = arith.sitofp %get3A_202 : vector<16xi32> to vector<16xf32>
      %mul3A_207 = arith.constant 4.000000e-05 : f32
      %mul3A_208 = vector.broadcast %mul3A_207 : f32 to vector<16xf32>
      %mul3A_209 = arith.mulf %convert_element_type3A, %mul3A_208 : vector<16xf32>
      %convert_element_type3A_210 = arith.fptosi %mul3A_209 : vector<16xf32> to vector<16xi32>
      %mul3A_211 = arith.constant 25000 : i32
      %mul3A_212 = vector.broadcast %mul3A_211 : i32 to vector<16xi32>
      %mul3A_213 = arith.muli %convert_element_type3A_210, %mul3A_212 : vector<16xi32>
      %sub3A_214 = arith.subi %get3A_202, %mul3A_213 : vector<16xi32>
      %lt3A = arith.constant 0 : i32
      %lt3A_215 = vector.broadcast %lt3A : i32 to vector<16xi32>
      %lt3A_216 = arith.cmpi slt, %sub3A_214, %lt3A_215 : vector<16xi32>
      %sub3A_217 = arith.constant 1 : i32
      %sub3A_218 = vector.broadcast %sub3A_217 : i32 to vector<16xi32>
      %sub3A_219 = arith.subi %convert_element_type3A_210, %sub3A_218 : vector<16xi32>
      %select_n3A = arith.select %lt3A_216, %sub3A_219, %convert_element_type3A_210 : vector<16xi1>, vector<16xi32>
      %mul3A_220 = arith.constant 25000 : i32
      %mul3A_221 = vector.broadcast %mul3A_220 : i32 to vector<16xi32>
      %mul3A_222 = arith.muli %select_n3A, %mul3A_221 : vector<16xi32>
      %sub3A_223 = arith.subi %get3A_202, %mul3A_222 : vector<16xi32>
      %ge3A = arith.constant 25000 : i32
      %ge3A_224 = vector.broadcast %ge3A : i32 to vector<16xi32>
      %ge3A_225 = arith.cmpi sge, %sub3A_223, %ge3A_224 : vector<16xi32>
      %add3A_226 = arith.constant 1 : i32
      %add3A_227 = vector.broadcast %add3A_226 : i32 to vector<16xi32>
      %add3A_228 = arith.addi %select_n3A, %add3A_227 : vector<16xi32>
      %select_n3A_229 = arith.select %ge3A_225, %add3A_228, %select_n3A : vector<16xi1>, vector<16xi32>
      %mul3A_230 = arith.constant 16 : i32
      %mul3A_231 = arith.muli %arg0, %mul3A_230 : i32
      %sub3A_232 = vector.broadcast %mul3A_231 : i32 to vector<16xi32>
      %sub3A_233 = arith.subi %select_n3A_229, %sub3A_232 : vector<16xi32>
      %jit3A = arith.constant 0 : i32
      %jit3A_234 = arith.constant 15 : i32
      %max3A = vector.broadcast %jit3A : i32 to vector<16xi32>
      %max3A_235 = arith.maxsi %max3A, %sub3A_233 : vector<16xi32>
      %min3A = vector.broadcast %jit3A_234 : i32 to vector<16xi32>
      %min3A_236 = arith.minsi %min3A, %max3A_235 : vector<16xi32>
      %ge3A_237 = arith.constant 0 : i32
      %ge3A_238 = vector.broadcast %ge3A_237 : i32 to vector<16xi32>
      %ge3A_239 = arith.cmpi sge, %sub3A_233, %ge3A_238 : vector<16xi32>
      %jit3A_240 = arith.constant 1 : i32
      %jit3A_241 = arith.constant 0 : i32
      %broadcast_in_dim3A_242 = vector.broadcast %jit3A_240 : i32 to vector<16xi32>
      %broadcast_in_dim3A_243 = vector.broadcast %jit3A_241 : i32 to vector<16xi32>
      %select_n3A_244 = arith.select %ge3A_239, %broadcast_in_dim3A_242, %broadcast_in_dim3A_243 : vector<16xi1>, vector<16xi32>
      %lt3A_245 = arith.constant 16 : i32
      %lt3A_246 = vector.broadcast %lt3A_245 : i32 to vector<16xi32>
      %lt3A_247 = arith.cmpi slt, %sub3A_233, %lt3A_246 : vector<16xi32>
      %jit3A_248 = arith.constant 1 : i32
      %jit3A_249 = arith.constant 0 : i32
      %broadcast_in_dim3A_250 = vector.broadcast %jit3A_248 : i32 to vector<16xi32>
      %broadcast_in_dim3A_251 = vector.broadcast %jit3A_249 : i32 to vector<16xi32>
      %select_n3A_252 = arith.select %lt3A_247, %broadcast_in_dim3A_250, %broadcast_in_dim3A_251 : vector<16xi1>, vector<16xi32>
      %mul3A_253 = arith.muli %select_n3A_244, %select_n3A_252 : vector<16xi32>
      %gt3A = arith.constant 0 : i32
      %gt3A_254 = vector.broadcast %gt3A : i32 to vector<16xi32>
      %gt3A_255 = arith.cmpi sgt, %mul3A_253, %gt3A_254 : vector<16xi32>
      %mul3A_256 = arith.constant 16 : i32
      %mul3A_257 = vector.broadcast %mul3A_256 : i32 to vector<16xi32>
      %mul3A_258 = arith.muli %min3A_236, %mul3A_257 : vector<16xi32>
      %add3A_259 = arith.addi %mul3A_258, %iota3A : vector<16xi32>
      %gather3A = tpu.vector_load_idx %arg8[%add3A_259] : memref<256xi32, #tpu.memory_space<vmem>>[vector<16xi32>], vector<16xi32>,
      tpu.vector_store_idx %arg13[%gather3A], %get3A_202 masked %gt3A_255 : memref<17536xi32, #tpu.memory_space<vmem>>[vector<16xi32>], vector<16xi32>, vector<16xi1>
      tpu.vector_store_idx %arg14[%gather3A], %get3A_206 masked %gt3A_255 : memref<17536xf32, #tpu.memory_space<vmem>>[vector<16xi32>], vector<16xf32>, vector<16xi1>
      %add3A_260 = arith.addi %gather3A, %mul3A_253 : vector<16xi32>
      tpu.vector_store_idx %arg8[%add3A_259], %add3A_260 : memref<256xi32, #tpu.memory_space<vmem>>[vector<16xi32>], vector<16xi32>,
    }
    %scan3A_91 = arith.constant 840 : i32
    %mul3A_92 = arith.constant 17536 : i32
    %mul3A_93 = arith.muli %arg1, %mul3A_92 : i32
    %multiple_of3A_94 = tpu.assume_multiple %mul3A_93, 8 : i32
    "tpu.region"() ({
      %run_scoped3A = tpu.sem_alloc : memref<!tpu.dma_semaphore, #tpu.memory_space<semaphore_mem>>
      %dma_start3A_199 = tpu.memref_slice %arg21[%multiple_of3A_94] : memref<280832xi32, #tpu.memory_space<vmem_shared>> -> memref<17536xi32, #tpu.memory_space<vmem_shared>>
      %dma_start3A_200 = tpu.memref_slice %arg21[%multiple_of3A_94] : memref<280832xi32, #tpu.memory_space<vmem_shared>> -> memref<17536xi32, #tpu.memory_space<vmem_shared>>
      tpu.enqueue_dma source(%arg13 : memref<17536xi32, #tpu.memory_space<vmem>>) target(%dma_start3A_200 : memref<17536xi32, #tpu.memory_space<vmem_shared>>) target_semaphore(%run_scoped3A : memref<!tpu.dma_semaphore, #tpu.memory_space<semaphore_mem>>)
      %dma_wait3A_201 = tpu.memref_slice %arg21[%multiple_of3A_94] : memref<280832xi32, #tpu.memory_space<vmem_shared>> -> memref<17536xi32, #tpu.memory_space<vmem_shared>>
      %dma_wait3A_202 = tpu.memref_slice %arg21[%multiple_of3A_94] : memref<280832xi32, #tpu.memory_space<vmem_shared>> -> memref<17536xi32, #tpu.memory_space<vmem_shared>>
      tpu.wait_dma2 semaphore(%run_scoped3A : memref<!tpu.dma_semaphore, #tpu.memory_space<semaphore_mem>>) src(%arg13 : memref<17536xi32, #tpu.memory_space<vmem>>) dst(%dma_wait3A_202 : memref<17536xi32, #tpu.memory_space<vmem_shared>>)
      tpu.yield
    }) : () -> ()
    %mul3A_95 = arith.constant 17536 : i32
    %mul3A_96 = arith.muli %arg1, %mul3A_95 : i32
    %multiple_of3A_97 = tpu.assume_multiple %mul3A_96, 8 : i32
    "tpu.region"() ({
      %run_scoped3A = tpu.sem_alloc : memref<!tpu.dma_semaphore, #tpu.memory_space<semaphore_mem>>
      %dma_start3A_199 = tpu.memref_slice %arg22[%multiple_of3A_97] : memref<280832xf32, #tpu.memory_space<vmem_shared>> -> memref<17536xf32, #tpu.memory_space<vmem_shared>>
      %dma_start3A_200 = tpu.memref_slice %arg22[%multiple_of3A_97] : memref<280832xf32, #tpu.memory_space<vmem_shared>> -> memref<17536xf32, #tpu.memory_space<vmem_shared>>
      tpu.enqueue_dma source(%arg14 : memref<17536xf32, #tpu.memory_space<vmem>>) target(%dma_start3A_200 : memref<17536xf32, #tpu.memory_space<vmem_shared>>) target_semaphore(%run_scoped3A : memref<!tpu.dma_semaphore, #tpu.memory_space<semaphore_mem>>)
      %dma_wait3A_201 = tpu.memref_slice %arg22[%multiple_of3A_97] : memref<280832xf32, #tpu.memory_space<vmem_shared>> -> memref<17536xf32, #tpu.memory_space<vmem_shared>>
      %dma_wait3A_202 = tpu.memref_slice %arg22[%multiple_of3A_97] : memref<280832xf32, #tpu.memory_space<vmem_shared>> -> memref<17536xf32, #tpu.memory_space<vmem_shared>>
      tpu.wait_dma2 semaphore(%run_scoped3A : memref<!tpu.dma_semaphore, #tpu.memory_space<semaphore_mem>>) src(%arg14 : memref<17536xf32, #tpu.memory_space<vmem>>) dst(%dma_wait3A_202 : memref<17536xf32, #tpu.memory_space<vmem_shared>>)
      tpu.yield
    }) : () -> ()
    %barrier3A_98 = arith.constant 0 : index
    tpu.barrier barrier_id(%barrier3A_98)
    %scan3A_99 = arith.constant 0 : i32
    %scan3A_100 = arith.constant 16 : i32
    %scan3A_101 = arith.addi %scan3A_99, %scan3A_100 : i32
    %scan3A_102 = arith.constant 1 : i32
    scf.for %scan3A_199 = %scan3A_99 to %scan3A_101 step %scan3A_102  : i32 {
      %mul3A_200 = arith.constant 16 : i32
      %mul3A_201 = arith.muli %scan3A_199, %mul3A_200 : i32
      %add3A_202 = arith.addi %mul3A_201, %arg1 : i32
      %get3A = arith.index_cast %add3A_202 : i32 to index
      %get3A_203 = tpu.vector_load %arg12[%get3A] {strides = array<i32>} : memref<272xi32, #tpu.memory_space<vmem>>, vector<16xi32>,
      %slice3A = vector.extract_strided_slice %get3A_203 {offsets = [0], sizes = [1], strides = [1]} : vector<16xi32> to vector<1xi32>
      %squeeze3A = vector.extract %slice3A[0] : i32 from vector<1xi32>
      %mul3A_204 = arith.constant 16 : i32
      %mul3A_205 = arith.muli %scan3A_199, %mul3A_204 : i32
      %add3A_206 = arith.addi %mul3A_205, %arg1 : i32
      %get3A_207 = arith.index_cast %add3A_206 : i32 to index
      %get3A_208 = tpu.vector_load %arg10[%get3A_207] {strides = array<i32>} : memref<272xi32, #tpu.memory_space<vmem>>, vector<16xi32>,
      %slice3A_209 = vector.extract_strided_slice %get3A_208 {offsets = [0], sizes = [1], strides = [1]} : vector<16xi32> to vector<1xi32>
      %squeeze3A_210 = vector.extract %slice3A_209[0] : i32 from vector<1xi32>
      %shift_right_arithmetic3A = arith.constant 8 : i32
      %shift_right_arithmetic3A_211 = arith.shrsi %squeeze3A_210, %shift_right_arithmetic3A : i32
      %mul3A_212 = arith.constant 16 : i32
      %mul3A_213 = arith.muli %scan3A_199, %mul3A_212 : i32
      %add3A_214 = arith.addi %mul3A_213, %arg1 : i32
      %get3A_215 = arith.index_cast %add3A_214 : i32 to index
      %get3A_216 = tpu.vector_load %arg11[%get3A_215] {strides = array<i32>} : memref<272xi32, #tpu.memory_space<vmem>>, vector<16xi32>,
      %slice3A_217 = vector.extract_strided_slice %get3A_216 {offsets = [0], sizes = [1], strides = [1]} : vector<16xi32> to vector<1xi32>
      %squeeze3A_218 = vector.extract %slice3A_217[0] : i32 from vector<1xi32>
      %add3A_219 = arith.constant 15 : i32
      %add3A_220 = arith.addi %squeeze3A_218, %add3A_219 : i32
      %shift_right_arithmetic3A_221 = arith.constant 4 : i32
      %shift_right_arithmetic3A_222 = arith.shrsi %add3A_220, %shift_right_arithmetic3A_221 : i32
      %mul3A_223 = arith.constant 17536 : i32
      %mul3A_224 = arith.muli %scan3A_199, %mul3A_223 : i32
      %add3A_225 = arith.addi %mul3A_224, %squeeze3A : i32
      %multiple_of3A_226 = tpu.assume_multiple %add3A_225, 8 : i32
      %while3A = arith.constant 0 : i32
      %while3A_227 = arith.subi %shift_right_arithmetic3A_211, %while3A : i32
      %while3A_228 = arith.addi %while3A, %while3A_227 : i32
      %while3A_229 = arith.constant 1 : i32
      %while3A_230 = arith.divsi %while3A_227, %while3A_229 : i32
      %while3A_231 = arith.muli %while3A_230, %while3A_229 : i32
      %while3A_232 = arith.addi %while3A, %while3A_231 : i32
      %while3A_233 = arith.constant 1 : i32
      scf.for %while3A_235 = %while3A to %while3A_232 step %while3A_233  : i32 {
        %mul3A_236 = arith.constant 256 : i32
        %mul3A_237 = arith.muli %while3A_235, %mul3A_236 : i32
        %add3A_238 = arith.addi %multiple_of3A_226, %mul3A_237 : i32
        %multiple_of3A_239 = tpu.assume_multiple %add3A_238, 8 : i32
        %dma_start3A_240 = tpu.memref_slice %arg21[%multiple_of3A_239] : memref<280832xi32, #tpu.memory_space<vmem_shared>> -> memref<256xi32, #tpu.memory_space<vmem_shared>>
        %dma_start3A_241 = tpu.memref_slice %arg21[%multiple_of3A_239] : memref<280832xi32, #tpu.memory_space<vmem_shared>> -> memref<256xi32, #tpu.memory_space<vmem_shared>>
        tpu.enqueue_dma source(%dma_start3A_241 : memref<256xi32, #tpu.memory_space<vmem_shared>>) target(%arg18 : memref<256xi32, #tpu.memory_space<vmem>>) target_semaphore(%arg23 : memref<!tpu.dma_semaphore, #tpu.memory_space<semaphore_mem>>)
        %mul3A_242 = arith.constant 256 : i32
        %mul3A_243 = arith.muli %while3A_235, %mul3A_242 : i32
        %add3A_244 = arith.addi %multiple_of3A_226, %mul3A_243 : i32
        %multiple_of3A_245 = tpu.assume_multiple %add3A_244, 8 : i32
        %dma_start3A_246 = tpu.memref_slice %arg22[%multiple_of3A_245] : memref<280832xf32, #tpu.memory_space<vmem_shared>> -> memref<256xf32, #tpu.memory_space<vmem_shared>>
        %dma_start3A_247 = tpu.memref_slice %arg22[%multiple_of3A_245] : memref<280832xf32, #tpu.memory_space<vmem_shared>> -> memref<256xf32, #tpu.memory_space<vmem_shared>>
        tpu.enqueue_dma source(%dma_start3A_247 : memref<256xf32, #tpu.memory_space<vmem_shared>>) target(%arg19 : memref<256xf32, #tpu.memory_space<vmem>>) target_semaphore(%arg23 : memref<!tpu.dma_semaphore, #tpu.memory_space<semaphore_mem>>)
        %dma_wait3A_248 = tpu.memref_slice %arg21[%multiple_of3A_239] : memref<280832xi32, #tpu.memory_space<vmem_shared>> -> memref<256xi32, #tpu.memory_space<vmem_shared>>
        %dma_wait3A_249 = tpu.memref_slice %arg21[%multiple_of3A_239] : memref<280832xi32, #tpu.memory_space<vmem_shared>> -> memref<256xi32, #tpu.memory_space<vmem_shared>>
        tpu.wait_dma2 semaphore(%arg23 : memref<!tpu.dma_semaphore, #tpu.memory_space<semaphore_mem>>) src(%dma_wait3A_249 : memref<256xi32, #tpu.memory_space<vmem_shared>>) dst(%arg18 : memref<256xi32, #tpu.memory_space<vmem>>)
        %dma_wait3A_250 = tpu.memref_slice %arg22[%multiple_of3A_245] : memref<280832xf32, #tpu.memory_space<vmem_shared>> -> memref<256xf32, #tpu.memory_space<vmem_shared>>
        %dma_wait3A_251 = tpu.memref_slice %arg22[%multiple_of3A_245] : memref<280832xf32, #tpu.memory_space<vmem_shared>> -> memref<256xf32, #tpu.memory_space<vmem_shared>>
        tpu.wait_dma2 semaphore(%arg23 : memref<!tpu.dma_semaphore, #tpu.memory_space<semaphore_mem>>) src(%dma_wait3A_251 : memref<256xf32, #tpu.memory_space<vmem_shared>>) dst(%arg19 : memref<256xf32, #tpu.memory_space<vmem>>)
        %mul3A_252 = arith.constant 16 : i32
        %mul3A_253 = arith.muli %while3A_235, %mul3A_252 : i32
        %sub3A_254 = arith.subi %shift_right_arithmetic3A_222, %mul3A_253 : i32
        %jit3A = arith.constant 0 : i32
        %jit3A_255 = arith.constant 16 : i32
        %max3A = arith.maxsi %jit3A, %sub3A_254 : i32
        %min3A = arith.minsi %jit3A_255, %max3A : i32
        %while3A_256 = arith.constant 0 : i32
        %while3A_257 = arith.subi %min3A, %while3A_256 : i32
        %while3A_258 = arith.addi %while3A_256, %while3A_257 : i32
        %while3A_259 = arith.constant 1 : i32
        %while3A_260 = arith.divsi %while3A_257, %while3A_259 : i32
        %while3A_261 = arith.muli %while3A_260, %while3A_259 : i32
        %while3A_262 = arith.addi %while3A_256, %while3A_261 : i32
        %while3A_263 = arith.constant 1 : i32
        scf.for %while3A_265 = %while3A_256 to %while3A_262 step %while3A_263  : i32 {
          %mul3A_266 = arith.constant 16 : i32
          %mul3A_267 = arith.muli %while3A_265, %mul3A_266 : i32
          %get3A_268 = arith.index_cast %mul3A_267 : i32 to index
          %get3A_269 = tpu.vector_load %arg18[%get3A_268] {strides = array<i32>} : memref<256xi32, #tpu.memory_space<vmem>>, vector<16xi32>,
          %mul3A_270 = arith.constant 16 : i32
          %mul3A_271 = arith.muli %while3A_265, %mul3A_270 : i32
          %get3A_272 = arith.index_cast %mul3A_271 : i32 to index
          %get3A_273 = tpu.vector_load %arg19[%get3A_272] {strides = array<i32>} : memref<256xf32, #tpu.memory_space<vmem>>, vector<16xf32>,
          %ge3A = arith.constant 0 : i32
          %ge3A_274 = vector.broadcast %ge3A : i32 to vector<16xi32>
          %ge3A_275 = arith.cmpi sge, %get3A_269, %ge3A_274 : vector<16xi32>
          %sub3A_276 = vector.broadcast %mul3A_3 : i32 to vector<16xi32>
          %sub3A_277 = arith.subi %get3A_269, %sub3A_276 : vector<16xi32>
          %jit3A_278 = arith.constant 0 : i32
          %broadcast_in_dim3A_279 = vector.broadcast %jit3A_278 : i32 to vector<16xi32>
          %select_n3A = arith.select %ge3A_275, %sub3A_277, %broadcast_in_dim3A_279 : vector<16xi1>, vector<16xi32>
          %jit3A_280 = arith.constant -3.400000e+38 : f32
          %broadcast_in_dim3A_281 = vector.broadcast %jit3A_280 : f32 to vector<16xf32>
          %select_n3A_282 = arith.select %ge3A_275, %get3A_273, %broadcast_in_dim3A_281 : vector<16xi1>, vector<16xf32>
          %masked_sort3A = arith.constant dense<true> : vector<16xi1>
          %masked_sort3A_283 = arith.constant -2147483648 : i32
          %masked_sort3A_284 = vector.broadcast %masked_sort3A_283 : i32 to vector<16xi32>
          %masked_sort3A_285 = arith.xori %select_n3A, %masked_sort3A_284 : vector<16xi32>
          %masked_sort3A_286, %masked_sort3A_287, %masked_sort3A_288 = tpu.sort %masked_sort3A_285, %select_n3A_282 masked %masked_sort3A : (vector<16xi32>, vector<16xf32>, vector<16xi1>) -> (vector<16xi1>, vector<16xi32>, vector<16xf32>)
          %masked_sort3A_289 = arith.xori %masked_sort3A_287, %masked_sort3A_284 : vector<16xi32>
          %swap3A_290 = arith.constant 8 : index
          %swap3A_291 = tpu.vector_load %arg16[%swap3A_290] {strides = array<i32>} : memref<40xi32, #tpu.memory_space<vmem>>, vector<16xi32>,
          tpu.vector_store %arg16[%swap3A_290], %masked_sort3A_289 {strides = array<i32>} : memref<40xi32, #tpu.memory_space<vmem>>, vector<16xi32>,
          %swap3A_292 = arith.constant 8 : index
          %swap3A_293 = tpu.vector_load %arg17[%swap3A_292] {strides = array<i32>} : memref<40xf32, #tpu.memory_space<vmem>>, vector<16xf32>,
          tpu.vector_store %arg17[%swap3A_292], %masked_sort3A_288 {strides = array<i32>} : memref<40xf32, #tpu.memory_space<vmem>>, vector<16xf32>,
          %get3A_294 = arith.constant 7 : index
          %get3A_295 = tpu.vector_load %arg16[%get3A_294] {strides = array<i32>} : memref<40xi32, #tpu.memory_space<vmem>>, vector<16xi32>,
          %get3A_296 = arith.constant 7 : index
          %get3A_297 = tpu.vector_load %arg17[%get3A_296] {strides = array<i32>} : memref<40xf32, #tpu.memory_space<vmem>>, vector<16xf32>,
          %eq3A = arith.cmpi eq, %get3A_295, %masked_sort3A_289 : vector<16xi32>
          %max3A_298 = arith.maximumf %masked_sort3A_288, %get3A_297 : vector<16xf32>
          %select_n3A_299 = arith.select %eq3A, %max3A_298, %masked_sort3A_288 : vector<16xi1>, vector<16xf32>
          %swap3A_300 = arith.constant 8 : index
          %swap3A_301 = tpu.vector_load %arg17[%swap3A_300] {strides = array<i32>} : memref<40xf32, #tpu.memory_space<vmem>>, vector<16xf32>,
          tpu.vector_store %arg17[%swap3A_300], %select_n3A_299 {strides = array<i32>} : memref<40xf32, #tpu.memory_space<vmem>>, vector<16xf32>,
          %get3A_302 = arith.constant 6 : index
          %get3A_303 = tpu.vector_load %arg16[%get3A_302] {strides = array<i32>} : memref<40xi32, #tpu.memory_space<vmem>>, vector<16xi32>,
          %get3A_304 = arith.constant 6 : index
          %get3A_305 = tpu.vector_load %arg17[%get3A_304] {strides = array<i32>} : memref<40xf32, #tpu.memory_space<vmem>>, vector<16xf32>,
          %eq3A_306 = arith.cmpi eq, %get3A_303, %masked_sort3A_289 : vector<16xi32>
          %max3A_307 = arith.maximumf %select_n3A_299, %get3A_305 : vector<16xf32>
          %select_n3A_308 = arith.select %eq3A_306, %max3A_307, %select_n3A_299 : vector<16xi1>, vector<16xf32>
          %swap3A_309 = arith.constant 8 : index
          %swap3A_310 = tpu.vector_load %arg17[%swap3A_309] {strides = array<i32>} : memref<40xf32, #tpu.memory_space<vmem>>, vector<16xf32>,
          tpu.vector_store %arg17[%swap3A_309], %select_n3A_308 {strides = array<i32>} : memref<40xf32, #tpu.memory_space<vmem>>, vector<16xf32>,
          %get3A_311 = arith.constant 4 : index
          %get3A_312 = tpu.vector_load %arg16[%get3A_311] {strides = array<i32>} : memref<40xi32, #tpu.memory_space<vmem>>, vector<16xi32>,
          %get3A_313 = arith.constant 4 : index
          %get3A_314 = tpu.vector_load %arg17[%get3A_313] {strides = array<i32>} : memref<40xf32, #tpu.memory_space<vmem>>, vector<16xf32>,
          %eq3A_315 = arith.cmpi eq, %get3A_312, %masked_sort3A_289 : vector<16xi32>
          %max3A_316 = arith.maximumf %select_n3A_308, %get3A_314 : vector<16xf32>
          %select_n3A_317 = arith.select %eq3A_315, %max3A_316, %select_n3A_308 : vector<16xi1>, vector<16xf32>
          %swap3A_318 = arith.constant 8 : index
          %swap3A_319 = tpu.vector_load %arg17[%swap3A_318] {strides = array<i32>} : memref<40xf32, #tpu.memory_space<vmem>>, vector<16xf32>,
          tpu.vector_store %arg17[%swap3A_318], %select_n3A_317 {strides = array<i32>} : memref<40xf32, #tpu.memory_space<vmem>>, vector<16xf32>,
          %get3A_320 = arith.constant 0 : index
          %get3A_321 = tpu.vector_load %arg16[%get3A_320] {strides = array<i32>} : memref<40xi32, #tpu.memory_space<vmem>>, vector<16xi32>,
          %get3A_322 = arith.constant 0 : index
          %get3A_323 = tpu.vector_load %arg17[%get3A_322] {strides = array<i32>} : memref<40xf32, #tpu.memory_space<vmem>>, vector<16xf32>,
          %eq3A_324 = arith.cmpi eq, %get3A_321, %masked_sort3A_289 : vector<16xi32>
          %max3A_325 = arith.maximumf %select_n3A_317, %get3A_323 : vector<16xf32>
          %select_n3A_326 = arith.select %eq3A_324, %max3A_325, %select_n3A_317 : vector<16xi1>, vector<16xf32>
          %get3A_327 = arith.constant 9 : index
          %get3A_328 = tpu.vector_load %arg16[%get3A_327] {strides = array<i32>} : memref<40xi32, #tpu.memory_space<vmem>>, vector<16xi32>,
          %ne3A = arith.cmpi ne, %get3A_328, %masked_sort3A_289 : vector<16xi32>
          %gather3A = tpu.vector_load_idx %arg15[%masked_sort3A_289] masked %ne3A : memref<25016xf32, #tpu.memory_space<vmem>>[vector<16xi32>], vector<16xf32>, vector<16xi1>
          %max3A_329 = arith.maximumf %gather3A, %select_n3A_326 : vector<16xf32>
          tpu.vector_store_idx %arg15[%masked_sort3A_289], %max3A_329 masked %ne3A : memref<25016xf32, #tpu.memory_space<vmem>>[vector<16xi32>], vector<16xf32>, vector<16xi1>
        }
        %while3A_264 = arith.constant 1 : i32
        scf.for %while3A_265 = %while3A_262 to %while3A_258 step %while3A_264  : i32 {
          %mul3A_266 = arith.constant 16 : i32
          %mul3A_267 = arith.muli %while3A_265, %mul3A_266 : i32
          %get3A_268 = arith.index_cast %mul3A_267 : i32 to index
          %get3A_269 = tpu.vector_load %arg18[%get3A_268] {strides = array<i32>} : memref<256xi32, #tpu.memory_space<vmem>>, vector<16xi32>,
          %mul3A_270 = arith.constant 16 : i32
          %mul3A_271 = arith.muli %while3A_265, %mul3A_270 : i32
          %get3A_272 = arith.index_cast %mul3A_271 : i32 to index
          %get3A_273 = tpu.vector_load %arg19[%get3A_272] {strides = array<i32>} : memref<256xf32, #tpu.memory_space<vmem>>, vector<16xf32>,
          %ge3A = arith.constant 0 : i32
          %ge3A_274 = vector.broadcast %ge3A : i32 to vector<16xi32>
          %ge3A_275 = arith.cmpi sge, %get3A_269, %ge3A_274 : vector<16xi32>
          %sub3A_276 = vector.broadcast %mul3A_3 : i32 to vector<16xi32>
          %sub3A_277 = arith.subi %get3A_269, %sub3A_276 : vector<16xi32>
          %jit3A_278 = arith.constant 0 : i32
          %broadcast_in_dim3A_279 = vector.broadcast %jit3A_278 : i32 to vector<16xi32>
          %select_n3A = arith.select %ge3A_275, %sub3A_277, %broadcast_in_dim3A_279 : vector<16xi1>, vector<16xi32>
          %jit3A_280 = arith.constant -3.400000e+38 : f32
          %broadcast_in_dim3A_281 = vector.broadcast %jit3A_280 : f32 to vector<16xf32>
          %select_n3A_282 = arith.select %ge3A_275, %get3A_273, %broadcast_in_dim3A_281 : vector<16xi1>, vector<16xf32>
          %masked_sort3A = arith.constant dense<true> : vector<16xi1>
          %masked_sort3A_283 = arith.constant -2147483648 : i32
          %masked_sort3A_284 = vector.broadcast %masked_sort3A_283 : i32 to vector<16xi32>
          %masked_sort3A_285 = arith.xori %select_n3A, %masked_sort3A_284 : vector<16xi32>
          %masked_sort3A_286, %masked_sort3A_287, %masked_sort3A_288 = tpu.sort %masked_sort3A_285, %select_n3A_282 masked %masked_sort3A : (vector<16xi32>, vector<16xf32>, vector<16xi1>) -> (vector<16xi1>, vector<16xi32>, vector<16xf32>)
          %masked_sort3A_289 = arith.xori %masked_sort3A_287, %masked_sort3A_284 : vector<16xi32>
          %swap3A_290 = arith.constant 8 : index
          %swap3A_291 = tpu.vector_load %arg16[%swap3A_290] {strides = array<i32>} : memref<40xi32, #tpu.memory_space<vmem>>, vector<16xi32>,
          tpu.vector_store %arg16[%swap3A_290], %masked_sort3A_289 {strides = array<i32>} : memref<40xi32, #tpu.memory_space<vmem>>, vector<16xi32>,
          %swap3A_292 = arith.constant 8 : index
          %swap3A_293 = tpu.vector_load %arg17[%swap3A_292] {strides = array<i32>} : memref<40xf32, #tpu.memory_space<vmem>>, vector<16xf32>,
          tpu.vector_store %arg17[%swap3A_292], %masked_sort3A_288 {strides = array<i32>} : memref<40xf32, #tpu.memory_space<vmem>>, vector<16xf32>,
          %get3A_294 = arith.constant 7 : index
          %get3A_295 = tpu.vector_load %arg16[%get3A_294] {strides = array<i32>} : memref<40xi32, #tpu.memory_space<vmem>>, vector<16xi32>,
          %get3A_296 = arith.constant 7 : index
          %get3A_297 = tpu.vector_load %arg17[%get3A_296] {strides = array<i32>} : memref<40xf32, #tpu.memory_space<vmem>>, vector<16xf32>,
          %eq3A = arith.cmpi eq, %get3A_295, %masked_sort3A_289 : vector<16xi32>
          %max3A_298 = arith.maximumf %masked_sort3A_288, %get3A_297 : vector<16xf32>
          %select_n3A_299 = arith.select %eq3A, %max3A_298, %masked_sort3A_288 : vector<16xi1>, vector<16xf32>
          %swap3A_300 = arith.constant 8 : index
          %swap3A_301 = tpu.vector_load %arg17[%swap3A_300] {strides = array<i32>} : memref<40xf32, #tpu.memory_space<vmem>>, vector<16xf32>,
          tpu.vector_store %arg17[%swap3A_300], %select_n3A_299 {strides = array<i32>} : memref<40xf32, #tpu.memory_space<vmem>>, vector<16xf32>,
          %get3A_302 = arith.constant 6 : index
          %get3A_303 = tpu.vector_load %arg16[%get3A_302] {strides = array<i32>} : memref<40xi32, #tpu.memory_space<vmem>>, vector<16xi32>,
          %get3A_304 = arith.constant 6 : index
          %get3A_305 = tpu.vector_load %arg17[%get3A_304] {strides = array<i32>} : memref<40xf32, #tpu.memory_space<vmem>>, vector<16xf32>,
          %eq3A_306 = arith.cmpi eq, %get3A_303, %masked_sort3A_289 : vector<16xi32>
          %max3A_307 = arith.maximumf %select_n3A_299, %get3A_305 : vector<16xf32>
          %select_n3A_308 = arith.select %eq3A_306, %max3A_307, %select_n3A_299 : vector<16xi1>, vector<16xf32>
          %swap3A_309 = arith.constant 8 : index
          %swap3A_310 = tpu.vector_load %arg17[%swap3A_309] {strides = array<i32>} : memref<40xf32, #tpu.memory_space<vmem>>, vector<16xf32>,
          tpu.vector_store %arg17[%swap3A_309], %select_n3A_308 {strides = array<i32>} : memref<40xf32, #tpu.memory_space<vmem>>, vector<16xf32>,
          %get3A_311 = arith.constant 4 : index
          %get3A_312 = tpu.vector_load %arg16[%get3A_311] {strides = array<i32>} : memref<40xi32, #tpu.memory_space<vmem>>, vector<16xi32>,
          %get3A_313 = arith.constant 4 : index
          %get3A_314 = tpu.vector_load %arg17[%get3A_313] {strides = array<i32>} : memref<40xf32, #tpu.memory_space<vmem>>, vector<16xf32>,
          %eq3A_315 = arith.cmpi eq, %get3A_312, %masked_sort3A_289 : vector<16xi32>
          %max3A_316 = arith.maximumf %select_n3A_308, %get3A_314 : vector<16xf32>
          %select_n3A_317 = arith.select %eq3A_315, %max3A_316, %select_n3A_308 : vector<16xi1>, vector<16xf32>
          %swap3A_318 = arith.constant 8 : index
          %swap3A_319 = tpu.vector_load %arg17[%swap3A_318] {strides = array<i32>} : memref<40xf32, #tpu.memory_space<vmem>>, vector<16xf32>,
          tpu.vector_store %arg17[%swap3A_318], %select_n3A_317 {strides = array<i32>} : memref<40xf32, #tpu.memory_space<vmem>>, vector<16xf32>,
          %get3A_320 = arith.constant 0 : index
          %get3A_321 = tpu.vector_load %arg16[%get3A_320] {strides = array<i32>} : memref<40xi32, #tpu.memory_space<vmem>>, vector<16xi32>,
          %get3A_322 = arith.constant 0 : index
          %get3A_323 = tpu.vector_load %arg17[%get3A_322] {strides = array<i32>} : memref<40xf32, #tpu.memory_space<vmem>>, vector<16xf32>,
          %eq3A_324 = arith.cmpi eq, %get3A_321, %masked_sort3A_289 : vector<16xi32>
          %max3A_325 = arith.maximumf %select_n3A_317, %get3A_323 : vector<16xf32>
          %select_n3A_326 = arith.select %eq3A_324, %max3A_325, %select_n3A_317 : vector<16xi1>, vector<16xf32>
          %get3A_327 = arith.constant 9 : index
          %get3A_328 = tpu.vector_load %arg16[%get3A_327] {strides = array<i32>} : memref<40xi32, #tpu.memory_space<vmem>>, vector<16xi32>,
          %ne3A = arith.cmpi ne, %get3A_328, %masked_sort3A_289 : vector<16xi32>
          %gather3A = tpu.vector_load_idx %arg15[%masked_sort3A_289] masked %ne3A : memref<25016xf32, #tpu.memory_space<vmem>>[vector<16xi32>], vector<16xf32>, vector<16xi1>
          %max3A_329 = arith.maximumf %gather3A, %select_n3A_326 : vector<16xf32>
          tpu.vector_store_idx %arg15[%masked_sort3A_289], %max3A_329 masked %ne3A : memref<25016xf32, #tpu.memory_space<vmem>>[vector<16xi32>], vector<16xf32>, vector<16xi1>
        }
      }
      %while3A_234 = arith.constant 1 : i32
      scf.for %while3A_235 = %while3A_232 to %while3A_228 step %while3A_234  : i32 {
        %mul3A_236 = arith.constant 256 : i32
        %mul3A_237 = arith.muli %while3A_235, %mul3A_236 : i32
        %add3A_238 = arith.addi %multiple_of3A_226, %mul3A_237 : i32
        %multiple_of3A_239 = tpu.assume_multiple %add3A_238, 8 : i32
        %dma_start3A_240 = tpu.memref_slice %arg21[%multiple_of3A_239] : memref<280832xi32, #tpu.memory_space<vmem_shared>> -> memref<256xi32, #tpu.memory_space<vmem_shared>>
        %dma_start3A_241 = tpu.memref_slice %arg21[%multiple_of3A_239] : memref<280832xi32, #tpu.memory_space<vmem_shared>> -> memref<256xi32, #tpu.memory_space<vmem_shared>>
        tpu.enqueue_dma source(%dma_start3A_241 : memref<256xi32, #tpu.memory_space<vmem_shared>>) target(%arg18 : memref<256xi32, #tpu.memory_space<vmem>>) target_semaphore(%arg23 : memref<!tpu.dma_semaphore, #tpu.memory_space<semaphore_mem>>)
        %mul3A_242 = arith.constant 256 : i32
        %mul3A_243 = arith.muli %while3A_235, %mul3A_242 : i32
        %add3A_244 = arith.addi %multiple_of3A_226, %mul3A_243 : i32
        %multiple_of3A_245 = tpu.assume_multiple %add3A_244, 8 : i32
        %dma_start3A_246 = tpu.memref_slice %arg22[%multiple_of3A_245] : memref<280832xf32, #tpu.memory_space<vmem_shared>> -> memref<256xf32, #tpu.memory_space<vmem_shared>>
        %dma_start3A_247 = tpu.memref_slice %arg22[%multiple_of3A_245] : memref<280832xf32, #tpu.memory_space<vmem_shared>> -> memref<256xf32, #tpu.memory_space<vmem_shared>>
        tpu.enqueue_dma source(%dma_start3A_247 : memref<256xf32, #tpu.memory_space<vmem_shared>>) target(%arg19 : memref<256xf32, #tpu.memory_space<vmem>>) target_semaphore(%arg23 : memref<!tpu.dma_semaphore, #tpu.memory_space<semaphore_mem>>)
        %dma_wait3A_248 = tpu.memref_slice %arg21[%multiple_of3A_239] : memref<280832xi32, #tpu.memory_space<vmem_shared>> -> memref<256xi32, #tpu.memory_space<vmem_shared>>
        %dma_wait3A_249 = tpu.memref_slice %arg21[%multiple_of3A_239] : memref<280832xi32, #tpu.memory_space<vmem_shared>> -> memref<256xi32, #tpu.memory_space<vmem_shared>>
        tpu.wait_dma2 semaphore(%arg23 : memref<!tpu.dma_semaphore, #tpu.memory_space<semaphore_mem>>) src(%dma_wait3A_249 : memref<256xi32, #tpu.memory_space<vmem_shared>>) dst(%arg18 : memref<256xi32, #tpu.memory_space<vmem>>)
        %dma_wait3A_250 = tpu.memref_slice %arg22[%multiple_of3A_245] : memref<280832xf32, #tpu.memory_space<vmem_shared>> -> memref<256xf32, #tpu.memory_space<vmem_shared>>
        %dma_wait3A_251 = tpu.memref_slice %arg22[%multiple_of3A_245] : memref<280832xf32, #tpu.memory_space<vmem_shared>> -> memref<256xf32, #tpu.memory_space<vmem_shared>>
        tpu.wait_dma2 semaphore(%arg23 : memref<!tpu.dma_semaphore, #tpu.memory_space<semaphore_mem>>) src(%dma_wait3A_251 : memref<256xf32, #tpu.memory_space<vmem_shared>>) dst(%arg19 : memref<256xf32, #tpu.memory_space<vmem>>)
        %mul3A_252 = arith.constant 16 : i32
        %mul3A_253 = arith.muli %while3A_235, %mul3A_252 : i32
        %sub3A_254 = arith.subi %shift_right_arithmetic3A_222, %mul3A_253 : i32
        %jit3A = arith.constant 0 : i32
        %jit3A_255 = arith.constant 16 : i32
        %max3A = arith.maxsi %jit3A, %sub3A_254 : i32
        %min3A = arith.minsi %jit3A_255, %max3A : i32
        %while3A_256 = arith.constant 0 : i32
        %while3A_257 = arith.subi %min3A, %while3A_256 : i32
        %while3A_258 = arith.addi %while3A_256, %while3A_257 : i32
        %while3A_259 = arith.constant 1 : i32
        %while3A_260 = arith.divsi %while3A_257, %while3A_259 : i32
        %while3A_261 = arith.muli %while3A_260, %while3A_259 : i32
        %while3A_262 = arith.addi %while3A_256, %while3A_261 : i32
        %while3A_263 = arith.constant 1 : i32
        scf.for %while3A_265 = %while3A_256 to %while3A_262 step %while3A_263  : i32 {
          %mul3A_266 = arith.constant 16 : i32
          %mul3A_267 = arith.muli %while3A_265, %mul3A_266 : i32
          %get3A_268 = arith.index_cast %mul3A_267 : i32 to index
          %get3A_269 = tpu.vector_load %arg18[%get3A_268] {strides = array<i32>} : memref<256xi32, #tpu.memory_space<vmem>>, vector<16xi32>,
          %mul3A_270 = arith.constant 16 : i32
          %mul3A_271 = arith.muli %while3A_265, %mul3A_270 : i32
          %get3A_272 = arith.index_cast %mul3A_271 : i32 to index
          %get3A_273 = tpu.vector_load %arg19[%get3A_272] {strides = array<i32>} : memref<256xf32, #tpu.memory_space<vmem>>, vector<16xf32>,
          %ge3A = arith.constant 0 : i32
          %ge3A_274 = vector.broadcast %ge3A : i32 to vector<16xi32>
          %ge3A_275 = arith.cmpi sge, %get3A_269, %ge3A_274 : vector<16xi32>
          %sub3A_276 = vector.broadcast %mul3A_3 : i32 to vector<16xi32>
          %sub3A_277 = arith.subi %get3A_269, %sub3A_276 : vector<16xi32>
          %jit3A_278 = arith.constant 0 : i32
          %broadcast_in_dim3A_279 = vector.broadcast %jit3A_278 : i32 to vector<16xi32>
          %select_n3A = arith.select %ge3A_275, %sub3A_277, %broadcast_in_dim3A_279 : vector<16xi1>, vector<16xi32>
          %jit3A_280 = arith.constant -3.400000e+38 : f32
          %broadcast_in_dim3A_281 = vector.broadcast %jit3A_280 : f32 to vector<16xf32>
          %select_n3A_282 = arith.select %ge3A_275, %get3A_273, %broadcast_in_dim3A_281 : vector<16xi1>, vector<16xf32>
          %masked_sort3A = arith.constant dense<true> : vector<16xi1>
          %masked_sort3A_283 = arith.constant -2147483648 : i32
          %masked_sort3A_284 = vector.broadcast %masked_sort3A_283 : i32 to vector<16xi32>
          %masked_sort3A_285 = arith.xori %select_n3A, %masked_sort3A_284 : vector<16xi32>
          %masked_sort3A_286, %masked_sort3A_287, %masked_sort3A_288 = tpu.sort %masked_sort3A_285, %select_n3A_282 masked %masked_sort3A : (vector<16xi32>, vector<16xf32>, vector<16xi1>) -> (vector<16xi1>, vector<16xi32>, vector<16xf32>)
          %masked_sort3A_289 = arith.xori %masked_sort3A_287, %masked_sort3A_284 : vector<16xi32>
          %swap3A_290 = arith.constant 8 : index
          %swap3A_291 = tpu.vector_load %arg16[%swap3A_290] {strides = array<i32>} : memref<40xi32, #tpu.memory_space<vmem>>, vector<16xi32>,
          tpu.vector_store %arg16[%swap3A_290], %masked_sort3A_289 {strides = array<i32>} : memref<40xi32, #tpu.memory_space<vmem>>, vector<16xi32>,
          %swap3A_292 = arith.constant 8 : index
          %swap3A_293 = tpu.vector_load %arg17[%swap3A_292] {strides = array<i32>} : memref<40xf32, #tpu.memory_space<vmem>>, vector<16xf32>,
          tpu.vector_store %arg17[%swap3A_292], %masked_sort3A_288 {strides = array<i32>} : memref<40xf32, #tpu.memory_space<vmem>>, vector<16xf32>,
          %get3A_294 = arith.constant 7 : index
          %get3A_295 = tpu.vector_load %arg16[%get3A_294] {strides = array<i32>} : memref<40xi32, #tpu.memory_space<vmem>>, vector<16xi32>,
          %get3A_296 = arith.constant 7 : index
          %get3A_297 = tpu.vector_load %arg17[%get3A_296] {strides = array<i32>} : memref<40xf32, #tpu.memory_space<vmem>>, vector<16xf32>,
          %eq3A = arith.cmpi eq, %get3A_295, %masked_sort3A_289 : vector<16xi32>
          %max3A_298 = arith.maximumf %masked_sort3A_288, %get3A_297 : vector<16xf32>
          %select_n3A_299 = arith.select %eq3A, %max3A_298, %masked_sort3A_288 : vector<16xi1>, vector<16xf32>
          %swap3A_300 = arith.constant 8 : index
          %swap3A_301 = tpu.vector_load %arg17[%swap3A_300] {strides = array<i32>} : memref<40xf32, #tpu.memory_space<vmem>>, vector<16xf32>,
          tpu.vector_store %arg17[%swap3A_300], %select_n3A_299 {strides = array<i32>} : memref<40xf32, #tpu.memory_space<vmem>>, vector<16xf32>,
          %get3A_302 = arith.constant 6 : index
          %get3A_303 = tpu.vector_load %arg16[%get3A_302] {strides = array<i32>} : memref<40xi32, #tpu.memory_space<vmem>>, vector<16xi32>,
          %get3A_304 = arith.constant 6 : index
          %get3A_305 = tpu.vector_load %arg17[%get3A_304] {strides = array<i32>} : memref<40xf32, #tpu.memory_space<vmem>>, vector<16xf32>,
          %eq3A_306 = arith.cmpi eq, %get3A_303, %masked_sort3A_289 : vector<16xi32>
          %max3A_307 = arith.maximumf %select_n3A_299, %get3A_305 : vector<16xf32>
          %select_n3A_308 = arith.select %eq3A_306, %max3A_307, %select_n3A_299 : vector<16xi1>, vector<16xf32>
          %swap3A_309 = arith.constant 8 : index
          %swap3A_310 = tpu.vector_load %arg17[%swap3A_309] {strides = array<i32>} : memref<40xf32, #tpu.memory_space<vmem>>, vector<16xf32>,
          tpu.vector_store %arg17[%swap3A_309], %select_n3A_308 {strides = array<i32>} : memref<40xf32, #tpu.memory_space<vmem>>, vector<16xf32>,
          %get3A_311 = arith.constant 4 : index
          %get3A_312 = tpu.vector_load %arg16[%get3A_311] {strides = array<i32>} : memref<40xi32, #tpu.memory_space<vmem>>, vector<16xi32>,
          %get3A_313 = arith.constant 4 : index
          %get3A_314 = tpu.vector_load %arg17[%get3A_313] {strides = array<i32>} : memref<40xf32, #tpu.memory_space<vmem>>, vector<16xf32>,
          %eq3A_315 = arith.cmpi eq, %get3A_312, %masked_sort3A_289 : vector<16xi32>
          %max3A_316 = arith.maximumf %select_n3A_308, %get3A_314 : vector<16xf32>
          %select_n3A_317 = arith.select %eq3A_315, %max3A_316, %select_n3A_308 : vector<16xi1>, vector<16xf32>
          %swap3A_318 = arith.constant 8 : index
          %swap3A_319 = tpu.vector_load %arg17[%swap3A_318] {strides = array<i32>} : memref<40xf32, #tpu.memory_space<vmem>>, vector<16xf32>,
          tpu.vector_store %arg17[%swap3A_318], %select_n3A_317 {strides = array<i32>} : memref<40xf32, #tpu.memory_space<vmem>>, vector<16xf32>,
          %get3A_320 = arith.constant 0 : index
          %get3A_321 = tpu.vector_load %arg16[%get3A_320] {strides = array<i32>} : memref<40xi32, #tpu.memory_space<vmem>>, vector<16xi32>,
          %get3A_322 = arith.constant 0 : index
          %get3A_323 = tpu.vector_load %arg17[%get3A_322] {strides = array<i32>} : memref<40xf32, #tpu.memory_space<vmem>>, vector<16xf32>,
          %eq3A_324 = arith.cmpi eq, %get3A_321, %masked_sort3A_289 : vector<16xi32>
          %max3A_325 = arith.maximumf %select_n3A_317, %get3A_323 : vector<16xf32>
          %select_n3A_326 = arith.select %eq3A_324, %max3A_325, %select_n3A_317 : vector<16xi1>, vector<16xf32>
          %get3A_327 = arith.constant 9 : index
          %get3A_328 = tpu.vector_load %arg16[%get3A_327] {strides = array<i32>} : memref<40xi32, #tpu.memory_space<vmem>>, vector<16xi32>,
          %ne3A = arith.cmpi ne, %get3A_328, %masked_sort3A_289 : vector<16xi32>
          %gather3A = tpu.vector_load_idx %arg15[%masked_sort3A_289] masked %ne3A : memref<25016xf32, #tpu.memory_space<vmem>>[vector<16xi32>], vector<16xf32>, vector<16xi1>
          %max3A_329 = arith.maximumf %gather3A, %select_n3A_326 : vector<16xf32>
          tpu.vector_store_idx %arg15[%masked_sort3A_289], %max3A_329 masked %ne3A : memref<25016xf32, #tpu.memory_space<vmem>>[vector<16xi32>], vector<16xf32>, vector<16xi1>
        }
        %while3A_264 = arith.constant 1 : i32
        scf.for %while3A_265 = %while3A_262 to %while3A_258 step %while3A_264  : i32 {
          %mul3A_266 = arith.constant 16 : i32
          %mul3A_267 = arith.muli %while3A_265, %mul3A_266 : i32
          %get3A_268 = arith.index_cast %mul3A_267 : i32 to index
          %get3A_269 = tpu.vector_load %arg18[%get3A_268] {strides = array<i32>} : memref<256xi32, #tpu.memory_space<vmem>>, vector<16xi32>,
          %mul3A_270 = arith.constant 16 : i32
          %mul3A_271 = arith.muli %while3A_265, %mul3A_270 : i32
          %get3A_272 = arith.index_cast %mul3A_271 : i32 to index
          %get3A_273 = tpu.vector_load %arg19[%get3A_272] {strides = array<i32>} : memref<256xf32, #tpu.memory_space<vmem>>, vector<16xf32>,
          %ge3A = arith.constant 0 : i32
          %ge3A_274 = vector.broadcast %ge3A : i32 to vector<16xi32>
          %ge3A_275 = arith.cmpi sge, %get3A_269, %ge3A_274 : vector<16xi32>
          %sub3A_276 = vector.broadcast %mul3A_3 : i32 to vector<16xi32>
          %sub3A_277 = arith.subi %get3A_269, %sub3A_276 : vector<16xi32>
          %jit3A_278 = arith.constant 0 : i32
          %broadcast_in_dim3A_279 = vector.broadcast %jit3A_278 : i32 to vector<16xi32>
          %select_n3A = arith.select %ge3A_275, %sub3A_277, %broadcast_in_dim3A_279 : vector<16xi1>, vector<16xi32>
          %jit3A_280 = arith.constant -3.400000e+38 : f32
          %broadcast_in_dim3A_281 = vector.broadcast %jit3A_280 : f32 to vector<16xf32>
          %select_n3A_282 = arith.select %ge3A_275, %get3A_273, %broadcast_in_dim3A_281 : vector<16xi1>, vector<16xf32>
          %masked_sort3A = arith.constant dense<true> : vector<16xi1>
          %masked_sort3A_283 = arith.constant -2147483648 : i32
          %masked_sort3A_284 = vector.broadcast %masked_sort3A_283 : i32 to vector<16xi32>
          %masked_sort3A_285 = arith.xori %select_n3A, %masked_sort3A_284 : vector<16xi32>
          %masked_sort3A_286, %masked_sort3A_287, %masked_sort3A_288 = tpu.sort %masked_sort3A_285, %select_n3A_282 masked %masked_sort3A : (vector<16xi32>, vector<16xf32>, vector<16xi1>) -> (vector<16xi1>, vector<16xi32>, vector<16xf32>)
          %masked_sort3A_289 = arith.xori %masked_sort3A_287, %masked_sort3A_284 : vector<16xi32>
          %swap3A_290 = arith.constant 8 : index
          %swap3A_291 = tpu.vector_load %arg16[%swap3A_290] {strides = array<i32>} : memref<40xi32, #tpu.memory_space<vmem>>, vector<16xi32>,
          tpu.vector_store %arg16[%swap3A_290], %masked_sort3A_289 {strides = array<i32>} : memref<40xi32, #tpu.memory_space<vmem>>, vector<16xi32>,
          %swap3A_292 = arith.constant 8 : index
          %swap3A_293 = tpu.vector_load %arg17[%swap3A_292] {strides = array<i32>} : memref<40xf32, #tpu.memory_space<vmem>>, vector<16xf32>,
          tpu.vector_store %arg17[%swap3A_292], %masked_sort3A_288 {strides = array<i32>} : memref<40xf32, #tpu.memory_space<vmem>>, vector<16xf32>,
          %get3A_294 = arith.constant 7 : index
          %get3A_295 = tpu.vector_load %arg16[%get3A_294] {strides = array<i32>} : memref<40xi32, #tpu.memory_space<vmem>>, vector<16xi32>,
          %get3A_296 = arith.constant 7 : index
          %get3A_297 = tpu.vector_load %arg17[%get3A_296] {strides = array<i32>} : memref<40xf32, #tpu.memory_space<vmem>>, vector<16xf32>,
          %eq3A = arith.cmpi eq, %get3A_295, %masked_sort3A_289 : vector<16xi32>
          %max3A_298 = arith.maximumf %masked_sort3A_288, %get3A_297 : vector<16xf32>
          %select_n3A_299 = arith.select %eq3A, %max3A_298, %masked_sort3A_288 : vector<16xi1>, vector<16xf32>
          %swap3A_300 = arith.constant 8 : index
          %swap3A_301 = tpu.vector_load %arg17[%swap3A_300] {strides = array<i32>} : memref<40xf32, #tpu.memory_space<vmem>>, vector<16xf32>,
          tpu.vector_store %arg17[%swap3A_300], %select_n3A_299 {strides = array<i32>} : memref<40xf32, #tpu.memory_space<vmem>>, vector<16xf32>,
          %get3A_302 = arith.constant 6 : index
          %get3A_303 = tpu.vector_load %arg16[%get3A_302] {strides = array<i32>} : memref<40xi32, #tpu.memory_space<vmem>>, vector<16xi32>,
          %get3A_304 = arith.constant 6 : index
          %get3A_305 = tpu.vector_load %arg17[%get3A_304] {strides = array<i32>} : memref<40xf32, #tpu.memory_space<vmem>>, vector<16xf32>,
          %eq3A_306 = arith.cmpi eq, %get3A_303, %masked_sort3A_289 : vector<16xi32>
          %max3A_307 = arith.maximumf %select_n3A_299, %get3A_305 : vector<16xf32>
          %select_n3A_308 = arith.select %eq3A_306, %max3A_307, %select_n3A_299 : vector<16xi1>, vector<16xf32>
          %swap3A_309 = arith.constant 8 : index
          %swap3A_310 = tpu.vector_load %arg17[%swap3A_309] {strides = array<i32>} : memref<40xf32, #tpu.memory_space<vmem>>, vector<16xf32>,
          tpu.vector_store %arg17[%swap3A_309], %select_n3A_308 {strides = array<i32>} : memref<40xf32, #tpu.memory_space<vmem>>, vector<16xf32>,
          %get3A_311 = arith.constant 4 : index
          %get3A_312 = tpu.vector_load %arg16[%get3A_311] {strides = array<i32>} : memref<40xi32, #tpu.memory_space<vmem>>, vector<16xi32>,
          %get3A_313 = arith.constant 4 : index
          %get3A_314 = tpu.vector_load %arg17[%get3A_313] {strides = array<i32>} : memref<40xf32, #tpu.memory_space<vmem>>, vector<16xf32>,
          %eq3A_315 = arith.cmpi eq, %get3A_312, %masked_sort3A_289 : vector<16xi32>
          %max3A_316 = arith.maximumf %select_n3A_308, %get3A_314 : vector<16xf32>
          %select_n3A_317 = arith.select %eq3A_315, %max3A_316, %select_n3A_308 : vector<16xi1>, vector<16xf32>
          %swap3A_318 = arith.constant 8 : index
          %swap3A_319 = tpu.vector_load %arg17[%swap3A_318] {strides = array<i32>} : memref<40xf32, #tpu.memory_space<vmem>>, vector<16xf32>,
          tpu.vector_store %arg17[%swap3A_318], %select_n3A_317 {strides = array<i32>} : memref<40xf32, #tpu.memory_space<vmem>>, vector<16xf32>,
          %get3A_320 = arith.constant 0 : index
          %get3A_321 = tpu.vector_load %arg16[%get3A_320] {strides = array<i32>} : memref<40xi32, #tpu.memory_space<vmem>>, vector<16xi32>,
          %get3A_322 = arith.constant 0 : index
          %get3A_323 = tpu.vector_load %arg17[%get3A_322] {strides = array<i32>} : memref<40xf32, #tpu.memory_space<vmem>>, vector<16xf32>,
          %eq3A_324 = arith.cmpi eq, %get3A_321, %masked_sort3A_289 : vector<16xi32>
          %max3A_325 = arith.maximumf %select_n3A_317, %get3A_323 : vector<16xf32>
          %select_n3A_326 = arith.select %eq3A_324, %max3A_325, %select_n3A_317 : vector<16xi1>, vector<16xf32>
          %get3A_327 = arith.constant 9 : index
          %get3A_328 = tpu.vector_load %arg16[%get3A_327] {strides = array<i32>} : memref<40xi32, #tpu.memory_space<vmem>>, vector<16xi32>,
          %ne3A = arith.cmpi ne, %get3A_328, %masked_sort3A_289 : vector<16xi32>
          %gather3A = tpu.vector_load_idx %arg15[%masked_sort3A_289] masked %ne3A : memref<25016xf32, #tpu.memory_space<vmem>>[vector<16xi32>], vector<16xf32>, vector<16xi1>
          %max3A_329 = arith.maximumf %gather3A, %select_n3A_326 : vector<16xf32>
          tpu.vector_store_idx %arg15[%masked_sort3A_289], %max3A_329 masked %ne3A : memref<25016xf32, #tpu.memory_space<vmem>>[vector<16xi32>], vector<16xf32>, vector<16xi1>
        }
      }
    }
    %scan3A_103 = arith.constant 16 : i32
    %barrier3A_104 = arith.constant 0 : index
    tpu.barrier barrier_id(%barrier3A_104)
    %mul3A_105 = arith.constant 13440 : i32
    %mul3A_106 = arith.muli %arg1, %mul3A_105 : i32
    %add3A_107 = arith.constant 215040 : i32
    %add3A_108 = arith.addi %add3A_107, %mul3A_106 : i32
    %swap3A_109 = arith.constant 0 : index
    %swap3A_110 = tpu.vector_load %arg7[%swap3A_109] {strides = array<i32>} : memref<256xi32, #tpu.memory_space<vmem>>, vector<16xi32>,
    tpu.vector_store %arg7[%swap3A_109], %broadcast_in_dim3A_0 {strides = array<i32>} : memref<256xi32, #tpu.memory_space<vmem>>, vector<16xi32>,
    %swap3A_111 = arith.constant 16 : index
    %swap3A_112 = tpu.vector_load %arg7[%swap3A_111] {strides = array<i32>} : memref<256xi32, #tpu.memory_space<vmem>>, vector<16xi32>,
    tpu.vector_store %arg7[%swap3A_111], %broadcast_in_dim3A_0 {strides = array<i32>} : memref<256xi32, #tpu.memory_space<vmem>>, vector<16xi32>,
    %swap3A_113 = arith.constant 32 : index
    %swap3A_114 = tpu.vector_load %arg7[%swap3A_113] {strides = array<i32>} : memref<256xi32, #tpu.memory_space<vmem>>, vector<16xi32>,
    tpu.vector_store %arg7[%swap3A_113], %broadcast_in_dim3A_0 {strides = array<i32>} : memref<256xi32, #tpu.memory_space<vmem>>, vector<16xi32>,
    %swap3A_115 = arith.constant 48 : index
    %swap3A_116 = tpu.vector_load %arg7[%swap3A_115] {strides = array<i32>} : memref<256xi32, #tpu.memory_space<vmem>>, vector<16xi32>,
    tpu.vector_store %arg7[%swap3A_115], %broadcast_in_dim3A_0 {strides = array<i32>} : memref<256xi32, #tpu.memory_space<vmem>>, vector<16xi32>,
    %swap3A_117 = arith.constant 64 : index
    %swap3A_118 = tpu.vector_load %arg7[%swap3A_117] {strides = array<i32>} : memref<256xi32, #tpu.memory_space<vmem>>, vector<16xi32>,
    tpu.vector_store %arg7[%swap3A_117], %broadcast_in_dim3A_0 {strides = array<i32>} : memref<256xi32, #tpu.memory_space<vmem>>, vector<16xi32>,
    %swap3A_119 = arith.constant 80 : index
    %swap3A_120 = tpu.vector_load %arg7[%swap3A_119] {strides = array<i32>} : memref<256xi32, #tpu.memory_space<vmem>>, vector<16xi32>,
    tpu.vector_store %arg7[%swap3A_119], %broadcast_in_dim3A_0 {strides = array<i32>} : memref<256xi32, #tpu.memory_space<vmem>>, vector<16xi32>,
    %swap3A_121 = arith.constant 96 : index
    %swap3A_122 = tpu.vector_load %arg7[%swap3A_121] {strides = array<i32>} : memref<256xi32, #tpu.memory_space<vmem>>, vector<16xi32>,
    tpu.vector_store %arg7[%swap3A_121], %broadcast_in_dim3A_0 {strides = array<i32>} : memref<256xi32, #tpu.memory_space<vmem>>, vector<16xi32>,
    %swap3A_123 = arith.constant 112 : index
    %swap3A_124 = tpu.vector_load %arg7[%swap3A_123] {strides = array<i32>} : memref<256xi32, #tpu.memory_space<vmem>>, vector<16xi32>,
    tpu.vector_store %arg7[%swap3A_123], %broadcast_in_dim3A_0 {strides = array<i32>} : memref<256xi32, #tpu.memory_space<vmem>>, vector<16xi32>,
    %swap3A_125 = arith.constant 128 : index
    %swap3A_126 = tpu.vector_load %arg7[%swap3A_125] {strides = array<i32>} : memref<256xi32, #tpu.memory_space<vmem>>, vector<16xi32>,
    tpu.vector_store %arg7[%swap3A_125], %broadcast_in_dim3A_0 {strides = array<i32>} : memref<256xi32, #tpu.memory_space<vmem>>, vector<16xi32>,
    %swap3A_127 = arith.constant 144 : index
    %swap3A_128 = tpu.vector_load %arg7[%swap3A_127] {strides = array<i32>} : memref<256xi32, #tpu.memory_space<vmem>>, vector<16xi32>,
    tpu.vector_store %arg7[%swap3A_127], %broadcast_in_dim3A_0 {strides = array<i32>} : memref<256xi32, #tpu.memory_space<vmem>>, vector<16xi32>,
    %swap3A_129 = arith.constant 160 : index
    %swap3A_130 = tpu.vector_load %arg7[%swap3A_129] {strides = array<i32>} : memref<256xi32, #tpu.memory_space<vmem>>, vector<16xi32>,
    tpu.vector_store %arg7[%swap3A_129], %broadcast_in_dim3A_0 {strides = array<i32>} : memref<256xi32, #tpu.memory_space<vmem>>, vector<16xi32>,
    %swap3A_131 = arith.constant 176 : index
    %swap3A_132 = tpu.vector_load %arg7[%swap3A_131] {strides = array<i32>} : memref<256xi32, #tpu.memory_space<vmem>>, vector<16xi32>,
    tpu.vector_store %arg7[%swap3A_131], %broadcast_in_dim3A_0 {strides = array<i32>} : memref<256xi32, #tpu.memory_space<vmem>>, vector<16xi32>,
    %swap3A_133 = arith.constant 192 : index
    %swap3A_134 = tpu.vector_load %arg7[%swap3A_133] {strides = array<i32>} : memref<256xi32, #tpu.memory_space<vmem>>, vector<16xi32>,
    tpu.vector_store %arg7[%swap3A_133], %broadcast_in_dim3A_0 {strides = array<i32>} : memref<256xi32, #tpu.memory_space<vmem>>, vector<16xi32>,
    %swap3A_135 = arith.constant 208 : index
    %swap3A_136 = tpu.vector_load %arg7[%swap3A_135] {strides = array<i32>} : memref<256xi32, #tpu.memory_space<vmem>>, vector<16xi32>,
    tpu.vector_store %arg7[%swap3A_135], %broadcast_in_dim3A_0 {strides = array<i32>} : memref<256xi32, #tpu.memory_space<vmem>>, vector<16xi32>,
    %swap3A_137 = arith.constant 224 : index
    %swap3A_138 = tpu.vector_load %arg7[%swap3A_137] {strides = array<i32>} : memref<256xi32, #tpu.memory_space<vmem>>, vector<16xi32>,
    tpu.vector_store %arg7[%swap3A_137], %broadcast_in_dim3A_0 {strides = array<i32>} : memref<256xi32, #tpu.memory_space<vmem>>, vector<16xi32>,
    %swap3A_139 = arith.constant 240 : index
    %swap3A_140 = tpu.vector_load %arg7[%swap3A_139] {strides = array<i32>} : memref<256xi32, #tpu.memory_space<vmem>>, vector<16xi32>,
    tpu.vector_store %arg7[%swap3A_139], %broadcast_in_dim3A_0 {strides = array<i32>} : memref<256xi32, #tpu.memory_space<vmem>>, vector<16xi32>,
    %multiple_of3A_141 = tpu.assume_multiple %add3A_108, 8 : i32
    %dma_start3A_142 = tpu.memref_slice %arg2[%multiple_of3A_141] : memref<430080xi32, #tpu.memory_space<hbm>> -> memref<13440xi32, #tpu.memory_space<hbm>>
    %dma_start3A_143 = tpu.memref_slice %arg2[%multiple_of3A_141] : memref<430080xi32, #tpu.memory_space<hbm>> -> memref<13440xi32, #tpu.memory_space<hbm>>
    tpu.enqueue_dma source(%dma_start3A_143 : memref<13440xi32, #tpu.memory_space<hbm>>) target(%arg5 : memref<13440xi32, #tpu.memory_space<vmem>>) target_semaphore(%arg23 : memref<!tpu.dma_semaphore, #tpu.memory_space<semaphore_mem>>)
    %multiple_of3A_144 = tpu.assume_multiple %add3A_108, 8 : i32
    %dma_start3A_145 = tpu.memref_slice %arg3[%multiple_of3A_144] : memref<430080xf32, #tpu.memory_space<hbm>> -> memref<13440xf32, #tpu.memory_space<hbm>>
    %dma_start3A_146 = tpu.memref_slice %arg3[%multiple_of3A_144] : memref<430080xf32, #tpu.memory_space<hbm>> -> memref<13440xf32, #tpu.memory_space<hbm>>
    tpu.enqueue_dma source(%dma_start3A_146 : memref<13440xf32, #tpu.memory_space<hbm>>) target(%arg6 : memref<13440xf32, #tpu.memory_space<vmem>>) target_semaphore(%arg23 : memref<!tpu.dma_semaphore, #tpu.memory_space<semaphore_mem>>)
    %dma_wait3A_147 = tpu.memref_slice %arg2[%multiple_of3A_141] : memref<430080xi32, #tpu.memory_space<hbm>> -> memref<13440xi32, #tpu.memory_space<hbm>>
    %dma_wait3A_148 = tpu.memref_slice %arg2[%multiple_of3A_141] : memref<430080xi32, #tpu.memory_space<hbm>> -> memref<13440xi32, #tpu.memory_space<hbm>>
    tpu.wait_dma2 semaphore(%arg23 : memref<!tpu.dma_semaphore, #tpu.memory_space<semaphore_mem>>) src(%dma_wait3A_148 : memref<13440xi32, #tpu.memory_space<hbm>>) dst(%arg5 : memref<13440xi32, #tpu.memory_space<vmem>>)
    %dma_wait3A_149 = tpu.memref_slice %arg3[%multiple_of3A_144] : memref<430080xf32, #tpu.memory_space<hbm>> -> memref<13440xf32, #tpu.memory_space<hbm>>
    %dma_wait3A_150 = tpu.memref_slice %arg3[%multiple_of3A_144] : memref<430080xf32, #tpu.memory_space<hbm>> -> memref<13440xf32, #tpu.memory_space<hbm>>
    tpu.wait_dma2 semaphore(%arg23 : memref<!tpu.dma_semaphore, #tpu.memory_space<semaphore_mem>>) src(%dma_wait3A_150 : memref<13440xf32, #tpu.memory_space<hbm>>) dst(%arg6 : memref<13440xf32, #tpu.memory_space<vmem>>)
    %scan3A_151 = arith.constant 0 : i32
    %scan3A_152 = arith.constant 840 : i32
    %scan3A_153 = arith.addi %scan3A_151, %scan3A_152 : i32
    %scan3A_154 = arith.constant 1 : i32
    scf.for %scan3A_199 = %scan3A_151 to %scan3A_153 step %scan3A_154  : i32 {
      %mul3A_200 = arith.constant 16 : i32
      %mul3A_201 = arith.muli %scan3A_199, %mul3A_200 : i32
      %get3A = arith.index_cast %mul3A_201 : i32 to index
      %get3A_202 = tpu.vector_load %arg5[%get3A] {strides = array<i32>} : memref<13440xi32, #tpu.memory_space<vmem>>, vector<16xi32>,
      %convert_element_type3A = arith.sitofp %get3A_202 : vector<16xi32> to vector<16xf32>
      %mul3A_203 = arith.constant 4.000000e-05 : f32
      %mul3A_204 = vector.broadcast %mul3A_203 : f32 to vector<16xf32>
      %mul3A_205 = arith.mulf %convert_element_type3A, %mul3A_204 : vector<16xf32>
      %convert_element_type3A_206 = arith.fptosi %mul3A_205 : vector<16xf32> to vector<16xi32>
      %mul3A_207 = arith.constant 25000 : i32
      %mul3A_208 = vector.broadcast %mul3A_207 : i32 to vector<16xi32>
      %mul3A_209 = arith.muli %convert_element_type3A_206, %mul3A_208 : vector<16xi32>
      %sub3A_210 = arith.subi %get3A_202, %mul3A_209 : vector<16xi32>
      %lt3A = arith.constant 0 : i32
      %lt3A_211 = vector.broadcast %lt3A : i32 to vector<16xi32>
      %lt3A_212 = arith.cmpi slt, %sub3A_210, %lt3A_211 : vector<16xi32>
      %sub3A_213 = arith.constant 1 : i32
      %sub3A_214 = vector.broadcast %sub3A_213 : i32 to vector<16xi32>
      %sub3A_215 = arith.subi %convert_element_type3A_206, %sub3A_214 : vector<16xi32>
      %select_n3A = arith.select %lt3A_212, %sub3A_215, %convert_element_type3A_206 : vector<16xi1>, vector<16xi32>
      %mul3A_216 = arith.constant 25000 : i32
      %mul3A_217 = vector.broadcast %mul3A_216 : i32 to vector<16xi32>
      %mul3A_218 = arith.muli %select_n3A, %mul3A_217 : vector<16xi32>
      %sub3A_219 = arith.subi %get3A_202, %mul3A_218 : vector<16xi32>
      %ge3A = arith.constant 25000 : i32
      %ge3A_220 = vector.broadcast %ge3A : i32 to vector<16xi32>
      %ge3A_221 = arith.cmpi sge, %sub3A_219, %ge3A_220 : vector<16xi32>
      %add3A_222 = arith.constant 1 : i32
      %add3A_223 = vector.broadcast %add3A_222 : i32 to vector<16xi32>
      %add3A_224 = arith.addi %select_n3A, %add3A_223 : vector<16xi32>
      %select_n3A_225 = arith.select %ge3A_221, %add3A_224, %select_n3A : vector<16xi1>, vector<16xi32>
      %mul3A_226 = arith.constant 16 : i32
      %mul3A_227 = arith.muli %arg0, %mul3A_226 : i32
      %sub3A_228 = vector.broadcast %mul3A_227 : i32 to vector<16xi32>
      %sub3A_229 = arith.subi %select_n3A_225, %sub3A_228 : vector<16xi32>
      %jit3A = arith.constant 0 : i32
      %jit3A_230 = arith.constant 15 : i32
      %max3A = vector.broadcast %jit3A : i32 to vector<16xi32>
      %max3A_231 = arith.maxsi %max3A, %sub3A_229 : vector<16xi32>
      %min3A = vector.broadcast %jit3A_230 : i32 to vector<16xi32>
      %min3A_232 = arith.minsi %min3A, %max3A_231 : vector<16xi32>
      %ge3A_233 = arith.constant 0 : i32
      %ge3A_234 = vector.broadcast %ge3A_233 : i32 to vector<16xi32>
      %ge3A_235 = arith.cmpi sge, %sub3A_229, %ge3A_234 : vector<16xi32>
      %jit3A_236 = arith.constant 1 : i32
      %jit3A_237 = arith.constant 0 : i32
      %broadcast_in_dim3A_238 = vector.broadcast %jit3A_236 : i32 to vector<16xi32>
      %broadcast_in_dim3A_239 = vector.broadcast %jit3A_237 : i32 to vector<16xi32>
      %select_n3A_240 = arith.select %ge3A_235, %broadcast_in_dim3A_238, %broadcast_in_dim3A_239 : vector<16xi1>, vector<16xi32>
      %lt3A_241 = arith.constant 16 : i32
      %lt3A_242 = vector.broadcast %lt3A_241 : i32 to vector<16xi32>
      %lt3A_243 = arith.cmpi slt, %sub3A_229, %lt3A_242 : vector<16xi32>
      %jit3A_244 = arith.constant 1 : i32
      %jit3A_245 = arith.constant 0 : i32
      %broadcast_in_dim3A_246 = vector.broadcast %jit3A_244 : i32 to vector<16xi32>
      %broadcast_in_dim3A_247 = vector.broadcast %jit3A_245 : i32 to vector<16xi32>
      %select_n3A_248 = arith.select %lt3A_243, %broadcast_in_dim3A_246, %broadcast_in_dim3A_247 : vector<16xi1>, vector<16xi32>
      %mul3A_249 = arith.muli %select_n3A_240, %select_n3A_248 : vector<16xi32>
      %mul3A_250 = arith.constant 16 : i32
      %mul3A_251 = vector.broadcast %mul3A_250 : i32 to vector<16xi32>
      %mul3A_252 = arith.muli %min3A_232, %mul3A_251 : vector<16xi32>
      %add3A_253 = arith.addi %mul3A_252, %iota3A : vector<16xi32>
      tpu.vector_store_idx %arg7[%add3A_253], %mul3A_249 {add = true} : memref<256xi32, #tpu.memory_space<vmem>>[vector<16xi32>], vector<16xi32>,
    }
    %scan3A_155 = arith.constant 840 : i32
    %mul3A_156 = arith.constant 256 : i32
    %mul3A_157 = arith.muli %arg1, %mul3A_156 : i32
    %multiple_of3A_158 = tpu.assume_multiple %mul3A_157, 8 : i32
    "tpu.region"() ({
      %run_scoped3A = tpu.sem_alloc : memref<!tpu.dma_semaphore, #tpu.memory_space<semaphore_mem>>
      %dma_start3A_199 = tpu.memref_slice %arg20[%multiple_of3A_158] : memref<4096xi32, #tpu.memory_space<vmem_shared>> -> memref<256xi32, #tpu.memory_space<vmem_shared>>
      %dma_start3A_200 = tpu.memref_slice %arg20[%multiple_of3A_158] : memref<4096xi32, #tpu.memory_space<vmem_shared>> -> memref<256xi32, #tpu.memory_space<vmem_shared>>
      tpu.enqueue_dma source(%arg7 : memref<256xi32, #tpu.memory_space<vmem>>) target(%dma_start3A_200 : memref<256xi32, #tpu.memory_space<vmem_shared>>) target_semaphore(%run_scoped3A : memref<!tpu.dma_semaphore, #tpu.memory_space<semaphore_mem>>)
      %dma_wait3A_201 = tpu.memref_slice %arg20[%multiple_of3A_158] : memref<4096xi32, #tpu.memory_space<vmem_shared>> -> memref<256xi32, #tpu.memory_space<vmem_shared>>
      %dma_wait3A_202 = tpu.memref_slice %arg20[%multiple_of3A_158] : memref<4096xi32, #tpu.memory_space<vmem_shared>> -> memref<256xi32, #tpu.memory_space<vmem_shared>>
      tpu.wait_dma2 semaphore(%run_scoped3A : memref<!tpu.dma_semaphore, #tpu.memory_space<semaphore_mem>>) src(%arg7 : memref<256xi32, #tpu.memory_space<vmem>>) dst(%dma_wait3A_202 : memref<256xi32, #tpu.memory_space<vmem_shared>>)
      tpu.yield
    }) : () -> ()
    %barrier3A_159 = arith.constant 0 : index
    tpu.barrier barrier_id(%barrier3A_159)
    "tpu.region"() ({
      %run_scoped3A = tpu.sem_alloc : memref<!tpu.dma_semaphore, #tpu.memory_space<semaphore_mem>>
      tpu.enqueue_dma source(%arg20 : memref<4096xi32, #tpu.memory_space<vmem_shared>>) target(%arg9 : memref<4096xi32, #tpu.memory_space<vmem>>) target_semaphore(%run_scoped3A : memref<!tpu.dma_semaphore, #tpu.memory_space<semaphore_mem>>)
      tpu.wait_dma2 semaphore(%run_scoped3A : memref<!tpu.dma_semaphore, #tpu.memory_space<semaphore_mem>>) src(%arg20 : memref<4096xi32, #tpu.memory_space<vmem_shared>>) dst(%arg9 : memref<4096xi32, #tpu.memory_space<vmem>>)
      tpu.yield
    }) : () -> ()
    %scan3A_160 = arith.constant 0 : i32
    %scan3A_161 = arith.constant 16 : i32
    %scan3A_162 = arith.addi %scan3A_160, %scan3A_161 : i32
    %scan3A_163 = arith.constant 1 : i32
    scf.for %scan3A_199 = %scan3A_160 to %scan3A_162 step %scan3A_163  : i32 {
      %mul3A_200 = arith.constant 16 : i32
      %mul3A_201 = arith.muli %scan3A_199, %mul3A_200 : i32
      %add3A_202 = vector.broadcast %mul3A_201 : i32 to vector<16xi32>
      %add3A_203 = arith.addi %add3A_202, %iota3A : vector<16xi32>
      %shift_right_arithmetic3A = arith.constant 4 : i32
      %shift_right_arithmetic3A_204 = vector.broadcast %shift_right_arithmetic3A : i32 to vector<16xi32>
      %shift_right_arithmetic3A_205 = arith.shrsi %add3A_203, %shift_right_arithmetic3A_204 : vector<16xi32>
      %and3A = arith.constant 15 : i32
      %and3A_206 = vector.broadcast %and3A : i32 to vector<16xi32>
      %and3A_207 = arith.andi %add3A_203, %and3A_206 : vector<16xi32>
      %scan3A_208 = arith.constant 0 : i32
      %scan3A_209 = arith.constant 16 : i32
      %scan3A_210 = arith.addi %scan3A_208, %scan3A_209 : i32
      %scan3A_211 = arith.constant 1 : i32
      %scan3A_212 = scf.for %scan3A_230 = %scan3A_208 to %scan3A_210 step %scan3A_211 iter_args(%scan3A_231 = %broadcast_in_dim3A_0) -> (vector<16xi32>)  : i32 {
        %mul3A_232 = arith.constant 256 : i32
        %mul3A_233 = vector.broadcast %mul3A_232 : i32 to vector<16xi32>
        %mul3A_234 = arith.muli %shift_right_arithmetic3A_205, %mul3A_233 : vector<16xi32>
        %mul3A_235 = arith.constant 16 : i32
        %mul3A_236 = vector.broadcast %mul3A_235 : i32 to vector<16xi32>
        %mul3A_237 = arith.muli %and3A_207, %mul3A_236 : vector<16xi32>
        %add3A_238 = arith.addi %mul3A_234, %mul3A_237 : vector<16xi32>
        %add3A_239 = vector.broadcast %scan3A_230 : i32 to vector<16xi32>
        %add3A_240 = arith.addi %add3A_238, %add3A_239 : vector<16xi32>
        %gather3A = tpu.vector_load_idx %arg9[%add3A_240] : memref<4096xi32, #tpu.memory_space<vmem>>[vector<16xi32>], vector<16xi32>,
        %add3A_241 = arith.addi %scan3A_231, %gather3A : vector<16xi32>
        scf.yield %add3A_241 : vector<16xi32>
      }
      %scan3A_213 = arith.constant 16 : i32
      %add3A_214 = arith.constant 255 : i32
      %add3A_215 = vector.broadcast %add3A_214 : i32 to vector<16xi32>
      %add3A_216 = arith.addi %scan3A_212, %add3A_215 : vector<16xi32>
      %shift_right_arithmetic3A_217 = arith.constant 8 : i32
      %shift_right_arithmetic3A_218 = vector.broadcast %shift_right_arithmetic3A_217 : i32 to vector<16xi32>
      %shift_right_arithmetic3A_219 = arith.shrsi %add3A_216, %shift_right_arithmetic3A_218 : vector<16xi32>
      %shift_left3A = arith.constant 8 : i32
      %shift_left3A_220 = vector.broadcast %shift_left3A : i32 to vector<16xi32>
      %shift_left3A_221 = arith.shli %shift_right_arithmetic3A_219, %shift_left3A_220 : vector<16xi32>
      %mul3A_222 = arith.constant 16 : i32
      %mul3A_223 = arith.muli %scan3A_199, %mul3A_222 : i32
      %swap3A_224 = arith.index_cast %mul3A_223 : i32 to index
      %swap3A_225 = tpu.vector_load %arg10[%swap3A_224] {strides = array<i32>} : memref<272xi32, #tpu.memory_space<vmem>>, vector<16xi32>,
      tpu.vector_store %arg10[%swap3A_224], %shift_left3A_221 {strides = array<i32>} : memref<272xi32, #tpu.memory_space<vmem>>, vector<16xi32>,
      %mul3A_226 = arith.constant 16 : i32
      %mul3A_227 = arith.muli %scan3A_199, %mul3A_226 : i32
      %swap3A_228 = arith.index_cast %mul3A_227 : i32 to index
      %swap3A_229 = tpu.vector_load %arg11[%swap3A_228] {strides = array<i32>} : memref<272xi32, #tpu.memory_space<vmem>>, vector<16xi32>,
      tpu.vector_store %arg11[%swap3A_228], %scan3A_212 {strides = array<i32>} : memref<272xi32, #tpu.memory_space<vmem>>, vector<16xi32>,
    }
    %scan3A_164 = arith.constant 16 : i32
    %scan3A_165 = arith.constant 0 : i32
    %scan3A_166 = arith.constant 16 : i32
    %scan3A_167 = arith.addi %scan3A_165, %scan3A_166 : i32
    %scan3A_168 = arith.constant 1 : i32
    scf.for %scan3A_199 = %scan3A_165 to %scan3A_167 step %scan3A_168  : i32 {
      %mul3A_200 = arith.constant 16 : i32
      %mul3A_201 = arith.muli %scan3A_199, %mul3A_200 : i32
      %get3A = arith.index_cast %mul3A_201 : i32 to index
      %get3A_202 = tpu.vector_load %arg10[%get3A] {strides = array<i32>} : memref<272xi32, #tpu.memory_space<vmem>>, vector<16xi32>,
      %broadcast_in_dim3A_203 = arith.constant true
      %broadcast_in_dim3A_204 = vector.broadcast %broadcast_in_dim3A_203 : i1 to vector<16xi1>
      %masked_cumsum3A = tpu.scan <sum>, %get3A_202 masked %broadcast_in_dim3A_204 : vector<16xi32>, vector<16xi1> -> vector<16xi32>
      %sub3A_205 = arith.subi %masked_cumsum3A, %get3A_202 : vector<16xi32>
      %mul3A_206 = arith.constant 16 : i32
      %mul3A_207 = arith.muli %scan3A_199, %mul3A_206 : i32
      %swap3A_208 = arith.index_cast %mul3A_207 : i32 to index
      %swap3A_209 = tpu.vector_load %arg12[%swap3A_208] {strides = array<i32>} : memref<272xi32, #tpu.memory_space<vmem>>, vector<16xi32>,
      tpu.vector_store %arg12[%swap3A_208], %sub3A_205 {strides = array<i32>} : memref<272xi32, #tpu.memory_space<vmem>>, vector<16xi32>,
    }
    %scan3A_169 = arith.constant 16 : i32
    %scan3A_170 = arith.constant 0 : i32
    %scan3A_171 = arith.constant 16 : i32
    %scan3A_172 = arith.addi %scan3A_170, %scan3A_171 : i32
    %scan3A_173 = arith.constant 1 : i32
    scf.for %scan3A_199 = %scan3A_170 to %scan3A_172 step %scan3A_173  : i32 {
      %mul3A_200 = arith.constant 16 : i32
      %mul3A_201 = arith.muli %scan3A_199, %mul3A_200 : i32
      %get3A = arith.index_cast %mul3A_201 : i32 to index
      %get3A_202 = tpu.vector_load %arg7[%get3A] {strides = array<i32>} : memref<256xi32, #tpu.memory_space<vmem>>, vector<16xi32>,
      %broadcast_in_dim3A_203 = arith.constant true
      %broadcast_in_dim3A_204 = vector.broadcast %broadcast_in_dim3A_203 : i1 to vector<16xi1>
      %masked_cumsum3A = tpu.scan <sum>, %get3A_202 masked %broadcast_in_dim3A_204 : vector<16xi32>, vector<16xi1> -> vector<16xi32>
      %sub3A_205 = arith.subi %masked_cumsum3A, %get3A_202 : vector<16xi32>
      %mul3A_206 = arith.constant 16 : i32
      %mul3A_207 = arith.muli %arg1, %mul3A_206 : i32
      %add3A_208 = arith.addi %mul3A_207, %scan3A_199 : i32
      %get3A_209 = arith.index_cast %add3A_208 : i32 to index
      %get3A_210 = tpu.vector_load %arg12[%get3A_209] {strides = array<i32>} : memref<272xi32, #tpu.memory_space<vmem>>, vector<16xi32>,
      %slice3A = vector.extract_strided_slice %get3A_210 {offsets = [0], sizes = [1], strides = [1]} : vector<16xi32> to vector<1xi32>
      %squeeze3A = vector.extract %slice3A[0] : i32 from vector<1xi32>
      %add3A_211 = vector.broadcast %squeeze3A : i32 to vector<16xi32>
      %add3A_212 = arith.addi %add3A_211, %sub3A_205 : vector<16xi32>
      %mul3A_213 = arith.constant 16 : i32
      %mul3A_214 = arith.muli %scan3A_199, %mul3A_213 : i32
      %swap3A_215 = arith.index_cast %mul3A_214 : i32 to index
      %swap3A_216 = tpu.vector_load %arg8[%swap3A_215] {strides = array<i32>} : memref<256xi32, #tpu.memory_space<vmem>>, vector<16xi32>,
      tpu.vector_store %arg8[%swap3A_215], %add3A_212 {strides = array<i32>} : memref<256xi32, #tpu.memory_space<vmem>>, vector<16xi32>,
    }
    %scan3A_174 = arith.constant 16 : i32
    %scan3A_175 = arith.constant 0 : i32
    %scan3A_176 = arith.constant 1096 : i32
    %scan3A_177 = arith.addi %scan3A_175, %scan3A_176 : i32
    %scan3A_178 = arith.constant 1 : i32
    scf.for %scan3A_199 = %scan3A_175 to %scan3A_177 step %scan3A_178  : i32 {
      %sub3A_200 = arith.constant 1 : i32
      %sub3A_201 = vector.broadcast %sub3A_200 : i32 to vector<16xi32>
      %sub3A_202 = arith.subi %broadcast_in_dim3A_0, %sub3A_201 : vector<16xi32>
      %mul3A_203 = arith.constant 16 : i32
      %mul3A_204 = arith.muli %scan3A_199, %mul3A_203 : i32
      %swap3A_205 = arith.index_cast %mul3A_204 : i32 to index
      %swap3A_206 = tpu.vector_load %arg13[%swap3A_205] {strides = array<i32>} : memref<17536xi32, #tpu.memory_space<vmem>>, vector<16xi32>,
      tpu.vector_store %arg13[%swap3A_205], %sub3A_202 {strides = array<i32>} : memref<17536xi32, #tpu.memory_space<vmem>>, vector<16xi32>,
    }
    %scan3A_179 = arith.constant 1096 : i32
    %scan3A_180 = arith.constant 0 : i32
    %scan3A_181 = arith.constant 840 : i32
    %scan3A_182 = arith.addi %scan3A_180, %scan3A_181 : i32
    %scan3A_183 = arith.constant 1 : i32
    scf.for %scan3A_199 = %scan3A_180 to %scan3A_182 step %scan3A_183  : i32 {
      %mul3A_200 = arith.constant 16 : i32
      %mul3A_201 = arith.muli %scan3A_199, %mul3A_200 : i32
      %get3A = arith.index_cast %mul3A_201 : i32 to index
      %get3A_202 = tpu.vector_load %arg5[%get3A] {strides = array<i32>} : memref<13440xi32, #tpu.memory_space<vmem>>, vector<16xi32>,
      %mul3A_203 = arith.constant 16 : i32
      %mul3A_204 = arith.muli %scan3A_199, %mul3A_203 : i32
      %get3A_205 = arith.index_cast %mul3A_204 : i32 to index
      %get3A_206 = tpu.vector_load %arg6[%get3A_205] {strides = array<i32>} : memref<13440xf32, #tpu.memory_space<vmem>>, vector<16xf32>,
      %convert_element_type3A = arith.sitofp %get3A_202 : vector<16xi32> to vector<16xf32>
      %mul3A_207 = arith.constant 4.000000e-05 : f32
      %mul3A_208 = vector.broadcast %mul3A_207 : f32 to vector<16xf32>
      %mul3A_209 = arith.mulf %convert_element_type3A, %mul3A_208 : vector<16xf32>
      %convert_element_type3A_210 = arith.fptosi %mul3A_209 : vector<16xf32> to vector<16xi32>
      %mul3A_211 = arith.constant 25000 : i32
      %mul3A_212 = vector.broadcast %mul3A_211 : i32 to vector<16xi32>
      %mul3A_213 = arith.muli %convert_element_type3A_210, %mul3A_212 : vector<16xi32>
      %sub3A_214 = arith.subi %get3A_202, %mul3A_213 : vector<16xi32>
      %lt3A = arith.constant 0 : i32
      %lt3A_215 = vector.broadcast %lt3A : i32 to vector<16xi32>
      %lt3A_216 = arith.cmpi slt, %sub3A_214, %lt3A_215 : vector<16xi32>
      %sub3A_217 = arith.constant 1 : i32
      %sub3A_218 = vector.broadcast %sub3A_217 : i32 to vector<16xi32>
      %sub3A_219 = arith.subi %convert_element_type3A_210, %sub3A_218 : vector<16xi32>
      %select_n3A = arith.select %lt3A_216, %sub3A_219, %convert_element_type3A_210 : vector<16xi1>, vector<16xi32>
      %mul3A_220 = arith.constant 25000 : i32
      %mul3A_221 = vector.broadcast %mul3A_220 : i32 to vector<16xi32>
      %mul3A_222 = arith.muli %select_n3A, %mul3A_221 : vector<16xi32>
      %sub3A_223 = arith.subi %get3A_202, %mul3A_222 : vector<16xi32>
      %ge3A = arith.constant 25000 : i32
      %ge3A_224 = vector.broadcast %ge3A : i32 to vector<16xi32>
      %ge3A_225 = arith.cmpi sge, %sub3A_223, %ge3A_224 : vector<16xi32>
      %add3A_226 = arith.constant 1 : i32
      %add3A_227 = vector.broadcast %add3A_226 : i32 to vector<16xi32>
      %add3A_228 = arith.addi %select_n3A, %add3A_227 : vector<16xi32>
      %select_n3A_229 = arith.select %ge3A_225, %add3A_228, %select_n3A : vector<16xi1>, vector<16xi32>
      %mul3A_230 = arith.constant 16 : i32
      %mul3A_231 = arith.muli %arg0, %mul3A_230 : i32
      %sub3A_232 = vector.broadcast %mul3A_231 : i32 to vector<16xi32>
      %sub3A_233 = arith.subi %select_n3A_229, %sub3A_232 : vector<16xi32>
      %jit3A = arith.constant 0 : i32
      %jit3A_234 = arith.constant 15 : i32
      %max3A = vector.broadcast %jit3A : i32 to vector<16xi32>
      %max3A_235 = arith.maxsi %max3A, %sub3A_233 : vector<16xi32>
      %min3A = vector.broadcast %jit3A_234 : i32 to vector<16xi32>
      %min3A_236 = arith.minsi %min3A, %max3A_235 : vector<16xi32>
      %ge3A_237 = arith.constant 0 : i32
      %ge3A_238 = vector.broadcast %ge3A_237 : i32 to vector<16xi32>
      %ge3A_239 = arith.cmpi sge, %sub3A_233, %ge3A_238 : vector<16xi32>
      %jit3A_240 = arith.constant 1 : i32
      %jit3A_241 = arith.constant 0 : i32
      %broadcast_in_dim3A_242 = vector.broadcast %jit3A_240 : i32 to vector<16xi32>
      %broadcast_in_dim3A_243 = vector.broadcast %jit3A_241 : i32 to vector<16xi32>
      %select_n3A_244 = arith.select %ge3A_239, %broadcast_in_dim3A_242, %broadcast_in_dim3A_243 : vector<16xi1>, vector<16xi32>
      %lt3A_245 = arith.constant 16 : i32
      %lt3A_246 = vector.broadcast %lt3A_245 : i32 to vector<16xi32>
      %lt3A_247 = arith.cmpi slt, %sub3A_233, %lt3A_246 : vector<16xi32>
      %jit3A_248 = arith.constant 1 : i32
      %jit3A_249 = arith.constant 0 : i32
      %broadcast_in_dim3A_250 = vector.broadcast %jit3A_248 : i32 to vector<16xi32>
      %broadcast_in_dim3A_251 = vector.broadcast %jit3A_249 : i32 to vector<16xi32>
      %select_n3A_252 = arith.select %lt3A_247, %broadcast_in_dim3A_250, %broadcast_in_dim3A_251 : vector<16xi1>, vector<16xi32>
      %mul3A_253 = arith.muli %select_n3A_244, %select_n3A_252 : vector<16xi32>
      %gt3A = arith.constant 0 : i32
      %gt3A_254 = vector.broadcast %gt3A : i32 to vector<16xi32>
      %gt3A_255 = arith.cmpi sgt, %mul3A_253, %gt3A_254 : vector<16xi32>
      %mul3A_256 = arith.constant 16 : i32
      %mul3A_257 = vector.broadcast %mul3A_256 : i32 to vector<16xi32>
      %mul3A_258 = arith.muli %min3A_236, %mul3A_257 : vector<16xi32>
      %add3A_259 = arith.addi %mul3A_258, %iota3A : vector<16xi32>
      %gather3A = tpu.vector_load_idx %arg8[%add3A_259] : memref<256xi32, #tpu.memory_space<vmem>>[vector<16xi32>], vector<16xi32>,
      tpu.vector_store_idx %arg13[%gather3A], %get3A_202 masked %gt3A_255 : memref<17536xi32, #tpu.memory_space<vmem>>[vector<16xi32>], vector<16xi32>, vector<16xi1>
      tpu.vector_store_idx %arg14[%gather3A], %get3A_206 masked %gt3A_255 : memref<17536xf32, #tpu.memory_space<vmem>>[vector<16xi32>], vector<16xf32>, vector<16xi1>
      %add3A_260 = arith.addi %gather3A, %mul3A_253 : vector<16xi32>
      tpu.vector_store_idx %arg8[%add3A_259], %add3A_260 : memref<256xi32, #tpu.memory_space<vmem>>[vector<16xi32>], vector<16xi32>,
    }
    %scan3A_184 = arith.constant 840 : i32
    %mul3A_185 = arith.constant 17536 : i32
    %mul3A_186 = arith.muli %arg1, %mul3A_185 : i32
    %multiple_of3A_187 = tpu.assume_multiple %mul3A_186, 8 : i32
    "tpu.region"() ({
      %run_scoped3A = tpu.sem_alloc : memref<!tpu.dma_semaphore, #tpu.memory_space<semaphore_mem>>
      %dma_start3A_199 = tpu.memref_slice %arg21[%multiple_of3A_187] : memref<280832xi32, #tpu.memory_space<vmem_shared>> -> memref<17536xi32, #tpu.memory_space<vmem_shared>>
      %dma_start3A_200 = tpu.memref_slice %arg21[%multiple_of3A_187] : memref<280832xi32, #tpu.memory_space<vmem_shared>> -> memref<17536xi32, #tpu.memory_space<vmem_shared>>
      tpu.enqueue_dma source(%arg13 : memref<17536xi32, #tpu.memory_space<vmem>>) target(%dma_start3A_200 : memref<17536xi32, #tpu.memory_space<vmem_shared>>) target_semaphore(%run_scoped3A : memref<!tpu.dma_semaphore, #tpu.memory_space<semaphore_mem>>)
      %dma_wait3A_201 = tpu.memref_slice %arg21[%multiple_of3A_187] : memref<280832xi32, #tpu.memory_space<vmem_shared>> -> memref<17536xi32, #tpu.memory_space<vmem_shared>>
      %dma_wait3A_202 = tpu.memref_slice %arg21[%multiple_of3A_187] : memref<280832xi32, #tpu.memory_space<vmem_shared>> -> memref<17536xi32, #tpu.memory_space<vmem_shared>>
      tpu.wait_dma2 semaphore(%run_scoped3A : memref<!tpu.dma_semaphore, #tpu.memory_space<semaphore_mem>>) src(%arg13 : memref<17536xi32, #tpu.memory_space<vmem>>) dst(%dma_wait3A_202 : memref<17536xi32, #tpu.memory_space<vmem_shared>>)
      tpu.yield
    }) : () -> ()
    %mul3A_188 = arith.constant 17536 : i32
    %mul3A_189 = arith.muli %arg1, %mul3A_188 : i32
    %multiple_of3A_190 = tpu.assume_multiple %mul3A_189, 8 : i32
    "tpu.region"() ({
      %run_scoped3A = tpu.sem_alloc : memref<!tpu.dma_semaphore, #tpu.memory_space<semaphore_mem>>
      %dma_start3A_199 = tpu.memref_slice %arg22[%multiple_of3A_190] : memref<280832xf32, #tpu.memory_space<vmem_shared>> -> memref<17536xf32, #tpu.memory_space<vmem_shared>>
      %dma_start3A_200 = tpu.memref_slice %arg22[%multiple_of3A_190] : memref<280832xf32, #tpu.memory_space<vmem_shared>> -> memref<17536xf32, #tpu.memory_space<vmem_shared>>
      tpu.enqueue_dma source(%arg14 : memref<17536xf32, #tpu.memory_space<vmem>>) target(%dma_start3A_200 : memref<17536xf32, #tpu.memory_space<vmem_shared>>) target_semaphore(%run_scoped3A : memref<!tpu.dma_semaphore, #tpu.memory_space<semaphore_mem>>)
      %dma_wait3A_201 = tpu.memref_slice %arg22[%multiple_of3A_190] : memref<280832xf32, #tpu.memory_space<vmem_shared>> -> memref<17536xf32, #tpu.memory_space<vmem_shared>>
      %dma_wait3A_202 = tpu.memref_slice %arg22[%multiple_of3A_190] : memref<280832xf32, #tpu.memory_space<vmem_shared>> -> memref<17536xf32, #tpu.memory_space<vmem_shared>>
      tpu.wait_dma2 semaphore(%run_scoped3A : memref<!tpu.dma_semaphore, #tpu.memory_space<semaphore_mem>>) src(%arg14 : memref<17536xf32, #tpu.memory_space<vmem>>) dst(%dma_wait3A_202 : memref<17536xf32, #tpu.memory_space<vmem_shared>>)
      tpu.yield
    }) : () -> ()
    %barrier3A_191 = arith.constant 0 : index
    tpu.barrier barrier_id(%barrier3A_191)
    %scan3A_192 = arith.constant 0 : i32
    %scan3A_193 = arith.constant 16 : i32
    %scan3A_194 = arith.addi %scan3A_192, %scan3A_193 : i32
    %scan3A_195 = arith.constant 1 : i32
    scf.for %scan3A_199 = %scan3A_192 to %scan3A_194 step %scan3A_195  : i32 {
      %mul3A_200 = arith.constant 16 : i32
      %mul3A_201 = arith.muli %scan3A_199, %mul3A_200 : i32
      %add3A_202 = arith.addi %mul3A_201, %arg1 : i32
      %get3A = arith.index_cast %add3A_202 : i32 to index
      %get3A_203 = tpu.vector_load %arg12[%get3A] {strides = array<i32>} : memref<272xi32, #tpu.memory_space<vmem>>, vector<16xi32>,
      %slice3A = vector.extract_strided_slice %get3A_203 {offsets = [0], sizes = [1], strides = [1]} : vector<16xi32> to vector<1xi32>
      %squeeze3A = vector.extract %slice3A[0] : i32 from vector<1xi32>
      %mul3A_204 = arith.constant 16 : i32
      %mul3A_205 = arith.muli %scan3A_199, %mul3A_204 : i32
      %add3A_206 = arith.addi %mul3A_205, %arg1 : i32
      %get3A_207 = arith.index_cast %add3A_206 : i32 to index
      %get3A_208 = tpu.vector_load %arg10[%get3A_207] {strides = array<i32>} : memref<272xi32, #tpu.memory_space<vmem>>, vector<16xi32>,
      %slice3A_209 = vector.extract_strided_slice %get3A_208 {offsets = [0], sizes = [1], strides = [1]} : vector<16xi32> to vector<1xi32>
      %squeeze3A_210 = vector.extract %slice3A_209[0] : i32 from vector<1xi32>
      %shift_right_arithmetic3A = arith.constant 8 : i32
      %shift_right_arithmetic3A_211 = arith.shrsi %squeeze3A_210, %shift_right_arithmetic3A : i32
      %mul3A_212 = arith.constant 16 : i32
      %mul3A_213 = arith.muli %scan3A_199, %mul3A_212 : i32
      %add3A_214 = arith.addi %mul3A_213, %arg1 : i32
      %get3A_215 = arith.index_cast %add3A_214 : i32 to index
      %get3A_216 = tpu.vector_load %arg11[%get3A_215] {strides = array<i32>} : memref<272xi32, #tpu.memory_space<vmem>>, vector<16xi32>,
      %slice3A_217 = vector.extract_strided_slice %get3A_216 {offsets = [0], sizes = [1], strides = [1]} : vector<16xi32> to vector<1xi32>
      %squeeze3A_218 = vector.extract %slice3A_217[0] : i32 from vector<1xi32>
      %add3A_219 = arith.constant 15 : i32
      %add3A_220 = arith.addi %squeeze3A_218, %add3A_219 : i32
      %shift_right_arithmetic3A_221 = arith.constant 4 : i32
      %shift_right_arithmetic3A_222 = arith.shrsi %add3A_220, %shift_right_arithmetic3A_221 : i32
      %mul3A_223 = arith.constant 17536 : i32
      %mul3A_224 = arith.muli %scan3A_199, %mul3A_223 : i32
      %add3A_225 = arith.addi %mul3A_224, %squeeze3A : i32
      %multiple_of3A_226 = tpu.assume_multiple %add3A_225, 8 : i32
      %while3A = arith.constant 0 : i32
      %while3A_227 = arith.subi %shift_right_arithmetic3A_211, %while3A : i32
      %while3A_228 = arith.addi %while3A, %while3A_227 : i32
      %while3A_229 = arith.constant 1 : i32
      %while3A_230 = arith.divsi %while3A_227, %while3A_229 : i32
      %while3A_231 = arith.muli %while3A_230, %while3A_229 : i32
      %while3A_232 = arith.addi %while3A, %while3A_231 : i32
      %while3A_233 = arith.constant 1 : i32
      scf.for %while3A_235 = %while3A to %while3A_232 step %while3A_233  : i32 {
        %mul3A_236 = arith.constant 256 : i32
        %mul3A_237 = arith.muli %while3A_235, %mul3A_236 : i32
        %add3A_238 = arith.addi %multiple_of3A_226, %mul3A_237 : i32
        %multiple_of3A_239 = tpu.assume_multiple %add3A_238, 8 : i32
        %dma_start3A_240 = tpu.memref_slice %arg21[%multiple_of3A_239] : memref<280832xi32, #tpu.memory_space<vmem_shared>> -> memref<256xi32, #tpu.memory_space<vmem_shared>>
        %dma_start3A_241 = tpu.memref_slice %arg21[%multiple_of3A_239] : memref<280832xi32, #tpu.memory_space<vmem_shared>> -> memref<256xi32, #tpu.memory_space<vmem_shared>>
        tpu.enqueue_dma source(%dma_start3A_241 : memref<256xi32, #tpu.memory_space<vmem_shared>>) target(%arg18 : memref<256xi32, #tpu.memory_space<vmem>>) target_semaphore(%arg23 : memref<!tpu.dma_semaphore, #tpu.memory_space<semaphore_mem>>)
        %mul3A_242 = arith.constant 256 : i32
        %mul3A_243 = arith.muli %while3A_235, %mul3A_242 : i32
        %add3A_244 = arith.addi %multiple_of3A_226, %mul3A_243 : i32
        %multiple_of3A_245 = tpu.assume_multiple %add3A_244, 8 : i32
        %dma_start3A_246 = tpu.memref_slice %arg22[%multiple_of3A_245] : memref<280832xf32, #tpu.memory_space<vmem_shared>> -> memref<256xf32, #tpu.memory_space<vmem_shared>>
        %dma_start3A_247 = tpu.memref_slice %arg22[%multiple_of3A_245] : memref<280832xf32, #tpu.memory_space<vmem_shared>> -> memref<256xf32, #tpu.memory_space<vmem_shared>>
        tpu.enqueue_dma source(%dma_start3A_247 : memref<256xf32, #tpu.memory_space<vmem_shared>>) target(%arg19 : memref<256xf32, #tpu.memory_space<vmem>>) target_semaphore(%arg23 : memref<!tpu.dma_semaphore, #tpu.memory_space<semaphore_mem>>)
        %dma_wait3A_248 = tpu.memref_slice %arg21[%multiple_of3A_239] : memref<280832xi32, #tpu.memory_space<vmem_shared>> -> memref<256xi32, #tpu.memory_space<vmem_shared>>
        %dma_wait3A_249 = tpu.memref_slice %arg21[%multiple_of3A_239] : memref<280832xi32, #tpu.memory_space<vmem_shared>> -> memref<256xi32, #tpu.memory_space<vmem_shared>>
        tpu.wait_dma2 semaphore(%arg23 : memref<!tpu.dma_semaphore, #tpu.memory_space<semaphore_mem>>) src(%dma_wait3A_249 : memref<256xi32, #tpu.memory_space<vmem_shared>>) dst(%arg18 : memref<256xi32, #tpu.memory_space<vmem>>)
        %dma_wait3A_250 = tpu.memref_slice %arg22[%multiple_of3A_245] : memref<280832xf32, #tpu.memory_space<vmem_shared>> -> memref<256xf32, #tpu.memory_space<vmem_shared>>
        %dma_wait3A_251 = tpu.memref_slice %arg22[%multiple_of3A_245] : memref<280832xf32, #tpu.memory_space<vmem_shared>> -> memref<256xf32, #tpu.memory_space<vmem_shared>>
        tpu.wait_dma2 semaphore(%arg23 : memref<!tpu.dma_semaphore, #tpu.memory_space<semaphore_mem>>) src(%dma_wait3A_251 : memref<256xf32, #tpu.memory_space<vmem_shared>>) dst(%arg19 : memref<256xf32, #tpu.memory_space<vmem>>)
        %mul3A_252 = arith.constant 16 : i32
        %mul3A_253 = arith.muli %while3A_235, %mul3A_252 : i32
        %sub3A_254 = arith.subi %shift_right_arithmetic3A_222, %mul3A_253 : i32
        %jit3A = arith.constant 0 : i32
        %jit3A_255 = arith.constant 16 : i32
        %max3A = arith.maxsi %jit3A, %sub3A_254 : i32
        %min3A = arith.minsi %jit3A_255, %max3A : i32
        %while3A_256 = arith.constant 0 : i32
        %while3A_257 = arith.subi %min3A, %while3A_256 : i32
        %while3A_258 = arith.addi %while3A_256, %while3A_257 : i32
        %while3A_259 = arith.constant 1 : i32
        %while3A_260 = arith.divsi %while3A_257, %while3A_259 : i32
        %while3A_261 = arith.muli %while3A_260, %while3A_259 : i32
        %while3A_262 = arith.addi %while3A_256, %while3A_261 : i32
        %while3A_263 = arith.constant 1 : i32
        scf.for %while3A_265 = %while3A_256 to %while3A_262 step %while3A_263  : i32 {
          %mul3A_266 = arith.constant 16 : i32
          %mul3A_267 = arith.muli %while3A_265, %mul3A_266 : i32
          %get3A_268 = arith.index_cast %mul3A_267 : i32 to index
          %get3A_269 = tpu.vector_load %arg18[%get3A_268] {strides = array<i32>} : memref<256xi32, #tpu.memory_space<vmem>>, vector<16xi32>,
          %mul3A_270 = arith.constant 16 : i32
          %mul3A_271 = arith.muli %while3A_265, %mul3A_270 : i32
          %get3A_272 = arith.index_cast %mul3A_271 : i32 to index
          %get3A_273 = tpu.vector_load %arg19[%get3A_272] {strides = array<i32>} : memref<256xf32, #tpu.memory_space<vmem>>, vector<16xf32>,
          %ge3A = arith.constant 0 : i32
          %ge3A_274 = vector.broadcast %ge3A : i32 to vector<16xi32>
          %ge3A_275 = arith.cmpi sge, %get3A_269, %ge3A_274 : vector<16xi32>
          %sub3A_276 = vector.broadcast %mul3A_3 : i32 to vector<16xi32>
          %sub3A_277 = arith.subi %get3A_269, %sub3A_276 : vector<16xi32>
          %jit3A_278 = arith.constant 0 : i32
          %broadcast_in_dim3A_279 = vector.broadcast %jit3A_278 : i32 to vector<16xi32>
          %select_n3A = arith.select %ge3A_275, %sub3A_277, %broadcast_in_dim3A_279 : vector<16xi1>, vector<16xi32>
          %jit3A_280 = arith.constant -3.400000e+38 : f32
          %broadcast_in_dim3A_281 = vector.broadcast %jit3A_280 : f32 to vector<16xf32>
          %select_n3A_282 = arith.select %ge3A_275, %get3A_273, %broadcast_in_dim3A_281 : vector<16xi1>, vector<16xf32>
          %masked_sort3A = arith.constant dense<true> : vector<16xi1>
          %masked_sort3A_283 = arith.constant -2147483648 : i32
          %masked_sort3A_284 = vector.broadcast %masked_sort3A_283 : i32 to vector<16xi32>
          %masked_sort3A_285 = arith.xori %select_n3A, %masked_sort3A_284 : vector<16xi32>
          %masked_sort3A_286, %masked_sort3A_287, %masked_sort3A_288 = tpu.sort %masked_sort3A_285, %select_n3A_282 masked %masked_sort3A : (vector<16xi32>, vector<16xf32>, vector<16xi1>) -> (vector<16xi1>, vector<16xi32>, vector<16xf32>)
          %masked_sort3A_289 = arith.xori %masked_sort3A_287, %masked_sort3A_284 : vector<16xi32>
          %swap3A_290 = arith.constant 8 : index
          %swap3A_291 = tpu.vector_load %arg16[%swap3A_290] {strides = array<i32>} : memref<40xi32, #tpu.memory_space<vmem>>, vector<16xi32>,
          tpu.vector_store %arg16[%swap3A_290], %masked_sort3A_289 {strides = array<i32>} : memref<40xi32, #tpu.memory_space<vmem>>, vector<16xi32>,
          %swap3A_292 = arith.constant 8 : index
          %swap3A_293 = tpu.vector_load %arg17[%swap3A_292] {strides = array<i32>} : memref<40xf32, #tpu.memory_space<vmem>>, vector<16xf32>,
          tpu.vector_store %arg17[%swap3A_292], %masked_sort3A_288 {strides = array<i32>} : memref<40xf32, #tpu.memory_space<vmem>>, vector<16xf32>,
          %get3A_294 = arith.constant 7 : index
          %get3A_295 = tpu.vector_load %arg16[%get3A_294] {strides = array<i32>} : memref<40xi32, #tpu.memory_space<vmem>>, vector<16xi32>,
          %get3A_296 = arith.constant 7 : index
          %get3A_297 = tpu.vector_load %arg17[%get3A_296] {strides = array<i32>} : memref<40xf32, #tpu.memory_space<vmem>>, vector<16xf32>,
          %eq3A = arith.cmpi eq, %get3A_295, %masked_sort3A_289 : vector<16xi32>
          %max3A_298 = arith.maximumf %masked_sort3A_288, %get3A_297 : vector<16xf32>
          %select_n3A_299 = arith.select %eq3A, %max3A_298, %masked_sort3A_288 : vector<16xi1>, vector<16xf32>
          %swap3A_300 = arith.constant 8 : index
          %swap3A_301 = tpu.vector_load %arg17[%swap3A_300] {strides = array<i32>} : memref<40xf32, #tpu.memory_space<vmem>>, vector<16xf32>,
          tpu.vector_store %arg17[%swap3A_300], %select_n3A_299 {strides = array<i32>} : memref<40xf32, #tpu.memory_space<vmem>>, vector<16xf32>,
          %get3A_302 = arith.constant 6 : index
          %get3A_303 = tpu.vector_load %arg16[%get3A_302] {strides = array<i32>} : memref<40xi32, #tpu.memory_space<vmem>>, vector<16xi32>,
          %get3A_304 = arith.constant 6 : index
          %get3A_305 = tpu.vector_load %arg17[%get3A_304] {strides = array<i32>} : memref<40xf32, #tpu.memory_space<vmem>>, vector<16xf32>,
          %eq3A_306 = arith.cmpi eq, %get3A_303, %masked_sort3A_289 : vector<16xi32>
          %max3A_307 = arith.maximumf %select_n3A_299, %get3A_305 : vector<16xf32>
          %select_n3A_308 = arith.select %eq3A_306, %max3A_307, %select_n3A_299 : vector<16xi1>, vector<16xf32>
          %swap3A_309 = arith.constant 8 : index
          %swap3A_310 = tpu.vector_load %arg17[%swap3A_309] {strides = array<i32>} : memref<40xf32, #tpu.memory_space<vmem>>, vector<16xf32>,
          tpu.vector_store %arg17[%swap3A_309], %select_n3A_308 {strides = array<i32>} : memref<40xf32, #tpu.memory_space<vmem>>, vector<16xf32>,
          %get3A_311 = arith.constant 4 : index
          %get3A_312 = tpu.vector_load %arg16[%get3A_311] {strides = array<i32>} : memref<40xi32, #tpu.memory_space<vmem>>, vector<16xi32>,
          %get3A_313 = arith.constant 4 : index
          %get3A_314 = tpu.vector_load %arg17[%get3A_313] {strides = array<i32>} : memref<40xf32, #tpu.memory_space<vmem>>, vector<16xf32>,
          %eq3A_315 = arith.cmpi eq, %get3A_312, %masked_sort3A_289 : vector<16xi32>
          %max3A_316 = arith.maximumf %select_n3A_308, %get3A_314 : vector<16xf32>
          %select_n3A_317 = arith.select %eq3A_315, %max3A_316, %select_n3A_308 : vector<16xi1>, vector<16xf32>
          %swap3A_318 = arith.constant 8 : index
          %swap3A_319 = tpu.vector_load %arg17[%swap3A_318] {strides = array<i32>} : memref<40xf32, #tpu.memory_space<vmem>>, vector<16xf32>,
          tpu.vector_store %arg17[%swap3A_318], %select_n3A_317 {strides = array<i32>} : memref<40xf32, #tpu.memory_space<vmem>>, vector<16xf32>,
          %get3A_320 = arith.constant 0 : index
          %get3A_321 = tpu.vector_load %arg16[%get3A_320] {strides = array<i32>} : memref<40xi32, #tpu.memory_space<vmem>>, vector<16xi32>,
          %get3A_322 = arith.constant 0 : index
          %get3A_323 = tpu.vector_load %arg17[%get3A_322] {strides = array<i32>} : memref<40xf32, #tpu.memory_space<vmem>>, vector<16xf32>,
          %eq3A_324 = arith.cmpi eq, %get3A_321, %masked_sort3A_289 : vector<16xi32>
          %max3A_325 = arith.maximumf %select_n3A_317, %get3A_323 : vector<16xf32>
          %select_n3A_326 = arith.select %eq3A_324, %max3A_325, %select_n3A_317 : vector<16xi1>, vector<16xf32>
          %get3A_327 = arith.constant 9 : index
          %get3A_328 = tpu.vector_load %arg16[%get3A_327] {strides = array<i32>} : memref<40xi32, #tpu.memory_space<vmem>>, vector<16xi32>,
          %ne3A = arith.cmpi ne, %get3A_328, %masked_sort3A_289 : vector<16xi32>
          %gather3A = tpu.vector_load_idx %arg15[%masked_sort3A_289] masked %ne3A : memref<25016xf32, #tpu.memory_space<vmem>>[vector<16xi32>], vector<16xf32>, vector<16xi1>
          %max3A_329 = arith.maximumf %gather3A, %select_n3A_326 : vector<16xf32>
          tpu.vector_store_idx %arg15[%masked_sort3A_289], %max3A_329 masked %ne3A : memref<25016xf32, #tpu.memory_space<vmem>>[vector<16xi32>], vector<16xf32>, vector<16xi1>
        }
        %while3A_264 = arith.constant 1 : i32
        scf.for %while3A_265 = %while3A_262 to %while3A_258 step %while3A_264  : i32 {
          %mul3A_266 = arith.constant 16 : i32
          %mul3A_267 = arith.muli %while3A_265, %mul3A_266 : i32
          %get3A_268 = arith.index_cast %mul3A_267 : i32 to index
          %get3A_269 = tpu.vector_load %arg18[%get3A_268] {strides = array<i32>} : memref<256xi32, #tpu.memory_space<vmem>>, vector<16xi32>,
          %mul3A_270 = arith.constant 16 : i32
          %mul3A_271 = arith.muli %while3A_265, %mul3A_270 : i32
          %get3A_272 = arith.index_cast %mul3A_271 : i32 to index
          %get3A_273 = tpu.vector_load %arg19[%get3A_272] {strides = array<i32>} : memref<256xf32, #tpu.memory_space<vmem>>, vector<16xf32>,
          %ge3A = arith.constant 0 : i32
          %ge3A_274 = vector.broadcast %ge3A : i32 to vector<16xi32>
          %ge3A_275 = arith.cmpi sge, %get3A_269, %ge3A_274 : vector<16xi32>
          %sub3A_276 = vector.broadcast %mul3A_3 : i32 to vector<16xi32>
          %sub3A_277 = arith.subi %get3A_269, %sub3A_276 : vector<16xi32>
          %jit3A_278 = arith.constant 0 : i32
          %broadcast_in_dim3A_279 = vector.broadcast %jit3A_278 : i32 to vector<16xi32>
          %select_n3A = arith.select %ge3A_275, %sub3A_277, %broadcast_in_dim3A_279 : vector<16xi1>, vector<16xi32>
          %jit3A_280 = arith.constant -3.400000e+38 : f32
          %broadcast_in_dim3A_281 = vector.broadcast %jit3A_280 : f32 to vector<16xf32>
          %select_n3A_282 = arith.select %ge3A_275, %get3A_273, %broadcast_in_dim3A_281 : vector<16xi1>, vector<16xf32>
          %masked_sort3A = arith.constant dense<true> : vector<16xi1>
          %masked_sort3A_283 = arith.constant -2147483648 : i32
          %masked_sort3A_284 = vector.broadcast %masked_sort3A_283 : i32 to vector<16xi32>
          %masked_sort3A_285 = arith.xori %select_n3A, %masked_sort3A_284 : vector<16xi32>
          %masked_sort3A_286, %masked_sort3A_287, %masked_sort3A_288 = tpu.sort %masked_sort3A_285, %select_n3A_282 masked %masked_sort3A : (vector<16xi32>, vector<16xf32>, vector<16xi1>) -> (vector<16xi1>, vector<16xi32>, vector<16xf32>)
          %masked_sort3A_289 = arith.xori %masked_sort3A_287, %masked_sort3A_284 : vector<16xi32>
          %swap3A_290 = arith.constant 8 : index
          %swap3A_291 = tpu.vector_load %arg16[%swap3A_290] {strides = array<i32>} : memref<40xi32, #tpu.memory_space<vmem>>, vector<16xi32>,
          tpu.vector_store %arg16[%swap3A_290], %masked_sort3A_289 {strides = array<i32>} : memref<40xi32, #tpu.memory_space<vmem>>, vector<16xi32>,
          %swap3A_292 = arith.constant 8 : index
          %swap3A_293 = tpu.vector_load %arg17[%swap3A_292] {strides = array<i32>} : memref<40xf32, #tpu.memory_space<vmem>>, vector<16xf32>,
          tpu.vector_store %arg17[%swap3A_292], %masked_sort3A_288 {strides = array<i32>} : memref<40xf32, #tpu.memory_space<vmem>>, vector<16xf32>,
          %get3A_294 = arith.constant 7 : index
          %get3A_295 = tpu.vector_load %arg16[%get3A_294] {strides = array<i32>} : memref<40xi32, #tpu.memory_space<vmem>>, vector<16xi32>,
          %get3A_296 = arith.constant 7 : index
          %get3A_297 = tpu.vector_load %arg17[%get3A_296] {strides = array<i32>} : memref<40xf32, #tpu.memory_space<vmem>>, vector<16xf32>,
          %eq3A = arith.cmpi eq, %get3A_295, %masked_sort3A_289 : vector<16xi32>
          %max3A_298 = arith.maximumf %masked_sort3A_288, %get3A_297 : vector<16xf32>
          %select_n3A_299 = arith.select %eq3A, %max3A_298, %masked_sort3A_288 : vector<16xi1>, vector<16xf32>
          %swap3A_300 = arith.constant 8 : index
          %swap3A_301 = tpu.vector_load %arg17[%swap3A_300] {strides = array<i32>} : memref<40xf32, #tpu.memory_space<vmem>>, vector<16xf32>,
          tpu.vector_store %arg17[%swap3A_300], %select_n3A_299 {strides = array<i32>} : memref<40xf32, #tpu.memory_space<vmem>>, vector<16xf32>,
          %get3A_302 = arith.constant 6 : index
          %get3A_303 = tpu.vector_load %arg16[%get3A_302] {strides = array<i32>} : memref<40xi32, #tpu.memory_space<vmem>>, vector<16xi32>,
          %get3A_304 = arith.constant 6 : index
          %get3A_305 = tpu.vector_load %arg17[%get3A_304] {strides = array<i32>} : memref<40xf32, #tpu.memory_space<vmem>>, vector<16xf32>,
          %eq3A_306 = arith.cmpi eq, %get3A_303, %masked_sort3A_289 : vector<16xi32>
          %max3A_307 = arith.maximumf %select_n3A_299, %get3A_305 : vector<16xf32>
          %select_n3A_308 = arith.select %eq3A_306, %max3A_307, %select_n3A_299 : vector<16xi1>, vector<16xf32>
          %swap3A_309 = arith.constant 8 : index
          %swap3A_310 = tpu.vector_load %arg17[%swap3A_309] {strides = array<i32>} : memref<40xf32, #tpu.memory_space<vmem>>, vector<16xf32>,
          tpu.vector_store %arg17[%swap3A_309], %select_n3A_308 {strides = array<i32>} : memref<40xf32, #tpu.memory_space<vmem>>, vector<16xf32>,
          %get3A_311 = arith.constant 4 : index
          %get3A_312 = tpu.vector_load %arg16[%get3A_311] {strides = array<i32>} : memref<40xi32, #tpu.memory_space<vmem>>, vector<16xi32>,
          %get3A_313 = arith.constant 4 : index
          %get3A_314 = tpu.vector_load %arg17[%get3A_313] {strides = array<i32>} : memref<40xf32, #tpu.memory_space<vmem>>, vector<16xf32>,
          %eq3A_315 = arith.cmpi eq, %get3A_312, %masked_sort3A_289 : vector<16xi32>
          %max3A_316 = arith.maximumf %select_n3A_308, %get3A_314 : vector<16xf32>
          %select_n3A_317 = arith.select %eq3A_315, %max3A_316, %select_n3A_308 : vector<16xi1>, vector<16xf32>
          %swap3A_318 = arith.constant 8 : index
          %swap3A_319 = tpu.vector_load %arg17[%swap3A_318] {strides = array<i32>} : memref<40xf32, #tpu.memory_space<vmem>>, vector<16xf32>,
          tpu.vector_store %arg17[%swap3A_318], %select_n3A_317 {strides = array<i32>} : memref<40xf32, #tpu.memory_space<vmem>>, vector<16xf32>,
          %get3A_320 = arith.constant 0 : index
          %get3A_321 = tpu.vector_load %arg16[%get3A_320] {strides = array<i32>} : memref<40xi32, #tpu.memory_space<vmem>>, vector<16xi32>,
          %get3A_322 = arith.constant 0 : index
          %get3A_323 = tpu.vector_load %arg17[%get3A_322] {strides = array<i32>} : memref<40xf32, #tpu.memory_space<vmem>>, vector<16xf32>,
          %eq3A_324 = arith.cmpi eq, %get3A_321, %masked_sort3A_289 : vector<16xi32>
          %max3A_325 = arith.maximumf %select_n3A_317, %get3A_323 : vector<16xf32>
          %select_n3A_326 = arith.select %eq3A_324, %max3A_325, %select_n3A_317 : vector<16xi1>, vector<16xf32>
          %get3A_327 = arith.constant 9 : index
          %get3A_328 = tpu.vector_load %arg16[%get3A_327] {strides = array<i32>} : memref<40xi32, #tpu.memory_space<vmem>>, vector<16xi32>,
          %ne3A = arith.cmpi ne, %get3A_328, %masked_sort3A_289 : vector<16xi32>
          %gather3A = tpu.vector_load_idx %arg15[%masked_sort3A_289] masked %ne3A : memref<25016xf32, #tpu.memory_space<vmem>>[vector<16xi32>], vector<16xf32>, vector<16xi1>
          %max3A_329 = arith.maximumf %gather3A, %select_n3A_326 : vector<16xf32>
          tpu.vector_store_idx %arg15[%masked_sort3A_289], %max3A_329 masked %ne3A : memref<25016xf32, #tpu.memory_space<vmem>>[vector<16xi32>], vector<16xf32>, vector<16xi1>
        }
      }
      %while3A_234 = arith.constant 1 : i32
      scf.for %while3A_235 = %while3A_232 to %while3A_228 step %while3A_234  : i32 {
        %mul3A_236 = arith.constant 256 : i32
        %mul3A_237 = arith.muli %while3A_235, %mul3A_236 : i32
        %add3A_238 = arith.addi %multiple_of3A_226, %mul3A_237 : i32
        %multiple_of3A_239 = tpu.assume_multiple %add3A_238, 8 : i32
        %dma_start3A_240 = tpu.memref_slice %arg21[%multiple_of3A_239] : memref<280832xi32, #tpu.memory_space<vmem_shared>> -> memref<256xi32, #tpu.memory_space<vmem_shared>>
        %dma_start3A_241 = tpu.memref_slice %arg21[%multiple_of3A_239] : memref<280832xi32, #tpu.memory_space<vmem_shared>> -> memref<256xi32, #tpu.memory_space<vmem_shared>>
        tpu.enqueue_dma source(%dma_start3A_241 : memref<256xi32, #tpu.memory_space<vmem_shared>>) target(%arg18 : memref<256xi32, #tpu.memory_space<vmem>>) target_semaphore(%arg23 : memref<!tpu.dma_semaphore, #tpu.memory_space<semaphore_mem>>)
        %mul3A_242 = arith.constant 256 : i32
        %mul3A_243 = arith.muli %while3A_235, %mul3A_242 : i32
        %add3A_244 = arith.addi %multiple_of3A_226, %mul3A_243 : i32
        %multiple_of3A_245 = tpu.assume_multiple %add3A_244, 8 : i32
        %dma_start3A_246 = tpu.memref_slice %arg22[%multiple_of3A_245] : memref<280832xf32, #tpu.memory_space<vmem_shared>> -> memref<256xf32, #tpu.memory_space<vmem_shared>>
        %dma_start3A_247 = tpu.memref_slice %arg22[%multiple_of3A_245] : memref<280832xf32, #tpu.memory_space<vmem_shared>> -> memref<256xf32, #tpu.memory_space<vmem_shared>>
        tpu.enqueue_dma source(%dma_start3A_247 : memref<256xf32, #tpu.memory_space<vmem_shared>>) target(%arg19 : memref<256xf32, #tpu.memory_space<vmem>>) target_semaphore(%arg23 : memref<!tpu.dma_semaphore, #tpu.memory_space<semaphore_mem>>)
        %dma_wait3A_248 = tpu.memref_slice %arg21[%multiple_of3A_239] : memref<280832xi32, #tpu.memory_space<vmem_shared>> -> memref<256xi32, #tpu.memory_space<vmem_shared>>
        %dma_wait3A_249 = tpu.memref_slice %arg21[%multiple_of3A_239] : memref<280832xi32, #tpu.memory_space<vmem_shared>> -> memref<256xi32, #tpu.memory_space<vmem_shared>>
        tpu.wait_dma2 semaphore(%arg23 : memref<!tpu.dma_semaphore, #tpu.memory_space<semaphore_mem>>) src(%dma_wait3A_249 : memref<256xi32, #tpu.memory_space<vmem_shared>>) dst(%arg18 : memref<256xi32, #tpu.memory_space<vmem>>)
        %dma_wait3A_250 = tpu.memref_slice %arg22[%multiple_of3A_245] : memref<280832xf32, #tpu.memory_space<vmem_shared>> -> memref<256xf32, #tpu.memory_space<vmem_shared>>
        %dma_wait3A_251 = tpu.memref_slice %arg22[%multiple_of3A_245] : memref<280832xf32, #tpu.memory_space<vmem_shared>> -> memref<256xf32, #tpu.memory_space<vmem_shared>>
        tpu.wait_dma2 semaphore(%arg23 : memref<!tpu.dma_semaphore, #tpu.memory_space<semaphore_mem>>) src(%dma_wait3A_251 : memref<256xf32, #tpu.memory_space<vmem_shared>>) dst(%arg19 : memref<256xf32, #tpu.memory_space<vmem>>)
        %mul3A_252 = arith.constant 16 : i32
        %mul3A_253 = arith.muli %while3A_235, %mul3A_252 : i32
        %sub3A_254 = arith.subi %shift_right_arithmetic3A_222, %mul3A_253 : i32
        %jit3A = arith.constant 0 : i32
        %jit3A_255 = arith.constant 16 : i32
        %max3A = arith.maxsi %jit3A, %sub3A_254 : i32
        %min3A = arith.minsi %jit3A_255, %max3A : i32
        %while3A_256 = arith.constant 0 : i32
        %while3A_257 = arith.subi %min3A, %while3A_256 : i32
        %while3A_258 = arith.addi %while3A_256, %while3A_257 : i32
        %while3A_259 = arith.constant 1 : i32
        %while3A_260 = arith.divsi %while3A_257, %while3A_259 : i32
        %while3A_261 = arith.muli %while3A_260, %while3A_259 : i32
        %while3A_262 = arith.addi %while3A_256, %while3A_261 : i32
        %while3A_263 = arith.constant 1 : i32
        scf.for %while3A_265 = %while3A_256 to %while3A_262 step %while3A_263  : i32 {
          %mul3A_266 = arith.constant 16 : i32
          %mul3A_267 = arith.muli %while3A_265, %mul3A_266 : i32
          %get3A_268 = arith.index_cast %mul3A_267 : i32 to index
          %get3A_269 = tpu.vector_load %arg18[%get3A_268] {strides = array<i32>} : memref<256xi32, #tpu.memory_space<vmem>>, vector<16xi32>,
          %mul3A_270 = arith.constant 16 : i32
          %mul3A_271 = arith.muli %while3A_265, %mul3A_270 : i32
          %get3A_272 = arith.index_cast %mul3A_271 : i32 to index
          %get3A_273 = tpu.vector_load %arg19[%get3A_272] {strides = array<i32>} : memref<256xf32, #tpu.memory_space<vmem>>, vector<16xf32>,
          %ge3A = arith.constant 0 : i32
          %ge3A_274 = vector.broadcast %ge3A : i32 to vector<16xi32>
          %ge3A_275 = arith.cmpi sge, %get3A_269, %ge3A_274 : vector<16xi32>
          %sub3A_276 = vector.broadcast %mul3A_3 : i32 to vector<16xi32>
          %sub3A_277 = arith.subi %get3A_269, %sub3A_276 : vector<16xi32>
          %jit3A_278 = arith.constant 0 : i32
          %broadcast_in_dim3A_279 = vector.broadcast %jit3A_278 : i32 to vector<16xi32>
          %select_n3A = arith.select %ge3A_275, %sub3A_277, %broadcast_in_dim3A_279 : vector<16xi1>, vector<16xi32>
          %jit3A_280 = arith.constant -3.400000e+38 : f32
          %broadcast_in_dim3A_281 = vector.broadcast %jit3A_280 : f32 to vector<16xf32>
          %select_n3A_282 = arith.select %ge3A_275, %get3A_273, %broadcast_in_dim3A_281 : vector<16xi1>, vector<16xf32>
          %masked_sort3A = arith.constant dense<true> : vector<16xi1>
          %masked_sort3A_283 = arith.constant -2147483648 : i32
          %masked_sort3A_284 = vector.broadcast %masked_sort3A_283 : i32 to vector<16xi32>
          %masked_sort3A_285 = arith.xori %select_n3A, %masked_sort3A_284 : vector<16xi32>
          %masked_sort3A_286, %masked_sort3A_287, %masked_sort3A_288 = tpu.sort %masked_sort3A_285, %select_n3A_282 masked %masked_sort3A : (vector<16xi32>, vector<16xf32>, vector<16xi1>) -> (vector<16xi1>, vector<16xi32>, vector<16xf32>)
          %masked_sort3A_289 = arith.xori %masked_sort3A_287, %masked_sort3A_284 : vector<16xi32>
          %swap3A_290 = arith.constant 8 : index
          %swap3A_291 = tpu.vector_load %arg16[%swap3A_290] {strides = array<i32>} : memref<40xi32, #tpu.memory_space<vmem>>, vector<16xi32>,
          tpu.vector_store %arg16[%swap3A_290], %masked_sort3A_289 {strides = array<i32>} : memref<40xi32, #tpu.memory_space<vmem>>, vector<16xi32>,
          %swap3A_292 = arith.constant 8 : index
          %swap3A_293 = tpu.vector_load %arg17[%swap3A_292] {strides = array<i32>} : memref<40xf32, #tpu.memory_space<vmem>>, vector<16xf32>,
          tpu.vector_store %arg17[%swap3A_292], %masked_sort3A_288 {strides = array<i32>} : memref<40xf32, #tpu.memory_space<vmem>>, vector<16xf32>,
          %get3A_294 = arith.constant 7 : index
          %get3A_295 = tpu.vector_load %arg16[%get3A_294] {strides = array<i32>} : memref<40xi32, #tpu.memory_space<vmem>>, vector<16xi32>,
          %get3A_296 = arith.constant 7 : index
          %get3A_297 = tpu.vector_load %arg17[%get3A_296] {strides = array<i32>} : memref<40xf32, #tpu.memory_space<vmem>>, vector<16xf32>,
          %eq3A = arith.cmpi eq, %get3A_295, %masked_sort3A_289 : vector<16xi32>
          %max3A_298 = arith.maximumf %masked_sort3A_288, %get3A_297 : vector<16xf32>
          %select_n3A_299 = arith.select %eq3A, %max3A_298, %masked_sort3A_288 : vector<16xi1>, vector<16xf32>
          %swap3A_300 = arith.constant 8 : index
          %swap3A_301 = tpu.vector_load %arg17[%swap3A_300] {strides = array<i32>} : memref<40xf32, #tpu.memory_space<vmem>>, vector<16xf32>,
          tpu.vector_store %arg17[%swap3A_300], %select_n3A_299 {strides = array<i32>} : memref<40xf32, #tpu.memory_space<vmem>>, vector<16xf32>,
          %get3A_302 = arith.constant 6 : index
          %get3A_303 = tpu.vector_load %arg16[%get3A_302] {strides = array<i32>} : memref<40xi32, #tpu.memory_space<vmem>>, vector<16xi32>,
          %get3A_304 = arith.constant 6 : index
          %get3A_305 = tpu.vector_load %arg17[%get3A_304] {strides = array<i32>} : memref<40xf32, #tpu.memory_space<vmem>>, vector<16xf32>,
          %eq3A_306 = arith.cmpi eq, %get3A_303, %masked_sort3A_289 : vector<16xi32>
          %max3A_307 = arith.maximumf %select_n3A_299, %get3A_305 : vector<16xf32>
          %select_n3A_308 = arith.select %eq3A_306, %max3A_307, %select_n3A_299 : vector<16xi1>, vector<16xf32>
          %swap3A_309 = arith.constant 8 : index
          %swap3A_310 = tpu.vector_load %arg17[%swap3A_309] {strides = array<i32>} : memref<40xf32, #tpu.memory_space<vmem>>, vector<16xf32>,
          tpu.vector_store %arg17[%swap3A_309], %select_n3A_308 {strides = array<i32>} : memref<40xf32, #tpu.memory_space<vmem>>, vector<16xf32>,
          %get3A_311 = arith.constant 4 : index
          %get3A_312 = tpu.vector_load %arg16[%get3A_311] {strides = array<i32>} : memref<40xi32, #tpu.memory_space<vmem>>, vector<16xi32>,
          %get3A_313 = arith.constant 4 : index
          %get3A_314 = tpu.vector_load %arg17[%get3A_313] {strides = array<i32>} : memref<40xf32, #tpu.memory_space<vmem>>, vector<16xf32>,
          %eq3A_315 = arith.cmpi eq, %get3A_312, %masked_sort3A_289 : vector<16xi32>
          %max3A_316 = arith.maximumf %select_n3A_308, %get3A_314 : vector<16xf32>
          %select_n3A_317 = arith.select %eq3A_315, %max3A_316, %select_n3A_308 : vector<16xi1>, vector<16xf32>
          %swap3A_318 = arith.constant 8 : index
          %swap3A_319 = tpu.vector_load %arg17[%swap3A_318] {strides = array<i32>} : memref<40xf32, #tpu.memory_space<vmem>>, vector<16xf32>,
          tpu.vector_store %arg17[%swap3A_318], %select_n3A_317 {strides = array<i32>} : memref<40xf32, #tpu.memory_space<vmem>>, vector<16xf32>,
          %get3A_320 = arith.constant 0 : index
          %get3A_321 = tpu.vector_load %arg16[%get3A_320] {strides = array<i32>} : memref<40xi32, #tpu.memory_space<vmem>>, vector<16xi32>,
          %get3A_322 = arith.constant 0 : index
          %get3A_323 = tpu.vector_load %arg17[%get3A_322] {strides = array<i32>} : memref<40xf32, #tpu.memory_space<vmem>>, vector<16xf32>,
          %eq3A_324 = arith.cmpi eq, %get3A_321, %masked_sort3A_289 : vector<16xi32>
          %max3A_325 = arith.maximumf %select_n3A_317, %get3A_323 : vector<16xf32>
          %select_n3A_326 = arith.select %eq3A_324, %max3A_325, %select_n3A_317 : vector<16xi1>, vector<16xf32>
          %get3A_327 = arith.constant 9 : index
          %get3A_328 = tpu.vector_load %arg16[%get3A_327] {strides = array<i32>} : memref<40xi32, #tpu.memory_space<vmem>>, vector<16xi32>,
          %ne3A = arith.cmpi ne, %get3A_328, %masked_sort3A_289 : vector<16xi32>
          %gather3A = tpu.vector_load_idx %arg15[%masked_sort3A_289] masked %ne3A : memref<25016xf32, #tpu.memory_space<vmem>>[vector<16xi32>], vector<16xf32>, vector<16xi1>
          %max3A_329 = arith.maximumf %gather3A, %select_n3A_326 : vector<16xf32>
          tpu.vector_store_idx %arg15[%masked_sort3A_289], %max3A_329 masked %ne3A : memref<25016xf32, #tpu.memory_space<vmem>>[vector<16xi32>], vector<16xf32>, vector<16xi1>
        }
        %while3A_264 = arith.constant 1 : i32
        scf.for %while3A_265 = %while3A_262 to %while3A_258 step %while3A_264  : i32 {
          %mul3A_266 = arith.constant 16 : i32
          %mul3A_267 = arith.muli %while3A_265, %mul3A_266 : i32
          %get3A_268 = arith.index_cast %mul3A_267 : i32 to index
          %get3A_269 = tpu.vector_load %arg18[%get3A_268] {strides = array<i32>} : memref<256xi32, #tpu.memory_space<vmem>>, vector<16xi32>,
          %mul3A_270 = arith.constant 16 : i32
          %mul3A_271 = arith.muli %while3A_265, %mul3A_270 : i32
          %get3A_272 = arith.index_cast %mul3A_271 : i32 to index
          %get3A_273 = tpu.vector_load %arg19[%get3A_272] {strides = array<i32>} : memref<256xf32, #tpu.memory_space<vmem>>, vector<16xf32>,
          %ge3A = arith.constant 0 : i32
          %ge3A_274 = vector.broadcast %ge3A : i32 to vector<16xi32>
          %ge3A_275 = arith.cmpi sge, %get3A_269, %ge3A_274 : vector<16xi32>
          %sub3A_276 = vector.broadcast %mul3A_3 : i32 to vector<16xi32>
          %sub3A_277 = arith.subi %get3A_269, %sub3A_276 : vector<16xi32>
          %jit3A_278 = arith.constant 0 : i32
          %broadcast_in_dim3A_279 = vector.broadcast %jit3A_278 : i32 to vector<16xi32>
          %select_n3A = arith.select %ge3A_275, %sub3A_277, %broadcast_in_dim3A_279 : vector<16xi1>, vector<16xi32>
          %jit3A_280 = arith.constant -3.400000e+38 : f32
          %broadcast_in_dim3A_281 = vector.broadcast %jit3A_280 : f32 to vector<16xf32>
          %select_n3A_282 = arith.select %ge3A_275, %get3A_273, %broadcast_in_dim3A_281 : vector<16xi1>, vector<16xf32>
          %masked_sort3A = arith.constant dense<true> : vector<16xi1>
          %masked_sort3A_283 = arith.constant -2147483648 : i32
          %masked_sort3A_284 = vector.broadcast %masked_sort3A_283 : i32 to vector<16xi32>
          %masked_sort3A_285 = arith.xori %select_n3A, %masked_sort3A_284 : vector<16xi32>
          %masked_sort3A_286, %masked_sort3A_287, %masked_sort3A_288 = tpu.sort %masked_sort3A_285, %select_n3A_282 masked %masked_sort3A : (vector<16xi32>, vector<16xf32>, vector<16xi1>) -> (vector<16xi1>, vector<16xi32>, vector<16xf32>)
          %masked_sort3A_289 = arith.xori %masked_sort3A_287, %masked_sort3A_284 : vector<16xi32>
          %swap3A_290 = arith.constant 8 : index
          %swap3A_291 = tpu.vector_load %arg16[%swap3A_290] {strides = array<i32>} : memref<40xi32, #tpu.memory_space<vmem>>, vector<16xi32>,
          tpu.vector_store %arg16[%swap3A_290], %masked_sort3A_289 {strides = array<i32>} : memref<40xi32, #tpu.memory_space<vmem>>, vector<16xi32>,
          %swap3A_292 = arith.constant 8 : index
          %swap3A_293 = tpu.vector_load %arg17[%swap3A_292] {strides = array<i32>} : memref<40xf32, #tpu.memory_space<vmem>>, vector<16xf32>,
          tpu.vector_store %arg17[%swap3A_292], %masked_sort3A_288 {strides = array<i32>} : memref<40xf32, #tpu.memory_space<vmem>>, vector<16xf32>,
          %get3A_294 = arith.constant 7 : index
          %get3A_295 = tpu.vector_load %arg16[%get3A_294] {strides = array<i32>} : memref<40xi32, #tpu.memory_space<vmem>>, vector<16xi32>,
          %get3A_296 = arith.constant 7 : index
          %get3A_297 = tpu.vector_load %arg17[%get3A_296] {strides = array<i32>} : memref<40xf32, #tpu.memory_space<vmem>>, vector<16xf32>,
          %eq3A = arith.cmpi eq, %get3A_295, %masked_sort3A_289 : vector<16xi32>
          %max3A_298 = arith.maximumf %masked_sort3A_288, %get3A_297 : vector<16xf32>
          %select_n3A_299 = arith.select %eq3A, %max3A_298, %masked_sort3A_288 : vector<16xi1>, vector<16xf32>
          %swap3A_300 = arith.constant 8 : index
          %swap3A_301 = tpu.vector_load %arg17[%swap3A_300] {strides = array<i32>} : memref<40xf32, #tpu.memory_space<vmem>>, vector<16xf32>,
          tpu.vector_store %arg17[%swap3A_300], %select_n3A_299 {strides = array<i32>} : memref<40xf32, #tpu.memory_space<vmem>>, vector<16xf32>,
          %get3A_302 = arith.constant 6 : index
          %get3A_303 = tpu.vector_load %arg16[%get3A_302] {strides = array<i32>} : memref<40xi32, #tpu.memory_space<vmem>>, vector<16xi32>,
          %get3A_304 = arith.constant 6 : index
          %get3A_305 = tpu.vector_load %arg17[%get3A_304] {strides = array<i32>} : memref<40xf32, #tpu.memory_space<vmem>>, vector<16xf32>,
          %eq3A_306 = arith.cmpi eq, %get3A_303, %masked_sort3A_289 : vector<16xi32>
          %max3A_307 = arith.maximumf %select_n3A_299, %get3A_305 : vector<16xf32>
          %select_n3A_308 = arith.select %eq3A_306, %max3A_307, %select_n3A_299 : vector<16xi1>, vector<16xf32>
          %swap3A_309 = arith.constant 8 : index
          %swap3A_310 = tpu.vector_load %arg17[%swap3A_309] {strides = array<i32>} : memref<40xf32, #tpu.memory_space<vmem>>, vector<16xf32>,
          tpu.vector_store %arg17[%swap3A_309], %select_n3A_308 {strides = array<i32>} : memref<40xf32, #tpu.memory_space<vmem>>, vector<16xf32>,
          %get3A_311 = arith.constant 4 : index
          %get3A_312 = tpu.vector_load %arg16[%get3A_311] {strides = array<i32>} : memref<40xi32, #tpu.memory_space<vmem>>, vector<16xi32>,
          %get3A_313 = arith.constant 4 : index
          %get3A_314 = tpu.vector_load %arg17[%get3A_313] {strides = array<i32>} : memref<40xf32, #tpu.memory_space<vmem>>, vector<16xf32>,
          %eq3A_315 = arith.cmpi eq, %get3A_312, %masked_sort3A_289 : vector<16xi32>
          %max3A_316 = arith.maximumf %select_n3A_308, %get3A_314 : vector<16xf32>
          %select_n3A_317 = arith.select %eq3A_315, %max3A_316, %select_n3A_308 : vector<16xi1>, vector<16xf32>
          %swap3A_318 = arith.constant 8 : index
          %swap3A_319 = tpu.vector_load %arg17[%swap3A_318] {strides = array<i32>} : memref<40xf32, #tpu.memory_space<vmem>>, vector<16xf32>,
          tpu.vector_store %arg17[%swap3A_318], %select_n3A_317 {strides = array<i32>} : memref<40xf32, #tpu.memory_space<vmem>>, vector<16xf32>,
          %get3A_320 = arith.constant 0 : index
          %get3A_321 = tpu.vector_load %arg16[%get3A_320] {strides = array<i32>} : memref<40xi32, #tpu.memory_space<vmem>>, vector<16xi32>,
          %get3A_322 = arith.constant 0 : index
          %get3A_323 = tpu.vector_load %arg17[%get3A_322] {strides = array<i32>} : memref<40xf32, #tpu.memory_space<vmem>>, vector<16xf32>,
          %eq3A_324 = arith.cmpi eq, %get3A_321, %masked_sort3A_289 : vector<16xi32>
          %max3A_325 = arith.maximumf %select_n3A_317, %get3A_323 : vector<16xf32>
          %select_n3A_326 = arith.select %eq3A_324, %max3A_325, %select_n3A_317 : vector<16xi1>, vector<16xf32>
          %get3A_327 = arith.constant 9 : index
          %get3A_328 = tpu.vector_load %arg16[%get3A_327] {strides = array<i32>} : memref<40xi32, #tpu.memory_space<vmem>>, vector<16xi32>,
          %ne3A = arith.cmpi ne, %get3A_328, %masked_sort3A_289 : vector<16xi32>
          %gather3A = tpu.vector_load_idx %arg15[%masked_sort3A_289] masked %ne3A : memref<25016xf32, #tpu.memory_space<vmem>>[vector<16xi32>], vector<16xf32>, vector<16xi1>
          %max3A_329 = arith.maximumf %gather3A, %select_n3A_326 : vector<16xf32>
          tpu.vector_store_idx %arg15[%masked_sort3A_289], %max3A_329 masked %ne3A : memref<25016xf32, #tpu.memory_space<vmem>>[vector<16xi32>], vector<16xf32>, vector<16xi1>
        }
      }
    }
    %scan3A_196 = arith.constant 16 : i32
    %barrier3A_197 = arith.constant 0 : index
    tpu.barrier barrier_id(%barrier3A_197)
    %multiple_of3A_198 = tpu.assume_multiple %mul3A_3, 8 : i32
    "tpu.region"() ({
      %run_scoped3A = tpu.sem_alloc : memref<!tpu.dma_semaphore, #tpu.memory_space<semaphore_mem>>
      %dma_start3A_199 = arith.constant 0 : i32
      %dma_start3A_200 = tpu.memref_slice %arg15[%dma_start3A_199] : memref<25016xf32, #tpu.memory_space<vmem>> -> memref<25000xf32, #tpu.memory_space<vmem>>
      %dma_start3A_201 = tpu.memref_slice %arg4[%multiple_of3A_198] : memref<800000xf32, #tpu.memory_space<hbm>> -> memref<25000xf32, #tpu.memory_space<hbm>>
      %dma_start3A_202 = tpu.memref_slice %arg4[%multiple_of3A_198] : memref<800000xf32, #tpu.memory_space<hbm>> -> memref<25000xf32, #tpu.memory_space<hbm>>
      %dma_start3A_203 = arith.constant 0 : i32
      %dma_start3A_204 = tpu.memref_slice %arg15[%dma_start3A_203] : memref<25016xf32, #tpu.memory_space<vmem>> -> memref<25000xf32, #tpu.memory_space<vmem>>
      tpu.enqueue_dma source(%dma_start3A_204 : memref<25000xf32, #tpu.memory_space<vmem>>) target(%dma_start3A_202 : memref<25000xf32, #tpu.memory_space<hbm>>) target_semaphore(%run_scoped3A : memref<!tpu.dma_semaphore, #tpu.memory_space<semaphore_mem>>)
      %dma_wait3A_205 = arith.constant 0 : i32
      %dma_wait3A_206 = tpu.memref_slice %arg15[%dma_wait3A_205] : memref<25016xf32, #tpu.memory_space<vmem>> -> memref<25000xf32, #tpu.memory_space<vmem>>
      %dma_wait3A_207 = tpu.memref_slice %arg4[%multiple_of3A_198] : memref<800000xf32, #tpu.memory_space<hbm>> -> memref<25000xf32, #tpu.memory_space<hbm>>
      %dma_wait3A_208 = tpu.memref_slice %arg4[%multiple_of3A_198] : memref<800000xf32, #tpu.memory_space<hbm>> -> memref<25000xf32, #tpu.memory_space<hbm>>
      %dma_wait3A_209 = arith.constant 0 : i32
      %dma_wait3A_210 = tpu.memref_slice %arg15[%dma_wait3A_209] : memref<25016xf32, #tpu.memory_space<vmem>> -> memref<25000xf32, #tpu.memory_space<vmem>>
      tpu.wait_dma2 semaphore(%run_scoped3A : memref<!tpu.dma_semaphore, #tpu.memory_space<semaphore_mem>>) src(%dma_wait3A_210 : memref<25000xf32, #tpu.memory_space<vmem>>) dst(%dma_wait3A_208 : memref<25000xf32, #tpu.memory_space<hbm>>)
      tpu.yield
    }) : () -> ()
    return
  }
}

#map = affine_map<(d0, d1) -> (0, 0)>
#map1 = affine_map<(d0, d1) -> (0)>
module attributes {stable_mosaic.version = 14 : i64} {
  func.func @_sc_body(%arg0: i32, %arg1: i32, %arg2: memref<1024x512xi32, #tpu.memory_space<hbm>>, %arg3: memref<1024x512xi32, #tpu.memory_space<hbm>>, %arg4: memref<800000xf32, #tpu.memory_space<hbm>>, %arg5: memref<50000x128xf32, #tpu.memory_space<hbm>>, %arg6: memref<800000x16xf32, #tpu.memory_space<hbm>>, %arg7: memref<1024x384xf32, #tpu.memory_space<hbm>>, %arg8: memref<512xi32, #tpu.memory_space<vmem>>, %arg9: memref<512xi32, #tpu.memory_space<vmem>>, %arg10: memref<512xf32, #tpu.memory_space<vmem>>, %arg11: memref<528xf32, #tpu.memory_space<vmem>>, %arg12: memref<424x128xf32, #tpu.memory_space<vmem>>, %arg13: memref<424x16xf32, #tpu.memory_space<vmem>>, %arg14: memref<512xi32, #tpu.memory_space<vmem>>, %arg15: memref<512xi32, #tpu.memory_space<vmem>>, %arg16: memref<512xf32, #tpu.memory_space<vmem>>, %arg17: memref<528xf32, #tpu.memory_space<vmem>>, %arg18: memref<424x128xf32, #tpu.memory_space<vmem>>, %arg19: memref<424x16xf32, #tpu.memory_space<vmem>>, %arg20: memref<384xf32, #tpu.memory_space<vmem>>, %arg21: memref<!tpu.dma_semaphore, #tpu.memory_space<semaphore_mem>>, %arg22: memref<!tpu.dma_semaphore, #tpu.memory_space<semaphore_mem>>) attributes {dimension_semantics = [#tpu.dimension_semantics<core_parallel>, #tpu.dimension_semantics<subcore_parallel>], iteration_bounds = array<i64: 2, 16>, scalar_prefetch = 0 : i64, scratch_operands = 15 : i64, tpu.core_type = #tpu.core_type<sc_vector_subcore>, window_params = [{transform_indices = #map}, {transform_indices = #map}, {transform_indices = #map1}, {transform_indices = #map}, {transform_indices = #map}, {transform_indices = #map}]} {
    %mul3A = arith.constant 2 : i32
    %mul3A_0 = arith.muli %arg1, %mul3A : i32
    %add3A = arith.addi %mul3A_0, %arg0 : i32
    %broadcast_in_dim3A = arith.constant 0.000000e+00 : f32
    %broadcast_in_dim3A_1 = vector.broadcast %broadcast_in_dim3A : f32 to vector<16xf32>
    %swap3A = arith.constant 304 : index
    %swap3A_2 = tpu.vector_load %arg20[%swap3A] {strides = array<i32>} : memref<384xf32, #tpu.memory_space<vmem>>, vector<16xf32>,
    %swap3A_3 = vector.shape_cast %swap3A_2 : vector<16xf32> to vector<16xf32>
    %swap3A_4 = vector.shape_cast %broadcast_in_dim3A_1 : vector<16xf32> to vector<16xf32>
    tpu.vector_store %arg20[%swap3A], %swap3A_4 {strides = array<i32>} : memref<384xf32, #tpu.memory_space<vmem>>, vector<16xf32>,
    %swap3A_5 = arith.constant 320 : index
    %swap3A_6 = tpu.vector_load %arg20[%swap3A_5] {strides = array<i32>} : memref<384xf32, #tpu.memory_space<vmem>>, vector<16xf32>,
    %swap3A_7 = vector.shape_cast %swap3A_6 : vector<16xf32> to vector<16xf32>
    %swap3A_8 = vector.shape_cast %broadcast_in_dim3A_1 : vector<16xf32> to vector<16xf32>
    tpu.vector_store %arg20[%swap3A_5], %swap3A_8 {strides = array<i32>} : memref<384xf32, #tpu.memory_space<vmem>>, vector<16xf32>,
    %swap3A_9 = arith.constant 336 : index
    %swap3A_10 = tpu.vector_load %arg20[%swap3A_9] {strides = array<i32>} : memref<384xf32, #tpu.memory_space<vmem>>, vector<16xf32>,
    %swap3A_11 = vector.shape_cast %swap3A_10 : vector<16xf32> to vector<16xf32>
    %swap3A_12 = vector.shape_cast %broadcast_in_dim3A_1 : vector<16xf32> to vector<16xf32>
    tpu.vector_store %arg20[%swap3A_9], %swap3A_12 {strides = array<i32>} : memref<384xf32, #tpu.memory_space<vmem>>, vector<16xf32>,
    %swap3A_13 = arith.constant 352 : index
    %swap3A_14 = tpu.vector_load %arg20[%swap3A_13] {strides = array<i32>} : memref<384xf32, #tpu.memory_space<vmem>>, vector<16xf32>,
    %swap3A_15 = vector.shape_cast %swap3A_14 : vector<16xf32> to vector<16xf32>
    %swap3A_16 = vector.shape_cast %broadcast_in_dim3A_1 : vector<16xf32> to vector<16xf32>
    tpu.vector_store %arg20[%swap3A_13], %swap3A_16 {strides = array<i32>} : memref<384xf32, #tpu.memory_space<vmem>>, vector<16xf32>,
    %swap3A_17 = arith.constant 368 : index
    %swap3A_18 = tpu.vector_load %arg20[%swap3A_17] {strides = array<i32>} : memref<384xf32, #tpu.memory_space<vmem>>, vector<16xf32>,
    %swap3A_19 = vector.shape_cast %swap3A_18 : vector<16xf32> to vector<16xf32>
    %swap3A_20 = vector.shape_cast %broadcast_in_dim3A_1 : vector<16xf32> to vector<16xf32>
    tpu.vector_store %arg20[%swap3A_17], %swap3A_20 {strides = array<i32>} : memref<384xf32, #tpu.memory_space<vmem>>, vector<16xf32>,
    %mul3A_21 = arith.constant 32 : i32
    %mul3A_22 = arith.muli %add3A, %mul3A_21 : i32
    %dma_start3A = arith.constant 0 : i32
    %dma_start3A_23 = tpu.memref_slice %arg2[%mul3A_22, %dma_start3A] : memref<1024x512xi32, #tpu.memory_space<hbm>> -> memref<1x512xi32, #tpu.memory_space<hbm>>
    %dma_start3A_24 = tpu.memref_squeeze %dma_start3A_23 : memref<1x512xi32, #tpu.memory_space<hbm>> -> memref<512xi32, #tpu.memory_space<hbm>>
    %dma_start3A_25 = arith.constant 0 : i32
    %dma_start3A_26 = tpu.memref_slice %arg2[%mul3A_22, %dma_start3A_25] : memref<1024x512xi32, #tpu.memory_space<hbm>> -> memref<1x512xi32, #tpu.memory_space<hbm>>
    %dma_start3A_27 = tpu.memref_squeeze %dma_start3A_26 : memref<1x512xi32, #tpu.memory_space<hbm>> -> memref<512xi32, #tpu.memory_space<hbm>>
    tpu.enqueue_dma source(%dma_start3A_27 : memref<512xi32, #tpu.memory_space<hbm>>) target(%arg8 : memref<512xi32, #tpu.memory_space<vmem>>) target_semaphore(%arg21 : memref<!tpu.dma_semaphore, #tpu.memory_space<semaphore_mem>>)
    %dma_start3A_28 = arith.constant 0 : i32
    %dma_start3A_29 = tpu.memref_slice %arg3[%mul3A_22, %dma_start3A_28] : memref<1024x512xi32, #tpu.memory_space<hbm>> -> memref<1x512xi32, #tpu.memory_space<hbm>>
    %dma_start3A_30 = tpu.memref_squeeze %dma_start3A_29 : memref<1x512xi32, #tpu.memory_space<hbm>> -> memref<512xi32, #tpu.memory_space<hbm>>
    %dma_start3A_31 = arith.constant 0 : i32
    %dma_start3A_32 = tpu.memref_slice %arg3[%mul3A_22, %dma_start3A_31] : memref<1024x512xi32, #tpu.memory_space<hbm>> -> memref<1x512xi32, #tpu.memory_space<hbm>>
    %dma_start3A_33 = tpu.memref_squeeze %dma_start3A_32 : memref<1x512xi32, #tpu.memory_space<hbm>> -> memref<512xi32, #tpu.memory_space<hbm>>
    tpu.enqueue_dma source(%dma_start3A_33 : memref<512xi32, #tpu.memory_space<hbm>>) target(%arg9 : memref<512xi32, #tpu.memory_space<vmem>>) target_semaphore(%arg21 : memref<!tpu.dma_semaphore, #tpu.memory_space<semaphore_mem>>)
    %dma_wait3A = arith.constant 0 : i32
    %dma_wait3A_34 = tpu.memref_slice %arg2[%mul3A_22, %dma_wait3A] : memref<1024x512xi32, #tpu.memory_space<hbm>> -> memref<1x512xi32, #tpu.memory_space<hbm>>
    %dma_wait3A_35 = tpu.memref_squeeze %dma_wait3A_34 : memref<1x512xi32, #tpu.memory_space<hbm>> -> memref<512xi32, #tpu.memory_space<hbm>>
    %dma_wait3A_36 = arith.constant 0 : i32
    %dma_wait3A_37 = tpu.memref_slice %arg2[%mul3A_22, %dma_wait3A_36] : memref<1024x512xi32, #tpu.memory_space<hbm>> -> memref<1x512xi32, #tpu.memory_space<hbm>>
    %dma_wait3A_38 = tpu.memref_squeeze %dma_wait3A_37 : memref<1x512xi32, #tpu.memory_space<hbm>> -> memref<512xi32, #tpu.memory_space<hbm>>
    tpu.wait_dma2 semaphore(%arg21 : memref<!tpu.dma_semaphore, #tpu.memory_space<semaphore_mem>>) src(%dma_wait3A_38 : memref<512xi32, #tpu.memory_space<hbm>>) dst(%arg8 : memref<512xi32, #tpu.memory_space<vmem>>)
    %dma_wait3A_39 = arith.constant 0 : i32
    %dma_wait3A_40 = tpu.memref_slice %arg3[%mul3A_22, %dma_wait3A_39] : memref<1024x512xi32, #tpu.memory_space<hbm>> -> memref<1x512xi32, #tpu.memory_space<hbm>>
    %dma_wait3A_41 = tpu.memref_squeeze %dma_wait3A_40 : memref<1x512xi32, #tpu.memory_space<hbm>> -> memref<512xi32, #tpu.memory_space<hbm>>
    %dma_wait3A_42 = arith.constant 0 : i32
    %dma_wait3A_43 = tpu.memref_slice %arg3[%mul3A_22, %dma_wait3A_42] : memref<1024x512xi32, #tpu.memory_space<hbm>> -> memref<1x512xi32, #tpu.memory_space<hbm>>
    %dma_wait3A_44 = tpu.memref_squeeze %dma_wait3A_43 : memref<1x512xi32, #tpu.memory_space<hbm>> -> memref<512xi32, #tpu.memory_space<hbm>>
    tpu.wait_dma2 semaphore(%arg21 : memref<!tpu.dma_semaphore, #tpu.memory_space<semaphore_mem>>) src(%dma_wait3A_44 : memref<512xi32, #tpu.memory_space<hbm>>) dst(%arg9 : memref<512xi32, #tpu.memory_space<vmem>>)
    %dma_start3A_45 = arith.constant 0 : i32
    %dma_start3A_46 = arith.constant 0 : i32
    %dma_start3A_47 = tpu.memref_slice %arg12[%dma_start3A_45, %dma_start3A_46] : memref<424x128xf32, #tpu.memory_space<vmem>> -> memref<128x128xf32, #tpu.memory_space<vmem>>
    %dma_start3A_48 = arith.constant 0 : i32
    %dma_start3A_49 = tpu.memref_slice %arg8[%dma_start3A_48] : memref<512xi32, #tpu.memory_space<vmem>> -> memref<128xi32, #tpu.memory_space<vmem>>
    %dma_start3A_50 = arith.constant 0 : i32
    %dma_start3A_51 = arith.constant 0 : i32
    %dma_start3A_52 = tpu.memref_slice %arg5[%dma_start3A_50, %dma_start3A_51] : memref<50000x128xf32, #tpu.memory_space<hbm>> -> memref<50000x128xf32, #tpu.memory_space<hbm>>
    tpu.enqueue_indirect_dma source(%dma_start3A_52 : memref<50000x128xf32, #tpu.memory_space<hbm>>) target(%dma_start3A_47 : memref<128x128xf32, #tpu.memory_space<vmem>>) offsets(%dma_start3A_49 : memref<128xi32, #tpu.memory_space<vmem>>) semaphore(%arg21 : memref<!tpu.dma_semaphore, #tpu.memory_space<semaphore_mem>>)
    %dma_start3A_53 = arith.constant 0 : i32
    %dma_start3A_54 = arith.constant 0 : i32
    %dma_start3A_55 = tpu.memref_slice %arg13[%dma_start3A_53, %dma_start3A_54] : memref<424x16xf32, #tpu.memory_space<vmem>> -> memref<128x16xf32, #tpu.memory_space<vmem>>
    %dma_start3A_56 = arith.constant 0 : i32
    %dma_start3A_57 = tpu.memref_slice %arg9[%dma_start3A_56] : memref<512xi32, #tpu.memory_space<vmem>> -> memref<128xi32, #tpu.memory_space<vmem>>
    %dma_start3A_58 = arith.constant 0 : i32
    %dma_start3A_59 = arith.constant 0 : i32
    %dma_start3A_60 = tpu.memref_slice %arg6[%dma_start3A_58, %dma_start3A_59] : memref<800000x16xf32, #tpu.memory_space<hbm>> -> memref<800000x16xf32, #tpu.memory_space<hbm>>
    tpu.enqueue_indirect_dma source(%dma_start3A_60 : memref<800000x16xf32, #tpu.memory_space<hbm>>) target(%dma_start3A_55 : memref<128x16xf32, #tpu.memory_space<vmem>>) offsets(%dma_start3A_57 : memref<128xi32, #tpu.memory_space<vmem>>) semaphore(%arg21 : memref<!tpu.dma_semaphore, #tpu.memory_space<semaphore_mem>>)
    %dma_start3A_61 = arith.constant 0 : i32
    %dma_start3A_62 = tpu.memref_slice %arg10[%dma_start3A_61] : memref<512xf32, #tpu.memory_space<vmem>> -> memref<128xf32, #tpu.memory_space<vmem>>
    %dma_start3A_63 = arith.constant 0 : i32
    %dma_start3A_64 = tpu.memref_slice %arg9[%dma_start3A_63] : memref<512xi32, #tpu.memory_space<vmem>> -> memref<128xi32, #tpu.memory_space<vmem>>
    %dma_start3A_65 = arith.constant 0 : i32
    %dma_start3A_66 = tpu.memref_slice %arg4[%dma_start3A_65] : memref<800000xf32, #tpu.memory_space<hbm>> -> memref<800000xf32, #tpu.memory_space<hbm>>
    tpu.enqueue_indirect_dma source(%dma_start3A_66 : memref<800000xf32, #tpu.memory_space<hbm>>) target(%dma_start3A_62 : memref<128xf32, #tpu.memory_space<vmem>>) offsets(%dma_start3A_64 : memref<128xi32, #tpu.memory_space<vmem>>) semaphore(%arg21 : memref<!tpu.dma_semaphore, #tpu.memory_space<semaphore_mem>>)
    %dma_start3A_67 = arith.constant 128 : i32
    %dma_start3A_68 = arith.constant 0 : i32
    %dma_start3A_69 = tpu.memref_slice %arg12[%dma_start3A_67, %dma_start3A_68] : memref<424x128xf32, #tpu.memory_space<vmem>> -> memref<128x128xf32, #tpu.memory_space<vmem>>
    %dma_start3A_70 = arith.constant 128 : i32
    %dma_start3A_71 = tpu.memref_slice %arg8[%dma_start3A_70] : memref<512xi32, #tpu.memory_space<vmem>> -> memref<128xi32, #tpu.memory_space<vmem>>
    %dma_start3A_72 = arith.constant 0 : i32
    %dma_start3A_73 = arith.constant 0 : i32
    %dma_start3A_74 = tpu.memref_slice %arg5[%dma_start3A_72, %dma_start3A_73] : memref<50000x128xf32, #tpu.memory_space<hbm>> -> memref<50000x128xf32, #tpu.memory_space<hbm>>
    tpu.enqueue_indirect_dma source(%dma_start3A_74 : memref<50000x128xf32, #tpu.memory_space<hbm>>) target(%dma_start3A_69 : memref<128x128xf32, #tpu.memory_space<vmem>>) offsets(%dma_start3A_71 : memref<128xi32, #tpu.memory_space<vmem>>) semaphore(%arg21 : memref<!tpu.dma_semaphore, #tpu.memory_space<semaphore_mem>>)
    %dma_start3A_75 = arith.constant 128 : i32
    %dma_start3A_76 = arith.constant 0 : i32
    %dma_start3A_77 = tpu.memref_slice %arg13[%dma_start3A_75, %dma_start3A_76] : memref<424x16xf32, #tpu.memory_space<vmem>> -> memref<128x16xf32, #tpu.memory_space<vmem>>
    %dma_start3A_78 = arith.constant 128 : i32
    %dma_start3A_79 = tpu.memref_slice %arg9[%dma_start3A_78] : memref<512xi32, #tpu.memory_space<vmem>> -> memref<128xi32, #tpu.memory_space<vmem>>
    %dma_start3A_80 = arith.constant 0 : i32
    %dma_start3A_81 = arith.constant 0 : i32
    %dma_start3A_82 = tpu.memref_slice %arg6[%dma_start3A_80, %dma_start3A_81] : memref<800000x16xf32, #tpu.memory_space<hbm>> -> memref<800000x16xf32, #tpu.memory_space<hbm>>
    tpu.enqueue_indirect_dma source(%dma_start3A_82 : memref<800000x16xf32, #tpu.memory_space<hbm>>) target(%dma_start3A_77 : memref<128x16xf32, #tpu.memory_space<vmem>>) offsets(%dma_start3A_79 : memref<128xi32, #tpu.memory_space<vmem>>) semaphore(%arg21 : memref<!tpu.dma_semaphore, #tpu.memory_space<semaphore_mem>>)
    %dma_start3A_83 = arith.constant 128 : i32
    %dma_start3A_84 = tpu.memref_slice %arg10[%dma_start3A_83] : memref<512xf32, #tpu.memory_space<vmem>> -> memref<128xf32, #tpu.memory_space<vmem>>
    %dma_start3A_85 = arith.constant 128 : i32
    %dma_start3A_86 = tpu.memref_slice %arg9[%dma_start3A_85] : memref<512xi32, #tpu.memory_space<vmem>> -> memref<128xi32, #tpu.memory_space<vmem>>
    %dma_start3A_87 = arith.constant 0 : i32
    %dma_start3A_88 = tpu.memref_slice %arg4[%dma_start3A_87] : memref<800000xf32, #tpu.memory_space<hbm>> -> memref<800000xf32, #tpu.memory_space<hbm>>
    tpu.enqueue_indirect_dma source(%dma_start3A_88 : memref<800000xf32, #tpu.memory_space<hbm>>) target(%dma_start3A_84 : memref<128xf32, #tpu.memory_space<vmem>>) offsets(%dma_start3A_86 : memref<128xi32, #tpu.memory_space<vmem>>) semaphore(%arg21 : memref<!tpu.dma_semaphore, #tpu.memory_space<semaphore_mem>>)
    %dma_start3A_89 = arith.constant 256 : i32
    %dma_start3A_90 = arith.constant 0 : i32
    %dma_start3A_91 = tpu.memref_slice %arg12[%dma_start3A_89, %dma_start3A_90] : memref<424x128xf32, #tpu.memory_space<vmem>> -> memref<128x128xf32, #tpu.memory_space<vmem>>
    %dma_start3A_92 = arith.constant 256 : i32
    %dma_start3A_93 = tpu.memref_slice %arg8[%dma_start3A_92] : memref<512xi32, #tpu.memory_space<vmem>> -> memref<128xi32, #tpu.memory_space<vmem>>
    %dma_start3A_94 = arith.constant 0 : i32
    %dma_start3A_95 = arith.constant 0 : i32
    %dma_start3A_96 = tpu.memref_slice %arg5[%dma_start3A_94, %dma_start3A_95] : memref<50000x128xf32, #tpu.memory_space<hbm>> -> memref<50000x128xf32, #tpu.memory_space<hbm>>
    tpu.enqueue_indirect_dma source(%dma_start3A_96 : memref<50000x128xf32, #tpu.memory_space<hbm>>) target(%dma_start3A_91 : memref<128x128xf32, #tpu.memory_space<vmem>>) offsets(%dma_start3A_93 : memref<128xi32, #tpu.memory_space<vmem>>) semaphore(%arg21 : memref<!tpu.dma_semaphore, #tpu.memory_space<semaphore_mem>>)
    %dma_start3A_97 = arith.constant 256 : i32
    %dma_start3A_98 = arith.constant 0 : i32
    %dma_start3A_99 = tpu.memref_slice %arg13[%dma_start3A_97, %dma_start3A_98] : memref<424x16xf32, #tpu.memory_space<vmem>> -> memref<128x16xf32, #tpu.memory_space<vmem>>
    %dma_start3A_100 = arith.constant 256 : i32
    %dma_start3A_101 = tpu.memref_slice %arg9[%dma_start3A_100] : memref<512xi32, #tpu.memory_space<vmem>> -> memref<128xi32, #tpu.memory_space<vmem>>
    %dma_start3A_102 = arith.constant 0 : i32
    %dma_start3A_103 = arith.constant 0 : i32
    %dma_start3A_104 = tpu.memref_slice %arg6[%dma_start3A_102, %dma_start3A_103] : memref<800000x16xf32, #tpu.memory_space<hbm>> -> memref<800000x16xf32, #tpu.memory_space<hbm>>
    tpu.enqueue_indirect_dma source(%dma_start3A_104 : memref<800000x16xf32, #tpu.memory_space<hbm>>) target(%dma_start3A_99 : memref<128x16xf32, #tpu.memory_space<vmem>>) offsets(%dma_start3A_101 : memref<128xi32, #tpu.memory_space<vmem>>) semaphore(%arg21 : memref<!tpu.dma_semaphore, #tpu.memory_space<semaphore_mem>>)
    %dma_start3A_105 = arith.constant 256 : i32
    %dma_start3A_106 = tpu.memref_slice %arg10[%dma_start3A_105] : memref<512xf32, #tpu.memory_space<vmem>> -> memref<128xf32, #tpu.memory_space<vmem>>
    %dma_start3A_107 = arith.constant 256 : i32
    %dma_start3A_108 = tpu.memref_slice %arg9[%dma_start3A_107] : memref<512xi32, #tpu.memory_space<vmem>> -> memref<128xi32, #tpu.memory_space<vmem>>
    %dma_start3A_109 = arith.constant 0 : i32
    %dma_start3A_110 = tpu.memref_slice %arg4[%dma_start3A_109] : memref<800000xf32, #tpu.memory_space<hbm>> -> memref<800000xf32, #tpu.memory_space<hbm>>
    tpu.enqueue_indirect_dma source(%dma_start3A_110 : memref<800000xf32, #tpu.memory_space<hbm>>) target(%dma_start3A_106 : memref<128xf32, #tpu.memory_space<vmem>>) offsets(%dma_start3A_108 : memref<128xi32, #tpu.memory_space<vmem>>) semaphore(%arg21 : memref<!tpu.dma_semaphore, #tpu.memory_space<semaphore_mem>>)
    %dma_start3A_111 = arith.constant 384 : i32
    %dma_start3A_112 = arith.constant 0 : i32
    %dma_start3A_113 = tpu.memref_slice %arg12[%dma_start3A_111, %dma_start3A_112] : memref<424x128xf32, #tpu.memory_space<vmem>> -> memref<40x128xf32, #tpu.memory_space<vmem>>
    %dma_start3A_114 = arith.constant 384 : i32
    %dma_start3A_115 = tpu.memref_slice %arg8[%dma_start3A_114] : memref<512xi32, #tpu.memory_space<vmem>> -> memref<40xi32, #tpu.memory_space<vmem>>
    %dma_start3A_116 = arith.constant 0 : i32
    %dma_start3A_117 = arith.constant 0 : i32
    %dma_start3A_118 = tpu.memref_slice %arg5[%dma_start3A_116, %dma_start3A_117] : memref<50000x128xf32, #tpu.memory_space<hbm>> -> memref<50000x128xf32, #tpu.memory_space<hbm>>
    tpu.enqueue_indirect_dma source(%dma_start3A_118 : memref<50000x128xf32, #tpu.memory_space<hbm>>) target(%dma_start3A_113 : memref<40x128xf32, #tpu.memory_space<vmem>>) offsets(%dma_start3A_115 : memref<40xi32, #tpu.memory_space<vmem>>) semaphore(%arg21 : memref<!tpu.dma_semaphore, #tpu.memory_space<semaphore_mem>>)
    %dma_start3A_119 = arith.constant 384 : i32
    %dma_start3A_120 = arith.constant 0 : i32
    %dma_start3A_121 = tpu.memref_slice %arg13[%dma_start3A_119, %dma_start3A_120] : memref<424x16xf32, #tpu.memory_space<vmem>> -> memref<40x16xf32, #tpu.memory_space<vmem>>
    %dma_start3A_122 = arith.constant 384 : i32
    %dma_start3A_123 = tpu.memref_slice %arg9[%dma_start3A_122] : memref<512xi32, #tpu.memory_space<vmem>> -> memref<40xi32, #tpu.memory_space<vmem>>
    %dma_start3A_124 = arith.constant 0 : i32
    %dma_start3A_125 = arith.constant 0 : i32
    %dma_start3A_126 = tpu.memref_slice %arg6[%dma_start3A_124, %dma_start3A_125] : memref<800000x16xf32, #tpu.memory_space<hbm>> -> memref<800000x16xf32, #tpu.memory_space<hbm>>
    tpu.enqueue_indirect_dma source(%dma_start3A_126 : memref<800000x16xf32, #tpu.memory_space<hbm>>) target(%dma_start3A_121 : memref<40x16xf32, #tpu.memory_space<vmem>>) offsets(%dma_start3A_123 : memref<40xi32, #tpu.memory_space<vmem>>) semaphore(%arg21 : memref<!tpu.dma_semaphore, #tpu.memory_space<semaphore_mem>>)
    %dma_start3A_127 = arith.constant 384 : i32
    %dma_start3A_128 = tpu.memref_slice %arg10[%dma_start3A_127] : memref<512xf32, #tpu.memory_space<vmem>> -> memref<40xf32, #tpu.memory_space<vmem>>
    %dma_start3A_129 = arith.constant 384 : i32
    %dma_start3A_130 = tpu.memref_slice %arg9[%dma_start3A_129] : memref<512xi32, #tpu.memory_space<vmem>> -> memref<40xi32, #tpu.memory_space<vmem>>
    %dma_start3A_131 = arith.constant 0 : i32
    %dma_start3A_132 = tpu.memref_slice %arg4[%dma_start3A_131] : memref<800000xf32, #tpu.memory_space<hbm>> -> memref<800000xf32, #tpu.memory_space<hbm>>
    tpu.enqueue_indirect_dma source(%dma_start3A_132 : memref<800000xf32, #tpu.memory_space<hbm>>) target(%dma_start3A_128 : memref<40xf32, #tpu.memory_space<vmem>>) offsets(%dma_start3A_130 : memref<40xi32, #tpu.memory_space<vmem>>) semaphore(%arg21 : memref<!tpu.dma_semaphore, #tpu.memory_space<semaphore_mem>>)
    %scan3A = arith.constant 0 : i32
    %scan3A_133 = arith.constant 16 : i32
    %scan3A_134 = arith.addi %scan3A, %scan3A_133 : i32
    %scan3A_135 = arith.constant 1 : i32
    scf.for %scan3A_225 = %scan3A to %scan3A_134 step %scan3A_135  : i32 {
      %mul3A_226 = arith.constant 32 : i32
      %mul3A_227 = arith.muli %add3A, %mul3A_226 : i32
      %mul3A_228 = arith.constant 2 : i32
      %mul3A_229 = arith.muli %mul3A_228, %scan3A_225 : i32
      %add3A_230 = arith.addi %mul3A_227, %mul3A_229 : i32
      %add3A_231 = arith.constant 1 : i32
      %add3A_232 = arith.addi %add3A_230, %add3A_231 : i32
      %dma_start3A_233 = arith.constant 0 : i32
      %dma_start3A_234 = tpu.memref_slice %arg2[%add3A_232, %dma_start3A_233] : memref<1024x512xi32, #tpu.memory_space<hbm>> -> memref<1x512xi32, #tpu.memory_space<hbm>>
      %dma_start3A_235 = tpu.memref_squeeze %dma_start3A_234 : memref<1x512xi32, #tpu.memory_space<hbm>> -> memref<512xi32, #tpu.memory_space<hbm>>
      %dma_start3A_236 = arith.constant 0 : i32
      %dma_start3A_237 = tpu.memref_slice %arg2[%add3A_232, %dma_start3A_236] : memref<1024x512xi32, #tpu.memory_space<hbm>> -> memref<1x512xi32, #tpu.memory_space<hbm>>
      %dma_start3A_238 = tpu.memref_squeeze %dma_start3A_237 : memref<1x512xi32, #tpu.memory_space<hbm>> -> memref<512xi32, #tpu.memory_space<hbm>>
      tpu.enqueue_dma source(%dma_start3A_238 : memref<512xi32, #tpu.memory_space<hbm>>) target(%arg14 : memref<512xi32, #tpu.memory_space<vmem>>) target_semaphore(%arg22 : memref<!tpu.dma_semaphore, #tpu.memory_space<semaphore_mem>>)
      %dma_start3A_239 = arith.constant 0 : i32
      %dma_start3A_240 = tpu.memref_slice %arg3[%add3A_232, %dma_start3A_239] : memref<1024x512xi32, #tpu.memory_space<hbm>> -> memref<1x512xi32, #tpu.memory_space<hbm>>
      %dma_start3A_241 = tpu.memref_squeeze %dma_start3A_240 : memref<1x512xi32, #tpu.memory_space<hbm>> -> memref<512xi32, #tpu.memory_space<hbm>>
      %dma_start3A_242 = arith.constant 0 : i32
      %dma_start3A_243 = tpu.memref_slice %arg3[%add3A_232, %dma_start3A_242] : memref<1024x512xi32, #tpu.memory_space<hbm>> -> memref<1x512xi32, #tpu.memory_space<hbm>>
      %dma_start3A_244 = tpu.memref_squeeze %dma_start3A_243 : memref<1x512xi32, #tpu.memory_space<hbm>> -> memref<512xi32, #tpu.memory_space<hbm>>
      tpu.enqueue_dma source(%dma_start3A_244 : memref<512xi32, #tpu.memory_space<hbm>>) target(%arg15 : memref<512xi32, #tpu.memory_space<vmem>>) target_semaphore(%arg22 : memref<!tpu.dma_semaphore, #tpu.memory_space<semaphore_mem>>)
      %dma_wait3A_245 = arith.constant 0 : i32
      %dma_wait3A_246 = tpu.memref_slice %arg2[%add3A_232, %dma_wait3A_245] : memref<1024x512xi32, #tpu.memory_space<hbm>> -> memref<1x512xi32, #tpu.memory_space<hbm>>
      %dma_wait3A_247 = tpu.memref_squeeze %dma_wait3A_246 : memref<1x512xi32, #tpu.memory_space<hbm>> -> memref<512xi32, #tpu.memory_space<hbm>>
      %dma_wait3A_248 = arith.constant 0 : i32
      %dma_wait3A_249 = tpu.memref_slice %arg2[%add3A_232, %dma_wait3A_248] : memref<1024x512xi32, #tpu.memory_space<hbm>> -> memref<1x512xi32, #tpu.memory_space<hbm>>
      %dma_wait3A_250 = tpu.memref_squeeze %dma_wait3A_249 : memref<1x512xi32, #tpu.memory_space<hbm>> -> memref<512xi32, #tpu.memory_space<hbm>>
      tpu.wait_dma2 semaphore(%arg22 : memref<!tpu.dma_semaphore, #tpu.memory_space<semaphore_mem>>) src(%dma_wait3A_250 : memref<512xi32, #tpu.memory_space<hbm>>) dst(%arg14 : memref<512xi32, #tpu.memory_space<vmem>>)
      %dma_wait3A_251 = arith.constant 0 : i32
      %dma_wait3A_252 = tpu.memref_slice %arg3[%add3A_232, %dma_wait3A_251] : memref<1024x512xi32, #tpu.memory_space<hbm>> -> memref<1x512xi32, #tpu.memory_space<hbm>>
      %dma_wait3A_253 = tpu.memref_squeeze %dma_wait3A_252 : memref<1x512xi32, #tpu.memory_space<hbm>> -> memref<512xi32, #tpu.memory_space<hbm>>
      %dma_wait3A_254 = arith.constant 0 : i32
      %dma_wait3A_255 = tpu.memref_slice %arg3[%add3A_232, %dma_wait3A_254] : memref<1024x512xi32, #tpu.memory_space<hbm>> -> memref<1x512xi32, #tpu.memory_space<hbm>>
      %dma_wait3A_256 = tpu.memref_squeeze %dma_wait3A_255 : memref<1x512xi32, #tpu.memory_space<hbm>> -> memref<512xi32, #tpu.memory_space<hbm>>
      tpu.wait_dma2 semaphore(%arg22 : memref<!tpu.dma_semaphore, #tpu.memory_space<semaphore_mem>>) src(%dma_wait3A_256 : memref<512xi32, #tpu.memory_space<hbm>>) dst(%arg15 : memref<512xi32, #tpu.memory_space<vmem>>)
      %dma_start3A_257 = arith.constant 0 : i32
      %dma_start3A_258 = arith.constant 0 : i32
      %dma_start3A_259 = tpu.memref_slice %arg18[%dma_start3A_257, %dma_start3A_258] : memref<424x128xf32, #tpu.memory_space<vmem>> -> memref<128x128xf32, #tpu.memory_space<vmem>>
      %dma_start3A_260 = arith.constant 0 : i32
      %dma_start3A_261 = tpu.memref_slice %arg14[%dma_start3A_260] : memref<512xi32, #tpu.memory_space<vmem>> -> memref<128xi32, #tpu.memory_space<vmem>>
      %dma_start3A_262 = arith.constant 0 : i32
      %dma_start3A_263 = arith.constant 0 : i32
      %dma_start3A_264 = tpu.memref_slice %arg5[%dma_start3A_262, %dma_start3A_263] : memref<50000x128xf32, #tpu.memory_space<hbm>> -> memref<50000x128xf32, #tpu.memory_space<hbm>>
      tpu.enqueue_indirect_dma source(%dma_start3A_264 : memref<50000x128xf32, #tpu.memory_space<hbm>>) target(%dma_start3A_259 : memref<128x128xf32, #tpu.memory_space<vmem>>) offsets(%dma_start3A_261 : memref<128xi32, #tpu.memory_space<vmem>>) semaphore(%arg22 : memref<!tpu.dma_semaphore, #tpu.memory_space<semaphore_mem>>)
      %dma_start3A_265 = arith.constant 0 : i32
      %dma_start3A_266 = arith.constant 0 : i32
      %dma_start3A_267 = tpu.memref_slice %arg19[%dma_start3A_265, %dma_start3A_266] : memref<424x16xf32, #tpu.memory_space<vmem>> -> memref<128x16xf32, #tpu.memory_space<vmem>>
      %dma_start3A_268 = arith.constant 0 : i32
      %dma_start3A_269 = tpu.memref_slice %arg15[%dma_start3A_268] : memref<512xi32, #tpu.memory_space<vmem>> -> memref<128xi32, #tpu.memory_space<vmem>>
      %dma_start3A_270 = arith.constant 0 : i32
      %dma_start3A_271 = arith.constant 0 : i32
      %dma_start3A_272 = tpu.memref_slice %arg6[%dma_start3A_270, %dma_start3A_271] : memref<800000x16xf32, #tpu.memory_space<hbm>> -> memref<800000x16xf32, #tpu.memory_space<hbm>>
      tpu.enqueue_indirect_dma source(%dma_start3A_272 : memref<800000x16xf32, #tpu.memory_space<hbm>>) target(%dma_start3A_267 : memref<128x16xf32, #tpu.memory_space<vmem>>) offsets(%dma_start3A_269 : memref<128xi32, #tpu.memory_space<vmem>>) semaphore(%arg22 : memref<!tpu.dma_semaphore, #tpu.memory_space<semaphore_mem>>)
      %dma_start3A_273 = arith.constant 0 : i32
      %dma_start3A_274 = tpu.memref_slice %arg16[%dma_start3A_273] : memref<512xf32, #tpu.memory_space<vmem>> -> memref<128xf32, #tpu.memory_space<vmem>>
      %dma_start3A_275 = arith.constant 0 : i32
      %dma_start3A_276 = tpu.memref_slice %arg15[%dma_start3A_275] : memref<512xi32, #tpu.memory_space<vmem>> -> memref<128xi32, #tpu.memory_space<vmem>>
      %dma_start3A_277 = arith.constant 0 : i32
      %dma_start3A_278 = tpu.memref_slice %arg4[%dma_start3A_277] : memref<800000xf32, #tpu.memory_space<hbm>> -> memref<800000xf32, #tpu.memory_space<hbm>>
      tpu.enqueue_indirect_dma source(%dma_start3A_278 : memref<800000xf32, #tpu.memory_space<hbm>>) target(%dma_start3A_274 : memref<128xf32, #tpu.memory_space<vmem>>) offsets(%dma_start3A_276 : memref<128xi32, #tpu.memory_space<vmem>>) semaphore(%arg22 : memref<!tpu.dma_semaphore, #tpu.memory_space<semaphore_mem>>)
      %dma_start3A_279 = arith.constant 128 : i32
      %dma_start3A_280 = arith.constant 0 : i32
      %dma_start3A_281 = tpu.memref_slice %arg18[%dma_start3A_279, %dma_start3A_280] : memref<424x128xf32, #tpu.memory_space<vmem>> -> memref<128x128xf32, #tpu.memory_space<vmem>>
      %dma_start3A_282 = arith.constant 128 : i32
      %dma_start3A_283 = tpu.memref_slice %arg14[%dma_start3A_282] : memref<512xi32, #tpu.memory_space<vmem>> -> memref<128xi32, #tpu.memory_space<vmem>>
      %dma_start3A_284 = arith.constant 0 : i32
      %dma_start3A_285 = arith.constant 0 : i32
      %dma_start3A_286 = tpu.memref_slice %arg5[%dma_start3A_284, %dma_start3A_285] : memref<50000x128xf32, #tpu.memory_space<hbm>> -> memref<50000x128xf32, #tpu.memory_space<hbm>>
      tpu.enqueue_indirect_dma source(%dma_start3A_286 : memref<50000x128xf32, #tpu.memory_space<hbm>>) target(%dma_start3A_281 : memref<128x128xf32, #tpu.memory_space<vmem>>) offsets(%dma_start3A_283 : memref<128xi32, #tpu.memory_space<vmem>>) semaphore(%arg22 : memref<!tpu.dma_semaphore, #tpu.memory_space<semaphore_mem>>)
      %dma_start3A_287 = arith.constant 128 : i32
      %dma_start3A_288 = arith.constant 0 : i32
      %dma_start3A_289 = tpu.memref_slice %arg19[%dma_start3A_287, %dma_start3A_288] : memref<424x16xf32, #tpu.memory_space<vmem>> -> memref<128x16xf32, #tpu.memory_space<vmem>>
      %dma_start3A_290 = arith.constant 128 : i32
      %dma_start3A_291 = tpu.memref_slice %arg15[%dma_start3A_290] : memref<512xi32, #tpu.memory_space<vmem>> -> memref<128xi32, #tpu.memory_space<vmem>>
      %dma_start3A_292 = arith.constant 0 : i32
      %dma_start3A_293 = arith.constant 0 : i32
      %dma_start3A_294 = tpu.memref_slice %arg6[%dma_start3A_292, %dma_start3A_293] : memref<800000x16xf32, #tpu.memory_space<hbm>> -> memref<800000x16xf32, #tpu.memory_space<hbm>>
      tpu.enqueue_indirect_dma source(%dma_start3A_294 : memref<800000x16xf32, #tpu.memory_space<hbm>>) target(%dma_start3A_289 : memref<128x16xf32, #tpu.memory_space<vmem>>) offsets(%dma_start3A_291 : memref<128xi32, #tpu.memory_space<vmem>>) semaphore(%arg22 : memref<!tpu.dma_semaphore, #tpu.memory_space<semaphore_mem>>)
      %dma_start3A_295 = arith.constant 128 : i32
      %dma_start3A_296 = tpu.memref_slice %arg16[%dma_start3A_295] : memref<512xf32, #tpu.memory_space<vmem>> -> memref<128xf32, #tpu.memory_space<vmem>>
      %dma_start3A_297 = arith.constant 128 : i32
      %dma_start3A_298 = tpu.memref_slice %arg15[%dma_start3A_297] : memref<512xi32, #tpu.memory_space<vmem>> -> memref<128xi32, #tpu.memory_space<vmem>>
      %dma_start3A_299 = arith.constant 0 : i32
      %dma_start3A_300 = tpu.memref_slice %arg4[%dma_start3A_299] : memref<800000xf32, #tpu.memory_space<hbm>> -> memref<800000xf32, #tpu.memory_space<hbm>>
      tpu.enqueue_indirect_dma source(%dma_start3A_300 : memref<800000xf32, #tpu.memory_space<hbm>>) target(%dma_start3A_296 : memref<128xf32, #tpu.memory_space<vmem>>) offsets(%dma_start3A_298 : memref<128xi32, #tpu.memory_space<vmem>>) semaphore(%arg22 : memref<!tpu.dma_semaphore, #tpu.memory_space<semaphore_mem>>)
      %dma_start3A_301 = arith.constant 256 : i32
      %dma_start3A_302 = arith.constant 0 : i32
      %dma_start3A_303 = tpu.memref_slice %arg18[%dma_start3A_301, %dma_start3A_302] : memref<424x128xf32, #tpu.memory_space<vmem>> -> memref<128x128xf32, #tpu.memory_space<vmem>>
      %dma_start3A_304 = arith.constant 256 : i32
      %dma_start3A_305 = tpu.memref_slice %arg14[%dma_start3A_304] : memref<512xi32, #tpu.memory_space<vmem>> -> memref<128xi32, #tpu.memory_space<vmem>>
      %dma_start3A_306 = arith.constant 0 : i32
      %dma_start3A_307 = arith.constant 0 : i32
      %dma_start3A_308 = tpu.memref_slice %arg5[%dma_start3A_306, %dma_start3A_307] : memref<50000x128xf32, #tpu.memory_space<hbm>> -> memref<50000x128xf32, #tpu.memory_space<hbm>>
      tpu.enqueue_indirect_dma source(%dma_start3A_308 : memref<50000x128xf32, #tpu.memory_space<hbm>>) target(%dma_start3A_303 : memref<128x128xf32, #tpu.memory_space<vmem>>) offsets(%dma_start3A_305 : memref<128xi32, #tpu.memory_space<vmem>>) semaphore(%arg22 : memref<!tpu.dma_semaphore, #tpu.memory_space<semaphore_mem>>)
      %dma_start3A_309 = arith.constant 256 : i32
      %dma_start3A_310 = arith.constant 0 : i32
      %dma_start3A_311 = tpu.memref_slice %arg19[%dma_start3A_309, %dma_start3A_310] : memref<424x16xf32, #tpu.memory_space<vmem>> -> memref<128x16xf32, #tpu.memory_space<vmem>>
      %dma_start3A_312 = arith.constant 256 : i32
      %dma_start3A_313 = tpu.memref_slice %arg15[%dma_start3A_312] : memref<512xi32, #tpu.memory_space<vmem>> -> memref<128xi32, #tpu.memory_space<vmem>>
      %dma_start3A_314 = arith.constant 0 : i32
      %dma_start3A_315 = arith.constant 0 : i32
      %dma_start3A_316 = tpu.memref_slice %arg6[%dma_start3A_314, %dma_start3A_315] : memref<800000x16xf32, #tpu.memory_space<hbm>> -> memref<800000x16xf32, #tpu.memory_space<hbm>>
      tpu.enqueue_indirect_dma source(%dma_start3A_316 : memref<800000x16xf32, #tpu.memory_space<hbm>>) target(%dma_start3A_311 : memref<128x16xf32, #tpu.memory_space<vmem>>) offsets(%dma_start3A_313 : memref<128xi32, #tpu.memory_space<vmem>>) semaphore(%arg22 : memref<!tpu.dma_semaphore, #tpu.memory_space<semaphore_mem>>)
      %dma_start3A_317 = arith.constant 256 : i32
      %dma_start3A_318 = tpu.memref_slice %arg16[%dma_start3A_317] : memref<512xf32, #tpu.memory_space<vmem>> -> memref<128xf32, #tpu.memory_space<vmem>>
      %dma_start3A_319 = arith.constant 256 : i32
      %dma_start3A_320 = tpu.memref_slice %arg15[%dma_start3A_319] : memref<512xi32, #tpu.memory_space<vmem>> -> memref<128xi32, #tpu.memory_space<vmem>>
      %dma_start3A_321 = arith.constant 0 : i32
      %dma_start3A_322 = tpu.memref_slice %arg4[%dma_start3A_321] : memref<800000xf32, #tpu.memory_space<hbm>> -> memref<800000xf32, #tpu.memory_space<hbm>>
      tpu.enqueue_indirect_dma source(%dma_start3A_322 : memref<800000xf32, #tpu.memory_space<hbm>>) target(%dma_start3A_318 : memref<128xf32, #tpu.memory_space<vmem>>) offsets(%dma_start3A_320 : memref<128xi32, #tpu.memory_space<vmem>>) semaphore(%arg22 : memref<!tpu.dma_semaphore, #tpu.memory_space<semaphore_mem>>)
      %dma_start3A_323 = arith.constant 384 : i32
      %dma_start3A_324 = arith.constant 0 : i32
      %dma_start3A_325 = tpu.memref_slice %arg18[%dma_start3A_323, %dma_start3A_324] : memref<424x128xf32, #tpu.memory_space<vmem>> -> memref<40x128xf32, #tpu.memory_space<vmem>>
      %dma_start3A_326 = arith.constant 384 : i32
      %dma_start3A_327 = tpu.memref_slice %arg14[%dma_start3A_326] : memref<512xi32, #tpu.memory_space<vmem>> -> memref<40xi32, #tpu.memory_space<vmem>>
      %dma_start3A_328 = arith.constant 0 : i32
      %dma_start3A_329 = arith.constant 0 : i32
      %dma_start3A_330 = tpu.memref_slice %arg5[%dma_start3A_328, %dma_start3A_329] : memref<50000x128xf32, #tpu.memory_space<hbm>> -> memref<50000x128xf32, #tpu.memory_space<hbm>>
      tpu.enqueue_indirect_dma source(%dma_start3A_330 : memref<50000x128xf32, #tpu.memory_space<hbm>>) target(%dma_start3A_325 : memref<40x128xf32, #tpu.memory_space<vmem>>) offsets(%dma_start3A_327 : memref<40xi32, #tpu.memory_space<vmem>>) semaphore(%arg22 : memref<!tpu.dma_semaphore, #tpu.memory_space<semaphore_mem>>)
      %dma_start3A_331 = arith.constant 384 : i32
      %dma_start3A_332 = arith.constant 0 : i32
      %dma_start3A_333 = tpu.memref_slice %arg19[%dma_start3A_331, %dma_start3A_332] : memref<424x16xf32, #tpu.memory_space<vmem>> -> memref<40x16xf32, #tpu.memory_space<vmem>>
      %dma_start3A_334 = arith.constant 384 : i32
      %dma_start3A_335 = tpu.memref_slice %arg15[%dma_start3A_334] : memref<512xi32, #tpu.memory_space<vmem>> -> memref<40xi32, #tpu.memory_space<vmem>>
      %dma_start3A_336 = arith.constant 0 : i32
      %dma_start3A_337 = arith.constant 0 : i32
      %dma_start3A_338 = tpu.memref_slice %arg6[%dma_start3A_336, %dma_start3A_337] : memref<800000x16xf32, #tpu.memory_space<hbm>> -> memref<800000x16xf32, #tpu.memory_space<hbm>>
      tpu.enqueue_indirect_dma source(%dma_start3A_338 : memref<800000x16xf32, #tpu.memory_space<hbm>>) target(%dma_start3A_333 : memref<40x16xf32, #tpu.memory_space<vmem>>) offsets(%dma_start3A_335 : memref<40xi32, #tpu.memory_space<vmem>>) semaphore(%arg22 : memref<!tpu.dma_semaphore, #tpu.memory_space<semaphore_mem>>)
      %dma_start3A_339 = arith.constant 384 : i32
      %dma_start3A_340 = tpu.memref_slice %arg16[%dma_start3A_339] : memref<512xf32, #tpu.memory_space<vmem>> -> memref<40xf32, #tpu.memory_space<vmem>>
      %dma_start3A_341 = arith.constant 384 : i32
      %dma_start3A_342 = tpu.memref_slice %arg15[%dma_start3A_341] : memref<512xi32, #tpu.memory_space<vmem>> -> memref<40xi32, #tpu.memory_space<vmem>>
      %dma_start3A_343 = arith.constant 0 : i32
      %dma_start3A_344 = tpu.memref_slice %arg4[%dma_start3A_343] : memref<800000xf32, #tpu.memory_space<hbm>> -> memref<800000xf32, #tpu.memory_space<hbm>>
      tpu.enqueue_indirect_dma source(%dma_start3A_344 : memref<800000xf32, #tpu.memory_space<hbm>>) target(%dma_start3A_340 : memref<40xf32, #tpu.memory_space<vmem>>) offsets(%dma_start3A_342 : memref<40xi32, #tpu.memory_space<vmem>>) semaphore(%arg22 : memref<!tpu.dma_semaphore, #tpu.memory_space<semaphore_mem>>)
      %dma_wait3A_345 = arith.constant 0 : i32
      %dma_wait3A_346 = arith.constant 0 : i32
      %dma_wait3A_347 = tpu.memref_slice %arg12[%dma_wait3A_345, %dma_wait3A_346] : memref<424x128xf32, #tpu.memory_space<vmem>> -> memref<128x128xf32, #tpu.memory_space<vmem>>
      %dma_wait3A_348 = arith.constant 0 : i32
      %dma_wait3A_349 = tpu.memref_slice %arg8[%dma_wait3A_348] : memref<512xi32, #tpu.memory_space<vmem>> -> memref<128xi32, #tpu.memory_space<vmem>>
      %dma_wait3A_350 = arith.constant 0 : i32
      %dma_wait3A_351 = arith.constant 0 : i32
      %dma_wait3A_352 = tpu.memref_slice %arg5[%dma_wait3A_350, %dma_wait3A_351] : memref<50000x128xf32, #tpu.memory_space<hbm>> -> memref<50000x128xf32, #tpu.memory_space<hbm>>
      tpu.wait_indirect_dma semaphore(%arg21 : memref<!tpu.dma_semaphore, #tpu.memory_space<semaphore_mem>>) src(%dma_wait3A_352 : memref<50000x128xf32, #tpu.memory_space<hbm>>) dst(%dma_wait3A_347 : memref<128x128xf32, #tpu.memory_space<vmem>>)
      %dma_wait3A_353 = arith.constant 0 : i32
      %dma_wait3A_354 = arith.constant 0 : i32
      %dma_wait3A_355 = tpu.memref_slice %arg13[%dma_wait3A_353, %dma_wait3A_354] : memref<424x16xf32, #tpu.memory_space<vmem>> -> memref<128x16xf32, #tpu.memory_space<vmem>>
      %dma_wait3A_356 = arith.constant 0 : i32
      %dma_wait3A_357 = tpu.memref_slice %arg9[%dma_wait3A_356] : memref<512xi32, #tpu.memory_space<vmem>> -> memref<128xi32, #tpu.memory_space<vmem>>
      %dma_wait3A_358 = arith.constant 0 : i32
      %dma_wait3A_359 = arith.constant 0 : i32
      %dma_wait3A_360 = tpu.memref_slice %arg6[%dma_wait3A_358, %dma_wait3A_359] : memref<800000x16xf32, #tpu.memory_space<hbm>> -> memref<800000x16xf32, #tpu.memory_space<hbm>>
      tpu.wait_indirect_dma semaphore(%arg21 : memref<!tpu.dma_semaphore, #tpu.memory_space<semaphore_mem>>) src(%dma_wait3A_360 : memref<800000x16xf32, #tpu.memory_space<hbm>>) dst(%dma_wait3A_355 : memref<128x16xf32, #tpu.memory_space<vmem>>)
      %dma_wait3A_361 = arith.constant 0 : i32
      %dma_wait3A_362 = tpu.memref_slice %arg10[%dma_wait3A_361] : memref<512xf32, #tpu.memory_space<vmem>> -> memref<128xf32, #tpu.memory_space<vmem>>
      %dma_wait3A_363 = arith.constant 0 : i32
      %dma_wait3A_364 = tpu.memref_slice %arg9[%dma_wait3A_363] : memref<512xi32, #tpu.memory_space<vmem>> -> memref<128xi32, #tpu.memory_space<vmem>>
      %dma_wait3A_365 = arith.constant 0 : i32
      %dma_wait3A_366 = tpu.memref_slice %arg4[%dma_wait3A_365] : memref<800000xf32, #tpu.memory_space<hbm>> -> memref<800000xf32, #tpu.memory_space<hbm>>
      tpu.wait_indirect_dma semaphore(%arg21 : memref<!tpu.dma_semaphore, #tpu.memory_space<semaphore_mem>>) src(%dma_wait3A_366 : memref<800000xf32, #tpu.memory_space<hbm>>) dst(%dma_wait3A_362 : memref<128xf32, #tpu.memory_space<vmem>>)
      %dma_wait3A_367 = arith.constant 128 : i32
      %dma_wait3A_368 = arith.constant 0 : i32
      %dma_wait3A_369 = tpu.memref_slice %arg12[%dma_wait3A_367, %dma_wait3A_368] : memref<424x128xf32, #tpu.memory_space<vmem>> -> memref<128x128xf32, #tpu.memory_space<vmem>>
      %dma_wait3A_370 = arith.constant 128 : i32
      %dma_wait3A_371 = tpu.memref_slice %arg8[%dma_wait3A_370] : memref<512xi32, #tpu.memory_space<vmem>> -> memref<128xi32, #tpu.memory_space<vmem>>
      %dma_wait3A_372 = arith.constant 0 : i32
      %dma_wait3A_373 = arith.constant 0 : i32
      %dma_wait3A_374 = tpu.memref_slice %arg5[%dma_wait3A_372, %dma_wait3A_373] : memref<50000x128xf32, #tpu.memory_space<hbm>> -> memref<50000x128xf32, #tpu.memory_space<hbm>>
      tpu.wait_indirect_dma semaphore(%arg21 : memref<!tpu.dma_semaphore, #tpu.memory_space<semaphore_mem>>) src(%dma_wait3A_374 : memref<50000x128xf32, #tpu.memory_space<hbm>>) dst(%dma_wait3A_369 : memref<128x128xf32, #tpu.memory_space<vmem>>)
      %dma_wait3A_375 = arith.constant 128 : i32
      %dma_wait3A_376 = arith.constant 0 : i32
      %dma_wait3A_377 = tpu.memref_slice %arg13[%dma_wait3A_375, %dma_wait3A_376] : memref<424x16xf32, #tpu.memory_space<vmem>> -> memref<128x16xf32, #tpu.memory_space<vmem>>
      %dma_wait3A_378 = arith.constant 128 : i32
      %dma_wait3A_379 = tpu.memref_slice %arg9[%dma_wait3A_378] : memref<512xi32, #tpu.memory_space<vmem>> -> memref<128xi32, #tpu.memory_space<vmem>>
      %dma_wait3A_380 = arith.constant 0 : i32
      %dma_wait3A_381 = arith.constant 0 : i32
      %dma_wait3A_382 = tpu.memref_slice %arg6[%dma_wait3A_380, %dma_wait3A_381] : memref<800000x16xf32, #tpu.memory_space<hbm>> -> memref<800000x16xf32, #tpu.memory_space<hbm>>
      tpu.wait_indirect_dma semaphore(%arg21 : memref<!tpu.dma_semaphore, #tpu.memory_space<semaphore_mem>>) src(%dma_wait3A_382 : memref<800000x16xf32, #tpu.memory_space<hbm>>) dst(%dma_wait3A_377 : memref<128x16xf32, #tpu.memory_space<vmem>>)
      %dma_wait3A_383 = arith.constant 128 : i32
      %dma_wait3A_384 = tpu.memref_slice %arg10[%dma_wait3A_383] : memref<512xf32, #tpu.memory_space<vmem>> -> memref<128xf32, #tpu.memory_space<vmem>>
      %dma_wait3A_385 = arith.constant 128 : i32
      %dma_wait3A_386 = tpu.memref_slice %arg9[%dma_wait3A_385] : memref<512xi32, #tpu.memory_space<vmem>> -> memref<128xi32, #tpu.memory_space<vmem>>
      %dma_wait3A_387 = arith.constant 0 : i32
      %dma_wait3A_388 = tpu.memref_slice %arg4[%dma_wait3A_387] : memref<800000xf32, #tpu.memory_space<hbm>> -> memref<800000xf32, #tpu.memory_space<hbm>>
      tpu.wait_indirect_dma semaphore(%arg21 : memref<!tpu.dma_semaphore, #tpu.memory_space<semaphore_mem>>) src(%dma_wait3A_388 : memref<800000xf32, #tpu.memory_space<hbm>>) dst(%dma_wait3A_384 : memref<128xf32, #tpu.memory_space<vmem>>)
      %dma_wait3A_389 = arith.constant 256 : i32
      %dma_wait3A_390 = arith.constant 0 : i32
      %dma_wait3A_391 = tpu.memref_slice %arg12[%dma_wait3A_389, %dma_wait3A_390] : memref<424x128xf32, #tpu.memory_space<vmem>> -> memref<128x128xf32, #tpu.memory_space<vmem>>
      %dma_wait3A_392 = arith.constant 256 : i32
      %dma_wait3A_393 = tpu.memref_slice %arg8[%dma_wait3A_392] : memref<512xi32, #tpu.memory_space<vmem>> -> memref<128xi32, #tpu.memory_space<vmem>>
      %dma_wait3A_394 = arith.constant 0 : i32
      %dma_wait3A_395 = arith.constant 0 : i32
      %dma_wait3A_396 = tpu.memref_slice %arg5[%dma_wait3A_394, %dma_wait3A_395] : memref<50000x128xf32, #tpu.memory_space<hbm>> -> memref<50000x128xf32, #tpu.memory_space<hbm>>
      tpu.wait_indirect_dma semaphore(%arg21 : memref<!tpu.dma_semaphore, #tpu.memory_space<semaphore_mem>>) src(%dma_wait3A_396 : memref<50000x128xf32, #tpu.memory_space<hbm>>) dst(%dma_wait3A_391 : memref<128x128xf32, #tpu.memory_space<vmem>>)
      %dma_wait3A_397 = arith.constant 256 : i32
      %dma_wait3A_398 = arith.constant 0 : i32
      %dma_wait3A_399 = tpu.memref_slice %arg13[%dma_wait3A_397, %dma_wait3A_398] : memref<424x16xf32, #tpu.memory_space<vmem>> -> memref<128x16xf32, #tpu.memory_space<vmem>>
      %dma_wait3A_400 = arith.constant 256 : i32
      %dma_wait3A_401 = tpu.memref_slice %arg9[%dma_wait3A_400] : memref<512xi32, #tpu.memory_space<vmem>> -> memref<128xi32, #tpu.memory_space<vmem>>
      %dma_wait3A_402 = arith.constant 0 : i32
      %dma_wait3A_403 = arith.constant 0 : i32
      %dma_wait3A_404 = tpu.memref_slice %arg6[%dma_wait3A_402, %dma_wait3A_403] : memref<800000x16xf32, #tpu.memory_space<hbm>> -> memref<800000x16xf32, #tpu.memory_space<hbm>>
      tpu.wait_indirect_dma semaphore(%arg21 : memref<!tpu.dma_semaphore, #tpu.memory_space<semaphore_mem>>) src(%dma_wait3A_404 : memref<800000x16xf32, #tpu.memory_space<hbm>>) dst(%dma_wait3A_399 : memref<128x16xf32, #tpu.memory_space<vmem>>)
      %dma_wait3A_405 = arith.constant 256 : i32
      %dma_wait3A_406 = tpu.memref_slice %arg10[%dma_wait3A_405] : memref<512xf32, #tpu.memory_space<vmem>> -> memref<128xf32, #tpu.memory_space<vmem>>
      %dma_wait3A_407 = arith.constant 256 : i32
      %dma_wait3A_408 = tpu.memref_slice %arg9[%dma_wait3A_407] : memref<512xi32, #tpu.memory_space<vmem>> -> memref<128xi32, #tpu.memory_space<vmem>>
      %dma_wait3A_409 = arith.constant 0 : i32
      %dma_wait3A_410 = tpu.memref_slice %arg4[%dma_wait3A_409] : memref<800000xf32, #tpu.memory_space<hbm>> -> memref<800000xf32, #tpu.memory_space<hbm>>
      tpu.wait_indirect_dma semaphore(%arg21 : memref<!tpu.dma_semaphore, #tpu.memory_space<semaphore_mem>>) src(%dma_wait3A_410 : memref<800000xf32, #tpu.memory_space<hbm>>) dst(%dma_wait3A_406 : memref<128xf32, #tpu.memory_space<vmem>>)
      %dma_wait3A_411 = arith.constant 384 : i32
      %dma_wait3A_412 = arith.constant 0 : i32
      %dma_wait3A_413 = tpu.memref_slice %arg12[%dma_wait3A_411, %dma_wait3A_412] : memref<424x128xf32, #tpu.memory_space<vmem>> -> memref<40x128xf32, #tpu.memory_space<vmem>>
      %dma_wait3A_414 = arith.constant 384 : i32
      %dma_wait3A_415 = tpu.memref_slice %arg8[%dma_wait3A_414] : memref<512xi32, #tpu.memory_space<vmem>> -> memref<40xi32, #tpu.memory_space<vmem>>
      %dma_wait3A_416 = arith.constant 0 : i32
      %dma_wait3A_417 = arith.constant 0 : i32
      %dma_wait3A_418 = tpu.memref_slice %arg5[%dma_wait3A_416, %dma_wait3A_417] : memref<50000x128xf32, #tpu.memory_space<hbm>> -> memref<50000x128xf32, #tpu.memory_space<hbm>>
      tpu.wait_indirect_dma semaphore(%arg21 : memref<!tpu.dma_semaphore, #tpu.memory_space<semaphore_mem>>) src(%dma_wait3A_418 : memref<50000x128xf32, #tpu.memory_space<hbm>>) dst(%dma_wait3A_413 : memref<40x128xf32, #tpu.memory_space<vmem>>)
      %dma_wait3A_419 = arith.constant 384 : i32
      %dma_wait3A_420 = arith.constant 0 : i32
      %dma_wait3A_421 = tpu.memref_slice %arg13[%dma_wait3A_419, %dma_wait3A_420] : memref<424x16xf32, #tpu.memory_space<vmem>> -> memref<40x16xf32, #tpu.memory_space<vmem>>
      %dma_wait3A_422 = arith.constant 384 : i32
      %dma_wait3A_423 = tpu.memref_slice %arg9[%dma_wait3A_422] : memref<512xi32, #tpu.memory_space<vmem>> -> memref<40xi32, #tpu.memory_space<vmem>>
      %dma_wait3A_424 = arith.constant 0 : i32
      %dma_wait3A_425 = arith.constant 0 : i32
      %dma_wait3A_426 = tpu.memref_slice %arg6[%dma_wait3A_424, %dma_wait3A_425] : memref<800000x16xf32, #tpu.memory_space<hbm>> -> memref<800000x16xf32, #tpu.memory_space<hbm>>
      tpu.wait_indirect_dma semaphore(%arg21 : memref<!tpu.dma_semaphore, #tpu.memory_space<semaphore_mem>>) src(%dma_wait3A_426 : memref<800000x16xf32, #tpu.memory_space<hbm>>) dst(%dma_wait3A_421 : memref<40x16xf32, #tpu.memory_space<vmem>>)
      %dma_wait3A_427 = arith.constant 384 : i32
      %dma_wait3A_428 = tpu.memref_slice %arg10[%dma_wait3A_427] : memref<512xf32, #tpu.memory_space<vmem>> -> memref<40xf32, #tpu.memory_space<vmem>>
      %dma_wait3A_429 = arith.constant 384 : i32
      %dma_wait3A_430 = tpu.memref_slice %arg9[%dma_wait3A_429] : memref<512xi32, #tpu.memory_space<vmem>> -> memref<40xi32, #tpu.memory_space<vmem>>
      %dma_wait3A_431 = arith.constant 0 : i32
      %dma_wait3A_432 = tpu.memref_slice %arg4[%dma_wait3A_431] : memref<800000xf32, #tpu.memory_space<hbm>> -> memref<800000xf32, #tpu.memory_space<hbm>>
      tpu.wait_indirect_dma semaphore(%arg21 : memref<!tpu.dma_semaphore, #tpu.memory_space<semaphore_mem>>) src(%dma_wait3A_432 : memref<800000xf32, #tpu.memory_space<hbm>>) dst(%dma_wait3A_428 : memref<40xf32, #tpu.memory_space<vmem>>)
      %get3A = arith.constant 0 : index
      %get3A_433 = tpu.vector_load %arg8[%get3A] {strides = array<i32>} : memref<512xi32, #tpu.memory_space<vmem>>, vector<16xi32>,
      %get3A_434 = vector.shape_cast %get3A_433 : vector<16xi32> to vector<16xi32>
      %get3A_435 = arith.constant 0 : index
      %get3A_436 = tpu.vector_load %arg10[%get3A_435] {strides = array<i32>} : memref<512xf32, #tpu.memory_space<vmem>>, vector<16xf32>,
      %get3A_437 = vector.shape_cast %get3A_436 : vector<16xf32> to vector<16xf32>
      %gt3A = arith.constant 0 : i32
      %gt3A_438 = vector.broadcast %gt3A : i32 to vector<16xi32>
      %gt3A_439 = arith.cmpi sgt, %get3A_434, %gt3A_438 : vector<16xi32>
      %jit3A = arith.constant 0.000000e+00 : f32
      %broadcast_in_dim3A_440 = vector.broadcast %jit3A : f32 to vector<16xf32>
      %select_n3A = arith.select %gt3A_439, %get3A_437, %broadcast_in_dim3A_440 : vector<16xi1>, vector<16xf32>
      %swap3A_441 = arith.constant 0 : index
      %swap3A_442 = tpu.vector_load %arg11[%swap3A_441] {strides = array<i32>} : memref<528xf32, #tpu.memory_space<vmem>>, vector<16xf32>,
      %swap3A_443 = vector.shape_cast %swap3A_442 : vector<16xf32> to vector<16xf32>
      %swap3A_444 = vector.shape_cast %select_n3A : vector<16xf32> to vector<16xf32>
      tpu.vector_store %arg11[%swap3A_441], %swap3A_444 {strides = array<i32>} : memref<528xf32, #tpu.memory_space<vmem>>, vector<16xf32>,
      %get3A_445 = arith.constant 16 : index
      %get3A_446 = tpu.vector_load %arg8[%get3A_445] {strides = array<i32>} : memref<512xi32, #tpu.memory_space<vmem>>, vector<16xi32>,
      %get3A_447 = vector.shape_cast %get3A_446 : vector<16xi32> to vector<16xi32>
      %get3A_448 = arith.constant 16 : index
      %get3A_449 = tpu.vector_load %arg10[%get3A_448] {strides = array<i32>} : memref<512xf32, #tpu.memory_space<vmem>>, vector<16xf32>,
      %get3A_450 = vector.shape_cast %get3A_449 : vector<16xf32> to vector<16xf32>
      %gt3A_451 = arith.constant 0 : i32
      %gt3A_452 = vector.broadcast %gt3A_451 : i32 to vector<16xi32>
      %gt3A_453 = arith.cmpi sgt, %get3A_447, %gt3A_452 : vector<16xi32>
      %jit3A_454 = arith.constant 0.000000e+00 : f32
      %broadcast_in_dim3A_455 = vector.broadcast %jit3A_454 : f32 to vector<16xf32>
      %select_n3A_456 = arith.select %gt3A_453, %get3A_450, %broadcast_in_dim3A_455 : vector<16xi1>, vector<16xf32>
      %swap3A_457 = arith.constant 16 : index
      %swap3A_458 = tpu.vector_load %arg11[%swap3A_457] {strides = array<i32>} : memref<528xf32, #tpu.memory_space<vmem>>, vector<16xf32>,
      %swap3A_459 = vector.shape_cast %swap3A_458 : vector<16xf32> to vector<16xf32>
      %swap3A_460 = vector.shape_cast %select_n3A_456 : vector<16xf32> to vector<16xf32>
      tpu.vector_store %arg11[%swap3A_457], %swap3A_460 {strides = array<i32>} : memref<528xf32, #tpu.memory_space<vmem>>, vector<16xf32>,
      %get3A_461 = arith.constant 32 : index
      %get3A_462 = tpu.vector_load %arg8[%get3A_461] {strides = array<i32>} : memref<512xi32, #tpu.memory_space<vmem>>, vector<16xi32>,
      %get3A_463 = vector.shape_cast %get3A_462 : vector<16xi32> to vector<16xi32>
      %get3A_464 = arith.constant 32 : index
      %get3A_465 = tpu.vector_load %arg10[%get3A_464] {strides = array<i32>} : memref<512xf32, #tpu.memory_space<vmem>>, vector<16xf32>,
      %get3A_466 = vector.shape_cast %get3A_465 : vector<16xf32> to vector<16xf32>
      %gt3A_467 = arith.constant 0 : i32
      %gt3A_468 = vector.broadcast %gt3A_467 : i32 to vector<16xi32>
      %gt3A_469 = arith.cmpi sgt, %get3A_463, %gt3A_468 : vector<16xi32>
      %jit3A_470 = arith.constant 0.000000e+00 : f32
      %broadcast_in_dim3A_471 = vector.broadcast %jit3A_470 : f32 to vector<16xf32>
      %select_n3A_472 = arith.select %gt3A_469, %get3A_466, %broadcast_in_dim3A_471 : vector<16xi1>, vector<16xf32>
      %swap3A_473 = arith.constant 32 : index
      %swap3A_474 = tpu.vector_load %arg11[%swap3A_473] {strides = array<i32>} : memref<528xf32, #tpu.memory_space<vmem>>, vector<16xf32>,
      %swap3A_475 = vector.shape_cast %swap3A_474 : vector<16xf32> to vector<16xf32>
      %swap3A_476 = vector.shape_cast %select_n3A_472 : vector<16xf32> to vector<16xf32>
      tpu.vector_store %arg11[%swap3A_473], %swap3A_476 {strides = array<i32>} : memref<528xf32, #tpu.memory_space<vmem>>, vector<16xf32>,
      %get3A_477 = arith.constant 48 : index
      %get3A_478 = tpu.vector_load %arg8[%get3A_477] {strides = array<i32>} : memref<512xi32, #tpu.memory_space<vmem>>, vector<16xi32>,
      %get3A_479 = vector.shape_cast %get3A_478 : vector<16xi32> to vector<16xi32>
      %get3A_480 = arith.constant 48 : index
      %get3A_481 = tpu.vector_load %arg10[%get3A_480] {strides = array<i32>} : memref<512xf32, #tpu.memory_space<vmem>>, vector<16xf32>,
      %get3A_482 = vector.shape_cast %get3A_481 : vector<16xf32> to vector<16xf32>
      %gt3A_483 = arith.constant 0 : i32
      %gt3A_484 = vector.broadcast %gt3A_483 : i32 to vector<16xi32>
      %gt3A_485 = arith.cmpi sgt, %get3A_479, %gt3A_484 : vector<16xi32>
      %jit3A_486 = arith.constant 0.000000e+00 : f32
      %broadcast_in_dim3A_487 = vector.broadcast %jit3A_486 : f32 to vector<16xf32>
      %select_n3A_488 = arith.select %gt3A_485, %get3A_482, %broadcast_in_dim3A_487 : vector<16xi1>, vector<16xf32>
      %swap3A_489 = arith.constant 48 : index
      %swap3A_490 = tpu.vector_load %arg11[%swap3A_489] {strides = array<i32>} : memref<528xf32, #tpu.memory_space<vmem>>, vector<16xf32>,
      %swap3A_491 = vector.shape_cast %swap3A_490 : vector<16xf32> to vector<16xf32>
      %swap3A_492 = vector.shape_cast %select_n3A_488 : vector<16xf32> to vector<16xf32>
      tpu.vector_store %arg11[%swap3A_489], %swap3A_492 {strides = array<i32>} : memref<528xf32, #tpu.memory_space<vmem>>, vector<16xf32>,
      %get3A_493 = arith.constant 64 : index
      %get3A_494 = tpu.vector_load %arg8[%get3A_493] {strides = array<i32>} : memref<512xi32, #tpu.memory_space<vmem>>, vector<16xi32>,
      %get3A_495 = vector.shape_cast %get3A_494 : vector<16xi32> to vector<16xi32>
      %get3A_496 = arith.constant 64 : index
      %get3A_497 = tpu.vector_load %arg10[%get3A_496] {strides = array<i32>} : memref<512xf32, #tpu.memory_space<vmem>>, vector<16xf32>,
      %get3A_498 = vector.shape_cast %get3A_497 : vector<16xf32> to vector<16xf32>
      %gt3A_499 = arith.constant 0 : i32
      %gt3A_500 = vector.broadcast %gt3A_499 : i32 to vector<16xi32>
      %gt3A_501 = arith.cmpi sgt, %get3A_495, %gt3A_500 : vector<16xi32>
      %jit3A_502 = arith.constant 0.000000e+00 : f32
      %broadcast_in_dim3A_503 = vector.broadcast %jit3A_502 : f32 to vector<16xf32>
      %select_n3A_504 = arith.select %gt3A_501, %get3A_498, %broadcast_in_dim3A_503 : vector<16xi1>, vector<16xf32>
      %swap3A_505 = arith.constant 64 : index
      %swap3A_506 = tpu.vector_load %arg11[%swap3A_505] {strides = array<i32>} : memref<528xf32, #tpu.memory_space<vmem>>, vector<16xf32>,
      %swap3A_507 = vector.shape_cast %swap3A_506 : vector<16xf32> to vector<16xf32>
      %swap3A_508 = vector.shape_cast %select_n3A_504 : vector<16xf32> to vector<16xf32>
      tpu.vector_store %arg11[%swap3A_505], %swap3A_508 {strides = array<i32>} : memref<528xf32, #tpu.memory_space<vmem>>, vector<16xf32>,
      %get3A_509 = arith.constant 80 : index
      %get3A_510 = tpu.vector_load %arg8[%get3A_509] {strides = array<i32>} : memref<512xi32, #tpu.memory_space<vmem>>, vector<16xi32>,
      %get3A_511 = vector.shape_cast %get3A_510 : vector<16xi32> to vector<16xi32>
      %get3A_512 = arith.constant 80 : index
      %get3A_513 = tpu.vector_load %arg10[%get3A_512] {strides = array<i32>} : memref<512xf32, #tpu.memory_space<vmem>>, vector<16xf32>,
      %get3A_514 = vector.shape_cast %get3A_513 : vector<16xf32> to vector<16xf32>
      %gt3A_515 = arith.constant 0 : i32
      %gt3A_516 = vector.broadcast %gt3A_515 : i32 to vector<16xi32>
      %gt3A_517 = arith.cmpi sgt, %get3A_511, %gt3A_516 : vector<16xi32>
      %jit3A_518 = arith.constant 0.000000e+00 : f32
      %broadcast_in_dim3A_519 = vector.broadcast %jit3A_518 : f32 to vector<16xf32>
      %select_n3A_520 = arith.select %gt3A_517, %get3A_514, %broadcast_in_dim3A_519 : vector<16xi1>, vector<16xf32>
      %swap3A_521 = arith.constant 80 : index
      %swap3A_522 = tpu.vector_load %arg11[%swap3A_521] {strides = array<i32>} : memref<528xf32, #tpu.memory_space<vmem>>, vector<16xf32>,
      %swap3A_523 = vector.shape_cast %swap3A_522 : vector<16xf32> to vector<16xf32>
      %swap3A_524 = vector.shape_cast %select_n3A_520 : vector<16xf32> to vector<16xf32>
      tpu.vector_store %arg11[%swap3A_521], %swap3A_524 {strides = array<i32>} : memref<528xf32, #tpu.memory_space<vmem>>, vector<16xf32>,
      %get3A_525 = arith.constant 96 : index
      %get3A_526 = tpu.vector_load %arg8[%get3A_525] {strides = array<i32>} : memref<512xi32, #tpu.memory_space<vmem>>, vector<16xi32>,
      %get3A_527 = vector.shape_cast %get3A_526 : vector<16xi32> to vector<16xi32>
      %get3A_528 = arith.constant 96 : index
      %get3A_529 = tpu.vector_load %arg10[%get3A_528] {strides = array<i32>} : memref<512xf32, #tpu.memory_space<vmem>>, vector<16xf32>,
      %get3A_530 = vector.shape_cast %get3A_529 : vector<16xf32> to vector<16xf32>
      %gt3A_531 = arith.constant 0 : i32
      %gt3A_532 = vector.broadcast %gt3A_531 : i32 to vector<16xi32>
      %gt3A_533 = arith.cmpi sgt, %get3A_527, %gt3A_532 : vector<16xi32>
      %jit3A_534 = arith.constant 0.000000e+00 : f32
      %broadcast_in_dim3A_535 = vector.broadcast %jit3A_534 : f32 to vector<16xf32>
      %select_n3A_536 = arith.select %gt3A_533, %get3A_530, %broadcast_in_dim3A_535 : vector<16xi1>, vector<16xf32>
      %swap3A_537 = arith.constant 96 : index
      %swap3A_538 = tpu.vector_load %arg11[%swap3A_537] {strides = array<i32>} : memref<528xf32, #tpu.memory_space<vmem>>, vector<16xf32>,
      %swap3A_539 = vector.shape_cast %swap3A_538 : vector<16xf32> to vector<16xf32>
      %swap3A_540 = vector.shape_cast %select_n3A_536 : vector<16xf32> to vector<16xf32>
      tpu.vector_store %arg11[%swap3A_537], %swap3A_540 {strides = array<i32>} : memref<528xf32, #tpu.memory_space<vmem>>, vector<16xf32>,
      %get3A_541 = arith.constant 112 : index
      %get3A_542 = tpu.vector_load %arg8[%get3A_541] {strides = array<i32>} : memref<512xi32, #tpu.memory_space<vmem>>, vector<16xi32>,
      %get3A_543 = vector.shape_cast %get3A_542 : vector<16xi32> to vector<16xi32>
      %get3A_544 = arith.constant 112 : index
      %get3A_545 = tpu.vector_load %arg10[%get3A_544] {strides = array<i32>} : memref<512xf32, #tpu.memory_space<vmem>>, vector<16xf32>,
      %get3A_546 = vector.shape_cast %get3A_545 : vector<16xf32> to vector<16xf32>
      %gt3A_547 = arith.constant 0 : i32
      %gt3A_548 = vector.broadcast %gt3A_547 : i32 to vector<16xi32>
      %gt3A_549 = arith.cmpi sgt, %get3A_543, %gt3A_548 : vector<16xi32>
      %jit3A_550 = arith.constant 0.000000e+00 : f32
      %broadcast_in_dim3A_551 = vector.broadcast %jit3A_550 : f32 to vector<16xf32>
      %select_n3A_552 = arith.select %gt3A_549, %get3A_546, %broadcast_in_dim3A_551 : vector<16xi1>, vector<16xf32>
      %swap3A_553 = arith.constant 112 : index
      %swap3A_554 = tpu.vector_load %arg11[%swap3A_553] {strides = array<i32>} : memref<528xf32, #tpu.memory_space<vmem>>, vector<16xf32>,
      %swap3A_555 = vector.shape_cast %swap3A_554 : vector<16xf32> to vector<16xf32>
      %swap3A_556 = vector.shape_cast %select_n3A_552 : vector<16xf32> to vector<16xf32>
      tpu.vector_store %arg11[%swap3A_553], %swap3A_556 {strides = array<i32>} : memref<528xf32, #tpu.memory_space<vmem>>, vector<16xf32>,
      %get3A_557 = arith.constant 128 : index
      %get3A_558 = tpu.vector_load %arg8[%get3A_557] {strides = array<i32>} : memref<512xi32, #tpu.memory_space<vmem>>, vector<16xi32>,
      %get3A_559 = vector.shape_cast %get3A_558 : vector<16xi32> to vector<16xi32>
      %get3A_560 = arith.constant 128 : index
      %get3A_561 = tpu.vector_load %arg10[%get3A_560] {strides = array<i32>} : memref<512xf32, #tpu.memory_space<vmem>>, vector<16xf32>,
      %get3A_562 = vector.shape_cast %get3A_561 : vector<16xf32> to vector<16xf32>
      %gt3A_563 = arith.constant 0 : i32
      %gt3A_564 = vector.broadcast %gt3A_563 : i32 to vector<16xi32>
      %gt3A_565 = arith.cmpi sgt, %get3A_559, %gt3A_564 : vector<16xi32>
      %jit3A_566 = arith.constant 0.000000e+00 : f32
      %broadcast_in_dim3A_567 = vector.broadcast %jit3A_566 : f32 to vector<16xf32>
      %select_n3A_568 = arith.select %gt3A_565, %get3A_562, %broadcast_in_dim3A_567 : vector<16xi1>, vector<16xf32>
      %swap3A_569 = arith.constant 128 : index
      %swap3A_570 = tpu.vector_load %arg11[%swap3A_569] {strides = array<i32>} : memref<528xf32, #tpu.memory_space<vmem>>, vector<16xf32>,
      %swap3A_571 = vector.shape_cast %swap3A_570 : vector<16xf32> to vector<16xf32>
      %swap3A_572 = vector.shape_cast %select_n3A_568 : vector<16xf32> to vector<16xf32>
      tpu.vector_store %arg11[%swap3A_569], %swap3A_572 {strides = array<i32>} : memref<528xf32, #tpu.memory_space<vmem>>, vector<16xf32>,
      %get3A_573 = arith.constant 144 : index
      %get3A_574 = tpu.vector_load %arg8[%get3A_573] {strides = array<i32>} : memref<512xi32, #tpu.memory_space<vmem>>, vector<16xi32>,
      %get3A_575 = vector.shape_cast %get3A_574 : vector<16xi32> to vector<16xi32>
      %get3A_576 = arith.constant 144 : index
      %get3A_577 = tpu.vector_load %arg10[%get3A_576] {strides = array<i32>} : memref<512xf32, #tpu.memory_space<vmem>>, vector<16xf32>,
      %get3A_578 = vector.shape_cast %get3A_577 : vector<16xf32> to vector<16xf32>
      %gt3A_579 = arith.constant 0 : i32
      %gt3A_580 = vector.broadcast %gt3A_579 : i32 to vector<16xi32>
      %gt3A_581 = arith.cmpi sgt, %get3A_575, %gt3A_580 : vector<16xi32>
      %jit3A_582 = arith.constant 0.000000e+00 : f32
      %broadcast_in_dim3A_583 = vector.broadcast %jit3A_582 : f32 to vector<16xf32>
      %select_n3A_584 = arith.select %gt3A_581, %get3A_578, %broadcast_in_dim3A_583 : vector<16xi1>, vector<16xf32>
      %swap3A_585 = arith.constant 144 : index
      %swap3A_586 = tpu.vector_load %arg11[%swap3A_585] {strides = array<i32>} : memref<528xf32, #tpu.memory_space<vmem>>, vector<16xf32>,
      %swap3A_587 = vector.shape_cast %swap3A_586 : vector<16xf32> to vector<16xf32>
      %swap3A_588 = vector.shape_cast %select_n3A_584 : vector<16xf32> to vector<16xf32>
      tpu.vector_store %arg11[%swap3A_585], %swap3A_588 {strides = array<i32>} : memref<528xf32, #tpu.memory_space<vmem>>, vector<16xf32>,
      %get3A_589 = arith.constant 160 : index
      %get3A_590 = tpu.vector_load %arg8[%get3A_589] {strides = array<i32>} : memref<512xi32, #tpu.memory_space<vmem>>, vector<16xi32>,
      %get3A_591 = vector.shape_cast %get3A_590 : vector<16xi32> to vector<16xi32>
      %get3A_592 = arith.constant 160 : index
      %get3A_593 = tpu.vector_load %arg10[%get3A_592] {strides = array<i32>} : memref<512xf32, #tpu.memory_space<vmem>>, vector<16xf32>,
      %get3A_594 = vector.shape_cast %get3A_593 : vector<16xf32> to vector<16xf32>
      %gt3A_595 = arith.constant 0 : i32
      %gt3A_596 = vector.broadcast %gt3A_595 : i32 to vector<16xi32>
      %gt3A_597 = arith.cmpi sgt, %get3A_591, %gt3A_596 : vector<16xi32>
      %jit3A_598 = arith.constant 0.000000e+00 : f32
      %broadcast_in_dim3A_599 = vector.broadcast %jit3A_598 : f32 to vector<16xf32>
      %select_n3A_600 = arith.select %gt3A_597, %get3A_594, %broadcast_in_dim3A_599 : vector<16xi1>, vector<16xf32>
      %swap3A_601 = arith.constant 160 : index
      %swap3A_602 = tpu.vector_load %arg11[%swap3A_601] {strides = array<i32>} : memref<528xf32, #tpu.memory_space<vmem>>, vector<16xf32>,
      %swap3A_603 = vector.shape_cast %swap3A_602 : vector<16xf32> to vector<16xf32>
      %swap3A_604 = vector.shape_cast %select_n3A_600 : vector<16xf32> to vector<16xf32>
      tpu.vector_store %arg11[%swap3A_601], %swap3A_604 {strides = array<i32>} : memref<528xf32, #tpu.memory_space<vmem>>, vector<16xf32>,
      %get3A_605 = arith.constant 176 : index
      %get3A_606 = tpu.vector_load %arg8[%get3A_605] {strides = array<i32>} : memref<512xi32, #tpu.memory_space<vmem>>, vector<16xi32>,
      %get3A_607 = vector.shape_cast %get3A_606 : vector<16xi32> to vector<16xi32>
      %get3A_608 = arith.constant 176 : index
      %get3A_609 = tpu.vector_load %arg10[%get3A_608] {strides = array<i32>} : memref<512xf32, #tpu.memory_space<vmem>>, vector<16xf32>,
      %get3A_610 = vector.shape_cast %get3A_609 : vector<16xf32> to vector<16xf32>
      %gt3A_611 = arith.constant 0 : i32
      %gt3A_612 = vector.broadcast %gt3A_611 : i32 to vector<16xi32>
      %gt3A_613 = arith.cmpi sgt, %get3A_607, %gt3A_612 : vector<16xi32>
      %jit3A_614 = arith.constant 0.000000e+00 : f32
      %broadcast_in_dim3A_615 = vector.broadcast %jit3A_614 : f32 to vector<16xf32>
      %select_n3A_616 = arith.select %gt3A_613, %get3A_610, %broadcast_in_dim3A_615 : vector<16xi1>, vector<16xf32>
      %swap3A_617 = arith.constant 176 : index
      %swap3A_618 = tpu.vector_load %arg11[%swap3A_617] {strides = array<i32>} : memref<528xf32, #tpu.memory_space<vmem>>, vector<16xf32>,
      %swap3A_619 = vector.shape_cast %swap3A_618 : vector<16xf32> to vector<16xf32>
      %swap3A_620 = vector.shape_cast %select_n3A_616 : vector<16xf32> to vector<16xf32>
      tpu.vector_store %arg11[%swap3A_617], %swap3A_620 {strides = array<i32>} : memref<528xf32, #tpu.memory_space<vmem>>, vector<16xf32>,
      %get3A_621 = arith.constant 192 : index
      %get3A_622 = tpu.vector_load %arg8[%get3A_621] {strides = array<i32>} : memref<512xi32, #tpu.memory_space<vmem>>, vector<16xi32>,
      %get3A_623 = vector.shape_cast %get3A_622 : vector<16xi32> to vector<16xi32>
      %get3A_624 = arith.constant 192 : index
      %get3A_625 = tpu.vector_load %arg10[%get3A_624] {strides = array<i32>} : memref<512xf32, #tpu.memory_space<vmem>>, vector<16xf32>,
      %get3A_626 = vector.shape_cast %get3A_625 : vector<16xf32> to vector<16xf32>
      %gt3A_627 = arith.constant 0 : i32
      %gt3A_628 = vector.broadcast %gt3A_627 : i32 to vector<16xi32>
      %gt3A_629 = arith.cmpi sgt, %get3A_623, %gt3A_628 : vector<16xi32>
      %jit3A_630 = arith.constant 0.000000e+00 : f32
      %broadcast_in_dim3A_631 = vector.broadcast %jit3A_630 : f32 to vector<16xf32>
      %select_n3A_632 = arith.select %gt3A_629, %get3A_626, %broadcast_in_dim3A_631 : vector<16xi1>, vector<16xf32>
      %swap3A_633 = arith.constant 192 : index
      %swap3A_634 = tpu.vector_load %arg11[%swap3A_633] {strides = array<i32>} : memref<528xf32, #tpu.memory_space<vmem>>, vector<16xf32>,
      %swap3A_635 = vector.shape_cast %swap3A_634 : vector<16xf32> to vector<16xf32>
      %swap3A_636 = vector.shape_cast %select_n3A_632 : vector<16xf32> to vector<16xf32>
      tpu.vector_store %arg11[%swap3A_633], %swap3A_636 {strides = array<i32>} : memref<528xf32, #tpu.memory_space<vmem>>, vector<16xf32>,
      %get3A_637 = arith.constant 208 : index
      %get3A_638 = tpu.vector_load %arg8[%get3A_637] {strides = array<i32>} : memref<512xi32, #tpu.memory_space<vmem>>, vector<16xi32>,
      %get3A_639 = vector.shape_cast %get3A_638 : vector<16xi32> to vector<16xi32>
      %get3A_640 = arith.constant 208 : index
      %get3A_641 = tpu.vector_load %arg10[%get3A_640] {strides = array<i32>} : memref<512xf32, #tpu.memory_space<vmem>>, vector<16xf32>,
      %get3A_642 = vector.shape_cast %get3A_641 : vector<16xf32> to vector<16xf32>
      %gt3A_643 = arith.constant 0 : i32
      %gt3A_644 = vector.broadcast %gt3A_643 : i32 to vector<16xi32>
      %gt3A_645 = arith.cmpi sgt, %get3A_639, %gt3A_644 : vector<16xi32>
      %jit3A_646 = arith.constant 0.000000e+00 : f32
      %broadcast_in_dim3A_647 = vector.broadcast %jit3A_646 : f32 to vector<16xf32>
      %select_n3A_648 = arith.select %gt3A_645, %get3A_642, %broadcast_in_dim3A_647 : vector<16xi1>, vector<16xf32>
      %swap3A_649 = arith.constant 208 : index
      %swap3A_650 = tpu.vector_load %arg11[%swap3A_649] {strides = array<i32>} : memref<528xf32, #tpu.memory_space<vmem>>, vector<16xf32>,
      %swap3A_651 = vector.shape_cast %swap3A_650 : vector<16xf32> to vector<16xf32>
      %swap3A_652 = vector.shape_cast %select_n3A_648 : vector<16xf32> to vector<16xf32>
      tpu.vector_store %arg11[%swap3A_649], %swap3A_652 {strides = array<i32>} : memref<528xf32, #tpu.memory_space<vmem>>, vector<16xf32>,
      %get3A_653 = arith.constant 224 : index
      %get3A_654 = tpu.vector_load %arg8[%get3A_653] {strides = array<i32>} : memref<512xi32, #tpu.memory_space<vmem>>, vector<16xi32>,
      %get3A_655 = vector.shape_cast %get3A_654 : vector<16xi32> to vector<16xi32>
      %get3A_656 = arith.constant 224 : index
      %get3A_657 = tpu.vector_load %arg10[%get3A_656] {strides = array<i32>} : memref<512xf32, #tpu.memory_space<vmem>>, vector<16xf32>,
      %get3A_658 = vector.shape_cast %get3A_657 : vector<16xf32> to vector<16xf32>
      %gt3A_659 = arith.constant 0 : i32
      %gt3A_660 = vector.broadcast %gt3A_659 : i32 to vector<16xi32>
      %gt3A_661 = arith.cmpi sgt, %get3A_655, %gt3A_660 : vector<16xi32>
      %jit3A_662 = arith.constant 0.000000e+00 : f32
      %broadcast_in_dim3A_663 = vector.broadcast %jit3A_662 : f32 to vector<16xf32>
      %select_n3A_664 = arith.select %gt3A_661, %get3A_658, %broadcast_in_dim3A_663 : vector<16xi1>, vector<16xf32>
      %swap3A_665 = arith.constant 224 : index
      %swap3A_666 = tpu.vector_load %arg11[%swap3A_665] {strides = array<i32>} : memref<528xf32, #tpu.memory_space<vmem>>, vector<16xf32>,
      %swap3A_667 = vector.shape_cast %swap3A_666 : vector<16xf32> to vector<16xf32>
      %swap3A_668 = vector.shape_cast %select_n3A_664 : vector<16xf32> to vector<16xf32>
      tpu.vector_store %arg11[%swap3A_665], %swap3A_668 {strides = array<i32>} : memref<528xf32, #tpu.memory_space<vmem>>, vector<16xf32>,
      %get3A_669 = arith.constant 240 : index
      %get3A_670 = tpu.vector_load %arg8[%get3A_669] {strides = array<i32>} : memref<512xi32, #tpu.memory_space<vmem>>, vector<16xi32>,
      %get3A_671 = vector.shape_cast %get3A_670 : vector<16xi32> to vector<16xi32>
      %get3A_672 = arith.constant 240 : index
      %get3A_673 = tpu.vector_load %arg10[%get3A_672] {strides = array<i32>} : memref<512xf32, #tpu.memory_space<vmem>>, vector<16xf32>,
      %get3A_674 = vector.shape_cast %get3A_673 : vector<16xf32> to vector<16xf32>
      %gt3A_675 = arith.constant 0 : i32
      %gt3A_676 = vector.broadcast %gt3A_675 : i32 to vector<16xi32>
      %gt3A_677 = arith.cmpi sgt, %get3A_671, %gt3A_676 : vector<16xi32>
      %jit3A_678 = arith.constant 0.000000e+00 : f32
      %broadcast_in_dim3A_679 = vector.broadcast %jit3A_678 : f32 to vector<16xf32>
      %select_n3A_680 = arith.select %gt3A_677, %get3A_674, %broadcast_in_dim3A_679 : vector<16xi1>, vector<16xf32>
      %swap3A_681 = arith.constant 240 : index
      %swap3A_682 = tpu.vector_load %arg11[%swap3A_681] {strides = array<i32>} : memref<528xf32, #tpu.memory_space<vmem>>, vector<16xf32>,
      %swap3A_683 = vector.shape_cast %swap3A_682 : vector<16xf32> to vector<16xf32>
      %swap3A_684 = vector.shape_cast %select_n3A_680 : vector<16xf32> to vector<16xf32>
      tpu.vector_store %arg11[%swap3A_681], %swap3A_684 {strides = array<i32>} : memref<528xf32, #tpu.memory_space<vmem>>, vector<16xf32>,
      %get3A_685 = arith.constant 256 : index
      %get3A_686 = tpu.vector_load %arg8[%get3A_685] {strides = array<i32>} : memref<512xi32, #tpu.memory_space<vmem>>, vector<16xi32>,
      %get3A_687 = vector.shape_cast %get3A_686 : vector<16xi32> to vector<16xi32>
      %get3A_688 = arith.constant 256 : index
      %get3A_689 = tpu.vector_load %arg10[%get3A_688] {strides = array<i32>} : memref<512xf32, #tpu.memory_space<vmem>>, vector<16xf32>,
      %get3A_690 = vector.shape_cast %get3A_689 : vector<16xf32> to vector<16xf32>
      %gt3A_691 = arith.constant 0 : i32
      %gt3A_692 = vector.broadcast %gt3A_691 : i32 to vector<16xi32>
      %gt3A_693 = arith.cmpi sgt, %get3A_687, %gt3A_692 : vector<16xi32>
      %jit3A_694 = arith.constant 0.000000e+00 : f32
      %broadcast_in_dim3A_695 = vector.broadcast %jit3A_694 : f32 to vector<16xf32>
      %select_n3A_696 = arith.select %gt3A_693, %get3A_690, %broadcast_in_dim3A_695 : vector<16xi1>, vector<16xf32>
      %swap3A_697 = arith.constant 256 : index
      %swap3A_698 = tpu.vector_load %arg11[%swap3A_697] {strides = array<i32>} : memref<528xf32, #tpu.memory_space<vmem>>, vector<16xf32>,
      %swap3A_699 = vector.shape_cast %swap3A_698 : vector<16xf32> to vector<16xf32>
      %swap3A_700 = vector.shape_cast %select_n3A_696 : vector<16xf32> to vector<16xf32>
      tpu.vector_store %arg11[%swap3A_697], %swap3A_700 {strides = array<i32>} : memref<528xf32, #tpu.memory_space<vmem>>, vector<16xf32>,
      %get3A_701 = arith.constant 272 : index
      %get3A_702 = tpu.vector_load %arg8[%get3A_701] {strides = array<i32>} : memref<512xi32, #tpu.memory_space<vmem>>, vector<16xi32>,
      %get3A_703 = vector.shape_cast %get3A_702 : vector<16xi32> to vector<16xi32>
      %get3A_704 = arith.constant 272 : index
      %get3A_705 = tpu.vector_load %arg10[%get3A_704] {strides = array<i32>} : memref<512xf32, #tpu.memory_space<vmem>>, vector<16xf32>,
      %get3A_706 = vector.shape_cast %get3A_705 : vector<16xf32> to vector<16xf32>
      %gt3A_707 = arith.constant 0 : i32
      %gt3A_708 = vector.broadcast %gt3A_707 : i32 to vector<16xi32>
      %gt3A_709 = arith.cmpi sgt, %get3A_703, %gt3A_708 : vector<16xi32>
      %jit3A_710 = arith.constant 0.000000e+00 : f32
      %broadcast_in_dim3A_711 = vector.broadcast %jit3A_710 : f32 to vector<16xf32>
      %select_n3A_712 = arith.select %gt3A_709, %get3A_706, %broadcast_in_dim3A_711 : vector<16xi1>, vector<16xf32>
      %swap3A_713 = arith.constant 272 : index
      %swap3A_714 = tpu.vector_load %arg11[%swap3A_713] {strides = array<i32>} : memref<528xf32, #tpu.memory_space<vmem>>, vector<16xf32>,
      %swap3A_715 = vector.shape_cast %swap3A_714 : vector<16xf32> to vector<16xf32>
      %swap3A_716 = vector.shape_cast %select_n3A_712 : vector<16xf32> to vector<16xf32>
      tpu.vector_store %arg11[%swap3A_713], %swap3A_716 {strides = array<i32>} : memref<528xf32, #tpu.memory_space<vmem>>, vector<16xf32>,
      %get3A_717 = arith.constant 288 : index
      %get3A_718 = tpu.vector_load %arg8[%get3A_717] {strides = array<i32>} : memref<512xi32, #tpu.memory_space<vmem>>, vector<16xi32>,
      %get3A_719 = vector.shape_cast %get3A_718 : vector<16xi32> to vector<16xi32>
      %get3A_720 = arith.constant 288 : index
      %get3A_721 = tpu.vector_load %arg10[%get3A_720] {strides = array<i32>} : memref<512xf32, #tpu.memory_space<vmem>>, vector<16xf32>,
      %get3A_722 = vector.shape_cast %get3A_721 : vector<16xf32> to vector<16xf32>
      %gt3A_723 = arith.constant 0 : i32
      %gt3A_724 = vector.broadcast %gt3A_723 : i32 to vector<16xi32>
      %gt3A_725 = arith.cmpi sgt, %get3A_719, %gt3A_724 : vector<16xi32>
      %jit3A_726 = arith.constant 0.000000e+00 : f32
      %broadcast_in_dim3A_727 = vector.broadcast %jit3A_726 : f32 to vector<16xf32>
      %select_n3A_728 = arith.select %gt3A_725, %get3A_722, %broadcast_in_dim3A_727 : vector<16xi1>, vector<16xf32>
      %swap3A_729 = arith.constant 288 : index
      %swap3A_730 = tpu.vector_load %arg11[%swap3A_729] {strides = array<i32>} : memref<528xf32, #tpu.memory_space<vmem>>, vector<16xf32>,
      %swap3A_731 = vector.shape_cast %swap3A_730 : vector<16xf32> to vector<16xf32>
      %swap3A_732 = vector.shape_cast %select_n3A_728 : vector<16xf32> to vector<16xf32>
      tpu.vector_store %arg11[%swap3A_729], %swap3A_732 {strides = array<i32>} : memref<528xf32, #tpu.memory_space<vmem>>, vector<16xf32>,
      %get3A_733 = arith.constant 304 : index
      %get3A_734 = tpu.vector_load %arg8[%get3A_733] {strides = array<i32>} : memref<512xi32, #tpu.memory_space<vmem>>, vector<16xi32>,
      %get3A_735 = vector.shape_cast %get3A_734 : vector<16xi32> to vector<16xi32>
      %get3A_736 = arith.constant 304 : index
      %get3A_737 = tpu.vector_load %arg10[%get3A_736] {strides = array<i32>} : memref<512xf32, #tpu.memory_space<vmem>>, vector<16xf32>,
      %get3A_738 = vector.shape_cast %get3A_737 : vector<16xf32> to vector<16xf32>
      %gt3A_739 = arith.constant 0 : i32
      %gt3A_740 = vector.broadcast %gt3A_739 : i32 to vector<16xi32>
      %gt3A_741 = arith.cmpi sgt, %get3A_735, %gt3A_740 : vector<16xi32>
      %jit3A_742 = arith.constant 0.000000e+00 : f32
      %broadcast_in_dim3A_743 = vector.broadcast %jit3A_742 : f32 to vector<16xf32>
      %select_n3A_744 = arith.select %gt3A_741, %get3A_738, %broadcast_in_dim3A_743 : vector<16xi1>, vector<16xf32>
      %swap3A_745 = arith.constant 304 : index
      %swap3A_746 = tpu.vector_load %arg11[%swap3A_745] {strides = array<i32>} : memref<528xf32, #tpu.memory_space<vmem>>, vector<16xf32>,
      %swap3A_747 = vector.shape_cast %swap3A_746 : vector<16xf32> to vector<16xf32>
      %swap3A_748 = vector.shape_cast %select_n3A_744 : vector<16xf32> to vector<16xf32>
      tpu.vector_store %arg11[%swap3A_745], %swap3A_748 {strides = array<i32>} : memref<528xf32, #tpu.memory_space<vmem>>, vector<16xf32>,
      %get3A_749 = arith.constant 320 : index
      %get3A_750 = tpu.vector_load %arg8[%get3A_749] {strides = array<i32>} : memref<512xi32, #tpu.memory_space<vmem>>, vector<16xi32>,
      %get3A_751 = vector.shape_cast %get3A_750 : vector<16xi32> to vector<16xi32>
      %get3A_752 = arith.constant 320 : index
      %get3A_753 = tpu.vector_load %arg10[%get3A_752] {strides = array<i32>} : memref<512xf32, #tpu.memory_space<vmem>>, vector<16xf32>,
      %get3A_754 = vector.shape_cast %get3A_753 : vector<16xf32> to vector<16xf32>
      %gt3A_755 = arith.constant 0 : i32
      %gt3A_756 = vector.broadcast %gt3A_755 : i32 to vector<16xi32>
      %gt3A_757 = arith.cmpi sgt, %get3A_751, %gt3A_756 : vector<16xi32>
      %jit3A_758 = arith.constant 0.000000e+00 : f32
      %broadcast_in_dim3A_759 = vector.broadcast %jit3A_758 : f32 to vector<16xf32>
      %select_n3A_760 = arith.select %gt3A_757, %get3A_754, %broadcast_in_dim3A_759 : vector<16xi1>, vector<16xf32>
      %swap3A_761 = arith.constant 320 : index
      %swap3A_762 = tpu.vector_load %arg11[%swap3A_761] {strides = array<i32>} : memref<528xf32, #tpu.memory_space<vmem>>, vector<16xf32>,
      %swap3A_763 = vector.shape_cast %swap3A_762 : vector<16xf32> to vector<16xf32>
      %swap3A_764 = vector.shape_cast %select_n3A_760 : vector<16xf32> to vector<16xf32>
      tpu.vector_store %arg11[%swap3A_761], %swap3A_764 {strides = array<i32>} : memref<528xf32, #tpu.memory_space<vmem>>, vector<16xf32>,
      %get3A_765 = arith.constant 336 : index
      %get3A_766 = tpu.vector_load %arg8[%get3A_765] {strides = array<i32>} : memref<512xi32, #tpu.memory_space<vmem>>, vector<16xi32>,
      %get3A_767 = vector.shape_cast %get3A_766 : vector<16xi32> to vector<16xi32>
      %get3A_768 = arith.constant 336 : index
      %get3A_769 = tpu.vector_load %arg10[%get3A_768] {strides = array<i32>} : memref<512xf32, #tpu.memory_space<vmem>>, vector<16xf32>,
      %get3A_770 = vector.shape_cast %get3A_769 : vector<16xf32> to vector<16xf32>
      %gt3A_771 = arith.constant 0 : i32
      %gt3A_772 = vector.broadcast %gt3A_771 : i32 to vector<16xi32>
      %gt3A_773 = arith.cmpi sgt, %get3A_767, %gt3A_772 : vector<16xi32>
      %jit3A_774 = arith.constant 0.000000e+00 : f32
      %broadcast_in_dim3A_775 = vector.broadcast %jit3A_774 : f32 to vector<16xf32>
      %select_n3A_776 = arith.select %gt3A_773, %get3A_770, %broadcast_in_dim3A_775 : vector<16xi1>, vector<16xf32>
      %swap3A_777 = arith.constant 336 : index
      %swap3A_778 = tpu.vector_load %arg11[%swap3A_777] {strides = array<i32>} : memref<528xf32, #tpu.memory_space<vmem>>, vector<16xf32>,
      %swap3A_779 = vector.shape_cast %swap3A_778 : vector<16xf32> to vector<16xf32>
      %swap3A_780 = vector.shape_cast %select_n3A_776 : vector<16xf32> to vector<16xf32>
      tpu.vector_store %arg11[%swap3A_777], %swap3A_780 {strides = array<i32>} : memref<528xf32, #tpu.memory_space<vmem>>, vector<16xf32>,
      %get3A_781 = arith.constant 352 : index
      %get3A_782 = tpu.vector_load %arg8[%get3A_781] {strides = array<i32>} : memref<512xi32, #tpu.memory_space<vmem>>, vector<16xi32>,
      %get3A_783 = vector.shape_cast %get3A_782 : vector<16xi32> to vector<16xi32>
      %get3A_784 = arith.constant 352 : index
      %get3A_785 = tpu.vector_load %arg10[%get3A_784] {strides = array<i32>} : memref<512xf32, #tpu.memory_space<vmem>>, vector<16xf32>,
      %get3A_786 = vector.shape_cast %get3A_785 : vector<16xf32> to vector<16xf32>
      %gt3A_787 = arith.constant 0 : i32
      %gt3A_788 = vector.broadcast %gt3A_787 : i32 to vector<16xi32>
      %gt3A_789 = arith.cmpi sgt, %get3A_783, %gt3A_788 : vector<16xi32>
      %jit3A_790 = arith.constant 0.000000e+00 : f32
      %broadcast_in_dim3A_791 = vector.broadcast %jit3A_790 : f32 to vector<16xf32>
      %select_n3A_792 = arith.select %gt3A_789, %get3A_786, %broadcast_in_dim3A_791 : vector<16xi1>, vector<16xf32>
      %swap3A_793 = arith.constant 352 : index
      %swap3A_794 = tpu.vector_load %arg11[%swap3A_793] {strides = array<i32>} : memref<528xf32, #tpu.memory_space<vmem>>, vector<16xf32>,
      %swap3A_795 = vector.shape_cast %swap3A_794 : vector<16xf32> to vector<16xf32>
      %swap3A_796 = vector.shape_cast %select_n3A_792 : vector<16xf32> to vector<16xf32>
      tpu.vector_store %arg11[%swap3A_793], %swap3A_796 {strides = array<i32>} : memref<528xf32, #tpu.memory_space<vmem>>, vector<16xf32>,
      %get3A_797 = arith.constant 368 : index
      %get3A_798 = tpu.vector_load %arg8[%get3A_797] {strides = array<i32>} : memref<512xi32, #tpu.memory_space<vmem>>, vector<16xi32>,
      %get3A_799 = vector.shape_cast %get3A_798 : vector<16xi32> to vector<16xi32>
      %get3A_800 = arith.constant 368 : index
      %get3A_801 = tpu.vector_load %arg10[%get3A_800] {strides = array<i32>} : memref<512xf32, #tpu.memory_space<vmem>>, vector<16xf32>,
      %get3A_802 = vector.shape_cast %get3A_801 : vector<16xf32> to vector<16xf32>
      %gt3A_803 = arith.constant 0 : i32
      %gt3A_804 = vector.broadcast %gt3A_803 : i32 to vector<16xi32>
      %gt3A_805 = arith.cmpi sgt, %get3A_799, %gt3A_804 : vector<16xi32>
      %jit3A_806 = arith.constant 0.000000e+00 : f32
      %broadcast_in_dim3A_807 = vector.broadcast %jit3A_806 : f32 to vector<16xf32>
      %select_n3A_808 = arith.select %gt3A_805, %get3A_802, %broadcast_in_dim3A_807 : vector<16xi1>, vector<16xf32>
      %swap3A_809 = arith.constant 368 : index
      %swap3A_810 = tpu.vector_load %arg11[%swap3A_809] {strides = array<i32>} : memref<528xf32, #tpu.memory_space<vmem>>, vector<16xf32>,
      %swap3A_811 = vector.shape_cast %swap3A_810 : vector<16xf32> to vector<16xf32>
      %swap3A_812 = vector.shape_cast %select_n3A_808 : vector<16xf32> to vector<16xf32>
      tpu.vector_store %arg11[%swap3A_809], %swap3A_812 {strides = array<i32>} : memref<528xf32, #tpu.memory_space<vmem>>, vector<16xf32>,
      %get3A_813 = arith.constant 384 : index
      %get3A_814 = tpu.vector_load %arg8[%get3A_813] {strides = array<i32>} : memref<512xi32, #tpu.memory_space<vmem>>, vector<16xi32>,
      %get3A_815 = vector.shape_cast %get3A_814 : vector<16xi32> to vector<16xi32>
      %get3A_816 = arith.constant 384 : index
      %get3A_817 = tpu.vector_load %arg10[%get3A_816] {strides = array<i32>} : memref<512xf32, #tpu.memory_space<vmem>>, vector<16xf32>,
      %get3A_818 = vector.shape_cast %get3A_817 : vector<16xf32> to vector<16xf32>
      %gt3A_819 = arith.constant 0 : i32
      %gt3A_820 = vector.broadcast %gt3A_819 : i32 to vector<16xi32>
      %gt3A_821 = arith.cmpi sgt, %get3A_815, %gt3A_820 : vector<16xi32>
      %jit3A_822 = arith.constant 0.000000e+00 : f32
      %broadcast_in_dim3A_823 = vector.broadcast %jit3A_822 : f32 to vector<16xf32>
      %select_n3A_824 = arith.select %gt3A_821, %get3A_818, %broadcast_in_dim3A_823 : vector<16xi1>, vector<16xf32>
      %swap3A_825 = arith.constant 384 : index
      %swap3A_826 = tpu.vector_load %arg11[%swap3A_825] {strides = array<i32>} : memref<528xf32, #tpu.memory_space<vmem>>, vector<16xf32>,
      %swap3A_827 = vector.shape_cast %swap3A_826 : vector<16xf32> to vector<16xf32>
      %swap3A_828 = vector.shape_cast %select_n3A_824 : vector<16xf32> to vector<16xf32>
      tpu.vector_store %arg11[%swap3A_825], %swap3A_828 {strides = array<i32>} : memref<528xf32, #tpu.memory_space<vmem>>, vector<16xf32>,
      %get3A_829 = arith.constant 400 : index
      %get3A_830 = tpu.vector_load %arg8[%get3A_829] {strides = array<i32>} : memref<512xi32, #tpu.memory_space<vmem>>, vector<16xi32>,
      %get3A_831 = vector.shape_cast %get3A_830 : vector<16xi32> to vector<16xi32>
      %get3A_832 = arith.constant 400 : index
      %get3A_833 = tpu.vector_load %arg10[%get3A_832] {strides = array<i32>} : memref<512xf32, #tpu.memory_space<vmem>>, vector<16xf32>,
      %get3A_834 = vector.shape_cast %get3A_833 : vector<16xf32> to vector<16xf32>
      %gt3A_835 = arith.constant 0 : i32
      %gt3A_836 = vector.broadcast %gt3A_835 : i32 to vector<16xi32>
      %gt3A_837 = arith.cmpi sgt, %get3A_831, %gt3A_836 : vector<16xi32>
      %jit3A_838 = arith.constant 0.000000e+00 : f32
      %broadcast_in_dim3A_839 = vector.broadcast %jit3A_838 : f32 to vector<16xf32>
      %select_n3A_840 = arith.select %gt3A_837, %get3A_834, %broadcast_in_dim3A_839 : vector<16xi1>, vector<16xf32>
      %swap3A_841 = arith.constant 400 : index
      %swap3A_842 = tpu.vector_load %arg11[%swap3A_841] {strides = array<i32>} : memref<528xf32, #tpu.memory_space<vmem>>, vector<16xf32>,
      %swap3A_843 = vector.shape_cast %swap3A_842 : vector<16xf32> to vector<16xf32>
      %swap3A_844 = vector.shape_cast %select_n3A_840 : vector<16xf32> to vector<16xf32>
      tpu.vector_store %arg11[%swap3A_841], %swap3A_844 {strides = array<i32>} : memref<528xf32, #tpu.memory_space<vmem>>, vector<16xf32>,
      %get3A_845 = arith.constant 416 : index
      %get3A_846 = tpu.vector_load %arg8[%get3A_845] {strides = array<i32>} : memref<512xi32, #tpu.memory_space<vmem>>, vector<16xi32>,
      %get3A_847 = vector.shape_cast %get3A_846 : vector<16xi32> to vector<16xi32>
      %get3A_848 = arith.constant 416 : index
      %get3A_849 = tpu.vector_load %arg10[%get3A_848] {strides = array<i32>} : memref<512xf32, #tpu.memory_space<vmem>>, vector<16xf32>,
      %get3A_850 = vector.shape_cast %get3A_849 : vector<16xf32> to vector<16xf32>
      %gt3A_851 = arith.constant 0 : i32
      %gt3A_852 = vector.broadcast %gt3A_851 : i32 to vector<16xi32>
      %gt3A_853 = arith.cmpi sgt, %get3A_847, %gt3A_852 : vector<16xi32>
      %jit3A_854 = arith.constant 0.000000e+00 : f32
      %broadcast_in_dim3A_855 = vector.broadcast %jit3A_854 : f32 to vector<16xf32>
      %select_n3A_856 = arith.select %gt3A_853, %get3A_850, %broadcast_in_dim3A_855 : vector<16xi1>, vector<16xf32>
      %swap3A_857 = arith.constant 416 : index
      %swap3A_858 = tpu.vector_load %arg11[%swap3A_857] {strides = array<i32>} : memref<528xf32, #tpu.memory_space<vmem>>, vector<16xf32>,
      %swap3A_859 = vector.shape_cast %swap3A_858 : vector<16xf32> to vector<16xf32>
      %swap3A_860 = vector.shape_cast %select_n3A_856 : vector<16xf32> to vector<16xf32>
      tpu.vector_store %arg11[%swap3A_857], %swap3A_860 {strides = array<i32>} : memref<528xf32, #tpu.memory_space<vmem>>, vector<16xf32>,
      %scan3A_861 = arith.constant 0 : i32
      %scan3A_862 = arith.constant 20 : i32
      %scan3A_863 = arith.addi %scan3A_861, %scan3A_862 : i32
      %scan3A_864 = arith.constant 1 : i32
      %scan3A_865:9 = scf.for %scan3A_1674 = %scan3A_861 to %scan3A_863 step %scan3A_864 iter_args(%scan3A_1675 = %broadcast_in_dim3A_1, %scan3A_1676 = %broadcast_in_dim3A_1, %scan3A_1677 = %broadcast_in_dim3A_1, %scan3A_1678 = %broadcast_in_dim3A_1, %scan3A_1679 = %broadcast_in_dim3A_1, %scan3A_1680 = %broadcast_in_dim3A_1, %scan3A_1681 = %broadcast_in_dim3A_1, %scan3A_1682 = %broadcast_in_dim3A_1, %scan3A_1683 = %broadcast_in_dim3A_1) -> (vector<16xf32>, vector<16xf32>, vector<16xf32>, vector<16xf32>, vector<16xf32>, vector<16xf32>, vector<16xf32>, vector<16xf32>, vector<16xf32>)  : i32 {
        %scan3A_1684 = arith.constant 0 : i32
        %scan3A_1685 = arith.constant 20 : i32
        %scan3A_1686 = arith.addi %scan3A_1684, %scan3A_1685 : i32
        %scan3A_1687 = arith.constant 1 : i32
        %scan3A_1688:10 = scf.for %scan3A_1718 = %scan3A_1684 to %scan3A_1686 step %scan3A_1687 iter_args(%scan3A_1719 = %broadcast_in_dim3A_1, %scan3A_1720 = %broadcast_in_dim3A_1, %scan3A_1721 = %broadcast_in_dim3A_1, %scan3A_1722 = %broadcast_in_dim3A_1, %scan3A_1723 = %broadcast_in_dim3A_1, %scan3A_1724 = %broadcast_in_dim3A_1, %scan3A_1725 = %broadcast_in_dim3A_1, %scan3A_1726 = %broadcast_in_dim3A_1, %scan3A_1727 = %broadcast_in_dim3A_1, %scan3A_1728 = %broadcast_in_dim3A_1) -> (vector<16xf32>, vector<16xf32>, vector<16xf32>, vector<16xf32>, vector<16xf32>, vector<16xf32>, vector<16xf32>, vector<16xf32>, vector<16xf32>, vector<16xf32>)  : i32 {
          %mul3A_1729 = arith.constant 20 : i32
          %mul3A_1730 = arith.muli %scan3A_1674, %mul3A_1729 : i32
          %add3A_1731 = arith.addi %mul3A_1730, %scan3A_1718 : i32
          %get3A_1732 = arith.index_cast %add3A_1731 : i32 to index
          %get3A_1733 = tpu.vector_load %arg11[%get3A_1732] {strides = array<i32>} : memref<528xf32, #tpu.memory_space<vmem>>, vector<16xf32>,
          %get3A_1734 = vector.shape_cast %get3A_1733 : vector<16xf32> to vector<16xf32>
          %slice3A_1735 = vector.extract_strided_slice %get3A_1734 {offsets = [0], sizes = [1], strides = [1]} : vector<16xf32> to vector<1xf32>
          %squeeze3A_1736 = vector.extract %slice3A_1735[0] : f32 from vector<1xf32>
          %get3A_1737 = arith.index_cast %add3A_1731 : i32 to index
          %get3A_1738 = arith.constant 0 : index
          %get3A_1739 = tpu.vector_load %arg12[%get3A_1737, %get3A_1738] {strides = array<i32>} : memref<424x128xf32, #tpu.memory_space<vmem>>, vector<1x16xf32>,
          %get3A_1740 = vector.shape_cast %get3A_1739 : vector<1x16xf32> to vector<16xf32>
          %mul3A_1741 = vector.broadcast %squeeze3A_1736 : f32 to vector<16xf32>
          %mul3A_1742 = arith.mulf %mul3A_1741, %get3A_1740 : vector<16xf32>
          %add3A_1743 = arith.addf %scan3A_1719, %mul3A_1742 : vector<16xf32>
          %get3A_1744 = arith.index_cast %add3A_1731 : i32 to index
          %get3A_1745 = arith.constant 16 : index
          %get3A_1746 = tpu.vector_load %arg12[%get3A_1744, %get3A_1745] {strides = array<i32>} : memref<424x128xf32, #tpu.memory_space<vmem>>, vector<1x16xf32>,
          %get3A_1747 = vector.shape_cast %get3A_1746 : vector<1x16xf32> to vector<16xf32>
          %mul3A_1748 = vector.broadcast %squeeze3A_1736 : f32 to vector<16xf32>
          %mul3A_1749 = arith.mulf %mul3A_1748, %get3A_1747 : vector<16xf32>
          %add3A_1750 = arith.addf %scan3A_1720, %mul3A_1749 : vector<16xf32>
          %get3A_1751 = arith.index_cast %add3A_1731 : i32 to index
          %get3A_1752 = arith.constant 32 : index
          %get3A_1753 = tpu.vector_load %arg12[%get3A_1751, %get3A_1752] {strides = array<i32>} : memref<424x128xf32, #tpu.memory_space<vmem>>, vector<1x16xf32>,
          %get3A_1754 = vector.shape_cast %get3A_1753 : vector<1x16xf32> to vector<16xf32>
          %mul3A_1755 = vector.broadcast %squeeze3A_1736 : f32 to vector<16xf32>
          %mul3A_1756 = arith.mulf %mul3A_1755, %get3A_1754 : vector<16xf32>
          %add3A_1757 = arith.addf %scan3A_1721, %mul3A_1756 : vector<16xf32>
          %get3A_1758 = arith.index_cast %add3A_1731 : i32 to index
          %get3A_1759 = arith.constant 48 : index
          %get3A_1760 = tpu.vector_load %arg12[%get3A_1758, %get3A_1759] {strides = array<i32>} : memref<424x128xf32, #tpu.memory_space<vmem>>, vector<1x16xf32>,
          %get3A_1761 = vector.shape_cast %get3A_1760 : vector<1x16xf32> to vector<16xf32>
          %mul3A_1762 = vector.broadcast %squeeze3A_1736 : f32 to vector<16xf32>
          %mul3A_1763 = arith.mulf %mul3A_1762, %get3A_1761 : vector<16xf32>
          %add3A_1764 = arith.addf %scan3A_1722, %mul3A_1763 : vector<16xf32>
          %get3A_1765 = arith.index_cast %add3A_1731 : i32 to index
          %get3A_1766 = arith.constant 64 : index
          %get3A_1767 = tpu.vector_load %arg12[%get3A_1765, %get3A_1766] {strides = array<i32>} : memref<424x128xf32, #tpu.memory_space<vmem>>, vector<1x16xf32>,
          %get3A_1768 = vector.shape_cast %get3A_1767 : vector<1x16xf32> to vector<16xf32>
          %mul3A_1769 = vector.broadcast %squeeze3A_1736 : f32 to vector<16xf32>
          %mul3A_1770 = arith.mulf %mul3A_1769, %get3A_1768 : vector<16xf32>
          %add3A_1771 = arith.addf %scan3A_1723, %mul3A_1770 : vector<16xf32>
          %get3A_1772 = arith.index_cast %add3A_1731 : i32 to index
          %get3A_1773 = arith.constant 80 : index
          %get3A_1774 = tpu.vector_load %arg12[%get3A_1772, %get3A_1773] {strides = array<i32>} : memref<424x128xf32, #tpu.memory_space<vmem>>, vector<1x16xf32>,
          %get3A_1775 = vector.shape_cast %get3A_1774 : vector<1x16xf32> to vector<16xf32>
          %mul3A_1776 = vector.broadcast %squeeze3A_1736 : f32 to vector<16xf32>
          %mul3A_1777 = arith.mulf %mul3A_1776, %get3A_1775 : vector<16xf32>
          %add3A_1778 = arith.addf %scan3A_1724, %mul3A_1777 : vector<16xf32>
          %get3A_1779 = arith.index_cast %add3A_1731 : i32 to index
          %get3A_1780 = arith.constant 96 : index
          %get3A_1781 = tpu.vector_load %arg12[%get3A_1779, %get3A_1780] {strides = array<i32>} : memref<424x128xf32, #tpu.memory_space<vmem>>, vector<1x16xf32>,
          %get3A_1782 = vector.shape_cast %get3A_1781 : vector<1x16xf32> to vector<16xf32>
          %mul3A_1783 = vector.broadcast %squeeze3A_1736 : f32 to vector<16xf32>
          %mul3A_1784 = arith.mulf %mul3A_1783, %get3A_1782 : vector<16xf32>
          %add3A_1785 = arith.addf %scan3A_1725, %mul3A_1784 : vector<16xf32>
          %get3A_1786 = arith.index_cast %add3A_1731 : i32 to index
          %get3A_1787 = arith.constant 112 : index
          %get3A_1788 = tpu.vector_load %arg12[%get3A_1786, %get3A_1787] {strides = array<i32>} : memref<424x128xf32, #tpu.memory_space<vmem>>, vector<1x16xf32>,
          %get3A_1789 = vector.shape_cast %get3A_1788 : vector<1x16xf32> to vector<16xf32>
          %mul3A_1790 = vector.broadcast %squeeze3A_1736 : f32 to vector<16xf32>
          %mul3A_1791 = arith.mulf %mul3A_1790, %get3A_1789 : vector<16xf32>
          %add3A_1792 = arith.addf %scan3A_1726, %mul3A_1791 : vector<16xf32>
          %get3A_1793 = arith.index_cast %add3A_1731 : i32 to index
          %get3A_1794 = arith.constant 0 : index
          %get3A_1795 = tpu.vector_load %arg13[%get3A_1793, %get3A_1794] {strides = array<i32>} : memref<424x16xf32, #tpu.memory_space<vmem>>, vector<1x16xf32>,
          %get3A_1796 = vector.shape_cast %get3A_1795 : vector<1x16xf32> to vector<16xf32>
          %mul3A_1797 = vector.broadcast %squeeze3A_1736 : f32 to vector<16xf32>
          %mul3A_1798 = arith.mulf %mul3A_1797, %get3A_1796 : vector<16xf32>
          %add3A_1799 = arith.addf %scan3A_1727, %mul3A_1798 : vector<16xf32>
          %add3A_1800 = vector.broadcast %squeeze3A_1736 : f32 to vector<16xf32>
          %add3A_1801 = arith.addf %scan3A_1728, %add3A_1800 : vector<16xf32>
          scf.yield %add3A_1743, %add3A_1750, %add3A_1757, %add3A_1764, %add3A_1771, %add3A_1778, %add3A_1785, %add3A_1792, %add3A_1799, %add3A_1801 : vector<16xf32>, vector<16xf32>, vector<16xf32>, vector<16xf32>, vector<16xf32>, vector<16xf32>, vector<16xf32>, vector<16xf32>, vector<16xf32>, vector<16xf32>
        }
        %scan3A_1689 = arith.constant 20 : i32
        %add3A_1690 = arith.constant 400 : i32
        %add3A_1691 = arith.addi %add3A_1690, %scan3A_1674 : i32
        %get3A_1692 = arith.index_cast %add3A_1691 : i32 to index
        %get3A_1693 = tpu.vector_load %arg11[%get3A_1692] {strides = array<i32>} : memref<528xf32, #tpu.memory_space<vmem>>, vector<16xf32>,
        %get3A_1694 = vector.shape_cast %get3A_1693 : vector<16xf32> to vector<16xf32>
        %slice3A = vector.extract_strided_slice %get3A_1694 {offsets = [0], sizes = [1], strides = [1]} : vector<16xf32> to vector<1xf32>
        %squeeze3A = vector.extract %slice3A[0] : f32 from vector<1xf32>
        %add3A_1695 = vector.broadcast %squeeze3A : f32 to vector<16xf32>
        %add3A_1696 = arith.addf %add3A_1695, %broadcast_in_dim3A_1 : vector<16xf32>
        %add3A_1697 = arith.constant 9.99999997E-7 : f32
        %add3A_1698 = vector.broadcast %add3A_1697 : f32 to vector<16xf32>
        %add3A_1699 = arith.addf %scan3A_1688#9, %add3A_1698 : vector<16xf32>
        %div3A = arith.divf %add3A_1696, %add3A_1699 : vector<16xf32>
        %mul3A_1700 = arith.mulf %div3A, %scan3A_1688#0 : vector<16xf32>
        %add3A_1701 = arith.addf %scan3A_1675, %mul3A_1700 : vector<16xf32>
        %mul3A_1702 = arith.mulf %div3A, %scan3A_1688#1 : vector<16xf32>
        %add3A_1703 = arith.addf %scan3A_1676, %mul3A_1702 : vector<16xf32>
        %mul3A_1704 = arith.mulf %div3A, %scan3A_1688#2 : vector<16xf32>
        %add3A_1705 = arith.addf %scan3A_1677, %mul3A_1704 : vector<16xf32>
        %mul3A_1706 = arith.mulf %div3A, %scan3A_1688#3 : vector<16xf32>
        %add3A_1707 = arith.addf %scan3A_1678, %mul3A_1706 : vector<16xf32>
        %mul3A_1708 = arith.mulf %div3A, %scan3A_1688#4 : vector<16xf32>
        %add3A_1709 = arith.addf %scan3A_1679, %mul3A_1708 : vector<16xf32>
        %mul3A_1710 = arith.mulf %div3A, %scan3A_1688#5 : vector<16xf32>
        %add3A_1711 = arith.addf %scan3A_1680, %mul3A_1710 : vector<16xf32>
        %mul3A_1712 = arith.mulf %div3A, %scan3A_1688#6 : vector<16xf32>
        %add3A_1713 = arith.addf %scan3A_1681, %mul3A_1712 : vector<16xf32>
        %mul3A_1714 = arith.mulf %div3A, %scan3A_1688#7 : vector<16xf32>
        %add3A_1715 = arith.addf %scan3A_1682, %mul3A_1714 : vector<16xf32>
        %mul3A_1716 = arith.mulf %div3A, %scan3A_1688#8 : vector<16xf32>
        %add3A_1717 = arith.addf %scan3A_1683, %mul3A_1716 : vector<16xf32>
        scf.yield %add3A_1701, %add3A_1703, %add3A_1705, %add3A_1707, %add3A_1709, %add3A_1711, %add3A_1713, %add3A_1715, %add3A_1717 : vector<16xf32>, vector<16xf32>, vector<16xf32>, vector<16xf32>, vector<16xf32>, vector<16xf32>, vector<16xf32>, vector<16xf32>, vector<16xf32>
      }
      %scan3A_866 = arith.constant 20 : i32
      %scan3A_867 = arith.constant 0 : i32
      %scan3A_868 = arith.constant 20 : i32
      %scan3A_869 = arith.addi %scan3A_867, %scan3A_868 : i32
      %scan3A_870 = arith.constant 1 : i32
      %scan3A_871:10 = scf.for %scan3A_1674 = %scan3A_867 to %scan3A_869 step %scan3A_870 iter_args(%scan3A_1675 = %broadcast_in_dim3A_1, %scan3A_1676 = %broadcast_in_dim3A_1, %scan3A_1677 = %broadcast_in_dim3A_1, %scan3A_1678 = %broadcast_in_dim3A_1, %scan3A_1679 = %broadcast_in_dim3A_1, %scan3A_1680 = %broadcast_in_dim3A_1, %scan3A_1681 = %broadcast_in_dim3A_1, %scan3A_1682 = %broadcast_in_dim3A_1, %scan3A_1683 = %broadcast_in_dim3A_1, %scan3A_1684 = %broadcast_in_dim3A_1) -> (vector<16xf32>, vector<16xf32>, vector<16xf32>, vector<16xf32>, vector<16xf32>, vector<16xf32>, vector<16xf32>, vector<16xf32>, vector<16xf32>, vector<16xf32>)  : i32 {
        %add3A_1685 = arith.constant 400 : i32
        %add3A_1686 = arith.addi %add3A_1685, %scan3A_1674 : i32
        %get3A_1687 = arith.index_cast %add3A_1686 : i32 to index
        %get3A_1688 = tpu.vector_load %arg11[%get3A_1687] {strides = array<i32>} : memref<528xf32, #tpu.memory_space<vmem>>, vector<16xf32>,
        %get3A_1689 = vector.shape_cast %get3A_1688 : vector<16xf32> to vector<16xf32>
        %slice3A = vector.extract_strided_slice %get3A_1689 {offsets = [0], sizes = [1], strides = [1]} : vector<16xf32> to vector<1xf32>
        %squeeze3A = vector.extract %slice3A[0] : f32 from vector<1xf32>
        %get3A_1690 = arith.index_cast %add3A_1686 : i32 to index
        %get3A_1691 = arith.constant 0 : index
        %get3A_1692 = tpu.vector_load %arg12[%get3A_1690, %get3A_1691] {strides = array<i32>} : memref<424x128xf32, #tpu.memory_space<vmem>>, vector<1x16xf32>,
        %get3A_1693 = vector.shape_cast %get3A_1692 : vector<1x16xf32> to vector<16xf32>
        %mul3A_1694 = vector.broadcast %squeeze3A : f32 to vector<16xf32>
        %mul3A_1695 = arith.mulf %mul3A_1694, %get3A_1693 : vector<16xf32>
        %add3A_1696 = arith.addf %scan3A_1675, %mul3A_1695 : vector<16xf32>
        %get3A_1697 = arith.index_cast %add3A_1686 : i32 to index
        %get3A_1698 = arith.constant 16 : index
        %get3A_1699 = tpu.vector_load %arg12[%get3A_1697, %get3A_1698] {strides = array<i32>} : memref<424x128xf32, #tpu.memory_space<vmem>>, vector<1x16xf32>,
        %get3A_1700 = vector.shape_cast %get3A_1699 : vector<1x16xf32> to vector<16xf32>
        %mul3A_1701 = vector.broadcast %squeeze3A : f32 to vector<16xf32>
        %mul3A_1702 = arith.mulf %mul3A_1701, %get3A_1700 : vector<16xf32>
        %add3A_1703 = arith.addf %scan3A_1676, %mul3A_1702 : vector<16xf32>
        %get3A_1704 = arith.index_cast %add3A_1686 : i32 to index
        %get3A_1705 = arith.constant 32 : index
        %get3A_1706 = tpu.vector_load %arg12[%get3A_1704, %get3A_1705] {strides = array<i32>} : memref<424x128xf32, #tpu.memory_space<vmem>>, vector<1x16xf32>,
        %get3A_1707 = vector.shape_cast %get3A_1706 : vector<1x16xf32> to vector<16xf32>
        %mul3A_1708 = vector.broadcast %squeeze3A : f32 to vector<16xf32>
        %mul3A_1709 = arith.mulf %mul3A_1708, %get3A_1707 : vector<16xf32>
        %add3A_1710 = arith.addf %scan3A_1677, %mul3A_1709 : vector<16xf32>
        %get3A_1711 = arith.index_cast %add3A_1686 : i32 to index
        %get3A_1712 = arith.constant 48 : index
        %get3A_1713 = tpu.vector_load %arg12[%get3A_1711, %get3A_1712] {strides = array<i32>} : memref<424x128xf32, #tpu.memory_space<vmem>>, vector<1x16xf32>,
        %get3A_1714 = vector.shape_cast %get3A_1713 : vector<1x16xf32> to vector<16xf32>
        %mul3A_1715 = vector.broadcast %squeeze3A : f32 to vector<16xf32>
        %mul3A_1716 = arith.mulf %mul3A_1715, %get3A_1714 : vector<16xf32>
        %add3A_1717 = arith.addf %scan3A_1678, %mul3A_1716 : vector<16xf32>
        %get3A_1718 = arith.index_cast %add3A_1686 : i32 to index
        %get3A_1719 = arith.constant 64 : index
        %get3A_1720 = tpu.vector_load %arg12[%get3A_1718, %get3A_1719] {strides = array<i32>} : memref<424x128xf32, #tpu.memory_space<vmem>>, vector<1x16xf32>,
        %get3A_1721 = vector.shape_cast %get3A_1720 : vector<1x16xf32> to vector<16xf32>
        %mul3A_1722 = vector.broadcast %squeeze3A : f32 to vector<16xf32>
        %mul3A_1723 = arith.mulf %mul3A_1722, %get3A_1721 : vector<16xf32>
        %add3A_1724 = arith.addf %scan3A_1679, %mul3A_1723 : vector<16xf32>
        %get3A_1725 = arith.index_cast %add3A_1686 : i32 to index
        %get3A_1726 = arith.constant 80 : index
        %get3A_1727 = tpu.vector_load %arg12[%get3A_1725, %get3A_1726] {strides = array<i32>} : memref<424x128xf32, #tpu.memory_space<vmem>>, vector<1x16xf32>,
        %get3A_1728 = vector.shape_cast %get3A_1727 : vector<1x16xf32> to vector<16xf32>
        %mul3A_1729 = vector.broadcast %squeeze3A : f32 to vector<16xf32>
        %mul3A_1730 = arith.mulf %mul3A_1729, %get3A_1728 : vector<16xf32>
        %add3A_1731 = arith.addf %scan3A_1680, %mul3A_1730 : vector<16xf32>
        %get3A_1732 = arith.index_cast %add3A_1686 : i32 to index
        %get3A_1733 = arith.constant 96 : index
        %get3A_1734 = tpu.vector_load %arg12[%get3A_1732, %get3A_1733] {strides = array<i32>} : memref<424x128xf32, #tpu.memory_space<vmem>>, vector<1x16xf32>,
        %get3A_1735 = vector.shape_cast %get3A_1734 : vector<1x16xf32> to vector<16xf32>
        %mul3A_1736 = vector.broadcast %squeeze3A : f32 to vector<16xf32>
        %mul3A_1737 = arith.mulf %mul3A_1736, %get3A_1735 : vector<16xf32>
        %add3A_1738 = arith.addf %scan3A_1681, %mul3A_1737 : vector<16xf32>
        %get3A_1739 = arith.index_cast %add3A_1686 : i32 to index
        %get3A_1740 = arith.constant 112 : index
        %get3A_1741 = tpu.vector_load %arg12[%get3A_1739, %get3A_1740] {strides = array<i32>} : memref<424x128xf32, #tpu.memory_space<vmem>>, vector<1x16xf32>,
        %get3A_1742 = vector.shape_cast %get3A_1741 : vector<1x16xf32> to vector<16xf32>
        %mul3A_1743 = vector.broadcast %squeeze3A : f32 to vector<16xf32>
        %mul3A_1744 = arith.mulf %mul3A_1743, %get3A_1742 : vector<16xf32>
        %add3A_1745 = arith.addf %scan3A_1682, %mul3A_1744 : vector<16xf32>
        %get3A_1746 = arith.index_cast %add3A_1686 : i32 to index
        %get3A_1747 = arith.constant 0 : index
        %get3A_1748 = tpu.vector_load %arg13[%get3A_1746, %get3A_1747] {strides = array<i32>} : memref<424x16xf32, #tpu.memory_space<vmem>>, vector<1x16xf32>,
        %get3A_1749 = vector.shape_cast %get3A_1748 : vector<1x16xf32> to vector<16xf32>
        %mul3A_1750 = vector.broadcast %squeeze3A : f32 to vector<16xf32>
        %mul3A_1751 = arith.mulf %mul3A_1750, %get3A_1749 : vector<16xf32>
        %add3A_1752 = arith.addf %scan3A_1683, %mul3A_1751 : vector<16xf32>
        %add3A_1753 = vector.broadcast %squeeze3A : f32 to vector<16xf32>
        %add3A_1754 = arith.addf %scan3A_1684, %add3A_1753 : vector<16xf32>
        scf.yield %add3A_1696, %add3A_1703, %add3A_1710, %add3A_1717, %add3A_1724, %add3A_1731, %add3A_1738, %add3A_1745, %add3A_1752, %add3A_1754 : vector<16xf32>, vector<16xf32>, vector<16xf32>, vector<16xf32>, vector<16xf32>, vector<16xf32>, vector<16xf32>, vector<16xf32>, vector<16xf32>, vector<16xf32>
      }
      %scan3A_872 = arith.constant 20 : i32
      %swap3A_873 = arith.constant 0 : index
      %swap3A_874 = tpu.vector_load %arg20[%swap3A_873] {strides = array<i32>} : memref<384xf32, #tpu.memory_space<vmem>>, vector<16xf32>,
      %swap3A_875 = vector.shape_cast %swap3A_874 : vector<16xf32> to vector<16xf32>
      %swap3A_876 = vector.shape_cast %scan3A_865#0 : vector<16xf32> to vector<16xf32>
      tpu.vector_store %arg20[%swap3A_873], %swap3A_876 {strides = array<i32>} : memref<384xf32, #tpu.memory_space<vmem>>, vector<16xf32>,
      %swap3A_877 = arith.constant 128 : index
      %swap3A_878 = tpu.vector_load %arg20[%swap3A_877] {strides = array<i32>} : memref<384xf32, #tpu.memory_space<vmem>>, vector<16xf32>,
      %swap3A_879 = vector.shape_cast %swap3A_878 : vector<16xf32> to vector<16xf32>
      %swap3A_880 = vector.shape_cast %scan3A_871#0 : vector<16xf32> to vector<16xf32>
      tpu.vector_store %arg20[%swap3A_877], %swap3A_880 {strides = array<i32>} : memref<384xf32, #tpu.memory_space<vmem>>, vector<16xf32>,
      %swap3A_881 = arith.constant 16 : index
      %swap3A_882 = tpu.vector_load %arg20[%swap3A_881] {strides = array<i32>} : memref<384xf32, #tpu.memory_space<vmem>>, vector<16xf32>,
      %swap3A_883 = vector.shape_cast %swap3A_882 : vector<16xf32> to vector<16xf32>
      %swap3A_884 = vector.shape_cast %scan3A_865#1 : vector<16xf32> to vector<16xf32>
      tpu.vector_store %arg20[%swap3A_881], %swap3A_884 {strides = array<i32>} : memref<384xf32, #tpu.memory_space<vmem>>, vector<16xf32>,
      %swap3A_885 = arith.constant 144 : index
      %swap3A_886 = tpu.vector_load %arg20[%swap3A_885] {strides = array<i32>} : memref<384xf32, #tpu.memory_space<vmem>>, vector<16xf32>,
      %swap3A_887 = vector.shape_cast %swap3A_886 : vector<16xf32> to vector<16xf32>
      %swap3A_888 = vector.shape_cast %scan3A_871#1 : vector<16xf32> to vector<16xf32>
      tpu.vector_store %arg20[%swap3A_885], %swap3A_888 {strides = array<i32>} : memref<384xf32, #tpu.memory_space<vmem>>, vector<16xf32>,
      %swap3A_889 = arith.constant 32 : index
      %swap3A_890 = tpu.vector_load %arg20[%swap3A_889] {strides = array<i32>} : memref<384xf32, #tpu.memory_space<vmem>>, vector<16xf32>,
      %swap3A_891 = vector.shape_cast %swap3A_890 : vector<16xf32> to vector<16xf32>
      %swap3A_892 = vector.shape_cast %scan3A_865#2 : vector<16xf32> to vector<16xf32>
      tpu.vector_store %arg20[%swap3A_889], %swap3A_892 {strides = array<i32>} : memref<384xf32, #tpu.memory_space<vmem>>, vector<16xf32>,
      %swap3A_893 = arith.constant 160 : index
      %swap3A_894 = tpu.vector_load %arg20[%swap3A_893] {strides = array<i32>} : memref<384xf32, #tpu.memory_space<vmem>>, vector<16xf32>,
      %swap3A_895 = vector.shape_cast %swap3A_894 : vector<16xf32> to vector<16xf32>
      %swap3A_896 = vector.shape_cast %scan3A_871#2 : vector<16xf32> to vector<16xf32>
      tpu.vector_store %arg20[%swap3A_893], %swap3A_896 {strides = array<i32>} : memref<384xf32, #tpu.memory_space<vmem>>, vector<16xf32>,
      %swap3A_897 = arith.constant 48 : index
      %swap3A_898 = tpu.vector_load %arg20[%swap3A_897] {strides = array<i32>} : memref<384xf32, #tpu.memory_space<vmem>>, vector<16xf32>,
      %swap3A_899 = vector.shape_cast %swap3A_898 : vector<16xf32> to vector<16xf32>
      %swap3A_900 = vector.shape_cast %scan3A_865#3 : vector<16xf32> to vector<16xf32>
      tpu.vector_store %arg20[%swap3A_897], %swap3A_900 {strides = array<i32>} : memref<384xf32, #tpu.memory_space<vmem>>, vector<16xf32>,
      %swap3A_901 = arith.constant 176 : index
      %swap3A_902 = tpu.vector_load %arg20[%swap3A_901] {strides = array<i32>} : memref<384xf32, #tpu.memory_space<vmem>>, vector<16xf32>,
      %swap3A_903 = vector.shape_cast %swap3A_902 : vector<16xf32> to vector<16xf32>
      %swap3A_904 = vector.shape_cast %scan3A_871#3 : vector<16xf32> to vector<16xf32>
      tpu.vector_store %arg20[%swap3A_901], %swap3A_904 {strides = array<i32>} : memref<384xf32, #tpu.memory_space<vmem>>, vector<16xf32>,
      %swap3A_905 = arith.constant 64 : index
      %swap3A_906 = tpu.vector_load %arg20[%swap3A_905] {strides = array<i32>} : memref<384xf32, #tpu.memory_space<vmem>>, vector<16xf32>,
      %swap3A_907 = vector.shape_cast %swap3A_906 : vector<16xf32> to vector<16xf32>
      %swap3A_908 = vector.shape_cast %scan3A_865#4 : vector<16xf32> to vector<16xf32>
      tpu.vector_store %arg20[%swap3A_905], %swap3A_908 {strides = array<i32>} : memref<384xf32, #tpu.memory_space<vmem>>, vector<16xf32>,
      %swap3A_909 = arith.constant 192 : index
      %swap3A_910 = tpu.vector_load %arg20[%swap3A_909] {strides = array<i32>} : memref<384xf32, #tpu.memory_space<vmem>>, vector<16xf32>,
      %swap3A_911 = vector.shape_cast %swap3A_910 : vector<16xf32> to vector<16xf32>
      %swap3A_912 = vector.shape_cast %scan3A_871#4 : vector<16xf32> to vector<16xf32>
      tpu.vector_store %arg20[%swap3A_909], %swap3A_912 {strides = array<i32>} : memref<384xf32, #tpu.memory_space<vmem>>, vector<16xf32>,
      %swap3A_913 = arith.constant 80 : index
      %swap3A_914 = tpu.vector_load %arg20[%swap3A_913] {strides = array<i32>} : memref<384xf32, #tpu.memory_space<vmem>>, vector<16xf32>,
      %swap3A_915 = vector.shape_cast %swap3A_914 : vector<16xf32> to vector<16xf32>
      %swap3A_916 = vector.shape_cast %scan3A_865#5 : vector<16xf32> to vector<16xf32>
      tpu.vector_store %arg20[%swap3A_913], %swap3A_916 {strides = array<i32>} : memref<384xf32, #tpu.memory_space<vmem>>, vector<16xf32>,
      %swap3A_917 = arith.constant 208 : index
      %swap3A_918 = tpu.vector_load %arg20[%swap3A_917] {strides = array<i32>} : memref<384xf32, #tpu.memory_space<vmem>>, vector<16xf32>,
      %swap3A_919 = vector.shape_cast %swap3A_918 : vector<16xf32> to vector<16xf32>
      %swap3A_920 = vector.shape_cast %scan3A_871#5 : vector<16xf32> to vector<16xf32>
      tpu.vector_store %arg20[%swap3A_917], %swap3A_920 {strides = array<i32>} : memref<384xf32, #tpu.memory_space<vmem>>, vector<16xf32>,
      %swap3A_921 = arith.constant 96 : index
      %swap3A_922 = tpu.vector_load %arg20[%swap3A_921] {strides = array<i32>} : memref<384xf32, #tpu.memory_space<vmem>>, vector<16xf32>,
      %swap3A_923 = vector.shape_cast %swap3A_922 : vector<16xf32> to vector<16xf32>
      %swap3A_924 = vector.shape_cast %scan3A_865#6 : vector<16xf32> to vector<16xf32>
      tpu.vector_store %arg20[%swap3A_921], %swap3A_924 {strides = array<i32>} : memref<384xf32, #tpu.memory_space<vmem>>, vector<16xf32>,
      %swap3A_925 = arith.constant 224 : index
      %swap3A_926 = tpu.vector_load %arg20[%swap3A_925] {strides = array<i32>} : memref<384xf32, #tpu.memory_space<vmem>>, vector<16xf32>,
      %swap3A_927 = vector.shape_cast %swap3A_926 : vector<16xf32> to vector<16xf32>
      %swap3A_928 = vector.shape_cast %scan3A_871#6 : vector<16xf32> to vector<16xf32>
      tpu.vector_store %arg20[%swap3A_925], %swap3A_928 {strides = array<i32>} : memref<384xf32, #tpu.memory_space<vmem>>, vector<16xf32>,
      %swap3A_929 = arith.constant 112 : index
      %swap3A_930 = tpu.vector_load %arg20[%swap3A_929] {strides = array<i32>} : memref<384xf32, #tpu.memory_space<vmem>>, vector<16xf32>,
      %swap3A_931 = vector.shape_cast %swap3A_930 : vector<16xf32> to vector<16xf32>
      %swap3A_932 = vector.shape_cast %scan3A_865#7 : vector<16xf32> to vector<16xf32>
      tpu.vector_store %arg20[%swap3A_929], %swap3A_932 {strides = array<i32>} : memref<384xf32, #tpu.memory_space<vmem>>, vector<16xf32>,
      %swap3A_933 = arith.constant 240 : index
      %swap3A_934 = tpu.vector_load %arg20[%swap3A_933] {strides = array<i32>} : memref<384xf32, #tpu.memory_space<vmem>>, vector<16xf32>,
      %swap3A_935 = vector.shape_cast %swap3A_934 : vector<16xf32> to vector<16xf32>
      %swap3A_936 = vector.shape_cast %scan3A_871#7 : vector<16xf32> to vector<16xf32>
      tpu.vector_store %arg20[%swap3A_933], %swap3A_936 {strides = array<i32>} : memref<384xf32, #tpu.memory_space<vmem>>, vector<16xf32>,
      %swap3A_937 = arith.constant 256 : index
      %swap3A_938 = tpu.vector_load %arg20[%swap3A_937] {strides = array<i32>} : memref<384xf32, #tpu.memory_space<vmem>>, vector<16xf32>,
      %swap3A_939 = vector.shape_cast %swap3A_938 : vector<16xf32> to vector<16xf32>
      %swap3A_940 = vector.shape_cast %scan3A_865#8 : vector<16xf32> to vector<16xf32>
      tpu.vector_store %arg20[%swap3A_937], %swap3A_940 {strides = array<i32>} : memref<384xf32, #tpu.memory_space<vmem>>, vector<16xf32>,
      %swap3A_941 = arith.constant 272 : index
      %swap3A_942 = tpu.vector_load %arg20[%swap3A_941] {strides = array<i32>} : memref<384xf32, #tpu.memory_space<vmem>>, vector<16xf32>,
      %swap3A_943 = vector.shape_cast %swap3A_942 : vector<16xf32> to vector<16xf32>
      %swap3A_944 = vector.shape_cast %scan3A_871#8 : vector<16xf32> to vector<16xf32>
      tpu.vector_store %arg20[%swap3A_941], %swap3A_944 {strides = array<i32>} : memref<384xf32, #tpu.memory_space<vmem>>, vector<16xf32>,
      %swap3A_945 = arith.constant 288 : index
      %swap3A_946 = tpu.vector_load %arg20[%swap3A_945] {strides = array<i32>} : memref<384xf32, #tpu.memory_space<vmem>>, vector<16xf32>,
      %swap3A_947 = vector.shape_cast %swap3A_946 : vector<16xf32> to vector<16xf32>
      %swap3A_948 = vector.shape_cast %scan3A_871#9 : vector<16xf32> to vector<16xf32>
      tpu.vector_store %arg20[%swap3A_945], %swap3A_948 {strides = array<i32>} : memref<384xf32, #tpu.memory_space<vmem>>, vector<16xf32>,
      "tpu.region"() ({
        %run_scoped3A = tpu.sem_alloc : memref<!tpu.dma_semaphore, #tpu.memory_space<semaphore_mem>>
        %dma_start3A_1674 = arith.constant 0 : i32
        %dma_start3A_1675 = tpu.memref_slice %arg7[%add3A_230, %dma_start3A_1674] : memref<1024x384xf32, #tpu.memory_space<hbm>> -> memref<1x384xf32, #tpu.memory_space<hbm>>
        %dma_start3A_1676 = tpu.memref_squeeze %dma_start3A_1675 : memref<1x384xf32, #tpu.memory_space<hbm>> -> memref<384xf32, #tpu.memory_space<hbm>>
        %dma_start3A_1677 = arith.constant 0 : i32
        %dma_start3A_1678 = tpu.memref_slice %arg7[%add3A_230, %dma_start3A_1677] : memref<1024x384xf32, #tpu.memory_space<hbm>> -> memref<1x384xf32, #tpu.memory_space<hbm>>
        %dma_start3A_1679 = tpu.memref_squeeze %dma_start3A_1678 : memref<1x384xf32, #tpu.memory_space<hbm>> -> memref<384xf32, #tpu.memory_space<hbm>>
        tpu.enqueue_dma source(%arg20 : memref<384xf32, #tpu.memory_space<vmem>>) target(%dma_start3A_1679 : memref<384xf32, #tpu.memory_space<hbm>>) target_semaphore(%run_scoped3A : memref<!tpu.dma_semaphore, #tpu.memory_space<semaphore_mem>>)
        %dma_wait3A_1680 = arith.constant 0 : i32
        %dma_wait3A_1681 = tpu.memref_slice %arg7[%add3A_230, %dma_wait3A_1680] : memref<1024x384xf32, #tpu.memory_space<hbm>> -> memref<1x384xf32, #tpu.memory_space<hbm>>
        %dma_wait3A_1682 = tpu.memref_squeeze %dma_wait3A_1681 : memref<1x384xf32, #tpu.memory_space<hbm>> -> memref<384xf32, #tpu.memory_space<hbm>>
        %dma_wait3A_1683 = arith.constant 0 : i32
        %dma_wait3A_1684 = tpu.memref_slice %arg7[%add3A_230, %dma_wait3A_1683] : memref<1024x384xf32, #tpu.memory_space<hbm>> -> memref<1x384xf32, #tpu.memory_space<hbm>>
        %dma_wait3A_1685 = tpu.memref_squeeze %dma_wait3A_1684 : memref<1x384xf32, #tpu.memory_space<hbm>> -> memref<384xf32, #tpu.memory_space<hbm>>
        tpu.wait_dma2 semaphore(%run_scoped3A : memref<!tpu.dma_semaphore, #tpu.memory_space<semaphore_mem>>) src(%arg20 : memref<384xf32, #tpu.memory_space<vmem>>) dst(%dma_wait3A_1685 : memref<384xf32, #tpu.memory_space<hbm>>)
        tpu.yield
      }) : () -> ()
      %add3A_949 = arith.constant 2 : i32
      %add3A_950 = arith.addi %add3A_230, %add3A_949 : i32
      %min3A = arith.constant 1023 : i32
      %min3A_951 = arith.minsi %add3A_950, %min3A : i32
      %dma_start3A_952 = arith.constant 0 : i32
      %dma_start3A_953 = tpu.memref_slice %arg2[%min3A_951, %dma_start3A_952] : memref<1024x512xi32, #tpu.memory_space<hbm>> -> memref<1x512xi32, #tpu.memory_space<hbm>>
      %dma_start3A_954 = tpu.memref_squeeze %dma_start3A_953 : memref<1x512xi32, #tpu.memory_space<hbm>> -> memref<512xi32, #tpu.memory_space<hbm>>
      %dma_start3A_955 = arith.constant 0 : i32
      %dma_start3A_956 = tpu.memref_slice %arg2[%min3A_951, %dma_start3A_955] : memref<1024x512xi32, #tpu.memory_space<hbm>> -> memref<1x512xi32, #tpu.memory_space<hbm>>
      %dma_start3A_957 = tpu.memref_squeeze %dma_start3A_956 : memref<1x512xi32, #tpu.memory_space<hbm>> -> memref<512xi32, #tpu.memory_space<hbm>>
      tpu.enqueue_dma source(%dma_start3A_957 : memref<512xi32, #tpu.memory_space<hbm>>) target(%arg8 : memref<512xi32, #tpu.memory_space<vmem>>) target_semaphore(%arg21 : memref<!tpu.dma_semaphore, #tpu.memory_space<semaphore_mem>>)
      %dma_start3A_958 = arith.constant 0 : i32
      %dma_start3A_959 = tpu.memref_slice %arg3[%min3A_951, %dma_start3A_958] : memref<1024x512xi32, #tpu.memory_space<hbm>> -> memref<1x512xi32, #tpu.memory_space<hbm>>
      %dma_start3A_960 = tpu.memref_squeeze %dma_start3A_959 : memref<1x512xi32, #tpu.memory_space<hbm>> -> memref<512xi32, #tpu.memory_space<hbm>>
      %dma_start3A_961 = arith.constant 0 : i32
      %dma_start3A_962 = tpu.memref_slice %arg3[%min3A_951, %dma_start3A_961] : memref<1024x512xi32, #tpu.memory_space<hbm>> -> memref<1x512xi32, #tpu.memory_space<hbm>>
      %dma_start3A_963 = tpu.memref_squeeze %dma_start3A_962 : memref<1x512xi32, #tpu.memory_space<hbm>> -> memref<512xi32, #tpu.memory_space<hbm>>
      tpu.enqueue_dma source(%dma_start3A_963 : memref<512xi32, #tpu.memory_space<hbm>>) target(%arg9 : memref<512xi32, #tpu.memory_space<vmem>>) target_semaphore(%arg21 : memref<!tpu.dma_semaphore, #tpu.memory_space<semaphore_mem>>)
      %dma_wait3A_964 = arith.constant 0 : i32
      %dma_wait3A_965 = tpu.memref_slice %arg2[%min3A_951, %dma_wait3A_964] : memref<1024x512xi32, #tpu.memory_space<hbm>> -> memref<1x512xi32, #tpu.memory_space<hbm>>
      %dma_wait3A_966 = tpu.memref_squeeze %dma_wait3A_965 : memref<1x512xi32, #tpu.memory_space<hbm>> -> memref<512xi32, #tpu.memory_space<hbm>>
      %dma_wait3A_967 = arith.constant 0 : i32
      %dma_wait3A_968 = tpu.memref_slice %arg2[%min3A_951, %dma_wait3A_967] : memref<1024x512xi32, #tpu.memory_space<hbm>> -> memref<1x512xi32, #tpu.memory_space<hbm>>
      %dma_wait3A_969 = tpu.memref_squeeze %dma_wait3A_968 : memref<1x512xi32, #tpu.memory_space<hbm>> -> memref<512xi32, #tpu.memory_space<hbm>>
      tpu.wait_dma2 semaphore(%arg21 : memref<!tpu.dma_semaphore, #tpu.memory_space<semaphore_mem>>) src(%dma_wait3A_969 : memref<512xi32, #tpu.memory_space<hbm>>) dst(%arg8 : memref<512xi32, #tpu.memory_space<vmem>>)
      %dma_wait3A_970 = arith.constant 0 : i32
      %dma_wait3A_971 = tpu.memref_slice %arg3[%min3A_951, %dma_wait3A_970] : memref<1024x512xi32, #tpu.memory_space<hbm>> -> memref<1x512xi32, #tpu.memory_space<hbm>>
      %dma_wait3A_972 = tpu.memref_squeeze %dma_wait3A_971 : memref<1x512xi32, #tpu.memory_space<hbm>> -> memref<512xi32, #tpu.memory_space<hbm>>
      %dma_wait3A_973 = arith.constant 0 : i32
      %dma_wait3A_974 = tpu.memref_slice %arg3[%min3A_951, %dma_wait3A_973] : memref<1024x512xi32, #tpu.memory_space<hbm>> -> memref<1x512xi32, #tpu.memory_space<hbm>>
      %dma_wait3A_975 = tpu.memref_squeeze %dma_wait3A_974 : memref<1x512xi32, #tpu.memory_space<hbm>> -> memref<512xi32, #tpu.memory_space<hbm>>
      tpu.wait_dma2 semaphore(%arg21 : memref<!tpu.dma_semaphore, #tpu.memory_space<semaphore_mem>>) src(%dma_wait3A_975 : memref<512xi32, #tpu.memory_space<hbm>>) dst(%arg9 : memref<512xi32, #tpu.memory_space<vmem>>)
      %dma_start3A_976 = arith.constant 0 : i32
      %dma_start3A_977 = arith.constant 0 : i32
      %dma_start3A_978 = tpu.memref_slice %arg12[%dma_start3A_976, %dma_start3A_977] : memref<424x128xf32, #tpu.memory_space<vmem>> -> memref<128x128xf32, #tpu.memory_space<vmem>>
      %dma_start3A_979 = arith.constant 0 : i32
      %dma_start3A_980 = tpu.memref_slice %arg8[%dma_start3A_979] : memref<512xi32, #tpu.memory_space<vmem>> -> memref<128xi32, #tpu.memory_space<vmem>>
      %dma_start3A_981 = arith.constant 0 : i32
      %dma_start3A_982 = arith.constant 0 : i32
      %dma_start3A_983 = tpu.memref_slice %arg5[%dma_start3A_981, %dma_start3A_982] : memref<50000x128xf32, #tpu.memory_space<hbm>> -> memref<50000x128xf32, #tpu.memory_space<hbm>>
      tpu.enqueue_indirect_dma source(%dma_start3A_983 : memref<50000x128xf32, #tpu.memory_space<hbm>>) target(%dma_start3A_978 : memref<128x128xf32, #tpu.memory_space<vmem>>) offsets(%dma_start3A_980 : memref<128xi32, #tpu.memory_space<vmem>>) semaphore(%arg21 : memref<!tpu.dma_semaphore, #tpu.memory_space<semaphore_mem>>)
      %dma_start3A_984 = arith.constant 0 : i32
      %dma_start3A_985 = arith.constant 0 : i32
      %dma_start3A_986 = tpu.memref_slice %arg13[%dma_start3A_984, %dma_start3A_985] : memref<424x16xf32, #tpu.memory_space<vmem>> -> memref<128x16xf32, #tpu.memory_space<vmem>>
      %dma_start3A_987 = arith.constant 0 : i32
      %dma_start3A_988 = tpu.memref_slice %arg9[%dma_start3A_987] : memref<512xi32, #tpu.memory_space<vmem>> -> memref<128xi32, #tpu.memory_space<vmem>>
      %dma_start3A_989 = arith.constant 0 : i32
      %dma_start3A_990 = arith.constant 0 : i32
      %dma_start3A_991 = tpu.memref_slice %arg6[%dma_start3A_989, %dma_start3A_990] : memref<800000x16xf32, #tpu.memory_space<hbm>> -> memref<800000x16xf32, #tpu.memory_space<hbm>>
      tpu.enqueue_indirect_dma source(%dma_start3A_991 : memref<800000x16xf32, #tpu.memory_space<hbm>>) target(%dma_start3A_986 : memref<128x16xf32, #tpu.memory_space<vmem>>) offsets(%dma_start3A_988 : memref<128xi32, #tpu.memory_space<vmem>>) semaphore(%arg21 : memref<!tpu.dma_semaphore, #tpu.memory_space<semaphore_mem>>)
      %dma_start3A_992 = arith.constant 0 : i32
      %dma_start3A_993 = tpu.memref_slice %arg10[%dma_start3A_992] : memref<512xf32, #tpu.memory_space<vmem>> -> memref<128xf32, #tpu.memory_space<vmem>>
      %dma_start3A_994 = arith.constant 0 : i32
      %dma_start3A_995 = tpu.memref_slice %arg9[%dma_start3A_994] : memref<512xi32, #tpu.memory_space<vmem>> -> memref<128xi32, #tpu.memory_space<vmem>>
      %dma_start3A_996 = arith.constant 0 : i32
      %dma_start3A_997 = tpu.memref_slice %arg4[%dma_start3A_996] : memref<800000xf32, #tpu.memory_space<hbm>> -> memref<800000xf32, #tpu.memory_space<hbm>>
      tpu.enqueue_indirect_dma source(%dma_start3A_997 : memref<800000xf32, #tpu.memory_space<hbm>>) target(%dma_start3A_993 : memref<128xf32, #tpu.memory_space<vmem>>) offsets(%dma_start3A_995 : memref<128xi32, #tpu.memory_space<vmem>>) semaphore(%arg21 : memref<!tpu.dma_semaphore, #tpu.memory_space<semaphore_mem>>)
      %dma_start3A_998 = arith.constant 128 : i32
      %dma_start3A_999 = arith.constant 0 : i32
      %dma_start3A_1000 = tpu.memref_slice %arg12[%dma_start3A_998, %dma_start3A_999] : memref<424x128xf32, #tpu.memory_space<vmem>> -> memref<128x128xf32, #tpu.memory_space<vmem>>
      %dma_start3A_1001 = arith.constant 128 : i32
      %dma_start3A_1002 = tpu.memref_slice %arg8[%dma_start3A_1001] : memref<512xi32, #tpu.memory_space<vmem>> -> memref<128xi32, #tpu.memory_space<vmem>>
      %dma_start3A_1003 = arith.constant 0 : i32
      %dma_start3A_1004 = arith.constant 0 : i32
      %dma_start3A_1005 = tpu.memref_slice %arg5[%dma_start3A_1003, %dma_start3A_1004] : memref<50000x128xf32, #tpu.memory_space<hbm>> -> memref<50000x128xf32, #tpu.memory_space<hbm>>
      tpu.enqueue_indirect_dma source(%dma_start3A_1005 : memref<50000x128xf32, #tpu.memory_space<hbm>>) target(%dma_start3A_1000 : memref<128x128xf32, #tpu.memory_space<vmem>>) offsets(%dma_start3A_1002 : memref<128xi32, #tpu.memory_space<vmem>>) semaphore(%arg21 : memref<!tpu.dma_semaphore, #tpu.memory_space<semaphore_mem>>)
      %dma_start3A_1006 = arith.constant 128 : i32
      %dma_start3A_1007 = arith.constant 0 : i32
      %dma_start3A_1008 = tpu.memref_slice %arg13[%dma_start3A_1006, %dma_start3A_1007] : memref<424x16xf32, #tpu.memory_space<vmem>> -> memref<128x16xf32, #tpu.memory_space<vmem>>
      %dma_start3A_1009 = arith.constant 128 : i32
      %dma_start3A_1010 = tpu.memref_slice %arg9[%dma_start3A_1009] : memref<512xi32, #tpu.memory_space<vmem>> -> memref<128xi32, #tpu.memory_space<vmem>>
      %dma_start3A_1011 = arith.constant 0 : i32
      %dma_start3A_1012 = arith.constant 0 : i32
      %dma_start3A_1013 = tpu.memref_slice %arg6[%dma_start3A_1011, %dma_start3A_1012] : memref<800000x16xf32, #tpu.memory_space<hbm>> -> memref<800000x16xf32, #tpu.memory_space<hbm>>
      tpu.enqueue_indirect_dma source(%dma_start3A_1013 : memref<800000x16xf32, #tpu.memory_space<hbm>>) target(%dma_start3A_1008 : memref<128x16xf32, #tpu.memory_space<vmem>>) offsets(%dma_start3A_1010 : memref<128xi32, #tpu.memory_space<vmem>>) semaphore(%arg21 : memref<!tpu.dma_semaphore, #tpu.memory_space<semaphore_mem>>)
      %dma_start3A_1014 = arith.constant 128 : i32
      %dma_start3A_1015 = tpu.memref_slice %arg10[%dma_start3A_1014] : memref<512xf32, #tpu.memory_space<vmem>> -> memref<128xf32, #tpu.memory_space<vmem>>
      %dma_start3A_1016 = arith.constant 128 : i32
      %dma_start3A_1017 = tpu.memref_slice %arg9[%dma_start3A_1016] : memref<512xi32, #tpu.memory_space<vmem>> -> memref<128xi32, #tpu.memory_space<vmem>>
      %dma_start3A_1018 = arith.constant 0 : i32
      %dma_start3A_1019 = tpu.memref_slice %arg4[%dma_start3A_1018] : memref<800000xf32, #tpu.memory_space<hbm>> -> memref<800000xf32, #tpu.memory_space<hbm>>
      tpu.enqueue_indirect_dma source(%dma_start3A_1019 : memref<800000xf32, #tpu.memory_space<hbm>>) target(%dma_start3A_1015 : memref<128xf32, #tpu.memory_space<vmem>>) offsets(%dma_start3A_1017 : memref<128xi32, #tpu.memory_space<vmem>>) semaphore(%arg21 : memref<!tpu.dma_semaphore, #tpu.memory_space<semaphore_mem>>)
      %dma_start3A_1020 = arith.constant 256 : i32
      %dma_start3A_1021 = arith.constant 0 : i32
      %dma_start3A_1022 = tpu.memref_slice %arg12[%dma_start3A_1020, %dma_start3A_1021] : memref<424x128xf32, #tpu.memory_space<vmem>> -> memref<128x128xf32, #tpu.memory_space<vmem>>
      %dma_start3A_1023 = arith.constant 256 : i32
      %dma_start3A_1024 = tpu.memref_slice %arg8[%dma_start3A_1023] : memref<512xi32, #tpu.memory_space<vmem>> -> memref<128xi32, #tpu.memory_space<vmem>>
      %dma_start3A_1025 = arith.constant 0 : i32
      %dma_start3A_1026 = arith.constant 0 : i32
      %dma_start3A_1027 = tpu.memref_slice %arg5[%dma_start3A_1025, %dma_start3A_1026] : memref<50000x128xf32, #tpu.memory_space<hbm>> -> memref<50000x128xf32, #tpu.memory_space<hbm>>
      tpu.enqueue_indirect_dma source(%dma_start3A_1027 : memref<50000x128xf32, #tpu.memory_space<hbm>>) target(%dma_start3A_1022 : memref<128x128xf32, #tpu.memory_space<vmem>>) offsets(%dma_start3A_1024 : memref<128xi32, #tpu.memory_space<vmem>>) semaphore(%arg21 : memref<!tpu.dma_semaphore, #tpu.memory_space<semaphore_mem>>)
      %dma_start3A_1028 = arith.constant 256 : i32
      %dma_start3A_1029 = arith.constant 0 : i32
      %dma_start3A_1030 = tpu.memref_slice %arg13[%dma_start3A_1028, %dma_start3A_1029] : memref<424x16xf32, #tpu.memory_space<vmem>> -> memref<128x16xf32, #tpu.memory_space<vmem>>
      %dma_start3A_1031 = arith.constant 256 : i32
      %dma_start3A_1032 = tpu.memref_slice %arg9[%dma_start3A_1031] : memref<512xi32, #tpu.memory_space<vmem>> -> memref<128xi32, #tpu.memory_space<vmem>>
      %dma_start3A_1033 = arith.constant 0 : i32
      %dma_start3A_1034 = arith.constant 0 : i32
      %dma_start3A_1035 = tpu.memref_slice %arg6[%dma_start3A_1033, %dma_start3A_1034] : memref<800000x16xf32, #tpu.memory_space<hbm>> -> memref<800000x16xf32, #tpu.memory_space<hbm>>
      tpu.enqueue_indirect_dma source(%dma_start3A_1035 : memref<800000x16xf32, #tpu.memory_space<hbm>>) target(%dma_start3A_1030 : memref<128x16xf32, #tpu.memory_space<vmem>>) offsets(%dma_start3A_1032 : memref<128xi32, #tpu.memory_space<vmem>>) semaphore(%arg21 : memref<!tpu.dma_semaphore, #tpu.memory_space<semaphore_mem>>)
      %dma_start3A_1036 = arith.constant 256 : i32
      %dma_start3A_1037 = tpu.memref_slice %arg10[%dma_start3A_1036] : memref<512xf32, #tpu.memory_space<vmem>> -> memref<128xf32, #tpu.memory_space<vmem>>
      %dma_start3A_1038 = arith.constant 256 : i32
      %dma_start3A_1039 = tpu.memref_slice %arg9[%dma_start3A_1038] : memref<512xi32, #tpu.memory_space<vmem>> -> memref<128xi32, #tpu.memory_space<vmem>>
      %dma_start3A_1040 = arith.constant 0 : i32
      %dma_start3A_1041 = tpu.memref_slice %arg4[%dma_start3A_1040] : memref<800000xf32, #tpu.memory_space<hbm>> -> memref<800000xf32, #tpu.memory_space<hbm>>
      tpu.enqueue_indirect_dma source(%dma_start3A_1041 : memref<800000xf32, #tpu.memory_space<hbm>>) target(%dma_start3A_1037 : memref<128xf32, #tpu.memory_space<vmem>>) offsets(%dma_start3A_1039 : memref<128xi32, #tpu.memory_space<vmem>>) semaphore(%arg21 : memref<!tpu.dma_semaphore, #tpu.memory_space<semaphore_mem>>)
      %dma_start3A_1042 = arith.constant 384 : i32
      %dma_start3A_1043 = arith.constant 0 : i32
      %dma_start3A_1044 = tpu.memref_slice %arg12[%dma_start3A_1042, %dma_start3A_1043] : memref<424x128xf32, #tpu.memory_space<vmem>> -> memref<40x128xf32, #tpu.memory_space<vmem>>
      %dma_start3A_1045 = arith.constant 384 : i32
      %dma_start3A_1046 = tpu.memref_slice %arg8[%dma_start3A_1045] : memref<512xi32, #tpu.memory_space<vmem>> -> memref<40xi32, #tpu.memory_space<vmem>>
      %dma_start3A_1047 = arith.constant 0 : i32
      %dma_start3A_1048 = arith.constant 0 : i32
      %dma_start3A_1049 = tpu.memref_slice %arg5[%dma_start3A_1047, %dma_start3A_1048] : memref<50000x128xf32, #tpu.memory_space<hbm>> -> memref<50000x128xf32, #tpu.memory_space<hbm>>
      tpu.enqueue_indirect_dma source(%dma_start3A_1049 : memref<50000x128xf32, #tpu.memory_space<hbm>>) target(%dma_start3A_1044 : memref<40x128xf32, #tpu.memory_space<vmem>>) offsets(%dma_start3A_1046 : memref<40xi32, #tpu.memory_space<vmem>>) semaphore(%arg21 : memref<!tpu.dma_semaphore, #tpu.memory_space<semaphore_mem>>)
      %dma_start3A_1050 = arith.constant 384 : i32
      %dma_start3A_1051 = arith.constant 0 : i32
      %dma_start3A_1052 = tpu.memref_slice %arg13[%dma_start3A_1050, %dma_start3A_1051] : memref<424x16xf32, #tpu.memory_space<vmem>> -> memref<40x16xf32, #tpu.memory_space<vmem>>
      %dma_start3A_1053 = arith.constant 384 : i32
      %dma_start3A_1054 = tpu.memref_slice %arg9[%dma_start3A_1053] : memref<512xi32, #tpu.memory_space<vmem>> -> memref<40xi32, #tpu.memory_space<vmem>>
      %dma_start3A_1055 = arith.constant 0 : i32
      %dma_start3A_1056 = arith.constant 0 : i32
      %dma_start3A_1057 = tpu.memref_slice %arg6[%dma_start3A_1055, %dma_start3A_1056] : memref<800000x16xf32, #tpu.memory_space<hbm>> -> memref<800000x16xf32, #tpu.memory_space<hbm>>
      tpu.enqueue_indirect_dma source(%dma_start3A_1057 : memref<800000x16xf32, #tpu.memory_space<hbm>>) target(%dma_start3A_1052 : memref<40x16xf32, #tpu.memory_space<vmem>>) offsets(%dma_start3A_1054 : memref<40xi32, #tpu.memory_space<vmem>>) semaphore(%arg21 : memref<!tpu.dma_semaphore, #tpu.memory_space<semaphore_mem>>)
      %dma_start3A_1058 = arith.constant 384 : i32
      %dma_start3A_1059 = tpu.memref_slice %arg10[%dma_start3A_1058] : memref<512xf32, #tpu.memory_space<vmem>> -> memref<40xf32, #tpu.memory_space<vmem>>
      %dma_start3A_1060 = arith.constant 384 : i32
      %dma_start3A_1061 = tpu.memref_slice %arg9[%dma_start3A_1060] : memref<512xi32, #tpu.memory_space<vmem>> -> memref<40xi32, #tpu.memory_space<vmem>>
      %dma_start3A_1062 = arith.constant 0 : i32
      %dma_start3A_1063 = tpu.memref_slice %arg4[%dma_start3A_1062] : memref<800000xf32, #tpu.memory_space<hbm>> -> memref<800000xf32, #tpu.memory_space<hbm>>
      tpu.enqueue_indirect_dma source(%dma_start3A_1063 : memref<800000xf32, #tpu.memory_space<hbm>>) target(%dma_start3A_1059 : memref<40xf32, #tpu.memory_space<vmem>>) offsets(%dma_start3A_1061 : memref<40xi32, #tpu.memory_space<vmem>>) semaphore(%arg21 : memref<!tpu.dma_semaphore, #tpu.memory_space<semaphore_mem>>)
      %dma_wait3A_1064 = arith.constant 0 : i32
      %dma_wait3A_1065 = arith.constant 0 : i32
      %dma_wait3A_1066 = tpu.memref_slice %arg18[%dma_wait3A_1064, %dma_wait3A_1065] : memref<424x128xf32, #tpu.memory_space<vmem>> -> memref<128x128xf32, #tpu.memory_space<vmem>>
      %dma_wait3A_1067 = arith.constant 0 : i32
      %dma_wait3A_1068 = tpu.memref_slice %arg14[%dma_wait3A_1067] : memref<512xi32, #tpu.memory_space<vmem>> -> memref<128xi32, #tpu.memory_space<vmem>>
      %dma_wait3A_1069 = arith.constant 0 : i32
      %dma_wait3A_1070 = arith.constant 0 : i32
      %dma_wait3A_1071 = tpu.memref_slice %arg5[%dma_wait3A_1069, %dma_wait3A_1070] : memref<50000x128xf32, #tpu.memory_space<hbm>> -> memref<50000x128xf32, #tpu.memory_space<hbm>>
      tpu.wait_indirect_dma semaphore(%arg22 : memref<!tpu.dma_semaphore, #tpu.memory_space<semaphore_mem>>) src(%dma_wait3A_1071 : memref<50000x128xf32, #tpu.memory_space<hbm>>) dst(%dma_wait3A_1066 : memref<128x128xf32, #tpu.memory_space<vmem>>)
      %dma_wait3A_1072 = arith.constant 0 : i32
      %dma_wait3A_1073 = arith.constant 0 : i32
      %dma_wait3A_1074 = tpu.memref_slice %arg19[%dma_wait3A_1072, %dma_wait3A_1073] : memref<424x16xf32, #tpu.memory_space<vmem>> -> memref<128x16xf32, #tpu.memory_space<vmem>>
      %dma_wait3A_1075 = arith.constant 0 : i32
      %dma_wait3A_1076 = tpu.memref_slice %arg15[%dma_wait3A_1075] : memref<512xi32, #tpu.memory_space<vmem>> -> memref<128xi32, #tpu.memory_space<vmem>>
      %dma_wait3A_1077 = arith.constant 0 : i32
      %dma_wait3A_1078 = arith.constant 0 : i32
      %dma_wait3A_1079 = tpu.memref_slice %arg6[%dma_wait3A_1077, %dma_wait3A_1078] : memref<800000x16xf32, #tpu.memory_space<hbm>> -> memref<800000x16xf32, #tpu.memory_space<hbm>>
      tpu.wait_indirect_dma semaphore(%arg22 : memref<!tpu.dma_semaphore, #tpu.memory_space<semaphore_mem>>) src(%dma_wait3A_1079 : memref<800000x16xf32, #tpu.memory_space<hbm>>) dst(%dma_wait3A_1074 : memref<128x16xf32, #tpu.memory_space<vmem>>)
      %dma_wait3A_1080 = arith.constant 0 : i32
      %dma_wait3A_1081 = tpu.memref_slice %arg16[%dma_wait3A_1080] : memref<512xf32, #tpu.memory_space<vmem>> -> memref<128xf32, #tpu.memory_space<vmem>>
      %dma_wait3A_1082 = arith.constant 0 : i32
      %dma_wait3A_1083 = tpu.memref_slice %arg15[%dma_wait3A_1082] : memref<512xi32, #tpu.memory_space<vmem>> -> memref<128xi32, #tpu.memory_space<vmem>>
      %dma_wait3A_1084 = arith.constant 0 : i32
      %dma_wait3A_1085 = tpu.memref_slice %arg4[%dma_wait3A_1084] : memref<800000xf32, #tpu.memory_space<hbm>> -> memref<800000xf32, #tpu.memory_space<hbm>>
      tpu.wait_indirect_dma semaphore(%arg22 : memref<!tpu.dma_semaphore, #tpu.memory_space<semaphore_mem>>) src(%dma_wait3A_1085 : memref<800000xf32, #tpu.memory_space<hbm>>) dst(%dma_wait3A_1081 : memref<128xf32, #tpu.memory_space<vmem>>)
      %dma_wait3A_1086 = arith.constant 128 : i32
      %dma_wait3A_1087 = arith.constant 0 : i32
      %dma_wait3A_1088 = tpu.memref_slice %arg18[%dma_wait3A_1086, %dma_wait3A_1087] : memref<424x128xf32, #tpu.memory_space<vmem>> -> memref<128x128xf32, #tpu.memory_space<vmem>>
      %dma_wait3A_1089 = arith.constant 128 : i32
      %dma_wait3A_1090 = tpu.memref_slice %arg14[%dma_wait3A_1089] : memref<512xi32, #tpu.memory_space<vmem>> -> memref<128xi32, #tpu.memory_space<vmem>>
      %dma_wait3A_1091 = arith.constant 0 : i32
      %dma_wait3A_1092 = arith.constant 0 : i32
      %dma_wait3A_1093 = tpu.memref_slice %arg5[%dma_wait3A_1091, %dma_wait3A_1092] : memref<50000x128xf32, #tpu.memory_space<hbm>> -> memref<50000x128xf32, #tpu.memory_space<hbm>>
      tpu.wait_indirect_dma semaphore(%arg22 : memref<!tpu.dma_semaphore, #tpu.memory_space<semaphore_mem>>) src(%dma_wait3A_1093 : memref<50000x128xf32, #tpu.memory_space<hbm>>) dst(%dma_wait3A_1088 : memref<128x128xf32, #tpu.memory_space<vmem>>)
      %dma_wait3A_1094 = arith.constant 128 : i32
      %dma_wait3A_1095 = arith.constant 0 : i32
      %dma_wait3A_1096 = tpu.memref_slice %arg19[%dma_wait3A_1094, %dma_wait3A_1095] : memref<424x16xf32, #tpu.memory_space<vmem>> -> memref<128x16xf32, #tpu.memory_space<vmem>>
      %dma_wait3A_1097 = arith.constant 128 : i32
      %dma_wait3A_1098 = tpu.memref_slice %arg15[%dma_wait3A_1097] : memref<512xi32, #tpu.memory_space<vmem>> -> memref<128xi32, #tpu.memory_space<vmem>>
      %dma_wait3A_1099 = arith.constant 0 : i32
      %dma_wait3A_1100 = arith.constant 0 : i32
      %dma_wait3A_1101 = tpu.memref_slice %arg6[%dma_wait3A_1099, %dma_wait3A_1100] : memref<800000x16xf32, #tpu.memory_space<hbm>> -> memref<800000x16xf32, #tpu.memory_space<hbm>>
      tpu.wait_indirect_dma semaphore(%arg22 : memref<!tpu.dma_semaphore, #tpu.memory_space<semaphore_mem>>) src(%dma_wait3A_1101 : memref<800000x16xf32, #tpu.memory_space<hbm>>) dst(%dma_wait3A_1096 : memref<128x16xf32, #tpu.memory_space<vmem>>)
      %dma_wait3A_1102 = arith.constant 128 : i32
      %dma_wait3A_1103 = tpu.memref_slice %arg16[%dma_wait3A_1102] : memref<512xf32, #tpu.memory_space<vmem>> -> memref<128xf32, #tpu.memory_space<vmem>>
      %dma_wait3A_1104 = arith.constant 128 : i32
      %dma_wait3A_1105 = tpu.memref_slice %arg15[%dma_wait3A_1104] : memref<512xi32, #tpu.memory_space<vmem>> -> memref<128xi32, #tpu.memory_space<vmem>>
      %dma_wait3A_1106 = arith.constant 0 : i32
      %dma_wait3A_1107 = tpu.memref_slice %arg4[%dma_wait3A_1106] : memref<800000xf32, #tpu.memory_space<hbm>> -> memref<800000xf32, #tpu.memory_space<hbm>>
      tpu.wait_indirect_dma semaphore(%arg22 : memref<!tpu.dma_semaphore, #tpu.memory_space<semaphore_mem>>) src(%dma_wait3A_1107 : memref<800000xf32, #tpu.memory_space<hbm>>) dst(%dma_wait3A_1103 : memref<128xf32, #tpu.memory_space<vmem>>)
      %dma_wait3A_1108 = arith.constant 256 : i32
      %dma_wait3A_1109 = arith.constant 0 : i32
      %dma_wait3A_1110 = tpu.memref_slice %arg18[%dma_wait3A_1108, %dma_wait3A_1109] : memref<424x128xf32, #tpu.memory_space<vmem>> -> memref<128x128xf32, #tpu.memory_space<vmem>>
      %dma_wait3A_1111 = arith.constant 256 : i32
      %dma_wait3A_1112 = tpu.memref_slice %arg14[%dma_wait3A_1111] : memref<512xi32, #tpu.memory_space<vmem>> -> memref<128xi32, #tpu.memory_space<vmem>>
      %dma_wait3A_1113 = arith.constant 0 : i32
      %dma_wait3A_1114 = arith.constant 0 : i32
      %dma_wait3A_1115 = tpu.memref_slice %arg5[%dma_wait3A_1113, %dma_wait3A_1114] : memref<50000x128xf32, #tpu.memory_space<hbm>> -> memref<50000x128xf32, #tpu.memory_space<hbm>>
      tpu.wait_indirect_dma semaphore(%arg22 : memref<!tpu.dma_semaphore, #tpu.memory_space<semaphore_mem>>) src(%dma_wait3A_1115 : memref<50000x128xf32, #tpu.memory_space<hbm>>) dst(%dma_wait3A_1110 : memref<128x128xf32, #tpu.memory_space<vmem>>)
      %dma_wait3A_1116 = arith.constant 256 : i32
      %dma_wait3A_1117 = arith.constant 0 : i32
      %dma_wait3A_1118 = tpu.memref_slice %arg19[%dma_wait3A_1116, %dma_wait3A_1117] : memref<424x16xf32, #tpu.memory_space<vmem>> -> memref<128x16xf32, #tpu.memory_space<vmem>>
      %dma_wait3A_1119 = arith.constant 256 : i32
      %dma_wait3A_1120 = tpu.memref_slice %arg15[%dma_wait3A_1119] : memref<512xi32, #tpu.memory_space<vmem>> -> memref<128xi32, #tpu.memory_space<vmem>>
      %dma_wait3A_1121 = arith.constant 0 : i32
      %dma_wait3A_1122 = arith.constant 0 : i32
      %dma_wait3A_1123 = tpu.memref_slice %arg6[%dma_wait3A_1121, %dma_wait3A_1122] : memref<800000x16xf32, #tpu.memory_space<hbm>> -> memref<800000x16xf32, #tpu.memory_space<hbm>>
      tpu.wait_indirect_dma semaphore(%arg22 : memref<!tpu.dma_semaphore, #tpu.memory_space<semaphore_mem>>) src(%dma_wait3A_1123 : memref<800000x16xf32, #tpu.memory_space<hbm>>) dst(%dma_wait3A_1118 : memref<128x16xf32, #tpu.memory_space<vmem>>)
      %dma_wait3A_1124 = arith.constant 256 : i32
      %dma_wait3A_1125 = tpu.memref_slice %arg16[%dma_wait3A_1124] : memref<512xf32, #tpu.memory_space<vmem>> -> memref<128xf32, #tpu.memory_space<vmem>>
      %dma_wait3A_1126 = arith.constant 256 : i32
      %dma_wait3A_1127 = tpu.memref_slice %arg15[%dma_wait3A_1126] : memref<512xi32, #tpu.memory_space<vmem>> -> memref<128xi32, #tpu.memory_space<vmem>>
      %dma_wait3A_1128 = arith.constant 0 : i32
      %dma_wait3A_1129 = tpu.memref_slice %arg4[%dma_wait3A_1128] : memref<800000xf32, #tpu.memory_space<hbm>> -> memref<800000xf32, #tpu.memory_space<hbm>>
      tpu.wait_indirect_dma semaphore(%arg22 : memref<!tpu.dma_semaphore, #tpu.memory_space<semaphore_mem>>) src(%dma_wait3A_1129 : memref<800000xf32, #tpu.memory_space<hbm>>) dst(%dma_wait3A_1125 : memref<128xf32, #tpu.memory_space<vmem>>)
      %dma_wait3A_1130 = arith.constant 384 : i32
      %dma_wait3A_1131 = arith.constant 0 : i32
      %dma_wait3A_1132 = tpu.memref_slice %arg18[%dma_wait3A_1130, %dma_wait3A_1131] : memref<424x128xf32, #tpu.memory_space<vmem>> -> memref<40x128xf32, #tpu.memory_space<vmem>>
      %dma_wait3A_1133 = arith.constant 384 : i32
      %dma_wait3A_1134 = tpu.memref_slice %arg14[%dma_wait3A_1133] : memref<512xi32, #tpu.memory_space<vmem>> -> memref<40xi32, #tpu.memory_space<vmem>>
      %dma_wait3A_1135 = arith.constant 0 : i32
      %dma_wait3A_1136 = arith.constant 0 : i32
      %dma_wait3A_1137 = tpu.memref_slice %arg5[%dma_wait3A_1135, %dma_wait3A_1136] : memref<50000x128xf32, #tpu.memory_space<hbm>> -> memref<50000x128xf32, #tpu.memory_space<hbm>>
      tpu.wait_indirect_dma semaphore(%arg22 : memref<!tpu.dma_semaphore, #tpu.memory_space<semaphore_mem>>) src(%dma_wait3A_1137 : memref<50000x128xf32, #tpu.memory_space<hbm>>) dst(%dma_wait3A_1132 : memref<40x128xf32, #tpu.memory_space<vmem>>)
      %dma_wait3A_1138 = arith.constant 384 : i32
      %dma_wait3A_1139 = arith.constant 0 : i32
      %dma_wait3A_1140 = tpu.memref_slice %arg19[%dma_wait3A_1138, %dma_wait3A_1139] : memref<424x16xf32, #tpu.memory_space<vmem>> -> memref<40x16xf32, #tpu.memory_space<vmem>>
      %dma_wait3A_1141 = arith.constant 384 : i32
      %dma_wait3A_1142 = tpu.memref_slice %arg15[%dma_wait3A_1141] : memref<512xi32, #tpu.memory_space<vmem>> -> memref<40xi32, #tpu.memory_space<vmem>>
      %dma_wait3A_1143 = arith.constant 0 : i32
      %dma_wait3A_1144 = arith.constant 0 : i32
      %dma_wait3A_1145 = tpu.memref_slice %arg6[%dma_wait3A_1143, %dma_wait3A_1144] : memref<800000x16xf32, #tpu.memory_space<hbm>> -> memref<800000x16xf32, #tpu.memory_space<hbm>>
      tpu.wait_indirect_dma semaphore(%arg22 : memref<!tpu.dma_semaphore, #tpu.memory_space<semaphore_mem>>) src(%dma_wait3A_1145 : memref<800000x16xf32, #tpu.memory_space<hbm>>) dst(%dma_wait3A_1140 : memref<40x16xf32, #tpu.memory_space<vmem>>)
      %dma_wait3A_1146 = arith.constant 384 : i32
      %dma_wait3A_1147 = tpu.memref_slice %arg16[%dma_wait3A_1146] : memref<512xf32, #tpu.memory_space<vmem>> -> memref<40xf32, #tpu.memory_space<vmem>>
      %dma_wait3A_1148 = arith.constant 384 : i32
      %dma_wait3A_1149 = tpu.memref_slice %arg15[%dma_wait3A_1148] : memref<512xi32, #tpu.memory_space<vmem>> -> memref<40xi32, #tpu.memory_space<vmem>>
      %dma_wait3A_1150 = arith.constant 0 : i32
      %dma_wait3A_1151 = tpu.memref_slice %arg4[%dma_wait3A_1150] : memref<800000xf32, #tpu.memory_space<hbm>> -> memref<800000xf32, #tpu.memory_space<hbm>>
      tpu.wait_indirect_dma semaphore(%arg22 : memref<!tpu.dma_semaphore, #tpu.memory_space<semaphore_mem>>) src(%dma_wait3A_1151 : memref<800000xf32, #tpu.memory_space<hbm>>) dst(%dma_wait3A_1147 : memref<40xf32, #tpu.memory_space<vmem>>)
      %add3A_1152 = arith.constant 1 : i32
      %add3A_1153 = arith.addi %add3A_230, %add3A_1152 : i32
      %get3A_1154 = arith.constant 0 : index
      %get3A_1155 = tpu.vector_load %arg14[%get3A_1154] {strides = array<i32>} : memref<512xi32, #tpu.memory_space<vmem>>, vector<16xi32>,
      %get3A_1156 = vector.shape_cast %get3A_1155 : vector<16xi32> to vector<16xi32>
      %get3A_1157 = arith.constant 0 : index
      %get3A_1158 = tpu.vector_load %arg16[%get3A_1157] {strides = array<i32>} : memref<512xf32, #tpu.memory_space<vmem>>, vector<16xf32>,
      %get3A_1159 = vector.shape_cast %get3A_1158 : vector<16xf32> to vector<16xf32>
      %gt3A_1160 = arith.constant 0 : i32
      %gt3A_1161 = vector.broadcast %gt3A_1160 : i32 to vector<16xi32>
      %gt3A_1162 = arith.cmpi sgt, %get3A_1156, %gt3A_1161 : vector<16xi32>
      %jit3A_1163 = arith.constant 0.000000e+00 : f32
      %broadcast_in_dim3A_1164 = vector.broadcast %jit3A_1163 : f32 to vector<16xf32>
      %select_n3A_1165 = arith.select %gt3A_1162, %get3A_1159, %broadcast_in_dim3A_1164 : vector<16xi1>, vector<16xf32>
      %swap3A_1166 = arith.constant 0 : index
      %swap3A_1167 = tpu.vector_load %arg17[%swap3A_1166] {strides = array<i32>} : memref<528xf32, #tpu.memory_space<vmem>>, vector<16xf32>,
      %swap3A_1168 = vector.shape_cast %swap3A_1167 : vector<16xf32> to vector<16xf32>
      %swap3A_1169 = vector.shape_cast %select_n3A_1165 : vector<16xf32> to vector<16xf32>
      tpu.vector_store %arg17[%swap3A_1166], %swap3A_1169 {strides = array<i32>} : memref<528xf32, #tpu.memory_space<vmem>>, vector<16xf32>,
      %get3A_1170 = arith.constant 16 : index
      %get3A_1171 = tpu.vector_load %arg14[%get3A_1170] {strides = array<i32>} : memref<512xi32, #tpu.memory_space<vmem>>, vector<16xi32>,
      %get3A_1172 = vector.shape_cast %get3A_1171 : vector<16xi32> to vector<16xi32>
      %get3A_1173 = arith.constant 16 : index
      %get3A_1174 = tpu.vector_load %arg16[%get3A_1173] {strides = array<i32>} : memref<512xf32, #tpu.memory_space<vmem>>, vector<16xf32>,
      %get3A_1175 = vector.shape_cast %get3A_1174 : vector<16xf32> to vector<16xf32>
      %gt3A_1176 = arith.constant 0 : i32
      %gt3A_1177 = vector.broadcast %gt3A_1176 : i32 to vector<16xi32>
      %gt3A_1178 = arith.cmpi sgt, %get3A_1172, %gt3A_1177 : vector<16xi32>
      %jit3A_1179 = arith.constant 0.000000e+00 : f32
      %broadcast_in_dim3A_1180 = vector.broadcast %jit3A_1179 : f32 to vector<16xf32>
      %select_n3A_1181 = arith.select %gt3A_1178, %get3A_1175, %broadcast_in_dim3A_1180 : vector<16xi1>, vector<16xf32>
      %swap3A_1182 = arith.constant 16 : index
      %swap3A_1183 = tpu.vector_load %arg17[%swap3A_1182] {strides = array<i32>} : memref<528xf32, #tpu.memory_space<vmem>>, vector<16xf32>,
      %swap3A_1184 = vector.shape_cast %swap3A_1183 : vector<16xf32> to vector<16xf32>
      %swap3A_1185 = vector.shape_cast %select_n3A_1181 : vector<16xf32> to vector<16xf32>
      tpu.vector_store %arg17[%swap3A_1182], %swap3A_1185 {strides = array<i32>} : memref<528xf32, #tpu.memory_space<vmem>>, vector<16xf32>,
      %get3A_1186 = arith.constant 32 : index
      %get3A_1187 = tpu.vector_load %arg14[%get3A_1186] {strides = array<i32>} : memref<512xi32, #tpu.memory_space<vmem>>, vector<16xi32>,
      %get3A_1188 = vector.shape_cast %get3A_1187 : vector<16xi32> to vector<16xi32>
      %get3A_1189 = arith.constant 32 : index
      %get3A_1190 = tpu.vector_load %arg16[%get3A_1189] {strides = array<i32>} : memref<512xf32, #tpu.memory_space<vmem>>, vector<16xf32>,
      %get3A_1191 = vector.shape_cast %get3A_1190 : vector<16xf32> to vector<16xf32>
      %gt3A_1192 = arith.constant 0 : i32
      %gt3A_1193 = vector.broadcast %gt3A_1192 : i32 to vector<16xi32>
      %gt3A_1194 = arith.cmpi sgt, %get3A_1188, %gt3A_1193 : vector<16xi32>
      %jit3A_1195 = arith.constant 0.000000e+00 : f32
      %broadcast_in_dim3A_1196 = vector.broadcast %jit3A_1195 : f32 to vector<16xf32>
      %select_n3A_1197 = arith.select %gt3A_1194, %get3A_1191, %broadcast_in_dim3A_1196 : vector<16xi1>, vector<16xf32>
      %swap3A_1198 = arith.constant 32 : index
      %swap3A_1199 = tpu.vector_load %arg17[%swap3A_1198] {strides = array<i32>} : memref<528xf32, #tpu.memory_space<vmem>>, vector<16xf32>,
      %swap3A_1200 = vector.shape_cast %swap3A_1199 : vector<16xf32> to vector<16xf32>
      %swap3A_1201 = vector.shape_cast %select_n3A_1197 : vector<16xf32> to vector<16xf32>
      tpu.vector_store %arg17[%swap3A_1198], %swap3A_1201 {strides = array<i32>} : memref<528xf32, #tpu.memory_space<vmem>>, vector<16xf32>,
      %get3A_1202 = arith.constant 48 : index
      %get3A_1203 = tpu.vector_load %arg14[%get3A_1202] {strides = array<i32>} : memref<512xi32, #tpu.memory_space<vmem>>, vector<16xi32>,
      %get3A_1204 = vector.shape_cast %get3A_1203 : vector<16xi32> to vector<16xi32>
      %get3A_1205 = arith.constant 48 : index
      %get3A_1206 = tpu.vector_load %arg16[%get3A_1205] {strides = array<i32>} : memref<512xf32, #tpu.memory_space<vmem>>, vector<16xf32>,
      %get3A_1207 = vector.shape_cast %get3A_1206 : vector<16xf32> to vector<16xf32>
      %gt3A_1208 = arith.constant 0 : i32
      %gt3A_1209 = vector.broadcast %gt3A_1208 : i32 to vector<16xi32>
      %gt3A_1210 = arith.cmpi sgt, %get3A_1204, %gt3A_1209 : vector<16xi32>
      %jit3A_1211 = arith.constant 0.000000e+00 : f32
      %broadcast_in_dim3A_1212 = vector.broadcast %jit3A_1211 : f32 to vector<16xf32>
      %select_n3A_1213 = arith.select %gt3A_1210, %get3A_1207, %broadcast_in_dim3A_1212 : vector<16xi1>, vector<16xf32>
      %swap3A_1214 = arith.constant 48 : index
      %swap3A_1215 = tpu.vector_load %arg17[%swap3A_1214] {strides = array<i32>} : memref<528xf32, #tpu.memory_space<vmem>>, vector<16xf32>,
      %swap3A_1216 = vector.shape_cast %swap3A_1215 : vector<16xf32> to vector<16xf32>
      %swap3A_1217 = vector.shape_cast %select_n3A_1213 : vector<16xf32> to vector<16xf32>
      tpu.vector_store %arg17[%swap3A_1214], %swap3A_1217 {strides = array<i32>} : memref<528xf32, #tpu.memory_space<vmem>>, vector<16xf32>,
      %get3A_1218 = arith.constant 64 : index
      %get3A_1219 = tpu.vector_load %arg14[%get3A_1218] {strides = array<i32>} : memref<512xi32, #tpu.memory_space<vmem>>, vector<16xi32>,
      %get3A_1220 = vector.shape_cast %get3A_1219 : vector<16xi32> to vector<16xi32>
      %get3A_1221 = arith.constant 64 : index
      %get3A_1222 = tpu.vector_load %arg16[%get3A_1221] {strides = array<i32>} : memref<512xf32, #tpu.memory_space<vmem>>, vector<16xf32>,
      %get3A_1223 = vector.shape_cast %get3A_1222 : vector<16xf32> to vector<16xf32>
      %gt3A_1224 = arith.constant 0 : i32
      %gt3A_1225 = vector.broadcast %gt3A_1224 : i32 to vector<16xi32>
      %gt3A_1226 = arith.cmpi sgt, %get3A_1220, %gt3A_1225 : vector<16xi32>
      %jit3A_1227 = arith.constant 0.000000e+00 : f32
      %broadcast_in_dim3A_1228 = vector.broadcast %jit3A_1227 : f32 to vector<16xf32>
      %select_n3A_1229 = arith.select %gt3A_1226, %get3A_1223, %broadcast_in_dim3A_1228 : vector<16xi1>, vector<16xf32>
      %swap3A_1230 = arith.constant 64 : index
      %swap3A_1231 = tpu.vector_load %arg17[%swap3A_1230] {strides = array<i32>} : memref<528xf32, #tpu.memory_space<vmem>>, vector<16xf32>,
      %swap3A_1232 = vector.shape_cast %swap3A_1231 : vector<16xf32> to vector<16xf32>
      %swap3A_1233 = vector.shape_cast %select_n3A_1229 : vector<16xf32> to vector<16xf32>
      tpu.vector_store %arg17[%swap3A_1230], %swap3A_1233 {strides = array<i32>} : memref<528xf32, #tpu.memory_space<vmem>>, vector<16xf32>,
      %get3A_1234 = arith.constant 80 : index
      %get3A_1235 = tpu.vector_load %arg14[%get3A_1234] {strides = array<i32>} : memref<512xi32, #tpu.memory_space<vmem>>, vector<16xi32>,
      %get3A_1236 = vector.shape_cast %get3A_1235 : vector<16xi32> to vector<16xi32>
      %get3A_1237 = arith.constant 80 : index
      %get3A_1238 = tpu.vector_load %arg16[%get3A_1237] {strides = array<i32>} : memref<512xf32, #tpu.memory_space<vmem>>, vector<16xf32>,
      %get3A_1239 = vector.shape_cast %get3A_1238 : vector<16xf32> to vector<16xf32>
      %gt3A_1240 = arith.constant 0 : i32
      %gt3A_1241 = vector.broadcast %gt3A_1240 : i32 to vector<16xi32>
      %gt3A_1242 = arith.cmpi sgt, %get3A_1236, %gt3A_1241 : vector<16xi32>
      %jit3A_1243 = arith.constant 0.000000e+00 : f32
      %broadcast_in_dim3A_1244 = vector.broadcast %jit3A_1243 : f32 to vector<16xf32>
      %select_n3A_1245 = arith.select %gt3A_1242, %get3A_1239, %broadcast_in_dim3A_1244 : vector<16xi1>, vector<16xf32>
      %swap3A_1246 = arith.constant 80 : index
      %swap3A_1247 = tpu.vector_load %arg17[%swap3A_1246] {strides = array<i32>} : memref<528xf32, #tpu.memory_space<vmem>>, vector<16xf32>,
      %swap3A_1248 = vector.shape_cast %swap3A_1247 : vector<16xf32> to vector<16xf32>
      %swap3A_1249 = vector.shape_cast %select_n3A_1245 : vector<16xf32> to vector<16xf32>
      tpu.vector_store %arg17[%swap3A_1246], %swap3A_1249 {strides = array<i32>} : memref<528xf32, #tpu.memory_space<vmem>>, vector<16xf32>,
      %get3A_1250 = arith.constant 96 : index
      %get3A_1251 = tpu.vector_load %arg14[%get3A_1250] {strides = array<i32>} : memref<512xi32, #tpu.memory_space<vmem>>, vector<16xi32>,
      %get3A_1252 = vector.shape_cast %get3A_1251 : vector<16xi32> to vector<16xi32>
      %get3A_1253 = arith.constant 96 : index
      %get3A_1254 = tpu.vector_load %arg16[%get3A_1253] {strides = array<i32>} : memref<512xf32, #tpu.memory_space<vmem>>, vector<16xf32>,
      %get3A_1255 = vector.shape_cast %get3A_1254 : vector<16xf32> to vector<16xf32>
      %gt3A_1256 = arith.constant 0 : i32
      %gt3A_1257 = vector.broadcast %gt3A_1256 : i32 to vector<16xi32>
      %gt3A_1258 = arith.cmpi sgt, %get3A_1252, %gt3A_1257 : vector<16xi32>
      %jit3A_1259 = arith.constant 0.000000e+00 : f32
      %broadcast_in_dim3A_1260 = vector.broadcast %jit3A_1259 : f32 to vector<16xf32>
      %select_n3A_1261 = arith.select %gt3A_1258, %get3A_1255, %broadcast_in_dim3A_1260 : vector<16xi1>, vector<16xf32>
      %swap3A_1262 = arith.constant 96 : index
      %swap3A_1263 = tpu.vector_load %arg17[%swap3A_1262] {strides = array<i32>} : memref<528xf32, #tpu.memory_space<vmem>>, vector<16xf32>,
      %swap3A_1264 = vector.shape_cast %swap3A_1263 : vector<16xf32> to vector<16xf32>
      %swap3A_1265 = vector.shape_cast %select_n3A_1261 : vector<16xf32> to vector<16xf32>
      tpu.vector_store %arg17[%swap3A_1262], %swap3A_1265 {strides = array<i32>} : memref<528xf32, #tpu.memory_space<vmem>>, vector<16xf32>,
      %get3A_1266 = arith.constant 112 : index
      %get3A_1267 = tpu.vector_load %arg14[%get3A_1266] {strides = array<i32>} : memref<512xi32, #tpu.memory_space<vmem>>, vector<16xi32>,
      %get3A_1268 = vector.shape_cast %get3A_1267 : vector<16xi32> to vector<16xi32>
      %get3A_1269 = arith.constant 112 : index
      %get3A_1270 = tpu.vector_load %arg16[%get3A_1269] {strides = array<i32>} : memref<512xf32, #tpu.memory_space<vmem>>, vector<16xf32>,
      %get3A_1271 = vector.shape_cast %get3A_1270 : vector<16xf32> to vector<16xf32>
      %gt3A_1272 = arith.constant 0 : i32
      %gt3A_1273 = vector.broadcast %gt3A_1272 : i32 to vector<16xi32>
      %gt3A_1274 = arith.cmpi sgt, %get3A_1268, %gt3A_1273 : vector<16xi32>
      %jit3A_1275 = arith.constant 0.000000e+00 : f32
      %broadcast_in_dim3A_1276 = vector.broadcast %jit3A_1275 : f32 to vector<16xf32>
      %select_n3A_1277 = arith.select %gt3A_1274, %get3A_1271, %broadcast_in_dim3A_1276 : vector<16xi1>, vector<16xf32>
      %swap3A_1278 = arith.constant 112 : index
      %swap3A_1279 = tpu.vector_load %arg17[%swap3A_1278] {strides = array<i32>} : memref<528xf32, #tpu.memory_space<vmem>>, vector<16xf32>,
      %swap3A_1280 = vector.shape_cast %swap3A_1279 : vector<16xf32> to vector<16xf32>
      %swap3A_1281 = vector.shape_cast %select_n3A_1277 : vector<16xf32> to vector<16xf32>
      tpu.vector_store %arg17[%swap3A_1278], %swap3A_1281 {strides = array<i32>} : memref<528xf32, #tpu.memory_space<vmem>>, vector<16xf32>,
      %get3A_1282 = arith.constant 128 : index
      %get3A_1283 = tpu.vector_load %arg14[%get3A_1282] {strides = array<i32>} : memref<512xi32, #tpu.memory_space<vmem>>, vector<16xi32>,
      %get3A_1284 = vector.shape_cast %get3A_1283 : vector<16xi32> to vector<16xi32>
      %get3A_1285 = arith.constant 128 : index
      %get3A_1286 = tpu.vector_load %arg16[%get3A_1285] {strides = array<i32>} : memref<512xf32, #tpu.memory_space<vmem>>, vector<16xf32>,
      %get3A_1287 = vector.shape_cast %get3A_1286 : vector<16xf32> to vector<16xf32>
      %gt3A_1288 = arith.constant 0 : i32
      %gt3A_1289 = vector.broadcast %gt3A_1288 : i32 to vector<16xi32>
      %gt3A_1290 = arith.cmpi sgt, %get3A_1284, %gt3A_1289 : vector<16xi32>
      %jit3A_1291 = arith.constant 0.000000e+00 : f32
      %broadcast_in_dim3A_1292 = vector.broadcast %jit3A_1291 : f32 to vector<16xf32>
      %select_n3A_1293 = arith.select %gt3A_1290, %get3A_1287, %broadcast_in_dim3A_1292 : vector<16xi1>, vector<16xf32>
      %swap3A_1294 = arith.constant 128 : index
      %swap3A_1295 = tpu.vector_load %arg17[%swap3A_1294] {strides = array<i32>} : memref<528xf32, #tpu.memory_space<vmem>>, vector<16xf32>,
      %swap3A_1296 = vector.shape_cast %swap3A_1295 : vector<16xf32> to vector<16xf32>
      %swap3A_1297 = vector.shape_cast %select_n3A_1293 : vector<16xf32> to vector<16xf32>
      tpu.vector_store %arg17[%swap3A_1294], %swap3A_1297 {strides = array<i32>} : memref<528xf32, #tpu.memory_space<vmem>>, vector<16xf32>,
      %get3A_1298 = arith.constant 144 : index
      %get3A_1299 = tpu.vector_load %arg14[%get3A_1298] {strides = array<i32>} : memref<512xi32, #tpu.memory_space<vmem>>, vector<16xi32>,
      %get3A_1300 = vector.shape_cast %get3A_1299 : vector<16xi32> to vector<16xi32>
      %get3A_1301 = arith.constant 144 : index
      %get3A_1302 = tpu.vector_load %arg16[%get3A_1301] {strides = array<i32>} : memref<512xf32, #tpu.memory_space<vmem>>, vector<16xf32>,
      %get3A_1303 = vector.shape_cast %get3A_1302 : vector<16xf32> to vector<16xf32>
      %gt3A_1304 = arith.constant 0 : i32
      %gt3A_1305 = vector.broadcast %gt3A_1304 : i32 to vector<16xi32>
      %gt3A_1306 = arith.cmpi sgt, %get3A_1300, %gt3A_1305 : vector<16xi32>
      %jit3A_1307 = arith.constant 0.000000e+00 : f32
      %broadcast_in_dim3A_1308 = vector.broadcast %jit3A_1307 : f32 to vector<16xf32>
      %select_n3A_1309 = arith.select %gt3A_1306, %get3A_1303, %broadcast_in_dim3A_1308 : vector<16xi1>, vector<16xf32>
      %swap3A_1310 = arith.constant 144 : index
      %swap3A_1311 = tpu.vector_load %arg17[%swap3A_1310] {strides = array<i32>} : memref<528xf32, #tpu.memory_space<vmem>>, vector<16xf32>,
      %swap3A_1312 = vector.shape_cast %swap3A_1311 : vector<16xf32> to vector<16xf32>
      %swap3A_1313 = vector.shape_cast %select_n3A_1309 : vector<16xf32> to vector<16xf32>
      tpu.vector_store %arg17[%swap3A_1310], %swap3A_1313 {strides = array<i32>} : memref<528xf32, #tpu.memory_space<vmem>>, vector<16xf32>,
      %get3A_1314 = arith.constant 160 : index
      %get3A_1315 = tpu.vector_load %arg14[%get3A_1314] {strides = array<i32>} : memref<512xi32, #tpu.memory_space<vmem>>, vector<16xi32>,
      %get3A_1316 = vector.shape_cast %get3A_1315 : vector<16xi32> to vector<16xi32>
      %get3A_1317 = arith.constant 160 : index
      %get3A_1318 = tpu.vector_load %arg16[%get3A_1317] {strides = array<i32>} : memref<512xf32, #tpu.memory_space<vmem>>, vector<16xf32>,
      %get3A_1319 = vector.shape_cast %get3A_1318 : vector<16xf32> to vector<16xf32>
      %gt3A_1320 = arith.constant 0 : i32
      %gt3A_1321 = vector.broadcast %gt3A_1320 : i32 to vector<16xi32>
      %gt3A_1322 = arith.cmpi sgt, %get3A_1316, %gt3A_1321 : vector<16xi32>
      %jit3A_1323 = arith.constant 0.000000e+00 : f32
      %broadcast_in_dim3A_1324 = vector.broadcast %jit3A_1323 : f32 to vector<16xf32>
      %select_n3A_1325 = arith.select %gt3A_1322, %get3A_1319, %broadcast_in_dim3A_1324 : vector<16xi1>, vector<16xf32>
      %swap3A_1326 = arith.constant 160 : index
      %swap3A_1327 = tpu.vector_load %arg17[%swap3A_1326] {strides = array<i32>} : memref<528xf32, #tpu.memory_space<vmem>>, vector<16xf32>,
      %swap3A_1328 = vector.shape_cast %swap3A_1327 : vector<16xf32> to vector<16xf32>
      %swap3A_1329 = vector.shape_cast %select_n3A_1325 : vector<16xf32> to vector<16xf32>
      tpu.vector_store %arg17[%swap3A_1326], %swap3A_1329 {strides = array<i32>} : memref<528xf32, #tpu.memory_space<vmem>>, vector<16xf32>,
      %get3A_1330 = arith.constant 176 : index
      %get3A_1331 = tpu.vector_load %arg14[%get3A_1330] {strides = array<i32>} : memref<512xi32, #tpu.memory_space<vmem>>, vector<16xi32>,
      %get3A_1332 = vector.shape_cast %get3A_1331 : vector<16xi32> to vector<16xi32>
      %get3A_1333 = arith.constant 176 : index
      %get3A_1334 = tpu.vector_load %arg16[%get3A_1333] {strides = array<i32>} : memref<512xf32, #tpu.memory_space<vmem>>, vector<16xf32>,
      %get3A_1335 = vector.shape_cast %get3A_1334 : vector<16xf32> to vector<16xf32>
      %gt3A_1336 = arith.constant 0 : i32
      %gt3A_1337 = vector.broadcast %gt3A_1336 : i32 to vector<16xi32>
      %gt3A_1338 = arith.cmpi sgt, %get3A_1332, %gt3A_1337 : vector<16xi32>
      %jit3A_1339 = arith.constant 0.000000e+00 : f32
      %broadcast_in_dim3A_1340 = vector.broadcast %jit3A_1339 : f32 to vector<16xf32>
      %select_n3A_1341 = arith.select %gt3A_1338, %get3A_1335, %broadcast_in_dim3A_1340 : vector<16xi1>, vector<16xf32>
      %swap3A_1342 = arith.constant 176 : index
      %swap3A_1343 = tpu.vector_load %arg17[%swap3A_1342] {strides = array<i32>} : memref<528xf32, #tpu.memory_space<vmem>>, vector<16xf32>,
      %swap3A_1344 = vector.shape_cast %swap3A_1343 : vector<16xf32> to vector<16xf32>
      %swap3A_1345 = vector.shape_cast %select_n3A_1341 : vector<16xf32> to vector<16xf32>
      tpu.vector_store %arg17[%swap3A_1342], %swap3A_1345 {strides = array<i32>} : memref<528xf32, #tpu.memory_space<vmem>>, vector<16xf32>,
      %get3A_1346 = arith.constant 192 : index
      %get3A_1347 = tpu.vector_load %arg14[%get3A_1346] {strides = array<i32>} : memref<512xi32, #tpu.memory_space<vmem>>, vector<16xi32>,
      %get3A_1348 = vector.shape_cast %get3A_1347 : vector<16xi32> to vector<16xi32>
      %get3A_1349 = arith.constant 192 : index
      %get3A_1350 = tpu.vector_load %arg16[%get3A_1349] {strides = array<i32>} : memref<512xf32, #tpu.memory_space<vmem>>, vector<16xf32>,
      %get3A_1351 = vector.shape_cast %get3A_1350 : vector<16xf32> to vector<16xf32>
      %gt3A_1352 = arith.constant 0 : i32
      %gt3A_1353 = vector.broadcast %gt3A_1352 : i32 to vector<16xi32>
      %gt3A_1354 = arith.cmpi sgt, %get3A_1348, %gt3A_1353 : vector<16xi32>
      %jit3A_1355 = arith.constant 0.000000e+00 : f32
      %broadcast_in_dim3A_1356 = vector.broadcast %jit3A_1355 : f32 to vector<16xf32>
      %select_n3A_1357 = arith.select %gt3A_1354, %get3A_1351, %broadcast_in_dim3A_1356 : vector<16xi1>, vector<16xf32>
      %swap3A_1358 = arith.constant 192 : index
      %swap3A_1359 = tpu.vector_load %arg17[%swap3A_1358] {strides = array<i32>} : memref<528xf32, #tpu.memory_space<vmem>>, vector<16xf32>,
      %swap3A_1360 = vector.shape_cast %swap3A_1359 : vector<16xf32> to vector<16xf32>
      %swap3A_1361 = vector.shape_cast %select_n3A_1357 : vector<16xf32> to vector<16xf32>
      tpu.vector_store %arg17[%swap3A_1358], %swap3A_1361 {strides = array<i32>} : memref<528xf32, #tpu.memory_space<vmem>>, vector<16xf32>,
      %get3A_1362 = arith.constant 208 : index
      %get3A_1363 = tpu.vector_load %arg14[%get3A_1362] {strides = array<i32>} : memref<512xi32, #tpu.memory_space<vmem>>, vector<16xi32>,
      %get3A_1364 = vector.shape_cast %get3A_1363 : vector<16xi32> to vector<16xi32>
      %get3A_1365 = arith.constant 208 : index
      %get3A_1366 = tpu.vector_load %arg16[%get3A_1365] {strides = array<i32>} : memref<512xf32, #tpu.memory_space<vmem>>, vector<16xf32>,
      %get3A_1367 = vector.shape_cast %get3A_1366 : vector<16xf32> to vector<16xf32>
      %gt3A_1368 = arith.constant 0 : i32
      %gt3A_1369 = vector.broadcast %gt3A_1368 : i32 to vector<16xi32>
      %gt3A_1370 = arith.cmpi sgt, %get3A_1364, %gt3A_1369 : vector<16xi32>
      %jit3A_1371 = arith.constant 0.000000e+00 : f32
      %broadcast_in_dim3A_1372 = vector.broadcast %jit3A_1371 : f32 to vector<16xf32>
      %select_n3A_1373 = arith.select %gt3A_1370, %get3A_1367, %broadcast_in_dim3A_1372 : vector<16xi1>, vector<16xf32>
      %swap3A_1374 = arith.constant 208 : index
      %swap3A_1375 = tpu.vector_load %arg17[%swap3A_1374] {strides = array<i32>} : memref<528xf32, #tpu.memory_space<vmem>>, vector<16xf32>,
      %swap3A_1376 = vector.shape_cast %swap3A_1375 : vector<16xf32> to vector<16xf32>
      %swap3A_1377 = vector.shape_cast %select_n3A_1373 : vector<16xf32> to vector<16xf32>
      tpu.vector_store %arg17[%swap3A_1374], %swap3A_1377 {strides = array<i32>} : memref<528xf32, #tpu.memory_space<vmem>>, vector<16xf32>,
      %get3A_1378 = arith.constant 224 : index
      %get3A_1379 = tpu.vector_load %arg14[%get3A_1378] {strides = array<i32>} : memref<512xi32, #tpu.memory_space<vmem>>, vector<16xi32>,
      %get3A_1380 = vector.shape_cast %get3A_1379 : vector<16xi32> to vector<16xi32>
      %get3A_1381 = arith.constant 224 : index
      %get3A_1382 = tpu.vector_load %arg16[%get3A_1381] {strides = array<i32>} : memref<512xf32, #tpu.memory_space<vmem>>, vector<16xf32>,
      %get3A_1383 = vector.shape_cast %get3A_1382 : vector<16xf32> to vector<16xf32>
      %gt3A_1384 = arith.constant 0 : i32
      %gt3A_1385 = vector.broadcast %gt3A_1384 : i32 to vector<16xi32>
      %gt3A_1386 = arith.cmpi sgt, %get3A_1380, %gt3A_1385 : vector<16xi32>
      %jit3A_1387 = arith.constant 0.000000e+00 : f32
      %broadcast_in_dim3A_1388 = vector.broadcast %jit3A_1387 : f32 to vector<16xf32>
      %select_n3A_1389 = arith.select %gt3A_1386, %get3A_1383, %broadcast_in_dim3A_1388 : vector<16xi1>, vector<16xf32>
      %swap3A_1390 = arith.constant 224 : index
      %swap3A_1391 = tpu.vector_load %arg17[%swap3A_1390] {strides = array<i32>} : memref<528xf32, #tpu.memory_space<vmem>>, vector<16xf32>,
      %swap3A_1392 = vector.shape_cast %swap3A_1391 : vector<16xf32> to vector<16xf32>
      %swap3A_1393 = vector.shape_cast %select_n3A_1389 : vector<16xf32> to vector<16xf32>
      tpu.vector_store %arg17[%swap3A_1390], %swap3A_1393 {strides = array<i32>} : memref<528xf32, #tpu.memory_space<vmem>>, vector<16xf32>,
      %get3A_1394 = arith.constant 240 : index
      %get3A_1395 = tpu.vector_load %arg14[%get3A_1394] {strides = array<i32>} : memref<512xi32, #tpu.memory_space<vmem>>, vector<16xi32>,
      %get3A_1396 = vector.shape_cast %get3A_1395 : vector<16xi32> to vector<16xi32>
      %get3A_1397 = arith.constant 240 : index
      %get3A_1398 = tpu.vector_load %arg16[%get3A_1397] {strides = array<i32>} : memref<512xf32, #tpu.memory_space<vmem>>, vector<16xf32>,
      %get3A_1399 = vector.shape_cast %get3A_1398 : vector<16xf32> to vector<16xf32>
      %gt3A_1400 = arith.constant 0 : i32
      %gt3A_1401 = vector.broadcast %gt3A_1400 : i32 to vector<16xi32>
      %gt3A_1402 = arith.cmpi sgt, %get3A_1396, %gt3A_1401 : vector<16xi32>
      %jit3A_1403 = arith.constant 0.000000e+00 : f32
      %broadcast_in_dim3A_1404 = vector.broadcast %jit3A_1403 : f32 to vector<16xf32>
      %select_n3A_1405 = arith.select %gt3A_1402, %get3A_1399, %broadcast_in_dim3A_1404 : vector<16xi1>, vector<16xf32>
      %swap3A_1406 = arith.constant 240 : index
      %swap3A_1407 = tpu.vector_load %arg17[%swap3A_1406] {strides = array<i32>} : memref<528xf32, #tpu.memory_space<vmem>>, vector<16xf32>,
      %swap3A_1408 = vector.shape_cast %swap3A_1407 : vector<16xf32> to vector<16xf32>
      %swap3A_1409 = vector.shape_cast %select_n3A_1405 : vector<16xf32> to vector<16xf32>
      tpu.vector_store %arg17[%swap3A_1406], %swap3A_1409 {strides = array<i32>} : memref<528xf32, #tpu.memory_space<vmem>>, vector<16xf32>,
      %get3A_1410 = arith.constant 256 : index
      %get3A_1411 = tpu.vector_load %arg14[%get3A_1410] {strides = array<i32>} : memref<512xi32, #tpu.memory_space<vmem>>, vector<16xi32>,
      %get3A_1412 = vector.shape_cast %get3A_1411 : vector<16xi32> to vector<16xi32>
      %get3A_1413 = arith.constant 256 : index
      %get3A_1414 = tpu.vector_load %arg16[%get3A_1413] {strides = array<i32>} : memref<512xf32, #tpu.memory_space<vmem>>, vector<16xf32>,
      %get3A_1415 = vector.shape_cast %get3A_1414 : vector<16xf32> to vector<16xf32>
      %gt3A_1416 = arith.constant 0 : i32
      %gt3A_1417 = vector.broadcast %gt3A_1416 : i32 to vector<16xi32>
      %gt3A_1418 = arith.cmpi sgt, %get3A_1412, %gt3A_1417 : vector<16xi32>
      %jit3A_1419 = arith.constant 0.000000e+00 : f32
      %broadcast_in_dim3A_1420 = vector.broadcast %jit3A_1419 : f32 to vector<16xf32>
      %select_n3A_1421 = arith.select %gt3A_1418, %get3A_1415, %broadcast_in_dim3A_1420 : vector<16xi1>, vector<16xf32>
      %swap3A_1422 = arith.constant 256 : index
      %swap3A_1423 = tpu.vector_load %arg17[%swap3A_1422] {strides = array<i32>} : memref<528xf32, #tpu.memory_space<vmem>>, vector<16xf32>,
      %swap3A_1424 = vector.shape_cast %swap3A_1423 : vector<16xf32> to vector<16xf32>
      %swap3A_1425 = vector.shape_cast %select_n3A_1421 : vector<16xf32> to vector<16xf32>
      tpu.vector_store %arg17[%swap3A_1422], %swap3A_1425 {strides = array<i32>} : memref<528xf32, #tpu.memory_space<vmem>>, vector<16xf32>,
      %get3A_1426 = arith.constant 272 : index
      %get3A_1427 = tpu.vector_load %arg14[%get3A_1426] {strides = array<i32>} : memref<512xi32, #tpu.memory_space<vmem>>, vector<16xi32>,
      %get3A_1428 = vector.shape_cast %get3A_1427 : vector<16xi32> to vector<16xi32>
      %get3A_1429 = arith.constant 272 : index
      %get3A_1430 = tpu.vector_load %arg16[%get3A_1429] {strides = array<i32>} : memref<512xf32, #tpu.memory_space<vmem>>, vector<16xf32>,
      %get3A_1431 = vector.shape_cast %get3A_1430 : vector<16xf32> to vector<16xf32>
      %gt3A_1432 = arith.constant 0 : i32
      %gt3A_1433 = vector.broadcast %gt3A_1432 : i32 to vector<16xi32>
      %gt3A_1434 = arith.cmpi sgt, %get3A_1428, %gt3A_1433 : vector<16xi32>
      %jit3A_1435 = arith.constant 0.000000e+00 : f32
      %broadcast_in_dim3A_1436 = vector.broadcast %jit3A_1435 : f32 to vector<16xf32>
      %select_n3A_1437 = arith.select %gt3A_1434, %get3A_1431, %broadcast_in_dim3A_1436 : vector<16xi1>, vector<16xf32>
      %swap3A_1438 = arith.constant 272 : index
      %swap3A_1439 = tpu.vector_load %arg17[%swap3A_1438] {strides = array<i32>} : memref<528xf32, #tpu.memory_space<vmem>>, vector<16xf32>,
      %swap3A_1440 = vector.shape_cast %swap3A_1439 : vector<16xf32> to vector<16xf32>
      %swap3A_1441 = vector.shape_cast %select_n3A_1437 : vector<16xf32> to vector<16xf32>
      tpu.vector_store %arg17[%swap3A_1438], %swap3A_1441 {strides = array<i32>} : memref<528xf32, #tpu.memory_space<vmem>>, vector<16xf32>,
      %get3A_1442 = arith.constant 288 : index
      %get3A_1443 = tpu.vector_load %arg14[%get3A_1442] {strides = array<i32>} : memref<512xi32, #tpu.memory_space<vmem>>, vector<16xi32>,
      %get3A_1444 = vector.shape_cast %get3A_1443 : vector<16xi32> to vector<16xi32>
      %get3A_1445 = arith.constant 288 : index
      %get3A_1446 = tpu.vector_load %arg16[%get3A_1445] {strides = array<i32>} : memref<512xf32, #tpu.memory_space<vmem>>, vector<16xf32>,
      %get3A_1447 = vector.shape_cast %get3A_1446 : vector<16xf32> to vector<16xf32>
      %gt3A_1448 = arith.constant 0 : i32
      %gt3A_1449 = vector.broadcast %gt3A_1448 : i32 to vector<16xi32>
      %gt3A_1450 = arith.cmpi sgt, %get3A_1444, %gt3A_1449 : vector<16xi32>
      %jit3A_1451 = arith.constant 0.000000e+00 : f32
      %broadcast_in_dim3A_1452 = vector.broadcast %jit3A_1451 : f32 to vector<16xf32>
      %select_n3A_1453 = arith.select %gt3A_1450, %get3A_1447, %broadcast_in_dim3A_1452 : vector<16xi1>, vector<16xf32>
      %swap3A_1454 = arith.constant 288 : index
      %swap3A_1455 = tpu.vector_load %arg17[%swap3A_1454] {strides = array<i32>} : memref<528xf32, #tpu.memory_space<vmem>>, vector<16xf32>,
      %swap3A_1456 = vector.shape_cast %swap3A_1455 : vector<16xf32> to vector<16xf32>
      %swap3A_1457 = vector.shape_cast %select_n3A_1453 : vector<16xf32> to vector<16xf32>
      tpu.vector_store %arg17[%swap3A_1454], %swap3A_1457 {strides = array<i32>} : memref<528xf32, #tpu.memory_space<vmem>>, vector<16xf32>,
      %get3A_1458 = arith.constant 304 : index
      %get3A_1459 = tpu.vector_load %arg14[%get3A_1458] {strides = array<i32>} : memref<512xi32, #tpu.memory_space<vmem>>, vector<16xi32>,
      %get3A_1460 = vector.shape_cast %get3A_1459 : vector<16xi32> to vector<16xi32>
      %get3A_1461 = arith.constant 304 : index
      %get3A_1462 = tpu.vector_load %arg16[%get3A_1461] {strides = array<i32>} : memref<512xf32, #tpu.memory_space<vmem>>, vector<16xf32>,
      %get3A_1463 = vector.shape_cast %get3A_1462 : vector<16xf32> to vector<16xf32>
      %gt3A_1464 = arith.constant 0 : i32
      %gt3A_1465 = vector.broadcast %gt3A_1464 : i32 to vector<16xi32>
      %gt3A_1466 = arith.cmpi sgt, %get3A_1460, %gt3A_1465 : vector<16xi32>
      %jit3A_1467 = arith.constant 0.000000e+00 : f32
      %broadcast_in_dim3A_1468 = vector.broadcast %jit3A_1467 : f32 to vector<16xf32>
      %select_n3A_1469 = arith.select %gt3A_1466, %get3A_1463, %broadcast_in_dim3A_1468 : vector<16xi1>, vector<16xf32>
      %swap3A_1470 = arith.constant 304 : index
      %swap3A_1471 = tpu.vector_load %arg17[%swap3A_1470] {strides = array<i32>} : memref<528xf32, #tpu.memory_space<vmem>>, vector<16xf32>,
      %swap3A_1472 = vector.shape_cast %swap3A_1471 : vector<16xf32> to vector<16xf32>
      %swap3A_1473 = vector.shape_cast %select_n3A_1469 : vector<16xf32> to vector<16xf32>
      tpu.vector_store %arg17[%swap3A_1470], %swap3A_1473 {strides = array<i32>} : memref<528xf32, #tpu.memory_space<vmem>>, vector<16xf32>,
      %get3A_1474 = arith.constant 320 : index
      %get3A_1475 = tpu.vector_load %arg14[%get3A_1474] {strides = array<i32>} : memref<512xi32, #tpu.memory_space<vmem>>, vector<16xi32>,
      %get3A_1476 = vector.shape_cast %get3A_1475 : vector<16xi32> to vector<16xi32>
      %get3A_1477 = arith.constant 320 : index
      %get3A_1478 = tpu.vector_load %arg16[%get3A_1477] {strides = array<i32>} : memref<512xf32, #tpu.memory_space<vmem>>, vector<16xf32>,
      %get3A_1479 = vector.shape_cast %get3A_1478 : vector<16xf32> to vector<16xf32>
      %gt3A_1480 = arith.constant 0 : i32
      %gt3A_1481 = vector.broadcast %gt3A_1480 : i32 to vector<16xi32>
      %gt3A_1482 = arith.cmpi sgt, %get3A_1476, %gt3A_1481 : vector<16xi32>
      %jit3A_1483 = arith.constant 0.000000e+00 : f32
      %broadcast_in_dim3A_1484 = vector.broadcast %jit3A_1483 : f32 to vector<16xf32>
      %select_n3A_1485 = arith.select %gt3A_1482, %get3A_1479, %broadcast_in_dim3A_1484 : vector<16xi1>, vector<16xf32>
      %swap3A_1486 = arith.constant 320 : index
      %swap3A_1487 = tpu.vector_load %arg17[%swap3A_1486] {strides = array<i32>} : memref<528xf32, #tpu.memory_space<vmem>>, vector<16xf32>,
      %swap3A_1488 = vector.shape_cast %swap3A_1487 : vector<16xf32> to vector<16xf32>
      %swap3A_1489 = vector.shape_cast %select_n3A_1485 : vector<16xf32> to vector<16xf32>
      tpu.vector_store %arg17[%swap3A_1486], %swap3A_1489 {strides = array<i32>} : memref<528xf32, #tpu.memory_space<vmem>>, vector<16xf32>,
      %get3A_1490 = arith.constant 336 : index
      %get3A_1491 = tpu.vector_load %arg14[%get3A_1490] {strides = array<i32>} : memref<512xi32, #tpu.memory_space<vmem>>, vector<16xi32>,
      %get3A_1492 = vector.shape_cast %get3A_1491 : vector<16xi32> to vector<16xi32>
      %get3A_1493 = arith.constant 336 : index
      %get3A_1494 = tpu.vector_load %arg16[%get3A_1493] {strides = array<i32>} : memref<512xf32, #tpu.memory_space<vmem>>, vector<16xf32>,
      %get3A_1495 = vector.shape_cast %get3A_1494 : vector<16xf32> to vector<16xf32>
      %gt3A_1496 = arith.constant 0 : i32
      %gt3A_1497 = vector.broadcast %gt3A_1496 : i32 to vector<16xi32>
      %gt3A_1498 = arith.cmpi sgt, %get3A_1492, %gt3A_1497 : vector<16xi32>
      %jit3A_1499 = arith.constant 0.000000e+00 : f32
      %broadcast_in_dim3A_1500 = vector.broadcast %jit3A_1499 : f32 to vector<16xf32>
      %select_n3A_1501 = arith.select %gt3A_1498, %get3A_1495, %broadcast_in_dim3A_1500 : vector<16xi1>, vector<16xf32>
      %swap3A_1502 = arith.constant 336 : index
      %swap3A_1503 = tpu.vector_load %arg17[%swap3A_1502] {strides = array<i32>} : memref<528xf32, #tpu.memory_space<vmem>>, vector<16xf32>,
      %swap3A_1504 = vector.shape_cast %swap3A_1503 : vector<16xf32> to vector<16xf32>
      %swap3A_1505 = vector.shape_cast %select_n3A_1501 : vector<16xf32> to vector<16xf32>
      tpu.vector_store %arg17[%swap3A_1502], %swap3A_1505 {strides = array<i32>} : memref<528xf32, #tpu.memory_space<vmem>>, vector<16xf32>,
      %get3A_1506 = arith.constant 352 : index
      %get3A_1507 = tpu.vector_load %arg14[%get3A_1506] {strides = array<i32>} : memref<512xi32, #tpu.memory_space<vmem>>, vector<16xi32>,
      %get3A_1508 = vector.shape_cast %get3A_1507 : vector<16xi32> to vector<16xi32>
      %get3A_1509 = arith.constant 352 : index
      %get3A_1510 = tpu.vector_load %arg16[%get3A_1509] {strides = array<i32>} : memref<512xf32, #tpu.memory_space<vmem>>, vector<16xf32>,
      %get3A_1511 = vector.shape_cast %get3A_1510 : vector<16xf32> to vector<16xf32>
      %gt3A_1512 = arith.constant 0 : i32
      %gt3A_1513 = vector.broadcast %gt3A_1512 : i32 to vector<16xi32>
      %gt3A_1514 = arith.cmpi sgt, %get3A_1508, %gt3A_1513 : vector<16xi32>
      %jit3A_1515 = arith.constant 0.000000e+00 : f32
      %broadcast_in_dim3A_1516 = vector.broadcast %jit3A_1515 : f32 to vector<16xf32>
      %select_n3A_1517 = arith.select %gt3A_1514, %get3A_1511, %broadcast_in_dim3A_1516 : vector<16xi1>, vector<16xf32>
      %swap3A_1518 = arith.constant 352 : index
      %swap3A_1519 = tpu.vector_load %arg17[%swap3A_1518] {strides = array<i32>} : memref<528xf32, #tpu.memory_space<vmem>>, vector<16xf32>,
      %swap3A_1520 = vector.shape_cast %swap3A_1519 : vector<16xf32> to vector<16xf32>
      %swap3A_1521 = vector.shape_cast %select_n3A_1517 : vector<16xf32> to vector<16xf32>
      tpu.vector_store %arg17[%swap3A_1518], %swap3A_1521 {strides = array<i32>} : memref<528xf32, #tpu.memory_space<vmem>>, vector<16xf32>,
      %get3A_1522 = arith.constant 368 : index
      %get3A_1523 = tpu.vector_load %arg14[%get3A_1522] {strides = array<i32>} : memref<512xi32, #tpu.memory_space<vmem>>, vector<16xi32>,
      %get3A_1524 = vector.shape_cast %get3A_1523 : vector<16xi32> to vector<16xi32>
      %get3A_1525 = arith.constant 368 : index
      %get3A_1526 = tpu.vector_load %arg16[%get3A_1525] {strides = array<i32>} : memref<512xf32, #tpu.memory_space<vmem>>, vector<16xf32>,
      %get3A_1527 = vector.shape_cast %get3A_1526 : vector<16xf32> to vector<16xf32>
      %gt3A_1528 = arith.constant 0 : i32
      %gt3A_1529 = vector.broadcast %gt3A_1528 : i32 to vector<16xi32>
      %gt3A_1530 = arith.cmpi sgt, %get3A_1524, %gt3A_1529 : vector<16xi32>
      %jit3A_1531 = arith.constant 0.000000e+00 : f32
      %broadcast_in_dim3A_1532 = vector.broadcast %jit3A_1531 : f32 to vector<16xf32>
      %select_n3A_1533 = arith.select %gt3A_1530, %get3A_1527, %broadcast_in_dim3A_1532 : vector<16xi1>, vector<16xf32>
      %swap3A_1534 = arith.constant 368 : index
      %swap3A_1535 = tpu.vector_load %arg17[%swap3A_1534] {strides = array<i32>} : memref<528xf32, #tpu.memory_space<vmem>>, vector<16xf32>,
      %swap3A_1536 = vector.shape_cast %swap3A_1535 : vector<16xf32> to vector<16xf32>
      %swap3A_1537 = vector.shape_cast %select_n3A_1533 : vector<16xf32> to vector<16xf32>
      tpu.vector_store %arg17[%swap3A_1534], %swap3A_1537 {strides = array<i32>} : memref<528xf32, #tpu.memory_space<vmem>>, vector<16xf32>,
      %get3A_1538 = arith.constant 384 : index
      %get3A_1539 = tpu.vector_load %arg14[%get3A_1538] {strides = array<i32>} : memref<512xi32, #tpu.memory_space<vmem>>, vector<16xi32>,
      %get3A_1540 = vector.shape_cast %get3A_1539 : vector<16xi32> to vector<16xi32>
      %get3A_1541 = arith.constant 384 : index
      %get3A_1542 = tpu.vector_load %arg16[%get3A_1541] {strides = array<i32>} : memref<512xf32, #tpu.memory_space<vmem>>, vector<16xf32>,
      %get3A_1543 = vector.shape_cast %get3A_1542 : vector<16xf32> to vector<16xf32>
      %gt3A_1544 = arith.constant 0 : i32
      %gt3A_1545 = vector.broadcast %gt3A_1544 : i32 to vector<16xi32>
      %gt3A_1546 = arith.cmpi sgt, %get3A_1540, %gt3A_1545 : vector<16xi32>
      %jit3A_1547 = arith.constant 0.000000e+00 : f32
      %broadcast_in_dim3A_1548 = vector.broadcast %jit3A_1547 : f32 to vector<16xf32>
      %select_n3A_1549 = arith.select %gt3A_1546, %get3A_1543, %broadcast_in_dim3A_1548 : vector<16xi1>, vector<16xf32>
      %swap3A_1550 = arith.constant 384 : index
      %swap3A_1551 = tpu.vector_load %arg17[%swap3A_1550] {strides = array<i32>} : memref<528xf32, #tpu.memory_space<vmem>>, vector<16xf32>,
      %swap3A_1552 = vector.shape_cast %swap3A_1551 : vector<16xf32> to vector<16xf32>
      %swap3A_1553 = vector.shape_cast %select_n3A_1549 : vector<16xf32> to vector<16xf32>
      tpu.vector_store %arg17[%swap3A_1550], %swap3A_1553 {strides = array<i32>} : memref<528xf32, #tpu.memory_space<vmem>>, vector<16xf32>,
      %get3A_1554 = arith.constant 400 : index
      %get3A_1555 = tpu.vector_load %arg14[%get3A_1554] {strides = array<i32>} : memref<512xi32, #tpu.memory_space<vmem>>, vector<16xi32>,
      %get3A_1556 = vector.shape_cast %get3A_1555 : vector<16xi32> to vector<16xi32>
      %get3A_1557 = arith.constant 400 : index
      %get3A_1558 = tpu.vector_load %arg16[%get3A_1557] {strides = array<i32>} : memref<512xf32, #tpu.memory_space<vmem>>, vector<16xf32>,
      %get3A_1559 = vector.shape_cast %get3A_1558 : vector<16xf32> to vector<16xf32>
      %gt3A_1560 = arith.constant 0 : i32
      %gt3A_1561 = vector.broadcast %gt3A_1560 : i32 to vector<16xi32>
      %gt3A_1562 = arith.cmpi sgt, %get3A_1556, %gt3A_1561 : vector<16xi32>
      %jit3A_1563 = arith.constant 0.000000e+00 : f32
      %broadcast_in_dim3A_1564 = vector.broadcast %jit3A_1563 : f32 to vector<16xf32>
      %select_n3A_1565 = arith.select %gt3A_1562, %get3A_1559, %broadcast_in_dim3A_1564 : vector<16xi1>, vector<16xf32>
      %swap3A_1566 = arith.constant 400 : index
      %swap3A_1567 = tpu.vector_load %arg17[%swap3A_1566] {strides = array<i32>} : memref<528xf32, #tpu.memory_space<vmem>>, vector<16xf32>,
      %swap3A_1568 = vector.shape_cast %swap3A_1567 : vector<16xf32> to vector<16xf32>
      %swap3A_1569 = vector.shape_cast %select_n3A_1565 : vector<16xf32> to vector<16xf32>
      tpu.vector_store %arg17[%swap3A_1566], %swap3A_1569 {strides = array<i32>} : memref<528xf32, #tpu.memory_space<vmem>>, vector<16xf32>,
      %get3A_1570 = arith.constant 416 : index
      %get3A_1571 = tpu.vector_load %arg14[%get3A_1570] {strides = array<i32>} : memref<512xi32, #tpu.memory_space<vmem>>, vector<16xi32>,
      %get3A_1572 = vector.shape_cast %get3A_1571 : vector<16xi32> to vector<16xi32>
      %get3A_1573 = arith.constant 416 : index
      %get3A_1574 = tpu.vector_load %arg16[%get3A_1573] {strides = array<i32>} : memref<512xf32, #tpu.memory_space<vmem>>, vector<16xf32>,
      %get3A_1575 = vector.shape_cast %get3A_1574 : vector<16xf32> to vector<16xf32>
      %gt3A_1576 = arith.constant 0 : i32
      %gt3A_1577 = vector.broadcast %gt3A_1576 : i32 to vector<16xi32>
      %gt3A_1578 = arith.cmpi sgt, %get3A_1572, %gt3A_1577 : vector<16xi32>
      %jit3A_1579 = arith.constant 0.000000e+00 : f32
      %broadcast_in_dim3A_1580 = vector.broadcast %jit3A_1579 : f32 to vector<16xf32>
      %select_n3A_1581 = arith.select %gt3A_1578, %get3A_1575, %broadcast_in_dim3A_1580 : vector<16xi1>, vector<16xf32>
      %swap3A_1582 = arith.constant 416 : index
      %swap3A_1583 = tpu.vector_load %arg17[%swap3A_1582] {strides = array<i32>} : memref<528xf32, #tpu.memory_space<vmem>>, vector<16xf32>,
      %swap3A_1584 = vector.shape_cast %swap3A_1583 : vector<16xf32> to vector<16xf32>
      %swap3A_1585 = vector.shape_cast %select_n3A_1581 : vector<16xf32> to vector<16xf32>
      tpu.vector_store %arg17[%swap3A_1582], %swap3A_1585 {strides = array<i32>} : memref<528xf32, #tpu.memory_space<vmem>>, vector<16xf32>,
      %scan3A_1586 = arith.constant 0 : i32
      %scan3A_1587 = arith.constant 20 : i32
      %scan3A_1588 = arith.addi %scan3A_1586, %scan3A_1587 : i32
      %scan3A_1589 = arith.constant 1 : i32
      %scan3A_1590:9 = scf.for %scan3A_1674 = %scan3A_1586 to %scan3A_1588 step %scan3A_1589 iter_args(%scan3A_1675 = %broadcast_in_dim3A_1, %scan3A_1676 = %broadcast_in_dim3A_1, %scan3A_1677 = %broadcast_in_dim3A_1, %scan3A_1678 = %broadcast_in_dim3A_1, %scan3A_1679 = %broadcast_in_dim3A_1, %scan3A_1680 = %broadcast_in_dim3A_1, %scan3A_1681 = %broadcast_in_dim3A_1, %scan3A_1682 = %broadcast_in_dim3A_1, %scan3A_1683 = %broadcast_in_dim3A_1) -> (vector<16xf32>, vector<16xf32>, vector<16xf32>, vector<16xf32>, vector<16xf32>, vector<16xf32>, vector<16xf32>, vector<16xf32>, vector<16xf32>)  : i32 {
        %scan3A_1684 = arith.constant 0 : i32
        %scan3A_1685 = arith.constant 20 : i32
        %scan3A_1686 = arith.addi %scan3A_1684, %scan3A_1685 : i32
        %scan3A_1687 = arith.constant 1 : i32
        %scan3A_1688:10 = scf.for %scan3A_1718 = %scan3A_1684 to %scan3A_1686 step %scan3A_1687 iter_args(%scan3A_1719 = %broadcast_in_dim3A_1, %scan3A_1720 = %broadcast_in_dim3A_1, %scan3A_1721 = %broadcast_in_dim3A_1, %scan3A_1722 = %broadcast_in_dim3A_1, %scan3A_1723 = %broadcast_in_dim3A_1, %scan3A_1724 = %broadcast_in_dim3A_1, %scan3A_1725 = %broadcast_in_dim3A_1, %scan3A_1726 = %broadcast_in_dim3A_1, %scan3A_1727 = %broadcast_in_dim3A_1, %scan3A_1728 = %broadcast_in_dim3A_1) -> (vector<16xf32>, vector<16xf32>, vector<16xf32>, vector<16xf32>, vector<16xf32>, vector<16xf32>, vector<16xf32>, vector<16xf32>, vector<16xf32>, vector<16xf32>)  : i32 {
          %mul3A_1729 = arith.constant 20 : i32
          %mul3A_1730 = arith.muli %scan3A_1674, %mul3A_1729 : i32
          %add3A_1731 = arith.addi %mul3A_1730, %scan3A_1718 : i32
          %get3A_1732 = arith.index_cast %add3A_1731 : i32 to index
          %get3A_1733 = tpu.vector_load %arg17[%get3A_1732] {strides = array<i32>} : memref<528xf32, #tpu.memory_space<vmem>>, vector<16xf32>,
          %get3A_1734 = vector.shape_cast %get3A_1733 : vector<16xf32> to vector<16xf32>
          %slice3A_1735 = vector.extract_strided_slice %get3A_1734 {offsets = [0], sizes = [1], strides = [1]} : vector<16xf32> to vector<1xf32>
          %squeeze3A_1736 = vector.extract %slice3A_1735[0] : f32 from vector<1xf32>
          %get3A_1737 = arith.index_cast %add3A_1731 : i32 to index
          %get3A_1738 = arith.constant 0 : index
          %get3A_1739 = tpu.vector_load %arg18[%get3A_1737, %get3A_1738] {strides = array<i32>} : memref<424x128xf32, #tpu.memory_space<vmem>>, vector<1x16xf32>,
          %get3A_1740 = vector.shape_cast %get3A_1739 : vector<1x16xf32> to vector<16xf32>
          %mul3A_1741 = vector.broadcast %squeeze3A_1736 : f32 to vector<16xf32>
          %mul3A_1742 = arith.mulf %mul3A_1741, %get3A_1740 : vector<16xf32>
          %add3A_1743 = arith.addf %scan3A_1719, %mul3A_1742 : vector<16xf32>
          %get3A_1744 = arith.index_cast %add3A_1731 : i32 to index
          %get3A_1745 = arith.constant 16 : index
          %get3A_1746 = tpu.vector_load %arg18[%get3A_1744, %get3A_1745] {strides = array<i32>} : memref<424x128xf32, #tpu.memory_space<vmem>>, vector<1x16xf32>,
          %get3A_1747 = vector.shape_cast %get3A_1746 : vector<1x16xf32> to vector<16xf32>
          %mul3A_1748 = vector.broadcast %squeeze3A_1736 : f32 to vector<16xf32>
          %mul3A_1749 = arith.mulf %mul3A_1748, %get3A_1747 : vector<16xf32>
          %add3A_1750 = arith.addf %scan3A_1720, %mul3A_1749 : vector<16xf32>
          %get3A_1751 = arith.index_cast %add3A_1731 : i32 to index
          %get3A_1752 = arith.constant 32 : index
          %get3A_1753 = tpu.vector_load %arg18[%get3A_1751, %get3A_1752] {strides = array<i32>} : memref<424x128xf32, #tpu.memory_space<vmem>>, vector<1x16xf32>,
          %get3A_1754 = vector.shape_cast %get3A_1753 : vector<1x16xf32> to vector<16xf32>
          %mul3A_1755 = vector.broadcast %squeeze3A_1736 : f32 to vector<16xf32>
          %mul3A_1756 = arith.mulf %mul3A_1755, %get3A_1754 : vector<16xf32>
          %add3A_1757 = arith.addf %scan3A_1721, %mul3A_1756 : vector<16xf32>
          %get3A_1758 = arith.index_cast %add3A_1731 : i32 to index
          %get3A_1759 = arith.constant 48 : index
          %get3A_1760 = tpu.vector_load %arg18[%get3A_1758, %get3A_1759] {strides = array<i32>} : memref<424x128xf32, #tpu.memory_space<vmem>>, vector<1x16xf32>,
          %get3A_1761 = vector.shape_cast %get3A_1760 : vector<1x16xf32> to vector<16xf32>
          %mul3A_1762 = vector.broadcast %squeeze3A_1736 : f32 to vector<16xf32>
          %mul3A_1763 = arith.mulf %mul3A_1762, %get3A_1761 : vector<16xf32>
          %add3A_1764 = arith.addf %scan3A_1722, %mul3A_1763 : vector<16xf32>
          %get3A_1765 = arith.index_cast %add3A_1731 : i32 to index
          %get3A_1766 = arith.constant 64 : index
          %get3A_1767 = tpu.vector_load %arg18[%get3A_1765, %get3A_1766] {strides = array<i32>} : memref<424x128xf32, #tpu.memory_space<vmem>>, vector<1x16xf32>,
          %get3A_1768 = vector.shape_cast %get3A_1767 : vector<1x16xf32> to vector<16xf32>
          %mul3A_1769 = vector.broadcast %squeeze3A_1736 : f32 to vector<16xf32>
          %mul3A_1770 = arith.mulf %mul3A_1769, %get3A_1768 : vector<16xf32>
          %add3A_1771 = arith.addf %scan3A_1723, %mul3A_1770 : vector<16xf32>
          %get3A_1772 = arith.index_cast %add3A_1731 : i32 to index
          %get3A_1773 = arith.constant 80 : index
          %get3A_1774 = tpu.vector_load %arg18[%get3A_1772, %get3A_1773] {strides = array<i32>} : memref<424x128xf32, #tpu.memory_space<vmem>>, vector<1x16xf32>,
          %get3A_1775 = vector.shape_cast %get3A_1774 : vector<1x16xf32> to vector<16xf32>
          %mul3A_1776 = vector.broadcast %squeeze3A_1736 : f32 to vector<16xf32>
          %mul3A_1777 = arith.mulf %mul3A_1776, %get3A_1775 : vector<16xf32>
          %add3A_1778 = arith.addf %scan3A_1724, %mul3A_1777 : vector<16xf32>
          %get3A_1779 = arith.index_cast %add3A_1731 : i32 to index
          %get3A_1780 = arith.constant 96 : index
          %get3A_1781 = tpu.vector_load %arg18[%get3A_1779, %get3A_1780] {strides = array<i32>} : memref<424x128xf32, #tpu.memory_space<vmem>>, vector<1x16xf32>,
          %get3A_1782 = vector.shape_cast %get3A_1781 : vector<1x16xf32> to vector<16xf32>
          %mul3A_1783 = vector.broadcast %squeeze3A_1736 : f32 to vector<16xf32>
          %mul3A_1784 = arith.mulf %mul3A_1783, %get3A_1782 : vector<16xf32>
          %add3A_1785 = arith.addf %scan3A_1725, %mul3A_1784 : vector<16xf32>
          %get3A_1786 = arith.index_cast %add3A_1731 : i32 to index
          %get3A_1787 = arith.constant 112 : index
          %get3A_1788 = tpu.vector_load %arg18[%get3A_1786, %get3A_1787] {strides = array<i32>} : memref<424x128xf32, #tpu.memory_space<vmem>>, vector<1x16xf32>,
          %get3A_1789 = vector.shape_cast %get3A_1788 : vector<1x16xf32> to vector<16xf32>
          %mul3A_1790 = vector.broadcast %squeeze3A_1736 : f32 to vector<16xf32>
          %mul3A_1791 = arith.mulf %mul3A_1790, %get3A_1789 : vector<16xf32>
          %add3A_1792 = arith.addf %scan3A_1726, %mul3A_1791 : vector<16xf32>
          %get3A_1793 = arith.index_cast %add3A_1731 : i32 to index
          %get3A_1794 = arith.constant 0 : index
          %get3A_1795 = tpu.vector_load %arg19[%get3A_1793, %get3A_1794] {strides = array<i32>} : memref<424x16xf32, #tpu.memory_space<vmem>>, vector<1x16xf32>,
          %get3A_1796 = vector.shape_cast %get3A_1795 : vector<1x16xf32> to vector<16xf32>
          %mul3A_1797 = vector.broadcast %squeeze3A_1736 : f32 to vector<16xf32>
          %mul3A_1798 = arith.mulf %mul3A_1797, %get3A_1796 : vector<16xf32>
          %add3A_1799 = arith.addf %scan3A_1727, %mul3A_1798 : vector<16xf32>
          %add3A_1800 = vector.broadcast %squeeze3A_1736 : f32 to vector<16xf32>
          %add3A_1801 = arith.addf %scan3A_1728, %add3A_1800 : vector<16xf32>
          scf.yield %add3A_1743, %add3A_1750, %add3A_1757, %add3A_1764, %add3A_1771, %add3A_1778, %add3A_1785, %add3A_1792, %add3A_1799, %add3A_1801 : vector<16xf32>, vector<16xf32>, vector<16xf32>, vector<16xf32>, vector<16xf32>, vector<16xf32>, vector<16xf32>, vector<16xf32>, vector<16xf32>, vector<16xf32>
        }
        %scan3A_1689 = arith.constant 20 : i32
        %add3A_1690 = arith.constant 400 : i32
        %add3A_1691 = arith.addi %add3A_1690, %scan3A_1674 : i32
        %get3A_1692 = arith.index_cast %add3A_1691 : i32 to index
        %get3A_1693 = tpu.vector_load %arg17[%get3A_1692] {strides = array<i32>} : memref<528xf32, #tpu.memory_space<vmem>>, vector<16xf32>,
        %get3A_1694 = vector.shape_cast %get3A_1693 : vector<16xf32> to vector<16xf32>
        %slice3A = vector.extract_strided_slice %get3A_1694 {offsets = [0], sizes = [1], strides = [1]} : vector<16xf32> to vector<1xf32>
        %squeeze3A = vector.extract %slice3A[0] : f32 from vector<1xf32>
        %add3A_1695 = vector.broadcast %squeeze3A : f32 to vector<16xf32>
        %add3A_1696 = arith.addf %add3A_1695, %broadcast_in_dim3A_1 : vector<16xf32>
        %add3A_1697 = arith.constant 9.99999997E-7 : f32
        %add3A_1698 = vector.broadcast %add3A_1697 : f32 to vector<16xf32>
        %add3A_1699 = arith.addf %scan3A_1688#9, %add3A_1698 : vector<16xf32>
        %div3A = arith.divf %add3A_1696, %add3A_1699 : vector<16xf32>
        %mul3A_1700 = arith.mulf %div3A, %scan3A_1688#0 : vector<16xf32>
        %add3A_1701 = arith.addf %scan3A_1675, %mul3A_1700 : vector<16xf32>
        %mul3A_1702 = arith.mulf %div3A, %scan3A_1688#1 : vector<16xf32>
        %add3A_1703 = arith.addf %scan3A_1676, %mul3A_1702 : vector<16xf32>
        %mul3A_1704 = arith.mulf %div3A, %scan3A_1688#2 : vector<16xf32>
        %add3A_1705 = arith.addf %scan3A_1677, %mul3A_1704 : vector<16xf32>
        %mul3A_1706 = arith.mulf %div3A, %scan3A_1688#3 : vector<16xf32>
        %add3A_1707 = arith.addf %scan3A_1678, %mul3A_1706 : vector<16xf32>
        %mul3A_1708 = arith.mulf %div3A, %scan3A_1688#4 : vector<16xf32>
        %add3A_1709 = arith.addf %scan3A_1679, %mul3A_1708 : vector<16xf32>
        %mul3A_1710 = arith.mulf %div3A, %scan3A_1688#5 : vector<16xf32>
        %add3A_1711 = arith.addf %scan3A_1680, %mul3A_1710 : vector<16xf32>
        %mul3A_1712 = arith.mulf %div3A, %scan3A_1688#6 : vector<16xf32>
        %add3A_1713 = arith.addf %scan3A_1681, %mul3A_1712 : vector<16xf32>
        %mul3A_1714 = arith.mulf %div3A, %scan3A_1688#7 : vector<16xf32>
        %add3A_1715 = arith.addf %scan3A_1682, %mul3A_1714 : vector<16xf32>
        %mul3A_1716 = arith.mulf %div3A, %scan3A_1688#8 : vector<16xf32>
        %add3A_1717 = arith.addf %scan3A_1683, %mul3A_1716 : vector<16xf32>
        scf.yield %add3A_1701, %add3A_1703, %add3A_1705, %add3A_1707, %add3A_1709, %add3A_1711, %add3A_1713, %add3A_1715, %add3A_1717 : vector<16xf32>, vector<16xf32>, vector<16xf32>, vector<16xf32>, vector<16xf32>, vector<16xf32>, vector<16xf32>, vector<16xf32>, vector<16xf32>
      }
      %scan3A_1591 = arith.constant 20 : i32
      %scan3A_1592 = arith.constant 0 : i32
      %scan3A_1593 = arith.constant 20 : i32
      %scan3A_1594 = arith.addi %scan3A_1592, %scan3A_1593 : i32
      %scan3A_1595 = arith.constant 1 : i32
      %scan3A_1596:10 = scf.for %scan3A_1674 = %scan3A_1592 to %scan3A_1594 step %scan3A_1595 iter_args(%scan3A_1675 = %broadcast_in_dim3A_1, %scan3A_1676 = %broadcast_in_dim3A_1, %scan3A_1677 = %broadcast_in_dim3A_1, %scan3A_1678 = %broadcast_in_dim3A_1, %scan3A_1679 = %broadcast_in_dim3A_1, %scan3A_1680 = %broadcast_in_dim3A_1, %scan3A_1681 = %broadcast_in_dim3A_1, %scan3A_1682 = %broadcast_in_dim3A_1, %scan3A_1683 = %broadcast_in_dim3A_1, %scan3A_1684 = %broadcast_in_dim3A_1) -> (vector<16xf32>, vector<16xf32>, vector<16xf32>, vector<16xf32>, vector<16xf32>, vector<16xf32>, vector<16xf32>, vector<16xf32>, vector<16xf32>, vector<16xf32>)  : i32 {
        %add3A_1685 = arith.constant 400 : i32
        %add3A_1686 = arith.addi %add3A_1685, %scan3A_1674 : i32
        %get3A_1687 = arith.index_cast %add3A_1686 : i32 to index
        %get3A_1688 = tpu.vector_load %arg17[%get3A_1687] {strides = array<i32>} : memref<528xf32, #tpu.memory_space<vmem>>, vector<16xf32>,
        %get3A_1689 = vector.shape_cast %get3A_1688 : vector<16xf32> to vector<16xf32>
        %slice3A = vector.extract_strided_slice %get3A_1689 {offsets = [0], sizes = [1], strides = [1]} : vector<16xf32> to vector<1xf32>
        %squeeze3A = vector.extract %slice3A[0] : f32 from vector<1xf32>
        %get3A_1690 = arith.index_cast %add3A_1686 : i32 to index
        %get3A_1691 = arith.constant 0 : index
        %get3A_1692 = tpu.vector_load %arg18[%get3A_1690, %get3A_1691] {strides = array<i32>} : memref<424x128xf32, #tpu.memory_space<vmem>>, vector<1x16xf32>,
        %get3A_1693 = vector.shape_cast %get3A_1692 : vector<1x16xf32> to vector<16xf32>
        %mul3A_1694 = vector.broadcast %squeeze3A : f32 to vector<16xf32>
        %mul3A_1695 = arith.mulf %mul3A_1694, %get3A_1693 : vector<16xf32>
        %add3A_1696 = arith.addf %scan3A_1675, %mul3A_1695 : vector<16xf32>
        %get3A_1697 = arith.index_cast %add3A_1686 : i32 to index
        %get3A_1698 = arith.constant 16 : index
        %get3A_1699 = tpu.vector_load %arg18[%get3A_1697, %get3A_1698] {strides = array<i32>} : memref<424x128xf32, #tpu.memory_space<vmem>>, vector<1x16xf32>,
        %get3A_1700 = vector.shape_cast %get3A_1699 : vector<1x16xf32> to vector<16xf32>
        %mul3A_1701 = vector.broadcast %squeeze3A : f32 to vector<16xf32>
        %mul3A_1702 = arith.mulf %mul3A_1701, %get3A_1700 : vector<16xf32>
        %add3A_1703 = arith.addf %scan3A_1676, %mul3A_1702 : vector<16xf32>
        %get3A_1704 = arith.index_cast %add3A_1686 : i32 to index
        %get3A_1705 = arith.constant 32 : index
        %get3A_1706 = tpu.vector_load %arg18[%get3A_1704, %get3A_1705] {strides = array<i32>} : memref<424x128xf32, #tpu.memory_space<vmem>>, vector<1x16xf32>,
        %get3A_1707 = vector.shape_cast %get3A_1706 : vector<1x16xf32> to vector<16xf32>
        %mul3A_1708 = vector.broadcast %squeeze3A : f32 to vector<16xf32>
        %mul3A_1709 = arith.mulf %mul3A_1708, %get3A_1707 : vector<16xf32>
        %add3A_1710 = arith.addf %scan3A_1677, %mul3A_1709 : vector<16xf32>
        %get3A_1711 = arith.index_cast %add3A_1686 : i32 to index
        %get3A_1712 = arith.constant 48 : index
        %get3A_1713 = tpu.vector_load %arg18[%get3A_1711, %get3A_1712] {strides = array<i32>} : memref<424x128xf32, #tpu.memory_space<vmem>>, vector<1x16xf32>,
        %get3A_1714 = vector.shape_cast %get3A_1713 : vector<1x16xf32> to vector<16xf32>
        %mul3A_1715 = vector.broadcast %squeeze3A : f32 to vector<16xf32>
        %mul3A_1716 = arith.mulf %mul3A_1715, %get3A_1714 : vector<16xf32>
        %add3A_1717 = arith.addf %scan3A_1678, %mul3A_1716 : vector<16xf32>
        %get3A_1718 = arith.index_cast %add3A_1686 : i32 to index
        %get3A_1719 = arith.constant 64 : index
        %get3A_1720 = tpu.vector_load %arg18[%get3A_1718, %get3A_1719] {strides = array<i32>} : memref<424x128xf32, #tpu.memory_space<vmem>>, vector<1x16xf32>,
        %get3A_1721 = vector.shape_cast %get3A_1720 : vector<1x16xf32> to vector<16xf32>
        %mul3A_1722 = vector.broadcast %squeeze3A : f32 to vector<16xf32>
        %mul3A_1723 = arith.mulf %mul3A_1722, %get3A_1721 : vector<16xf32>
        %add3A_1724 = arith.addf %scan3A_1679, %mul3A_1723 : vector<16xf32>
        %get3A_1725 = arith.index_cast %add3A_1686 : i32 to index
        %get3A_1726 = arith.constant 80 : index
        %get3A_1727 = tpu.vector_load %arg18[%get3A_1725, %get3A_1726] {strides = array<i32>} : memref<424x128xf32, #tpu.memory_space<vmem>>, vector<1x16xf32>,
        %get3A_1728 = vector.shape_cast %get3A_1727 : vector<1x16xf32> to vector<16xf32>
        %mul3A_1729 = vector.broadcast %squeeze3A : f32 to vector<16xf32>
        %mul3A_1730 = arith.mulf %mul3A_1729, %get3A_1728 : vector<16xf32>
        %add3A_1731 = arith.addf %scan3A_1680, %mul3A_1730 : vector<16xf32>
        %get3A_1732 = arith.index_cast %add3A_1686 : i32 to index
        %get3A_1733 = arith.constant 96 : index
        %get3A_1734 = tpu.vector_load %arg18[%get3A_1732, %get3A_1733] {strides = array<i32>} : memref<424x128xf32, #tpu.memory_space<vmem>>, vector<1x16xf32>,
        %get3A_1735 = vector.shape_cast %get3A_1734 : vector<1x16xf32> to vector<16xf32>
        %mul3A_1736 = vector.broadcast %squeeze3A : f32 to vector<16xf32>
        %mul3A_1737 = arith.mulf %mul3A_1736, %get3A_1735 : vector<16xf32>
        %add3A_1738 = arith.addf %scan3A_1681, %mul3A_1737 : vector<16xf32>
        %get3A_1739 = arith.index_cast %add3A_1686 : i32 to index
        %get3A_1740 = arith.constant 112 : index
        %get3A_1741 = tpu.vector_load %arg18[%get3A_1739, %get3A_1740] {strides = array<i32>} : memref<424x128xf32, #tpu.memory_space<vmem>>, vector<1x16xf32>,
        %get3A_1742 = vector.shape_cast %get3A_1741 : vector<1x16xf32> to vector<16xf32>
        %mul3A_1743 = vector.broadcast %squeeze3A : f32 to vector<16xf32>
        %mul3A_1744 = arith.mulf %mul3A_1743, %get3A_1742 : vector<16xf32>
        %add3A_1745 = arith.addf %scan3A_1682, %mul3A_1744 : vector<16xf32>
        %get3A_1746 = arith.index_cast %add3A_1686 : i32 to index
        %get3A_1747 = arith.constant 0 : index
        %get3A_1748 = tpu.vector_load %arg19[%get3A_1746, %get3A_1747] {strides = array<i32>} : memref<424x16xf32, #tpu.memory_space<vmem>>, vector<1x16xf32>,
        %get3A_1749 = vector.shape_cast %get3A_1748 : vector<1x16xf32> to vector<16xf32>
        %mul3A_1750 = vector.broadcast %squeeze3A : f32 to vector<16xf32>
        %mul3A_1751 = arith.mulf %mul3A_1750, %get3A_1749 : vector<16xf32>
        %add3A_1752 = arith.addf %scan3A_1683, %mul3A_1751 : vector<16xf32>
        %add3A_1753 = vector.broadcast %squeeze3A : f32 to vector<16xf32>
        %add3A_1754 = arith.addf %scan3A_1684, %add3A_1753 : vector<16xf32>
        scf.yield %add3A_1696, %add3A_1703, %add3A_1710, %add3A_1717, %add3A_1724, %add3A_1731, %add3A_1738, %add3A_1745, %add3A_1752, %add3A_1754 : vector<16xf32>, vector<16xf32>, vector<16xf32>, vector<16xf32>, vector<16xf32>, vector<16xf32>, vector<16xf32>, vector<16xf32>, vector<16xf32>, vector<16xf32>
      }
      %scan3A_1597 = arith.constant 20 : i32
      %swap3A_1598 = arith.constant 0 : index
      %swap3A_1599 = tpu.vector_load %arg20[%swap3A_1598] {strides = array<i32>} : memref<384xf32, #tpu.memory_space<vmem>>, vector<16xf32>,
      %swap3A_1600 = vector.shape_cast %swap3A_1599 : vector<16xf32> to vector<16xf32>
      %swap3A_1601 = vector.shape_cast %scan3A_1590#0 : vector<16xf32> to vector<16xf32>
      tpu.vector_store %arg20[%swap3A_1598], %swap3A_1601 {strides = array<i32>} : memref<384xf32, #tpu.memory_space<vmem>>, vector<16xf32>,
      %swap3A_1602 = arith.constant 128 : index
      %swap3A_1603 = tpu.vector_load %arg20[%swap3A_1602] {strides = array<i32>} : memref<384xf32, #tpu.memory_space<vmem>>, vector<16xf32>,
      %swap3A_1604 = vector.shape_cast %swap3A_1603 : vector<16xf32> to vector<16xf32>
      %swap3A_1605 = vector.shape_cast %scan3A_1596#0 : vector<16xf32> to vector<16xf32>
      tpu.vector_store %arg20[%swap3A_1602], %swap3A_1605 {strides = array<i32>} : memref<384xf32, #tpu.memory_space<vmem>>, vector<16xf32>,
      %swap3A_1606 = arith.constant 16 : index
      %swap3A_1607 = tpu.vector_load %arg20[%swap3A_1606] {strides = array<i32>} : memref<384xf32, #tpu.memory_space<vmem>>, vector<16xf32>,
      %swap3A_1608 = vector.shape_cast %swap3A_1607 : vector<16xf32> to vector<16xf32>
      %swap3A_1609 = vector.shape_cast %scan3A_1590#1 : vector<16xf32> to vector<16xf32>
      tpu.vector_store %arg20[%swap3A_1606], %swap3A_1609 {strides = array<i32>} : memref<384xf32, #tpu.memory_space<vmem>>, vector<16xf32>,
      %swap3A_1610 = arith.constant 144 : index
      %swap3A_1611 = tpu.vector_load %arg20[%swap3A_1610] {strides = array<i32>} : memref<384xf32, #tpu.memory_space<vmem>>, vector<16xf32>,
      %swap3A_1612 = vector.shape_cast %swap3A_1611 : vector<16xf32> to vector<16xf32>
      %swap3A_1613 = vector.shape_cast %scan3A_1596#1 : vector<16xf32> to vector<16xf32>
      tpu.vector_store %arg20[%swap3A_1610], %swap3A_1613 {strides = array<i32>} : memref<384xf32, #tpu.memory_space<vmem>>, vector<16xf32>,
      %swap3A_1614 = arith.constant 32 : index
      %swap3A_1615 = tpu.vector_load %arg20[%swap3A_1614] {strides = array<i32>} : memref<384xf32, #tpu.memory_space<vmem>>, vector<16xf32>,
      %swap3A_1616 = vector.shape_cast %swap3A_1615 : vector<16xf32> to vector<16xf32>
      %swap3A_1617 = vector.shape_cast %scan3A_1590#2 : vector<16xf32> to vector<16xf32>
      tpu.vector_store %arg20[%swap3A_1614], %swap3A_1617 {strides = array<i32>} : memref<384xf32, #tpu.memory_space<vmem>>, vector<16xf32>,
      %swap3A_1618 = arith.constant 160 : index
      %swap3A_1619 = tpu.vector_load %arg20[%swap3A_1618] {strides = array<i32>} : memref<384xf32, #tpu.memory_space<vmem>>, vector<16xf32>,
      %swap3A_1620 = vector.shape_cast %swap3A_1619 : vector<16xf32> to vector<16xf32>
      %swap3A_1621 = vector.shape_cast %scan3A_1596#2 : vector<16xf32> to vector<16xf32>
      tpu.vector_store %arg20[%swap3A_1618], %swap3A_1621 {strides = array<i32>} : memref<384xf32, #tpu.memory_space<vmem>>, vector<16xf32>,
      %swap3A_1622 = arith.constant 48 : index
      %swap3A_1623 = tpu.vector_load %arg20[%swap3A_1622] {strides = array<i32>} : memref<384xf32, #tpu.memory_space<vmem>>, vector<16xf32>,
      %swap3A_1624 = vector.shape_cast %swap3A_1623 : vector<16xf32> to vector<16xf32>
      %swap3A_1625 = vector.shape_cast %scan3A_1590#3 : vector<16xf32> to vector<16xf32>
      tpu.vector_store %arg20[%swap3A_1622], %swap3A_1625 {strides = array<i32>} : memref<384xf32, #tpu.memory_space<vmem>>, vector<16xf32>,
      %swap3A_1626 = arith.constant 176 : index
      %swap3A_1627 = tpu.vector_load %arg20[%swap3A_1626] {strides = array<i32>} : memref<384xf32, #tpu.memory_space<vmem>>, vector<16xf32>,
      %swap3A_1628 = vector.shape_cast %swap3A_1627 : vector<16xf32> to vector<16xf32>
      %swap3A_1629 = vector.shape_cast %scan3A_1596#3 : vector<16xf32> to vector<16xf32>
      tpu.vector_store %arg20[%swap3A_1626], %swap3A_1629 {strides = array<i32>} : memref<384xf32, #tpu.memory_space<vmem>>, vector<16xf32>,
      %swap3A_1630 = arith.constant 64 : index
      %swap3A_1631 = tpu.vector_load %arg20[%swap3A_1630] {strides = array<i32>} : memref<384xf32, #tpu.memory_space<vmem>>, vector<16xf32>,
      %swap3A_1632 = vector.shape_cast %swap3A_1631 : vector<16xf32> to vector<16xf32>
      %swap3A_1633 = vector.shape_cast %scan3A_1590#4 : vector<16xf32> to vector<16xf32>
      tpu.vector_store %arg20[%swap3A_1630], %swap3A_1633 {strides = array<i32>} : memref<384xf32, #tpu.memory_space<vmem>>, vector<16xf32>,
      %swap3A_1634 = arith.constant 192 : index
      %swap3A_1635 = tpu.vector_load %arg20[%swap3A_1634] {strides = array<i32>} : memref<384xf32, #tpu.memory_space<vmem>>, vector<16xf32>,
      %swap3A_1636 = vector.shape_cast %swap3A_1635 : vector<16xf32> to vector<16xf32>
      %swap3A_1637 = vector.shape_cast %scan3A_1596#4 : vector<16xf32> to vector<16xf32>
      tpu.vector_store %arg20[%swap3A_1634], %swap3A_1637 {strides = array<i32>} : memref<384xf32, #tpu.memory_space<vmem>>, vector<16xf32>,
      %swap3A_1638 = arith.constant 80 : index
      %swap3A_1639 = tpu.vector_load %arg20[%swap3A_1638] {strides = array<i32>} : memref<384xf32, #tpu.memory_space<vmem>>, vector<16xf32>,
      %swap3A_1640 = vector.shape_cast %swap3A_1639 : vector<16xf32> to vector<16xf32>
      %swap3A_1641 = vector.shape_cast %scan3A_1590#5 : vector<16xf32> to vector<16xf32>
      tpu.vector_store %arg20[%swap3A_1638], %swap3A_1641 {strides = array<i32>} : memref<384xf32, #tpu.memory_space<vmem>>, vector<16xf32>,
      %swap3A_1642 = arith.constant 208 : index
      %swap3A_1643 = tpu.vector_load %arg20[%swap3A_1642] {strides = array<i32>} : memref<384xf32, #tpu.memory_space<vmem>>, vector<16xf32>,
      %swap3A_1644 = vector.shape_cast %swap3A_1643 : vector<16xf32> to vector<16xf32>
      %swap3A_1645 = vector.shape_cast %scan3A_1596#5 : vector<16xf32> to vector<16xf32>
      tpu.vector_store %arg20[%swap3A_1642], %swap3A_1645 {strides = array<i32>} : memref<384xf32, #tpu.memory_space<vmem>>, vector<16xf32>,
      %swap3A_1646 = arith.constant 96 : index
      %swap3A_1647 = tpu.vector_load %arg20[%swap3A_1646] {strides = array<i32>} : memref<384xf32, #tpu.memory_space<vmem>>, vector<16xf32>,
      %swap3A_1648 = vector.shape_cast %swap3A_1647 : vector<16xf32> to vector<16xf32>
      %swap3A_1649 = vector.shape_cast %scan3A_1590#6 : vector<16xf32> to vector<16xf32>
      tpu.vector_store %arg20[%swap3A_1646], %swap3A_1649 {strides = array<i32>} : memref<384xf32, #tpu.memory_space<vmem>>, vector<16xf32>,
      %swap3A_1650 = arith.constant 224 : index
      %swap3A_1651 = tpu.vector_load %arg20[%swap3A_1650] {strides = array<i32>} : memref<384xf32, #tpu.memory_space<vmem>>, vector<16xf32>,
      %swap3A_1652 = vector.shape_cast %swap3A_1651 : vector<16xf32> to vector<16xf32>
      %swap3A_1653 = vector.shape_cast %scan3A_1596#6 : vector<16xf32> to vector<16xf32>
      tpu.vector_store %arg20[%swap3A_1650], %swap3A_1653 {strides = array<i32>} : memref<384xf32, #tpu.memory_space<vmem>>, vector<16xf32>,
      %swap3A_1654 = arith.constant 112 : index
      %swap3A_1655 = tpu.vector_load %arg20[%swap3A_1654] {strides = array<i32>} : memref<384xf32, #tpu.memory_space<vmem>>, vector<16xf32>,
      %swap3A_1656 = vector.shape_cast %swap3A_1655 : vector<16xf32> to vector<16xf32>
      %swap3A_1657 = vector.shape_cast %scan3A_1590#7 : vector<16xf32> to vector<16xf32>
      tpu.vector_store %arg20[%swap3A_1654], %swap3A_1657 {strides = array<i32>} : memref<384xf32, #tpu.memory_space<vmem>>, vector<16xf32>,
      %swap3A_1658 = arith.constant 240 : index
      %swap3A_1659 = tpu.vector_load %arg20[%swap3A_1658] {strides = array<i32>} : memref<384xf32, #tpu.memory_space<vmem>>, vector<16xf32>,
      %swap3A_1660 = vector.shape_cast %swap3A_1659 : vector<16xf32> to vector<16xf32>
      %swap3A_1661 = vector.shape_cast %scan3A_1596#7 : vector<16xf32> to vector<16xf32>
      tpu.vector_store %arg20[%swap3A_1658], %swap3A_1661 {strides = array<i32>} : memref<384xf32, #tpu.memory_space<vmem>>, vector<16xf32>,
      %swap3A_1662 = arith.constant 256 : index
      %swap3A_1663 = tpu.vector_load %arg20[%swap3A_1662] {strides = array<i32>} : memref<384xf32, #tpu.memory_space<vmem>>, vector<16xf32>,
      %swap3A_1664 = vector.shape_cast %swap3A_1663 : vector<16xf32> to vector<16xf32>
      %swap3A_1665 = vector.shape_cast %scan3A_1590#8 : vector<16xf32> to vector<16xf32>
      tpu.vector_store %arg20[%swap3A_1662], %swap3A_1665 {strides = array<i32>} : memref<384xf32, #tpu.memory_space<vmem>>, vector<16xf32>,
      %swap3A_1666 = arith.constant 272 : index
      %swap3A_1667 = tpu.vector_load %arg20[%swap3A_1666] {strides = array<i32>} : memref<384xf32, #tpu.memory_space<vmem>>, vector<16xf32>,
      %swap3A_1668 = vector.shape_cast %swap3A_1667 : vector<16xf32> to vector<16xf32>
      %swap3A_1669 = vector.shape_cast %scan3A_1596#8 : vector<16xf32> to vector<16xf32>
      tpu.vector_store %arg20[%swap3A_1666], %swap3A_1669 {strides = array<i32>} : memref<384xf32, #tpu.memory_space<vmem>>, vector<16xf32>,
      %swap3A_1670 = arith.constant 288 : index
      %swap3A_1671 = tpu.vector_load %arg20[%swap3A_1670] {strides = array<i32>} : memref<384xf32, #tpu.memory_space<vmem>>, vector<16xf32>,
      %swap3A_1672 = vector.shape_cast %swap3A_1671 : vector<16xf32> to vector<16xf32>
      %swap3A_1673 = vector.shape_cast %scan3A_1596#9 : vector<16xf32> to vector<16xf32>
      tpu.vector_store %arg20[%swap3A_1670], %swap3A_1673 {strides = array<i32>} : memref<384xf32, #tpu.memory_space<vmem>>, vector<16xf32>,
      "tpu.region"() ({
        %run_scoped3A = tpu.sem_alloc : memref<!tpu.dma_semaphore, #tpu.memory_space<semaphore_mem>>
        %dma_start3A_1674 = arith.constant 0 : i32
        %dma_start3A_1675 = tpu.memref_slice %arg7[%add3A_1153, %dma_start3A_1674] : memref<1024x384xf32, #tpu.memory_space<hbm>> -> memref<1x384xf32, #tpu.memory_space<hbm>>
        %dma_start3A_1676 = tpu.memref_squeeze %dma_start3A_1675 : memref<1x384xf32, #tpu.memory_space<hbm>> -> memref<384xf32, #tpu.memory_space<hbm>>
        %dma_start3A_1677 = arith.constant 0 : i32
        %dma_start3A_1678 = tpu.memref_slice %arg7[%add3A_1153, %dma_start3A_1677] : memref<1024x384xf32, #tpu.memory_space<hbm>> -> memref<1x384xf32, #tpu.memory_space<hbm>>
        %dma_start3A_1679 = tpu.memref_squeeze %dma_start3A_1678 : memref<1x384xf32, #tpu.memory_space<hbm>> -> memref<384xf32, #tpu.memory_space<hbm>>
        tpu.enqueue_dma source(%arg20 : memref<384xf32, #tpu.memory_space<vmem>>) target(%dma_start3A_1679 : memref<384xf32, #tpu.memory_space<hbm>>) target_semaphore(%run_scoped3A : memref<!tpu.dma_semaphore, #tpu.memory_space<semaphore_mem>>)
        %dma_wait3A_1680 = arith.constant 0 : i32
        %dma_wait3A_1681 = tpu.memref_slice %arg7[%add3A_1153, %dma_wait3A_1680] : memref<1024x384xf32, #tpu.memory_space<hbm>> -> memref<1x384xf32, #tpu.memory_space<hbm>>
        %dma_wait3A_1682 = tpu.memref_squeeze %dma_wait3A_1681 : memref<1x384xf32, #tpu.memory_space<hbm>> -> memref<384xf32, #tpu.memory_space<hbm>>
        %dma_wait3A_1683 = arith.constant 0 : i32
        %dma_wait3A_1684 = tpu.memref_slice %arg7[%add3A_1153, %dma_wait3A_1683] : memref<1024x384xf32, #tpu.memory_space<hbm>> -> memref<1x384xf32, #tpu.memory_space<hbm>>
        %dma_wait3A_1685 = tpu.memref_squeeze %dma_wait3A_1684 : memref<1x384xf32, #tpu.memory_space<hbm>> -> memref<384xf32, #tpu.memory_space<hbm>>
        tpu.wait_dma2 semaphore(%run_scoped3A : memref<!tpu.dma_semaphore, #tpu.memory_space<semaphore_mem>>) src(%arg20 : memref<384xf32, #tpu.memory_space<vmem>>) dst(%dma_wait3A_1685 : memref<384xf32, #tpu.memory_space<hbm>>)
        tpu.yield
      }) : () -> ()
    }
    %scan3A_136 = arith.constant 16 : i32
    %dma_wait3A_137 = arith.constant 0 : i32
    %dma_wait3A_138 = arith.constant 0 : i32
    %dma_wait3A_139 = tpu.memref_slice %arg12[%dma_wait3A_137, %dma_wait3A_138] : memref<424x128xf32, #tpu.memory_space<vmem>> -> memref<128x128xf32, #tpu.memory_space<vmem>>
    %dma_wait3A_140 = arith.constant 0 : i32
    %dma_wait3A_141 = tpu.memref_slice %arg8[%dma_wait3A_140] : memref<512xi32, #tpu.memory_space<vmem>> -> memref<128xi32, #tpu.memory_space<vmem>>
    %dma_wait3A_142 = arith.constant 0 : i32
    %dma_wait3A_143 = arith.constant 0 : i32
    %dma_wait3A_144 = tpu.memref_slice %arg5[%dma_wait3A_142, %dma_wait3A_143] : memref<50000x128xf32, #tpu.memory_space<hbm>> -> memref<50000x128xf32, #tpu.memory_space<hbm>>
    tpu.wait_indirect_dma semaphore(%arg21 : memref<!tpu.dma_semaphore, #tpu.memory_space<semaphore_mem>>) src(%dma_wait3A_144 : memref<50000x128xf32, #tpu.memory_space<hbm>>) dst(%dma_wait3A_139 : memref<128x128xf32, #tpu.memory_space<vmem>>)
    %dma_wait3A_145 = arith.constant 0 : i32
    %dma_wait3A_146 = arith.constant 0 : i32
    %dma_wait3A_147 = tpu.memref_slice %arg13[%dma_wait3A_145, %dma_wait3A_146] : memref<424x16xf32, #tpu.memory_space<vmem>> -> memref<128x16xf32, #tpu.memory_space<vmem>>
    %dma_wait3A_148 = arith.constant 0 : i32
    %dma_wait3A_149 = tpu.memref_slice %arg9[%dma_wait3A_148] : memref<512xi32, #tpu.memory_space<vmem>> -> memref<128xi32, #tpu.memory_space<vmem>>
    %dma_wait3A_150 = arith.constant 0 : i32
    %dma_wait3A_151 = arith.constant 0 : i32
    %dma_wait3A_152 = tpu.memref_slice %arg6[%dma_wait3A_150, %dma_wait3A_151] : memref<800000x16xf32, #tpu.memory_space<hbm>> -> memref<800000x16xf32, #tpu.memory_space<hbm>>
    tpu.wait_indirect_dma semaphore(%arg21 : memref<!tpu.dma_semaphore, #tpu.memory_space<semaphore_mem>>) src(%dma_wait3A_152 : memref<800000x16xf32, #tpu.memory_space<hbm>>) dst(%dma_wait3A_147 : memref<128x16xf32, #tpu.memory_space<vmem>>)
    %dma_wait3A_153 = arith.constant 0 : i32
    %dma_wait3A_154 = tpu.memref_slice %arg10[%dma_wait3A_153] : memref<512xf32, #tpu.memory_space<vmem>> -> memref<128xf32, #tpu.memory_space<vmem>>
    %dma_wait3A_155 = arith.constant 0 : i32
    %dma_wait3A_156 = tpu.memref_slice %arg9[%dma_wait3A_155] : memref<512xi32, #tpu.memory_space<vmem>> -> memref<128xi32, #tpu.memory_space<vmem>>
    %dma_wait3A_157 = arith.constant 0 : i32
    %dma_wait3A_158 = tpu.memref_slice %arg4[%dma_wait3A_157] : memref<800000xf32, #tpu.memory_space<hbm>> -> memref<800000xf32, #tpu.memory_space<hbm>>
    tpu.wait_indirect_dma semaphore(%arg21 : memref<!tpu.dma_semaphore, #tpu.memory_space<semaphore_mem>>) src(%dma_wait3A_158 : memref<800000xf32, #tpu.memory_space<hbm>>) dst(%dma_wait3A_154 : memref<128xf32, #tpu.memory_space<vmem>>)
    %dma_wait3A_159 = arith.constant 128 : i32
    %dma_wait3A_160 = arith.constant 0 : i32
    %dma_wait3A_161 = tpu.memref_slice %arg12[%dma_wait3A_159, %dma_wait3A_160] : memref<424x128xf32, #tpu.memory_space<vmem>> -> memref<128x128xf32, #tpu.memory_space<vmem>>
    %dma_wait3A_162 = arith.constant 128 : i32
    %dma_wait3A_163 = tpu.memref_slice %arg8[%dma_wait3A_162] : memref<512xi32, #tpu.memory_space<vmem>> -> memref<128xi32, #tpu.memory_space<vmem>>
    %dma_wait3A_164 = arith.constant 0 : i32
    %dma_wait3A_165 = arith.constant 0 : i32
    %dma_wait3A_166 = tpu.memref_slice %arg5[%dma_wait3A_164, %dma_wait3A_165] : memref<50000x128xf32, #tpu.memory_space<hbm>> -> memref<50000x128xf32, #tpu.memory_space<hbm>>
    tpu.wait_indirect_dma semaphore(%arg21 : memref<!tpu.dma_semaphore, #tpu.memory_space<semaphore_mem>>) src(%dma_wait3A_166 : memref<50000x128xf32, #tpu.memory_space<hbm>>) dst(%dma_wait3A_161 : memref<128x128xf32, #tpu.memory_space<vmem>>)
    %dma_wait3A_167 = arith.constant 128 : i32
    %dma_wait3A_168 = arith.constant 0 : i32
    %dma_wait3A_169 = tpu.memref_slice %arg13[%dma_wait3A_167, %dma_wait3A_168] : memref<424x16xf32, #tpu.memory_space<vmem>> -> memref<128x16xf32, #tpu.memory_space<vmem>>
    %dma_wait3A_170 = arith.constant 128 : i32
    %dma_wait3A_171 = tpu.memref_slice %arg9[%dma_wait3A_170] : memref<512xi32, #tpu.memory_space<vmem>> -> memref<128xi32, #tpu.memory_space<vmem>>
    %dma_wait3A_172 = arith.constant 0 : i32
    %dma_wait3A_173 = arith.constant 0 : i32
    %dma_wait3A_174 = tpu.memref_slice %arg6[%dma_wait3A_172, %dma_wait3A_173] : memref<800000x16xf32, #tpu.memory_space<hbm>> -> memref<800000x16xf32, #tpu.memory_space<hbm>>
    tpu.wait_indirect_dma semaphore(%arg21 : memref<!tpu.dma_semaphore, #tpu.memory_space<semaphore_mem>>) src(%dma_wait3A_174 : memref<800000x16xf32, #tpu.memory_space<hbm>>) dst(%dma_wait3A_169 : memref<128x16xf32, #tpu.memory_space<vmem>>)
    %dma_wait3A_175 = arith.constant 128 : i32
    %dma_wait3A_176 = tpu.memref_slice %arg10[%dma_wait3A_175] : memref<512xf32, #tpu.memory_space<vmem>> -> memref<128xf32, #tpu.memory_space<vmem>>
    %dma_wait3A_177 = arith.constant 128 : i32
    %dma_wait3A_178 = tpu.memref_slice %arg9[%dma_wait3A_177] : memref<512xi32, #tpu.memory_space<vmem>> -> memref<128xi32, #tpu.memory_space<vmem>>
    %dma_wait3A_179 = arith.constant 0 : i32
    %dma_wait3A_180 = tpu.memref_slice %arg4[%dma_wait3A_179] : memref<800000xf32, #tpu.memory_space<hbm>> -> memref<800000xf32, #tpu.memory_space<hbm>>
    tpu.wait_indirect_dma semaphore(%arg21 : memref<!tpu.dma_semaphore, #tpu.memory_space<semaphore_mem>>) src(%dma_wait3A_180 : memref<800000xf32, #tpu.memory_space<hbm>>) dst(%dma_wait3A_176 : memref<128xf32, #tpu.memory_space<vmem>>)
    %dma_wait3A_181 = arith.constant 256 : i32
    %dma_wait3A_182 = arith.constant 0 : i32
    %dma_wait3A_183 = tpu.memref_slice %arg12[%dma_wait3A_181, %dma_wait3A_182] : memref<424x128xf32, #tpu.memory_space<vmem>> -> memref<128x128xf32, #tpu.memory_space<vmem>>
    %dma_wait3A_184 = arith.constant 256 : i32
    %dma_wait3A_185 = tpu.memref_slice %arg8[%dma_wait3A_184] : memref<512xi32, #tpu.memory_space<vmem>> -> memref<128xi32, #tpu.memory_space<vmem>>
    %dma_wait3A_186 = arith.constant 0 : i32
    %dma_wait3A_187 = arith.constant 0 : i32
    %dma_wait3A_188 = tpu.memref_slice %arg5[%dma_wait3A_186, %dma_wait3A_187] : memref<50000x128xf32, #tpu.memory_space<hbm>> -> memref<50000x128xf32, #tpu.memory_space<hbm>>
    tpu.wait_indirect_dma semaphore(%arg21 : memref<!tpu.dma_semaphore, #tpu.memory_space<semaphore_mem>>) src(%dma_wait3A_188 : memref<50000x128xf32, #tpu.memory_space<hbm>>) dst(%dma_wait3A_183 : memref<128x128xf32, #tpu.memory_space<vmem>>)
    %dma_wait3A_189 = arith.constant 256 : i32
    %dma_wait3A_190 = arith.constant 0 : i32
    %dma_wait3A_191 = tpu.memref_slice %arg13[%dma_wait3A_189, %dma_wait3A_190] : memref<424x16xf32, #tpu.memory_space<vmem>> -> memref<128x16xf32, #tpu.memory_space<vmem>>
    %dma_wait3A_192 = arith.constant 256 : i32
    %dma_wait3A_193 = tpu.memref_slice %arg9[%dma_wait3A_192] : memref<512xi32, #tpu.memory_space<vmem>> -> memref<128xi32, #tpu.memory_space<vmem>>
    %dma_wait3A_194 = arith.constant 0 : i32
    %dma_wait3A_195 = arith.constant 0 : i32
    %dma_wait3A_196 = tpu.memref_slice %arg6[%dma_wait3A_194, %dma_wait3A_195] : memref<800000x16xf32, #tpu.memory_space<hbm>> -> memref<800000x16xf32, #tpu.memory_space<hbm>>
    tpu.wait_indirect_dma semaphore(%arg21 : memref<!tpu.dma_semaphore, #tpu.memory_space<semaphore_mem>>) src(%dma_wait3A_196 : memref<800000x16xf32, #tpu.memory_space<hbm>>) dst(%dma_wait3A_191 : memref<128x16xf32, #tpu.memory_space<vmem>>)
    %dma_wait3A_197 = arith.constant 256 : i32
    %dma_wait3A_198 = tpu.memref_slice %arg10[%dma_wait3A_197] : memref<512xf32, #tpu.memory_space<vmem>> -> memref<128xf32, #tpu.memory_space<vmem>>
    %dma_wait3A_199 = arith.constant 256 : i32
    %dma_wait3A_200 = tpu.memref_slice %arg9[%dma_wait3A_199] : memref<512xi32, #tpu.memory_space<vmem>> -> memref<128xi32, #tpu.memory_space<vmem>>
    %dma_wait3A_201 = arith.constant 0 : i32
    %dma_wait3A_202 = tpu.memref_slice %arg4[%dma_wait3A_201] : memref<800000xf32, #tpu.memory_space<hbm>> -> memref<800000xf32, #tpu.memory_space<hbm>>
    tpu.wait_indirect_dma semaphore(%arg21 : memref<!tpu.dma_semaphore, #tpu.memory_space<semaphore_mem>>) src(%dma_wait3A_202 : memref<800000xf32, #tpu.memory_space<hbm>>) dst(%dma_wait3A_198 : memref<128xf32, #tpu.memory_space<vmem>>)
    %dma_wait3A_203 = arith.constant 384 : i32
    %dma_wait3A_204 = arith.constant 0 : i32
    %dma_wait3A_205 = tpu.memref_slice %arg12[%dma_wait3A_203, %dma_wait3A_204] : memref<424x128xf32, #tpu.memory_space<vmem>> -> memref<40x128xf32, #tpu.memory_space<vmem>>
    %dma_wait3A_206 = arith.constant 384 : i32
    %dma_wait3A_207 = tpu.memref_slice %arg8[%dma_wait3A_206] : memref<512xi32, #tpu.memory_space<vmem>> -> memref<40xi32, #tpu.memory_space<vmem>>
    %dma_wait3A_208 = arith.constant 0 : i32
    %dma_wait3A_209 = arith.constant 0 : i32
    %dma_wait3A_210 = tpu.memref_slice %arg5[%dma_wait3A_208, %dma_wait3A_209] : memref<50000x128xf32, #tpu.memory_space<hbm>> -> memref<50000x128xf32, #tpu.memory_space<hbm>>
    tpu.wait_indirect_dma semaphore(%arg21 : memref<!tpu.dma_semaphore, #tpu.memory_space<semaphore_mem>>) src(%dma_wait3A_210 : memref<50000x128xf32, #tpu.memory_space<hbm>>) dst(%dma_wait3A_205 : memref<40x128xf32, #tpu.memory_space<vmem>>)
    %dma_wait3A_211 = arith.constant 384 : i32
    %dma_wait3A_212 = arith.constant 0 : i32
    %dma_wait3A_213 = tpu.memref_slice %arg13[%dma_wait3A_211, %dma_wait3A_212] : memref<424x16xf32, #tpu.memory_space<vmem>> -> memref<40x16xf32, #tpu.memory_space<vmem>>
    %dma_wait3A_214 = arith.constant 384 : i32
    %dma_wait3A_215 = tpu.memref_slice %arg9[%dma_wait3A_214] : memref<512xi32, #tpu.memory_space<vmem>> -> memref<40xi32, #tpu.memory_space<vmem>>
    %dma_wait3A_216 = arith.constant 0 : i32
    %dma_wait3A_217 = arith.constant 0 : i32
    %dma_wait3A_218 = tpu.memref_slice %arg6[%dma_wait3A_216, %dma_wait3A_217] : memref<800000x16xf32, #tpu.memory_space<hbm>> -> memref<800000x16xf32, #tpu.memory_space<hbm>>
    tpu.wait_indirect_dma semaphore(%arg21 : memref<!tpu.dma_semaphore, #tpu.memory_space<semaphore_mem>>) src(%dma_wait3A_218 : memref<800000x16xf32, #tpu.memory_space<hbm>>) dst(%dma_wait3A_213 : memref<40x16xf32, #tpu.memory_space<vmem>>)
    %dma_wait3A_219 = arith.constant 384 : i32
    %dma_wait3A_220 = tpu.memref_slice %arg10[%dma_wait3A_219] : memref<512xf32, #tpu.memory_space<vmem>> -> memref<40xf32, #tpu.memory_space<vmem>>
    %dma_wait3A_221 = arith.constant 384 : i32
    %dma_wait3A_222 = tpu.memref_slice %arg9[%dma_wait3A_221] : memref<512xi32, #tpu.memory_space<vmem>> -> memref<40xi32, #tpu.memory_space<vmem>>
    %dma_wait3A_223 = arith.constant 0 : i32
    %dma_wait3A_224 = tpu.memref_slice %arg4[%dma_wait3A_223] : memref<800000xf32, #tpu.memory_space<hbm>> -> memref<800000xf32, #tpu.memory_space<hbm>>
    tpu.wait_indirect_dma semaphore(%arg21 : memref<!tpu.dma_semaphore, #tpu.memory_space<semaphore_mem>>) src(%dma_wait3A_224 : memref<800000xf32, #tpu.memory_space<hbm>>) dst(%dma_wait3A_220 : memref<40xf32, #tpu.memory_space<vmem>>)
    return
  }
}

module attributes {stable_mosaic.version = 14 : i64} {
  func.func @_tc_body(%arg0: memref<1024x384xf32, #tpu.memory_space<vmem>>, %arg1: memref<16x128xf32, #tpu.memory_space<vmem>>, %arg2: memref<128x128xf32, #tpu.memory_space<vmem>>, %arg3: memref<1024x128xf32, #tpu.memory_space<vmem>>) attributes {dimension_semantics = [], scalar_prefetch = 0 : i64, scratch_operands = 0 : i64, tpu.core_type = #tpu.core_type<tc>} {
    %get3A = arith.constant 0 : index
    %get3A_0 = arith.constant 0 : index
    %get3A_1 = vector.load %arg0[%get3A, %get3A_0] : memref<1024x384xf32, #tpu.memory_space<vmem>>, vector<1024x384xf32>
    %slice3A = vector.extract_strided_slice %get3A_1 {offsets = [0, 0], sizes = [1024, 128], strides = [1, 1]} : vector<1024x384xf32> to vector<1024x128xf32>
    %slice3A_2 = vector.extract_strided_slice %get3A_1 {offsets = [0, 128], sizes = [1024, 128], strides = [1, 1]} : vector<1024x384xf32> to vector<1024x128xf32>
    %slice3A_3 = vector.extract_strided_slice %get3A_1 {offsets = [0, 256], sizes = [1024, 16], strides = [1, 1]} : vector<1024x384xf32> to vector<1024x16xf32>
    %slice3A_4 = vector.extract_strided_slice %get3A_1 {offsets = [0, 272], sizes = [1024, 16], strides = [1, 1]} : vector<1024x384xf32> to vector<1024x16xf32>
    %slice3A_5 = vector.extract_strided_slice %get3A_1 {offsets = [0, 288], sizes = [1024, 1], strides = [1, 1]} : vector<1024x384xf32> to vector<1024x1xf32>
    %get3A_6 = arith.constant 0 : index
    %get3A_7 = arith.constant 0 : index
    %get3A_8 = vector.load %arg1[%get3A_6, %get3A_7] : memref<16x128xf32, #tpu.memory_space<vmem>>, vector<16x128xf32>
    %dot_general3A = arith.constant dense<0.000000e+00> : vector<1024x128xf32>
    %dot_general3A_9 = tpu.matmul %slice3A_3, %get3A_8, %dot_general3A {dimension_numbers = #tpu.dot_dimension_numbers<[1], [0], [0], [1], [0, 0, 1, 1], [], []>, transpose_lhs_hint = false} : vector<1024x16xf32>, vector<16x128xf32>, vector<1024x128xf32> -> vector<1024x128xf32>
    %add3A = arith.addf %slice3A, %dot_general3A_9 : vector<1024x128xf32>
    %dot_general3A_10 = arith.constant dense<0.000000e+00> : vector<1024x128xf32>
    %dot_general3A_11 = tpu.matmul %slice3A_4, %get3A_8, %dot_general3A_10 {dimension_numbers = #tpu.dot_dimension_numbers<[1], [0], [0], [1], [0, 0, 1, 1], [], []>, transpose_lhs_hint = false} : vector<1024x16xf32>, vector<16x128xf32>, vector<1024x128xf32> -> vector<1024x128xf32>
    %add3A_12 = arith.addf %slice3A_2, %dot_general3A_11 : vector<1024x128xf32>
    %get3A_13 = arith.constant 0 : index
    %get3A_14 = arith.constant 0 : index
    %get3A_15 = vector.load %arg2[%get3A_13, %get3A_14] : memref<128x128xf32, #tpu.memory_space<vmem>>, vector<128x128xf32>
    %dot_general3A_16 = arith.constant dense<0.000000e+00> : vector<1024x128xf32>
    %dot_general3A_17 = tpu.matmul %add3A, %get3A_15, %dot_general3A_16 {dimension_numbers = #tpu.dot_dimension_numbers<[1], [0], [0], [1], [0, 0, 1, 1], [], []>, transpose_lhs_hint = false} : vector<1024x128xf32>, vector<128x128xf32>, vector<1024x128xf32> -> vector<1024x128xf32>
    %add3A_18 = arith.addf %add3A_12, %dot_general3A_17 : vector<1024x128xf32>
    %add3A_19 = arith.constant 9.99999997E-7 : f32
    %add3A_20 = vector.broadcast %add3A_19 : f32 to vector<1024x1xf32>
    %add3A_21 = arith.addf %slice3A_5, %add3A_20 : vector<1024x1xf32>
    %div3A = vector.broadcast %add3A_21 : vector<1024x1xf32> to vector<1024x128xf32>
    %div3A_22 = arith.divf %add3A_18, %div3A : vector<1024x128xf32>
    %swap3A = arith.constant 0 : index
    %swap3A_23 = arith.constant 0 : index
    %swap3A_24 = vector.load %arg3[%swap3A, %swap3A_23] : memref<1024x128xf32, #tpu.memory_space<vmem>>, vector<1024x128xf32>
    tpu.vector_store %arg3[%swap3A, %swap3A_23], %div3A_22 {strides = array<i32>} : memref<1024x128xf32, #tpu.memory_space<vmem>>, vector<1024x128xf32>,
    return
  }
}

</mosaic_0001>

<sc_bundles>
// kernel: kernel.5.cloned.1.call-start
scs
__scs_entry_jumppad:
0x0: {  	(pc) =	sbr.rel $0x88, $3  }
0x1: {  	(tag) =	ssettag $0x0;
	lr =	simm.s32 $0x1  }
0x2: {  	[smem:$0x3F97] =	sst lr;
	_ =	strace $0xD0000000  }
0x3: {  	_ = 	snop  }
0x4: {  	_ = 	snop  }
0x5: {  	_ = 	snop  }
0x6: {  	_ = 	snop  }
0x7: {  	_ = 	snop  }
__scs_overlays_trampoline_lowered:
0x8: {  	[smem:$0x3FA6] =	sst s0  }
0x9: {  	[smem:$0x3FA7] =	sst s1  }
0xa: {  	[smem:$0x3FA8] =	sst s2  }
0xb: {  	[smem:$0x3FA9] =	sst s3  }
0xc: {  	[smem:$0x3FAA] =	sst s4  }
0xd: {  	[smem:$0x3FAB] =	sst s5  }
0xe: {  	[smem:$0x3FAC] =	sst s6  }
0xf: {  	[smem:$0x3FAD] =	sst s7  }
0x10: {  	[smem:$0x3FAE] =	sst s8  }
0x11: {  	[smem:$0x3FAF] =	sst s9;
	s0 =	simm.s32 @!p0 $0x0  }
0x12: {  	s1 =	sld [smem:$0x3F95];
	s0 =	simm.s32 @p0 $0x1  }
0x13: {  	[smem:$0x3FB0] =	sst s0;
	s0 =	simm.s32 @!p1 $0x0  }
0x14: {  	s2 =	sld [smem:$0x3F94];
	s0 =	simm.s32 @p1 $0x1  }
0x15: {  	[smem:$0x3FB1] =	sst s0;
	s0 =	simm.s32 @!p2 $0x0  }
0x16: {  	s3 =	sld [smem:$0x3FDB];
	s0 =	simm.s32 @p2 $0x1  }
0x17: {  	s4 =	simm.s32 $0x1BF5;
	[smem:$0x3FB3] =	sst s0  }
0x18: {  	s0 =	sld [smem:$0x3F96];
	_ =	swait.ge [sflag:s4], $0x0  }
0x19: {  	s7 =	sld [smem:$0x3F97]  }
0x1a: {  	s8 =	sadd.s32 $0xFFFFE003, lr  }
0x1b: {  	s9 =	sadd.s32 $0xFFFFFEF7, lr;
	s5 =	simm.s32 $0xFFFFFFFF;
	p2 =	slt.u32 s8, $0xFFFFF086  }
0x1c: {  	p1 =	slt.u32 s9, $0xF7A;
	s5 =	simm.s32 @!p2 $0x0  }
0x1d: {  	s5 =	simm.s32 @p1 $0x1;
	p0 =	seq.s32 s7, s2  }
0x1e: {  	s7 =	smul.u32 @!p0 $0xF7A, s2;
	p2 =	seq.s32 @!p0 s5, $0x0  }
0x1f: {  	s9 =	smul.u32 $0xF7A, s1;
	s8 =	simm.s32 @!p0 $0x1BF5;
	p2 =	por !p2, p0  }
0x20: {  	[sflag:s8] =	ssyncset.s32 @!p0 $0xFFFFF086;
	s6 =	sadd.s32 @!p0 s3, s7;
	s7 =	simm.s32 @!p0 $0x108  }
0x21: {  	s3 =	sadd.s32 s3, s9;
	s6 =	sadd.s32 @!p0 $0x88, s6;
	s7 =	simm.s32 @p2 $0x1082  }
0x22: {  	[simem:s7], [sflag:s8] =	dma.local @!p0 [hbm:s6], $0xF7A  }
0x23: {  	s9 =	sor.u32 $0xD0000000, s2;
	s6 =	simm.s32 $0x108;
	_ =	swait.ge @!p0 [sflag:s8], $0x0  }
0x24: {  	s3 =	sadd.s32 $0x88, s3;
	s6 =	simm.s32 @!p1 $0x1082;
	[sflag:s4] =	ssyncset.s32 $0xFFFFF086  }
0x25: {  	[simem:s6], [sflag:s4] =	dma.local [hbm:s3], $0xF7A  }
0x26: {  	[smem:$0x3F97] =	sst s1;
	(tag) =	ssettag s2;
	_ =	strace s9  }
0x27: {  	s1 =	sld [smem:$0x3FA7]  }
0x28: {  	s2 =	sld [smem:$0x3FA8]  }
0x29: {  	s4 =	sld [smem:$0x3FAA]  }
0x2a: {  	p0 =	seq.s32 s5, $0x0;
	s5 =	sld [smem:$0x3FAB]  }
0x2b: {  	s6 =	sld [smem:$0x3FAC]  }
0x2c: {  	s7 =	sld [smem:$0x3FAD]  }
0x2d: {  	s3 =	simm.s32 $0x108;
	s8 =	sld [smem:$0x3FAE]  }
0x2e: {  	s3 =	simm.s32 @!p0 $0x1082;
	s9 =	sld [smem:$0x3FAF]  }
0x2f: {  	lr =	sadd.s32 s0, s3;
	s0 =	sld [smem:$0x3FA6]  }
0x30: {  	s3 =	sld [smem:$0x3FA9]  }
0x31: {  	[smem:$0x3FB2] =	sst s10  }
0x32: {  	s10 =	sld [smem:$0x3FB0];
	_ =	sdelay $0x3  }
0x33: {  	p0 =	seq.s32 s10, $0x1;
	s10 =	sld [smem:$0x3FB2];
	_ =	sdelay $0x3  }
0x34: {  	[smem:$0x3FB2] =	sst s10  }
0x35: {  	s10 =	sld [smem:$0x3FB1];
	_ =	sdelay $0x3  }
0x36: {  	p1 =	seq.s32 s10, $0x1;
	s10 =	sld [smem:$0x3FB2];
	_ =	sdelay $0x3  }
0x37: {  	[smem:$0x3FB2] =	sst s10  }
0x38: {  	s10 =	sld [smem:$0x3FB3]  }
0x39: {  	_ = 	snop;
	(pc) =	sbr.ind lr, $3  }
0x3a: {  	_ = 	snop  }
0x3b: {  	_ = 	snop  }
0x3c: {  	p2 =	seq.s32 s10, $0x1;
	s10 =	sld [smem:$0x3FB2]  }
0x3d: {  	_ =	shalt  }
0x3e: {  	_ =	shalt  }
0x3f: {  	_ =	shalt  }
0x40: {  	_ =	shalt  }
0x41: {  	_ =	shalt  }
0x42: {  	_ =	shalt  }
0x43: {  	_ =	shalt  }
0x44: {  	_ =	shalt  }
0x45: {  	_ =	shalt  }
0x46: {  	_ =	shalt  }
0x47: {  	_ =	shalt  }
0x48: {  	_ =	shalt  }
0x49: {  	_ =	shalt  }
0x4a: {  	_ =	shalt  }
0x4b: {  	_ =	shalt  }
0x4c: {  	_ =	shalt  }
0x4d: {  	_ =	shalt  }
0x4e: {  	_ =	shalt  }
0x4f: {  	_ =	shalt  }
0x50: {  	_ =	shalt  }
0x51: {  	_ =	shalt  }
0x52: {  	_ =	shalt  }
0x53: {  	_ =	shalt  }
0x54: {  	_ =	shalt  }
0x55: {  	_ =	shalt  }
0x56: {  	_ =	shalt  }
0x57: {  	_ =	shalt  }
0x58: {  	_ =	shalt  }
0x59: {  	_ =	shalt  }
0x5a: {  	_ =	shalt  }
0x5b: {  	_ =	shalt  }
0x5c: {  	_ =	shalt  }
0x5d: {  	_ =	shalt  }
0x5e: {  	_ =	shalt  }
0x5f: {  	_ =	shalt  }
0x60: {  	_ =	shalt  }
0x61: {  	_ =	shalt  }
0x62: {  	_ =	shalt  }
0x63: {  	_ =	shalt  }
0x64: {  	_ =	shalt  }
0x65: {  	_ =	shalt  }
0x66: {  	_ =	shalt  }
0x67: {  	_ =	shalt  }
0x68: {  	_ =	shalt  }
0x69: {  	_ =	shalt  }
0x6a: {  	_ =	shalt  }
0x6b: {  	_ =	shalt  }
0x6c: {  	_ =	shalt  }
0x6d: {  	_ =	shalt  }
0x6e: {  	_ =	shalt  }
0x6f: {  	_ =	shalt  }
0x70: {  	_ =	shalt  }
0x71: {  	_ =	shalt  }
0x72: {  	_ =	shalt  }
0x73: {  	_ =	shalt  }
0x74: {  	_ =	shalt  }
0x75: {  	_ =	shalt  }
0x76: {  	_ =	shalt  }
0x77: {  	_ =	shalt  }
0x78: {  	_ =	shalt  }
0x79: {  	_ =	shalt  }
0x7a: {  	_ =	shalt  }
0x7b: {  	_ =	shalt  }
0x7c: {  	_ =	shalt  }
0x7d: {  	_ =	shalt  }
0x7e: {  	_ =	shalt  }
0x7f: {  	_ =	shalt  }
0x80: {  	_ =	shalt  }
0x81: {  	_ =	shalt  }
0x82: {  	_ =	shalt  }
0x83: {  	_ =	shalt  }
0x84: {  	_ =	shalt  }
0x85: {  	_ =	shalt  }
0x86: {  	_ =	shalt  }
0x87: {  	_ =	shalt  }
.Lfunc_end0:
.L_simem_size_0:
called_computation_lowered:
.L_overlay_start_0:
0x88: {  	s2 =	sld [smem:$0x3FD9]  }
0x89: {  	s3 =	sld [smem:$0x3FFE];
	_ =	sdelay $0x1  }
0x8a: {  	s1 =	srdreg.scid  }
0x8b: {  	s0 =	sand.u32 $0x1, s1  }
0x8c: {  	s16 =	sshll.u32 s0, $0xA;
	s2 =	sadd.s32 s3, s2  }
0x8d: {  	s2 =	sadd.s32 s2, s16  }
0x8e: {  	[smem:$0x3FBE] =	sst s2  }
0x8f: {  	_ = 	snop  }
0x90: {  	(tm) =	ssettm $0x1  }
0x91: {  	s17 =	sld [smem:$0x3FFB];
	_ =	sdelay $0x3  }
0x92: {  	_ =	strace s17  }
0x93: {  	s2 =	sld [smem:$0x3FFC];
	_ =	sdelay $0x3  }
0x94: {  	_ =	strace s2  }
0x95: {  	s2 =	sld [smem:$0x3FFD];
	_ =	sdelay $0x3  }
0x96: {  	_ =	strace s2  }
0x97: {  	_ =	strace $0x8FFFFFFF  }
0x98: {  	s18 =	sld [smem:$0x3FDB];
	_ =	sdelay $0x1  }
0x99: {  	s19 =	simm.s32 $_scs_section_size  }
0x9a: {  	s4 =	simm.s32 $_size__tile_overlayer_lowered;
	s5 =	simm.s32 $_tile_overlayer_lowered  }
0x9b: {  	s22 =	simm.s32 $0x1BFF;
	s21 =	sshll.u32 s5, $0x1;
	s2 =	sadd.s32 s19, s18  }
0x9c: {  	s6 =	simm.s32 $0x0;
	s20 =	sshll.u32 s4, $0x1;
	s4 =	sadd.s32 s21, s2  }
0x9d: {  	[timem:s6], [sflag:s22] =	dma.local [hbm:s4], s20  }
0x9e: {  	_ =	swait.ge [sflag:s22], s20  }
0x9f: {  	s3 =	ssub.s32 $0x0, s20;
	[sflag:s22] =	ssyncset.done $0x0  }
0xa0: {  	[sflag:s22] =	ssyncadd.s32 s3;
	_ =	sdelay $0x1  }
0xa1: {  	s23 =	simm.s32 $0x1B8B  }
0xa2: {  	_ =	swait.ge [sflag:s23], $0x1  }
0xa3: {  	[sflag:s23] =	ssyncset.done $0x0  }
0xa4: {  	s25 =	simm.s32 $0x1B8E;
	s24 =	sld [smem:$0x3FFE];
	[sflag:s23] =	ssyncadd.s32 $0xFFFFFFFF  }
0xa5: {  	s26 =	simm.s32 $execute0_lowered;
	[smem:$0x3FD2] =	sst s25  }
0xa6: {  	s4 =	sshll.u32 s26, $0x1;
	_ =	strace $0x80000046;
	[dreg:$0x1] =	wrdreg $0xFFFFFFFF  }
0xa7: {  	s28 =	simm.s32 $_size_execute0_lowered;
	s2 =	sadd.s32 s2, s4;
	[dreg:$0x0] =	wrdreg $0x0  }
0xa8: {  	s4 =	sshll.u32 s28, $0x1;
	[dreg:$0x2] =	wrdreg s2  }
0xa9: {  	[dreg:$0x3] =	wrdreg s4  }
0xaa: {  	[dreg:$0x4] =	wrdreg $0xC0  }
0xab: {  	_ =	task [dreg:s6], $0x5FFFF  }
0xac: {  	[dreg:$0x1] =	wrdreg $0xFFFFFFFF  }
0xad: {  	[dreg:$0x0] =	wrdreg $0x60  }
0xae: {  	[dreg:$0x2] =	wrdreg s24  }
0xaf: {  	[dreg:$0x3] =	wrdreg $0x16B380  }
0xb0: {  	[dreg:$0x4] =	wrdreg $0x16C380  }
0xb1: {  	[dreg:$0x5] =	wrdreg $0x1B0C80  }
0xb2: {  	[dreg:$0x6] =	wrdreg $0x9  }
0xb3: {  	_ =	task.clear_ibuf [dreg:s6], $0x7FFFF;
	_ =	strace $0x90000046  }
0xb4: {  	s29 =	simm.s32 $0x9;
	_ =	strace $0x80000048  }
0xb5: {  	_ =	swait.ge [sflag:s29], $0x1  }
0xb6: {  	[sflag:s29] =	ssyncadd.s32 $0xFFFFFFFF  }
0xb7: {  	_ =	strace $0x90000048  }
0xb8: {  	_ =	sfence  }
0xb9: {  	s30 =	sld [smem:$0x0];
	_ =	sdelay $0x2  }
0xba: {  	s31 =	sshll.u32 s1, $0xD;
	s1 =	sshrl.u32 s1, $0x2  }
0xbb: {  	s3 =	sand.u32 $0x4000, s31;
	s1 =	sadd.s32 s1, s30  }
0xbc: {  	s0 =	sor.u32 s3, s0;
	s1 =	sshll.u32 s1, $0x11  }
0xbd: {  	s0 =	sor.u32 s1, s0  }
0xbe: {  	s0 =	sadd.s32 $0x8F2B, s0  }
0xbf: {  	[sflag:s0] =	ssyncadd.remote.s32 $0x1  }
0xc0: {  	_ =	sfence.sel $0xFFFF  }
0xc1: {  	[dreg:$0x0] =	wrdreg $0xFFFFFFFF;
	(pc) =	sbr.abs _section_cstart, $3  }
0xc2: {  	[dreg:$0x1] =	wrdreg $0xFFFFFFFF  }
0xc3: {  	_ =	task.clear_ibuf [dreg:s6], $0x2FFFF;
	_ =	strace $0x9FFFFFFF  }
0xc4: {  	(tm) =	ssettm $0x7FFFFFFF  }
0xc5: {  	_ =	shalt  }
tec
execute0_lowered:
.L_overlay_start_1:
0x0: {  	(tag) =	ssettag $0x1  }
0x1: {  	s0 =	rddreg [dreg:$0x0]  }
0x2: {  	s9 =	rddreg [dreg:$0x1]  }
0x3: {  	s2 =	rddreg [dreg:$0x2]  }
0x4: {  	s3 =	rddreg [dreg:$0x3]  }
0x5: {  	s1 =	srdreg.scid;
	s6 =	simm.s32 $0x0;
	s4 =	stileid.u32  }
0x6: {  	s17 =	simm.s32 $0x1;
	s18 =	simm.s32 $0x6900;
	s19 =	simm.s32 $0x2  }
0x7: {  	s20 =	simm.s32 $0x6B00;
	s21 =	simm.s32 $0x6A00;
	s22 =	simm.s32 $0x7E30  }
0x8: {  	s23 =	simm.s32 $0xC2B0;
	s24 =	simm.s32 $0x10730;
	s25 =	simm.s32 $0x0  }
0x9: {  	s1 =	sand.u32 $0x1, s1;
	[smem:$0x7FF] =	sst s6;
	s12 =	sadd.s32 $0xEA00, s0  }
0xa: {  	s29 =	smul.u32 $0x3480, s4;
	s13 =	sadd.s32 $0x1800, s0;
	s30 =	sshll.u32 s4, $0x8  }
0xb: {  	s14 =	smul.u32 $0x4480, s4;
	s31 =	sshll.u32 s4, $0x4;
	s5 =	sshll.u32 s1, $0x4  }
0xc: {  	_ =	strace $0x80000047;
	s1 =	ssub.s32 $0x2, s1;
	s28 =	sor.u32 s4, s5  }
0xd: {  	s8 =	sshrl.u32 s1, $0x1;
	s11 =	sshrl.u32 s29, $0x3;
	s16 =	smul.u32 $0x61A8, s28  }
.Ltmp0:
0xe: {  	s10 =	sadd.s32 s14, s2;
	s1 =	ssub.s32 s1, s8;
	(pc) =	sbr.rel .LBB2_1-.Ltmp0, $4  }
0xf: {  	v2 =	vimm.f32 $0.0e+00;
	s6 =	sadd.s32 s12, s11;
	s8 =	sadd.s32 s30, s9;
	s15 =	sadd.s32 $0x6900, s11  }
0x10: {  	v3 =	vimm.s32 $0xFFFFFFFF;
	v4 =	vlaneseq.u32;
	v0 =	vmov s5;
	s9 =	sadd.s32 $0x7D20, s31;
	s12 =	sadd.s32 s12, s15;
	s7 =	sshrl.u32 s16, $0x3  }
0x11: {  	v5 =	vimm.s32 $0x0;
	vm0 =	vcmask $0x300;
	v0 =	vsub.s32 $0x0, v0;
	s0 =	sadd.s32 s7, s0;
	s7 =	sadd.s32 s13, s11;
	s11 =	sadd.s32 s14, s3  }
0x12: {  	v6 =	vmul.u32 $0x10, v4;
	v0 =	vbroadcast v0, $0x0;
	v1 =	vmov s16;
	s13 =	sadd.s32 s13, s15;
	s15 =	smax.u32 s1, $0x1;
	s14 =	sadd.s32 $0x1BC00, s0  }
.LBB2_45:
0x13: {  	s25 =	sadd.s32 $0x1, s25  }
0x14: {  	p0 =	sne.s32 s25, s15  }
.Ltmp1:
0x15: {  	[bflag:$0x0] =	sbarrier.arrive $0xFFFF;
	s0 =	simm.s32 $0x0;
	(pc) =	sbr.rel @!p0 .LBB2_46-.Ltmp1, $4  }
0x16: {  	[hbm4b:s14+s0] =	stream.linear.scatter [tilespmem:s24], [sflag:$0x2], $0x61A8, $0x38;
	[tilespmem:$0x1F558] =	vst v63  }
0x17: {  	_ =	swait.ge [sflag:s19], $0x61A8  }
0x18: {  	[sflag:s19] =	ssyncset.done $0x0  }
0x19: {  	[sflag:s19] =	ssyncadd.s32 $0xFFFF9E58  }
.LBB2_1:
0x1a: {  	s0 =	simm.s32 $0x40;
	s1 =	simm.s32 $0x0  }
.LBB2_2:
0x1b: {  	p0 =	sne.s32 s0, $0x18680;
	[tilespmem:s1+$0x10730] =	vst v2;
	s1 =	smov.u32 s0;
	s0 =	sadd.s32 $0x40, s0  }
.Ltmp2:
0x1c: {  	(pc) =	sbr.rel @p0 .LBB2_2-.Ltmp2, $2  }
0x1d: {  	_ =	sdelay $0x2  }
0x1e: {  	s1 =	sshra.s32 s1, $0x2  }
0x1f: {  	[tilespmem:s1+$0x10730] =	vst v2  }
0x20: {  	[tilespmem:$0x168E8] =	vst v3  }
0x21: {  	[tilespmem:$0x16900] =	vst v3  }
0x22: {  	[tilespmem:$0x6900] =	vst v5  }
0x23: {  	[tilespmem:$0x6910] =	vst v5  }
0x24: {  	[tilespmem:$0x6920] =	vst v5  }
0x25: {  	[tilespmem:$0x6930] =	vst v5  }
0x26: {  	[tilespmem:$0x6940] =	vst v5  }
0x27: {  	[tilespmem:$0x6950] =	vst v5  }
0x28: {  	[tilespmem:$0x6960] =	vst v5  }
0x29: {  	[tilespmem:$0x6970] =	vst v5  }
0x2a: {  	[tilespmem:$0x6980] =	vst v5  }
0x2b: {  	[tilespmem:$0x6990] =	vst v5  }
0x2c: {  	[tilespmem:$0x69A0] =	vst v5  }
0x2d: {  	[tilespmem:$0x69B0] =	vst v5  }
0x2e: {  	[tilespmem:$0x69C0] =	vst v5  }
0x2f: {  	[tilespmem:$0x69D0] =	vst v5  }
0x30: {  	[tilespmem:$0x69E0] =	vst v5  }
0x31: {  	s0 =	simm.s32 $0x0;
	[tilespmem:$0x69F0] =	vst v5  }
0x32: {  	[tilespmem:s0], [sflag:$0x1] =	stream.linear.gather [hbm4b:s6+s0], $0x3480, $0x38;
	[tilespmem:$0x1F558] =	vst v63  }
0x33: {  	s31 =	simm.s32 $0x3480  }
0x34: {  	[tilespmem:s31], [sflag:$0x1] =	stream.linear.gather [hbm4b:s7+s0], $0x3480, $0x38;
	[tilespmem:$0x1F558] =	vst v63  }
0x35: {  	_ =	swait.ge [sflag:s17], $0x3480  }
0x36: {  	[sflag:s17] =	ssyncset.done $0x0  }
0x37: {  	[sflag:s17] =	ssyncadd.s32 $0xFFFFCB80  }
0x38: {  	_ =	swait.ge [sflag:s17], $0x3480  }
0x39: {  	[sflag:s17] =	ssyncset.done $0x0  }
0x3a: {  	s1 =	simm.s32 $0x0;
	s0 =	simm.s32 $0x40;
	[sflag:s17] =	ssyncadd.s32 $0xFFFFCB80  }
.LBB2_4:
0x3b: {  	p0 =	sne.s32 s0, $0xD1C0;
	v7 =	vld [tilespmem:s1+$0x0];
	_ =	sdelay $0x4  }
0x3c: {  	v8 =	vcvt.s32.f32 v7;
	_ =	sdelay $0x1  }
0x3d: {  	v8 =	vmul.f32 $3.999999900e-05, v8;
	_ =	sdelay $0x1  }
0x3e: {  	v8 =	vtrunc.f32 v8  }
0x3f: {  	v8 =	vcvt.f32.s32 v8;
	_ =	sdelay $0x1  }
0x40: {  	v9 =	vmul.u32 $0xFFFF9E58, v8;
	_ =	sdelay $0x1  }
0x41: {  	v9 =	vadd.s32 v7, v9  }
0x42: {  	v9 =	vshra.s32 v9, $0x1F  }
0x43: {  	v8 =	vadd.s32 v8, v9  }
0x44: {  	v9 =	vmul.u32 $0xFFFF9E58, v8;
	_ =	sdelay $0x1  }
0x45: {  	v7 =	vadd.s32 v7, v9  }
0x46: {  	vm1 =	vgt.s32 v7, $0x61A7  }
0x47: {  	v8 =	vadd.s32 v0, v8;
	v7 =	vsel vm1, $0x1, v5  }
0x48: {  	v7 =	vadd.s32 v7, v8  }
0x49: {  	vm1 =	vgt.s32 v7, $0x0  }
0x4a: {  	v8 =	vnsel vm1, $0x0, v7  }
0x4b: {  	v8 =	vmin.u32 v8, $0xF  }
0x4c: {  	v8 =	vshll.u32 v8, $0x4  }
0x4d: {  	v8 =	vor.u32 v4, v8  }
.Ltmp3:
0x4e: {  	(pc) =	sbr.rel @p0 .LBB2_4-.Ltmp3, $4  }
0x4f: {  	_ = 	snop  }
0x50: {  	vm1 =	vlt.u32 v7, $0x10  }
0x51: {  	v7 =	vsel vm1, $0x1, v5  }
0x52: {  	s1 =	sshra.s32 s0, $0x2;
	s0 =	sadd.s32 $0x40, s0;
	[tilespmem:v8+s18+$0x0] =	vst.idx.add.s32.msk $0xffff, v7  }
0x53: {  	v7 =	vld [tilespmem:s1+$0x0];
	_ =	sdelay $0x4  }
0x54: {  	v8 =	vcvt.s32.f32 v7;
	_ =	sdelay $0x1  }
0x55: {  	v8 =	vmul.f32 $3.999999900e-05, v8;
	_ =	sdelay $0x1  }
0x56: {  	v8 =	vtrunc.f32 v8  }
0x57: {  	v8 =	vcvt.f32.s32 v8;
	_ =	sdelay $0x1  }
0x58: {  	v9 =	vmul.u32 $0xFFFF9E58, v8;
	_ =	sdelay $0x1  }
0x59: {  	v9 =	vadd.s32 v7, v9  }
0x5a: {  	v9 =	vshra.s32 v9, $0x1F  }
0x5b: {  	v8 =	vadd.s32 v8, v9  }
0x5c: {  	v9 =	vmul.u32 $0xFFFF9E58, v8;
	_ =	sdelay $0x1  }
0x5d: {  	v7 =	vadd.s32 v7, v9  }
0x5e: {  	vm1 =	vgt.s32 v7, $0x61A7  }
0x5f: {  	v8 =	vadd.s32 v0, v8;
	v7 =	vsel vm1, $0x1, v5  }
0x60: {  	v7 =	vadd.s32 v7, v8  }
0x61: {  	vm1 =	vgt.s32 v7, $0x0  }
0x62: {  	v8 =	vnsel vm1, $0x0, v7  }
0x63: {  	v8 =	vmin.u32 v8, $0xF  }
0x64: {  	v8 =	vshll.u32 v8, $0x4  }
0x65: {  	v8 =	vor.u32 v4, v8;
	_ =	sdelay $0x2  }
0x66: {  	vm1 =	vlt.u32 v7, $0x10  }
0x67: {  	v7 =	vsel vm1, $0x1, v5  }
0x68: {  	[tilespmem:v8+s18+$0x0] =	vst.idx.add.s32.msk $0xffff, v7  }
0x69: {  	[spmem:s8] =	stream.linear.scatter [tilespmem:s18], [sflag:$0x2], $0x100, $0x38;
	[tilespmem:$0x1F558] =	vst v63  }
0x6a: {  	_ =	swait.ge [sflag:s19], $0x100  }
0x6b: {  	[sflag:s19] =	ssyncset.done $0x0  }
0x6c: {  	[sflag:s19] =	ssyncadd.s32 $0xFFFFFF00  }
0x6d: {  	[bflag:$0x0] =	sbarrier.arrive $0xFFFF  }
0x6e: {  	s0 =	rddreg [dreg:$0x1]  }
0x6f: {  	[tilespmem:s20], [sflag:$0x2] =	stream.linear.gather [spmem:s0], $0x1000, $0x38;
	[tilespmem:$0x1F558] =	vst v63  }
0x70: {  	_ =	swait.ge [sflag:s19], $0x1000  }
0x71: {  	[sflag:s19] =	ssyncset.done $0x0  }
0x72: {  	s1 =	simm.s32 $0x0;
	s0 =	simm.s32 $0x0;
	[sflag:s19] =	ssyncadd.s32 $0xFFFFF000  }
.LBB2_6:
0x73: {  	s5 =	sshll.u32 s1, $0x4  }
0x74: {  	v7 =	vimm.s32 $0x0;
	v8 =	vmov s5  }
0x75: {  	v9 =	vsel vm0, $0x8, v7;
	v8 =	vshrl.u32 v8, $0x4  }
0x76: {  	v8 =	vshll.u32 v8, v9  }
0x77: {  	v9 =	vor.u32 s0, v8  }
0x78: {  	v9 =	vbroadcast v9, $0x0;
	_ =	sdelay $0x1  }
0x79: {  	v9 =	vor.u32 v6, v9  }
0x7a: {  	s16 =	simm.s32 $0x1  }
0x7b: {  	v10 =	vor.u32 s16, v8  }
0x7c: {  	v10 =	vbroadcast v10, $0x0;
	_ =	sdelay $0x1  }
0x7d: {  	s16 =	simm.s32 $0x2;
	v10 =	vor.u32 v6, v10;
	v9 =	vld.idx.msk [tilespmem:v9+s20+$0x0], $0xffff  }
.LBB2_7:
0x7e: {  	p0 =	sne.s32 s16, $0xF  }
.Ltmp4:
0x7f: {  	_ = 	snop;
	(pc) =	sbr.rel @p0 .LBB2_7-.Ltmp4, $3  }
0x80: {  	v11 =	vor.u32 s16, v8  }
0x81: {  	v11 =	vbroadcast v11, $0x0;
	_ =	sdelay $0x1  }
0x82: {  	s16 =	sadd.s32 $0x1, s16;
	v7 =	vadd.s32 v7, v9;
	v9 =	vld.idx.msk [tilespmem:v10+s20+$0x0], $0xffff;
	v10 =	vor.u32 v6, v11  }
0x83: {  	_ =	sdelay $0x3  }
0x84: {  	v8 =	vld.idx.msk [tilespmem:v10+s20+$0x0], $0xffff;
	_ =	sdelay $0x1  }
0x85: {  	s1 =	sadd.s32 $0x1, s1  }
0x86: {  	p0 =	sne.s32 s1, $0x10  }
.Ltmp5:
0x87: {  	v7 =	vadd.s32 v7, v9;
	(pc) =	sbr.rel @p0 .LBB2_6-.Ltmp5, $4  }
0x88: {  	v7 =	vadd.s32 v7, v8  }
0x89: {  	v8 =	vadd.s32 $0xFF, v7  }
0x8a: {  	[tilespmem:s5+$0x7C10] =	vst v7;
	v8 =	vand.u32 $0xFFFFFF00, v8  }
0x8b: {  	[tilespmem:s5+$0x7B00] =	vst v8  }
0x8c: {  	v7 =	vld [tilespmem:$0x7B00]  }
0x8d: {  	v8 =	vld [tilespmem:$0x7B10]  }
0x8e: {  	v9 =	vld [tilespmem:$0x7B20]  }
0x8f: {  	v10 =	vld [tilespmem:$0x7B30]  }
0x90: {  	v11 =	vld [tilespmem:$0x7B40]  }
0x91: {  	v12 =	vld [tilespmem:$0x7B50];
	(xrf0) =	vadd.scan.msk.s32 $0xffff, v7  }
0x92: {  	v13 =	vld [tilespmem:$0x7B60];
	(xrf0) =	vadd.scan.msk.s32 $0xffff, v8  }
0x93: {  	v14 =	vld [tilespmem:$0x7B70];
	(xrf0) =	vadd.scan.msk.s32 $0xffff, v9  }
0x94: {  	v15 =	vld [tilespmem:$0x7B80];
	(xrf0) =	vadd.scan.msk.s32 $0xffff, v10  }
0x95: {  	v16 =	vld [tilespmem:$0x7B90];
	(xrf0) =	vadd.scan.msk.s32 $0xffff, v11  }
0x96: {  	v17 =	vld [tilespmem:$0x7BA0];
	(xrf0) =	vadd.scan.msk.s32 $0xffff, v12  }
0x97: {  	v19 =	vld [tilespmem:$0x7BB0];
	v18, _, _ =	vpop (xrf0);
	(xrf0) =	vadd.scan.msk.s32 $0xffff, v13  }
0x98: {  	v20 =	vld [tilespmem:$0x7BC0];
	v7 =	vsub.s32 v18, v7;
	v62, _, _ =	vpop (xrf0);
	(xrf0) =	vadd.scan.msk.s32 $0xffff, v14  }
0x99: {  	v63 =	vld [tilespmem:$0x7BD0];
	[tilespmem:$0x7D20] =	vst v7;
	v7 =	vsub.s32 v62, v8;
	v8, _, _ =	vpop (xrf0);
	(xrf0) =	vadd.scan.msk.s32 $0xffff, v15  }
0x9a: {  	[tilespmem:$0x7D30] =	vst v7;
	v7 =	vsub.s32 v8, v9;
	v8, _, _ =	vpop (xrf0);
	(xrf0) =	vadd.scan.msk.s32 $0xffff, v16;
	v9 =	vld [tilespmem:$0x7BE0]  }
0x9b: {  	[tilespmem:$0x7D40] =	vst v7;
	v7 =	vsub.s32 v8, v10;
	v8, _, _ =	vpop (xrf0);
	(xrf0) =	vadd.scan.msk.s32 $0xffff, v17;
	v10 =	vld [tilespmem:$0x7BF0]  }
0x9c: {  	[tilespmem:$0x7D50] =	vst v7;
	v7 =	vsub.s32 v8, v11;
	v8, _, _ =	vpop (xrf0);
	(xrf0) =	vadd.scan.msk.s32 $0xffff, v19  }
0x9d: {  	[tilespmem:$0x7D60] =	vst v7;
	v7 =	vsub.s32 v8, v12;
	v8, _, _ =	vpop (xrf0);
	(xrf0) =	vadd.scan.msk.s32 $0xffff, v20  }
0x9e: {  	[tilespmem:$0x7D70] =	vst v7;
	v7 =	vsub.s32 v8, v13;
	v8, _, _ =	vpop (xrf0);
	(xrf0) =	vadd.scan.msk.s32 $0xffff, v63  }
0x9f: {  	[tilespmem:$0x7D80] =	vst v7;
	v7 =	vsub.s32 v8, v14;
	v8, _, _ =	vpop (xrf0);
	(xrf0) =	vadd.scan.msk.s32 $0xffff, v9  }
0xa0: {  	[tilespmem:$0x7D90] =	vst v7;
	v7 =	vsub.s32 v8, v15;
	v8, _, _ =	vpop (xrf0);
	(xrf0) =	vadd.scan.msk.s32 $0xffff, v10  }
0xa1: {  	v11, _, _ =	vpop (xrf0);
	[tilespmem:$0x7DA0] =	vst v7;
	v7 =	vsub.s32 v8, v16  }
0xa2: {  	v8, _, _ =	vpop (xrf0);
	[tilespmem:$0x7DB0] =	vst v7;
	v7 =	vsub.s32 v11, v17  }
0xa3: {  	v11, _, _ =	vpop (xrf0);
	[tilespmem:$0x7DC0] =	vst v7;
	v7 =	vsub.s32 v8, v19  }
0xa4: {  	v8, _, _ =	vpop (xrf0);
	[tilespmem:$0x7DD0] =	vst v7;
	v7 =	vsub.s32 v11, v20  }
0xa5: {  	v11, _, _ =	vpop (xrf0);
	[tilespmem:$0x7DE0] =	vst v7;
	v7 =	vsub.s32 v8, v63  }
0xa6: {  	[tilespmem:$0x7DF0] =	vst v7;
	v7 =	vsub.s32 v11, v9;
	v8, _, _ =	vpop (xrf0)  }
0xa7: {  	[tilespmem:$0x7E00] =	vst v7;
	v7 =	vsub.s32 v8, v10  }
0xa8: {  	s5 =	simm.s32 $0x0;
	[tilespmem:$0x7E10] =	vst v7  }
0xa9: {  	v7 =	vld [tilespmem:s5+$0x6900];
	_ =	sdelay $0x4  }
0xaa: {  	(xrf0) =	vadd.scan.msk.s32 $0xffff, v7  }
0xab: {  	s0 =	simm.s32 $0x0  }
0xac: {  	s1 =	simm.s32 $0x10;
	s26 =	simm.s32 $0x80;
	s16 =	smov.u32 s9;
	v8 =	vld.msk [tilespmem:s9+$0x0 ss:$0x0], $0xffff  }
.LBB2_10:
0xad: {  	p0 =	sne.s32 s26, $0x3C0;
	v9 =	vld [tilespmem:s1+$0x6900];
	_ =	sdelay $0x2  }
.Ltmp6:
0xae: {  	v10, _, _ =	vpop (xrf0);
	(pc) =	sbr.rel @p0 .LBB2_10-.Ltmp6, $4  }
0xaf: {  	v10 =	vsub.s32 v10, v7  }
0xb0: {  	(xrf0) =	vadd.scan.msk.s32 $0xffff, v9;
	v8 =	vadd.s32 v8, v10;
	v7 =	vmov v9  }
0xb1: {  	s16 =	sadd.s32 $0x1, s16;
	[tilespmem:s5+$0x6A00] =	vst v8;
	s5 =	smov.u32 s1  }
0xb2: {  	s1 =	sshra.s32 s26, $0x2;
	s26 =	sadd.s32 $0x40, s26;
	v8 =	vld.msk [tilespmem:s16+$0x0 ss:$0x0], $0xffff  }
0xb3: {  	v9 =	vld [tilespmem:s1+$0x6900];
	_ =	sdelay $0x3  }
0xb4: {  	v10, _, _ =	vpop (xrf0)  }
0xb5: {  	v7 =	vsub.s32 v10, v7;
	(xrf0) =	vadd.scan.msk.s32 $0xffff, v9  }
0xb6: {  	v7 =	vadd.s32 v8, v7  }
0xb7: {  	s31 =	sadd.s32 $0x1, s16;
	[tilespmem:s5+$0x6A00] =	vst v7  }
0xb8: {  	v7 =	vld.msk [tilespmem:s31+$0x0 ss:$0x0], $0xffff;
	_ =	sdelay $0x2  }
0xb9: {  	v8, _, _ =	vpop (xrf0)  }
0xba: {  	v8 =	vsub.s32 v8, v9  }
0xbb: {  	v7 =	vadd.s32 v7, v8  }
0xbc: {  	[tilespmem:s1+$0x6A00] =	vst v7  }
.LBB2_12:
0xbd: {  	p0 =	sne.s32 s0, $0x111C0  }
.Ltmp7:
0xbe: {  	_ = 	snop;
	(pc) =	sbr.rel @p0 .LBB2_12-.Ltmp7, $3  }
0xbf: {  	_ =	sdelay $0x1  }
0xc0: {  	s1 =	sshra.s32 s0, $0x2  }
0xc1: {  	s0 =	sadd.s32 $0x40, s0;
	[tilespmem:s1+$0x7E30] =	vst v3  }
0xc2: {  	s0 =	simm.s32 $0x0  }
0xc3: {  	v8 =	vld [tilespmem:s0+$0x0];
	_ =	sdelay $0x4  }
0xc4: {  	v7 =	vcvt.s32.f32 v8;
	_ =	sdelay $0x1  }
0xc5: {  	v7 =	vmul.f32 $3.999999900e-05, v7;
	_ =	sdelay $0x1  }
0xc6: {  	v7 =	vtrunc.f32 v7  }
0xc7: {  	v7 =	vcvt.f32.s32 v7;
	_ =	sdelay $0x1  }
0xc8: {  	v9 =	vmul.u32 $0xFFFF9E58, v7;
	_ =	sdelay $0x1  }
0xc9: {  	v9 =	vadd.s32 v8, v9  }
0xca: {  	v9 =	vshra.s32 v9, $0x1F  }
0xcb: {  	v7 =	vadd.s32 v7, v9  }
0xcc: {  	v9 =	vmul.u32 $0xFFFF9E58, v7;
	_ =	sdelay $0x1  }
0xcd: {  	v9 =	vadd.s32 v8, v9  }
0xce: {  	vm1 =	vgt.s32 v9, $0x61A7  }
0xcf: {  	v7 =	vadd.s32 v0, v7;
	v9 =	vsel vm1, $0x1, v5  }
0xd0: {  	v9 =	vadd.s32 v9, v7  }
0xd1: {  	vm1 =	vgt.s32 v9, $0x0  }
0xd2: {  	v7 =	vnsel vm1, $0x0, v9  }
0xd3: {  	v7 =	vmin.u32 v7, $0xF  }
0xd4: {  	v7 =	vshll.u32 v7, $0x4  }
0xd5: {  	v7 =	vor.u32 v4, v7;
	_ =	sdelay $0x4  }
0xd6: {  	v10 =	vld.idx.msk [tilespmem:v7+s21+$0x0], $0xffff;
	_ =	sdelay $0x1  }
0xd7: {  	vm1 =	vlt.u32 v9, $0x10;
	_ =	sdelay $0x1  }
0xd8: {  	v9 =	vld [tilespmem:s0+$0x3480];
	_ =	sdelay $0x3  }
0xd9: {  	v11 =	vsel vm1, $0x1, v5;
	[tilespmem:v10+s22+$0x0] =	vst.idx.msk vm1, v8  }
0xda: {  	s1 =	simm.s32 $0x80;
	s0 =	simm.s32 $0x40;
	v8 =	vadd.s32 v11, v10;
	[tilespmem:v10+s23+$0x0] =	vst.idx.msk vm1, v9  }
.LBB2_14:
0xdb: {  	p0 =	sne.s32 s1, $0xD1C0  }
0xdc: {  	s5 =	sshra.s32 s0, $0x2;
	[tilespmem:v7+s21+$0x0] =	vst.idx.msk $0xffff, v8;
	s0 =	smov.u32 s1;
	s1 =	sadd.s32 $0x40, s1  }
0xdd: {  	v8 =	vld [tilespmem:s5+$0x0];
	_ =	sdelay $0x4  }
0xde: {  	v7 =	vcvt.s32.f32 v8;
	_ =	sdelay $0x1  }
0xdf: {  	v7 =	vmul.f32 $3.999999900e-05, v7;
	_ =	sdelay $0x1  }
0xe0: {  	v7 =	vtrunc.f32 v7  }
0xe1: {  	v7 =	vcvt.f32.s32 v7;
	_ =	sdelay $0x1  }
0xe2: {  	v9 =	vmul.u32 $0xFFFF9E58, v7;
	_ =	sdelay $0x1  }
0xe3: {  	v9 =	vadd.s32 v8, v9  }
0xe4: {  	v9 =	vshra.s32 v9, $0x1F  }
0xe5: {  	v7 =	vadd.s32 v7, v9  }
0xe6: {  	v9 =	vmul.u32 $0xFFFF9E58, v7;
	_ =	sdelay $0x1  }
0xe7: {  	v9 =	vadd.s32 v8, v9  }
0xe8: {  	vm1 =	vgt.s32 v9, $0x61A7  }
0xe9: {  	v7 =	vadd.s32 v0, v7;
	v9 =	vsel vm1, $0x1, v5  }
0xea: {  	v9 =	vadd.s32 v9, v7  }
0xeb: {  	vm1 =	vgt.s32 v9, $0x0  }
0xec: {  	v7 =	vnsel vm1, $0x0, v9  }
0xed: {  	v7 =	vmin.u32 v7, $0xF  }
0xee: {  	v7 =	vshll.u32 v7, $0x4  }
0xef: {  	v7 =	vor.u32 v4, v7;
	_ =	sdelay $0x4  }
0xf0: {  	v10 =	vld.idx.msk [tilespmem:v7+s21+$0x0], $0xffff;
	_ =	sdelay $0x1  }
0xf1: {  	vm1 =	vlt.u32 v9, $0x10;
	_ =	sdelay $0x1  }
0xf2: {  	v9 =	vld [tilespmem:s5+$0x3480]  }
.Ltmp8:
0xf3: {  	(pc) =	sbr.rel @p0 .LBB2_14-.Ltmp8, $3  }
0xf4: {  	_ =	sdelay $0x1  }
0xf5: {  	v11 =	vsel vm1, $0x1, v5;
	[tilespmem:v10+s22+$0x0] =	vst.idx.msk vm1, v8  }
0xf6: {  	v8 =	vadd.s32 v11, v10;
	[tilespmem:v10+s23+$0x0] =	vst.idx.msk vm1, v9  }
0xf7: {  	_ =	sdelay $0x3  }
0xf8: {  	s0 =	sshra.s32 s0, $0x2;
	[tilespmem:v7+s21+$0x0] =	vst.idx.msk $0xffff, v8  }
0xf9: {  	v7 =	vld [tilespmem:s0+$0x0];
	_ =	sdelay $0x4  }
0xfa: {  	v8 =	vcvt.s32.f32 v7;
	_ =	sdelay $0x1  }
0xfb: {  	v8 =	vmul.f32 $3.999999900e-05, v8;
	_ =	sdelay $0x1  }
0xfc: {  	v8 =	vtrunc.f32 v8  }
0xfd: {  	v8 =	vcvt.f32.s32 v8;
	_ =	sdelay $0x1  }
0xfe: {  	v9 =	vmul.u32 $0xFFFF9E58, v8;
	_ =	sdelay $0x1  }
0xff: {  	v9 =	vadd.s32 v7, v9  }
0x100: {  	v9 =	vshra.s32 v9, $0x1F  }
0x101: {  	v8 =	vadd.s32 v8, v9  }
0x102: {  	v9 =	vmul.u32 $0xFFFF9E58, v8;
	_ =	sdelay $0x1  }
0x103: {  	v9 =	vadd.s32 v7, v9  }
0x104: {  	vm1 =	vgt.s32 v9, $0x61A7  }
0x105: {  	v8 =	vadd.s32 v0, v8;
	v9 =	vsel vm1, $0x1, v5  }
0x106: {  	v8 =	vadd.s32 v9, v8  }
0x107: {  	vm1 =	vgt.s32 v8, $0x0  }
0x108: {  	v9 =	vnsel vm1, $0x0, v8  }
0x109: {  	v9 =	vmin.u32 v9, $0xF  }
0x10a: {  	v9 =	vshll.u32 v9, $0x4  }
0x10b: {  	v9 =	vor.u32 v4, v9;
	_ =	sdelay $0x4  }
0x10c: {  	v10 =	vld.idx.msk [tilespmem:v9+s21+$0x0], $0xffff;
	_ =	sdelay $0x1  }
0x10d: {  	vm1 =	vlt.u32 v8, $0x10;
	_ =	sdelay $0x1  }
0x10e: {  	v8 =	vld [tilespmem:s0+$0x3480];
	_ =	sdelay $0x3  }
0x10f: {  	v11 =	vsel vm1, $0x1, v5;
	[tilespmem:v10+s22+$0x0] =	vst.idx.msk vm1, v7  }
0x110: {  	v7 =	vadd.s32 v11, v10;
	[tilespmem:v10+s23+$0x0] =	vst.idx.msk vm1, v8  }
0x111: {  	[tilespmem:v9+s21+$0x0] =	vst.idx.msk $0xffff, v7  }
0x112: {  	[spmem:s10] =	stream.linear.scatter [tilespmem:s22], [sflag:$0x2], $0x4480, $0x38;
	[tilespmem:$0x1F558] =	vst v63  }
0x113: {  	_ =	swait.ge [sflag:s19], $0x4480  }
0x114: {  	[sflag:s19] =	ssyncset.done $0x0  }
0x115: {  	[sflag:s19] =	ssyncadd.s32 $0xFFFFBB80  }
0x116: {  	[spmem:s11] =	stream.linear.scatter [tilespmem:s23], [sflag:$0x2], $0x4480, $0x38;
	[tilespmem:$0x1F558] =	vst v63  }
.Ltmp9:
0x117: {  	_ =	swait.ge [sflag:s19], $0x4480;
	(pc) =	sbr.rel .LBB2_16-.Ltmp9, $4  }
0x118: {  	[sflag:s19] =	ssyncset.done $0x0  }
0x119: {  	[sflag:s19] =	ssyncadd.s32 $0xFFFFBB80  }
0x11a: {  	[bflag:$0x0] =	sbarrier.arrive $0xFFFF  }
0x11b: {  	s26 =	simm.s32 $0x0  }
.LBB2_23:
0x11c: {  	s26 =	sadd.s32 $0x1, s26  }
0x11d: {  	p0 =	sne.s32 s26, $0x10  }
.Ltmp10:
0x11e: {  	_ = 	snop;
	(pc) =	sbr.rel @!p0 .LBB2_24-.Ltmp10, $1  }
0x11f: {  	_ =	sdelay $0x3  }
.LBB2_16:
0x120: {  	s0 =	sshll.u32 s26, $0x4  }
0x121: {  	s0 =	sor.u32 s4, s0  }
0x122: {  	v7 =	vld [tilespmem:s0+$0x7D20]  }
0x123: {  	v8 =	vld [tilespmem:s0+$0x7B00];
	_ =	sdelay $0x3  }
0x124: {  	(v2sf) =	vpush v7, $0x0  }
0x125: {  	(v2sf) =	vpush v8, $0x0;
	_ =	sdelay $0x1  }
0x126: {  	v9 =	vld [tilespmem:s0+$0x7C10];
	_ =	sdelay $0x4  }
0x127: {  	(v2sf) =	vpush v9, $0x0;
	_ =	sdelay $0x6  }
0x128: {  	s0 =	spop (v2sf)  }
0x129: {  	s1 =	spop (v2sf)  }
0x12a: {  	s28 =	sshra.s32 s1, $0x8  }
0x12b: {  	p0 =	slt.s32 s28, $0x1  }
.Ltmp11:
0x12c: {  	_ = 	snop;
	(pc) =	sbr.rel @p0 .LBB2_23-.Ltmp11, $2  }
0x12d: {  	_ =	sdelay $0x2  }
0x12e: {  	s1 =	spop (v2sf)  }
.Ltmp12:
0x12f: {  	(pc) =	sbr.rel .LBB2_18-.Ltmp12, $4  }
0x130: {  	_ = 	snop  }
0x131: {  	s1 =	sadd.s32 $0xF, s1;
	s5 =	smul.u32 $0x4480, s26  }
0x132: {  	s29 =	sshra.s32 s1, $0x4  }
0x133: {  	s30 =	sadd.s32 s5, s0;
	s31 =	smov.u32 s29;
	s0 =	simm.s32 $0x0  }
.LBB2_21:
0x134: {  	_ =	sdelay $0x4  }
0x135: {  	[tilespmem:v7+s24+$0x0] =	vst.idx.msk vm1, v8  }
.LBB2_22:
0x136: {  	s0 =	sadd.s32 $0x1, s0  }
0x137: {  	p0 =	sne.s32 s0, s28  }
.Ltmp13:
0x138: {  	_ = 	snop;
	(pc) =	sbr.rel @!p0 .LBB2_23-.Ltmp13, $2  }
0x139: {  	_ =	sdelay $0x2  }
0x13a: {  	s31 =	sadd.s32 $0xFFFFFFF0, s31  }
.LBB2_18:
0x13b: {  	s1 =	sshll.u32 s0, $0x8  }
0x13c: {  	s1 =	sadd.s32 s1, s30  }
0x13d: {  	s5 =	simm.s32 $0x16938;
	s16 =	sadd.s32 s1, s2  }
0x13e: {  	[tilespmem:s5], [sflag:$0x1] =	stream.linear.gather [spmem:s16], $0x100, $0x38;
	[tilespmem:$0x1F558] =	vst v63  }
0x13f: {  	s16 =	sadd.s32 s1, s3;
	s1 =	simm.s32 $0x16A38  }
0x140: {  	[tilespmem:s1], [sflag:$0x1] =	stream.linear.gather [spmem:s16], $0x100, $0x38;
	[tilespmem:$0x1F558] =	vst v63  }
0x141: {  	s16 =	sshll.u32 s0, $0x4  }
0x142: {  	_ =	swait.ge [sflag:s17], $0x100;
	p0 =	sle.s32 s29, s16  }
.Ltmp14:
0x143: {  	[sflag:s17] =	ssyncset.done $0x0;
	(pc) =	sbr.rel @p0 .LBB2_22-.Ltmp14, $4  }
0x144: {  	[sflag:s17] =	ssyncadd.s32 $0xFFFFFF00  }
0x145: {  	_ =	swait.ge [sflag:s17], $0x100  }
0x146: {  	[sflag:s17] =	ssyncset.done $0x0  }
0x147: {  	[sflag:s17] =	ssyncadd.s32 $0xFFFFFF00  }
0x148: {  	v7 =	vld [tilespmem:s5+$0x0];
	_ =	sdelay $0x1  }
0x149: {  	v8 =	vld [tilespmem:s1+$0x0];
	_ =	sdelay $0x2  }
0x14a: {  	v9 =	vsub.s32 v7, v1  }
0x14b: {  	vm1 =	vgt.s32 v7, $0xFFFFFFFF;
	v7 =	vxor.u32 $0x80000000, v9  }
0x14c: {  	v8 =	vnsel vm1, $0xFF7FC99E, v8;
	v7 =	vnsel vm1, $0x80000000, v7  }
0x14d: {  	(xrf1) =	vsort.ascd.msk.u32 $0xffff, v7, v8;
	_ =	sdelay $0xd  }
0x14e: {  	v7, v8, _ =	vpop (xrf1)  }
0x14f: {  	v7 =	vxor.u32 $0x80000000, v7;
	[tilespmem:$0x16918] =	vst v8  }
0x150: {  	[tilespmem:$0x168F0] =	vst v7;
	v9 =	vld [tilespmem:$0x16917]  }
0x151: {  	v10 =	vld [tilespmem:$0x168EF];
	_ =	sdelay $0x4  }
0x152: {  	v9 =	vmax.f32 v8, v9;
	vm1 =	veq.s32 v10, v7  }
0x153: {  	v8 =	vsel vm1, v9, v8  }
0x154: {  	v9 =	vld [tilespmem:$0x168EE];
	[tilespmem:$0x16918] =	vst v8  }
0x155: {  	v10 =	vld [tilespmem:$0x16916];
	_ =	sdelay $0x4  }
0x156: {  	vm1 =	veq.s32 v9, v7;
	v9 =	vmax.f32 v8, v10  }
0x157: {  	v10 =	vld [tilespmem:$0x168EC];
	v8 =	vsel vm1, v9, v8  }
0x158: {  	v9 =	vld [tilespmem:$0x168F1];
	[tilespmem:$0x16918] =	vst v8  }
0x159: {  	v11 =	vld [tilespmem:$0x16914];
	_ =	sdelay $0x3  }
0x15a: {  	vm1 =	vne.s32 v9, v7  }
0x15b: {  	vm2 =	veq.s32 v10, v7;
	v9 =	vmax.f32 v8, v11  }
0x15c: {  	v8 =	vsel vm2, v9, v8  }
0x15d: {  	p0 =	sgt.s32 s31, $0x1;
	s16 =	smov.u32 s31;
	v9 =	vld [tilespmem:$0x168E8];
	[tilespmem:$0x16918] =	vst v8  }
0x15e: {  	s16 =	simm.s32 @!p0 $0x1;
	v10 =	vld [tilespmem:$0x16910]  }
0x15f: {  	s16 =	smin.u32 s16, $0x10  }
0x160: {  	p0 =	sne.s32 s16, $0x1;
	v11 =	vld.idx.msk [tilespmem:v7+s24+$0x0], vm1  }
.Ltmp15:
0x161: {  	_ = 	snop;
	(pc) =	sbr.rel @!p0 .LBB2_21-.Ltmp15, $4  }
0x162: {  	_ = 	snop  }
0x163: {  	vm2 =	veq.s32 v9, v7;
	v9 =	vmax.f32 v8, v10  }
0x164: {  	v8 =	vsel vm2, v9, v8  }
0x165: {  	s16 =	sadd.s32 $0xFFFFFFFF, s16;
	v8 =	vmax.f32 v11, v8  }
.LBB2_20:
0x166: {  	p0 =	sne.s32 s16, $0x1;
	[tilespmem:v7+s24+$0x0] =	vst.idx.msk vm1, v8;
	s5 =	sadd.s32 $0x10, s5;
	s1 =	sadd.s32 $0x10, s1  }
0x167: {  	s16 =	sadd.s32 $0xFFFFFFFF, s16;
	v7 =	vld [tilespmem:s5+$0x0];
	_ =	sdelay $0x1  }
0x168: {  	v8 =	vld [tilespmem:s1+$0x0];
	_ =	sdelay $0x2  }
0x169: {  	v9 =	vsub.s32 v7, v1  }
0x16a: {  	vm1 =	vgt.s32 v7, $0xFFFFFFFF;
	v7 =	vxor.u32 $0x80000000, v9  }
0x16b: {  	v8 =	vnsel vm1, $0xFF7FC99E, v8;
	v7 =	vnsel vm1, $0x80000000, v7  }
0x16c: {  	(xrf1) =	vsort.ascd.msk.u32 $0xffff, v7, v8;
	_ =	sdelay $0xd  }
0x16d: {  	v7, v8, _ =	vpop (xrf1)  }
0x16e: {  	v7 =	vxor.u32 $0x80000000, v7;
	[tilespmem:$0x16918] =	vst v8  }
0x16f: {  	[tilespmem:$0x168F0] =	vst v7;
	v9 =	vld [tilespmem:$0x16917]  }
0x170: {  	v10 =	vld [tilespmem:$0x168EF];
	_ =	sdelay $0x3  }
0x171: {  	v9 =	vmax.f32 v8, v9  }
0x172: {  	vm1 =	veq.s32 v10, v7  }
0x173: {  	v8 =	vsel vm1, v9, v8  }
0x174: {  	[tilespmem:$0x16918] =	vst v8;
	v9 =	vld [tilespmem:$0x168EE]  }
0x175: {  	v10 =	vld [tilespmem:$0x16916];
	_ =	sdelay $0x3  }
0x176: {  	vm1 =	veq.s32 v9, v7  }
0x177: {  	v9 =	vmax.f32 v8, v10  }
0x178: {  	v8 =	vsel vm1, v9, v8;
	v9 =	vld [tilespmem:$0x168F1]  }
0x179: {  	[tilespmem:$0x16918] =	vst v8;
	v10 =	vld [tilespmem:$0x168EC]  }
0x17a: {  	v11 =	vld [tilespmem:$0x16914];
	_ =	sdelay $0x2  }
0x17b: {  	vm1 =	vne.s32 v9, v7  }
0x17c: {  	vm2 =	veq.s32 v10, v7  }
0x17d: {  	v9 =	vmax.f32 v8, v11  }
0x17e: {  	v8 =	vsel vm2, v9, v8  }
0x17f: {  	[tilespmem:$0x16918] =	vst v8;
	v9 =	vld [tilespmem:$0x168E8]  }
0x180: {  	v10 =	vld [tilespmem:$0x16910]  }
0x181: {  	v11 =	vld.idx.msk [tilespmem:v7+s24+$0x0], vm1;
	_ =	sdelay $0x1  }
.Ltmp16:
0x182: {  	(pc) =	sbr.rel @p0 .LBB2_20-.Ltmp16, $4  }
0x183: {  	vm2 =	veq.s32 v9, v7  }
0x184: {  	v9 =	vmax.f32 v8, v10  }
0x185: {  	v8 =	vsel vm2, v9, v8  }
0x186: {  	v8 =	vmax.f32 v11, v8  }
.Ltmp17:
0x187: {  	_ = 	snop;
	(pc) =	sbr.rel .LBB2_21-.Ltmp17, $1  }
0x188: {  	_ =	sdelay $0x3  }
.LBB2_24:
0x189: {  	[bflag:$0x0] =	sbarrier.arrive $0xFFFF  }
0x18a: {  	[tilespmem:$0x6900] =	vst v5  }
0x18b: {  	[tilespmem:$0x6910] =	vst v5  }
0x18c: {  	[tilespmem:$0x6920] =	vst v5  }
0x18d: {  	[tilespmem:$0x6930] =	vst v5  }
0x18e: {  	[tilespmem:$0x6940] =	vst v5  }
0x18f: {  	[tilespmem:$0x6950] =	vst v5  }
0x190: {  	[tilespmem:$0x6960] =	vst v5  }
0x191: {  	[tilespmem:$0x6970] =	vst v5  }
0x192: {  	[tilespmem:$0x6980] =	vst v5  }
0x193: {  	[tilespmem:$0x6990] =	vst v5  }
0x194: {  	[tilespmem:$0x69A0] =	vst v5  }
0x195: {  	[tilespmem:$0x69B0] =	vst v5  }
0x196: {  	[tilespmem:$0x69C0] =	vst v5  }
0x197: {  	[tilespmem:$0x69D0] =	vst v5  }
0x198: {  	[tilespmem:$0x69E0] =	vst v5  }
0x199: {  	s0 =	simm.s32 $0x0;
	[tilespmem:$0x69F0] =	vst v5  }
0x19a: {  	[tilespmem:s0], [sflag:$0x1] =	stream.linear.gather [hbm4b:s12+s0], $0x3480, $0x38;
	[tilespmem:$0x1F558] =	vst v63  }
0x19b: {  	s1 =	simm.s32 $0x3480  }
0x19c: {  	[tilespmem:s1], [sflag:$0x1] =	stream.linear.gather [hbm4b:s13+s0], $0x3480, $0x38;
	[tilespmem:$0x1F558] =	vst v63  }
0x19d: {  	_ =	swait.ge [sflag:s17], $0x3480  }
0x19e: {  	[sflag:s17] =	ssyncset.done $0x0  }
0x19f: {  	[sflag:s17] =	ssyncadd.s32 $0xFFFFCB80  }
0x1a0: {  	_ =	swait.ge [sflag:s17], $0x3480  }
0x1a1: {  	[sflag:s17] =	ssyncset.done $0x0  }
0x1a2: {  	s1 =	simm.s32 $0x0;
	s0 =	simm.s32 $0x40;
	[sflag:s17] =	ssyncadd.s32 $0xFFFFCB80  }
.LBB2_25:
0x1a3: {  	p0 =	sne.s32 s0, $0xD1C0;
	v7 =	vld [tilespmem:s1+$0x0];
	_ =	sdelay $0x4  }
0x1a4: {  	v8 =	vcvt.s32.f32 v7;
	_ =	sdelay $0x1  }
0x1a5: {  	v8 =	vmul.f32 $3.999999900e-05, v8;
	_ =	sdelay $0x1  }
0x1a6: {  	v8 =	vtrunc.f32 v8  }
0x1a7: {  	v8 =	vcvt.f32.s32 v8;
	_ =	sdelay $0x1  }
0x1a8: {  	v9 =	vmul.u32 $0xFFFF9E58, v8;
	_ =	sdelay $0x1  }
0x1a9: {  	v9 =	vadd.s32 v7, v9  }
0x1aa: {  	v9 =	vshra.s32 v9, $0x1F  }
0x1ab: {  	v8 =	vadd.s32 v8, v9  }
0x1ac: {  	v9 =	vmul.u32 $0xFFFF9E58, v8;
	_ =	sdelay $0x1  }
0x1ad: {  	v7 =	vadd.s32 v7, v9  }
0x1ae: {  	vm1 =	vgt.s32 v7, $0x61A7  }
0x1af: {  	v8 =	vadd.s32 v0, v8;
	v7 =	vsel vm1, $0x1, v5  }
0x1b0: {  	v7 =	vadd.s32 v7, v8  }
0x1b1: {  	vm1 =	vgt.s32 v7, $0x0  }
0x1b2: {  	v8 =	vnsel vm1, $0x0, v7  }
0x1b3: {  	v8 =	vmin.u32 v8, $0xF  }
0x1b4: {  	v8 =	vshll.u32 v8, $0x4  }
0x1b5: {  	v8 =	vor.u32 v4, v8  }
.Ltmp18:
0x1b6: {  	(pc) =	sbr.rel @p0 .LBB2_25-.Ltmp18, $4  }
0x1b7: {  	_ = 	snop  }
0x1b8: {  	vm1 =	vlt.u32 v7, $0x10  }
0x1b9: {  	v7 =	vsel vm1, $0x1, v5  }
0x1ba: {  	s1 =	sshra.s32 s0, $0x2;
	s0 =	sadd.s32 $0x40, s0;
	[tilespmem:v8+s18+$0x0] =	vst.idx.add.s32.msk $0xffff, v7  }
0x1bb: {  	v7 =	vld [tilespmem:s1+$0x0];
	_ =	sdelay $0x4  }
0x1bc: {  	v8 =	vcvt.s32.f32 v7;
	_ =	sdelay $0x1  }
0x1bd: {  	v8 =	vmul.f32 $3.999999900e-05, v8;
	_ =	sdelay $0x1  }
0x1be: {  	v8 =	vtrunc.f32 v8  }
0x1bf: {  	v8 =	vcvt.f32.s32 v8;
	_ =	sdelay $0x1  }
0x1c0: {  	v9 =	vmul.u32 $0xFFFF9E58, v8;
	_ =	sdelay $0x1  }
0x1c1: {  	v9 =	vadd.s32 v7, v9  }
0x1c2: {  	v9 =	vshra.s32 v9, $0x1F  }
0x1c3: {  	v8 =	vadd.s32 v8, v9  }
0x1c4: {  	v9 =	vmul.u32 $0xFFFF9E58, v8;
	_ =	sdelay $0x1  }
0x1c5: {  	v7 =	vadd.s32 v7, v9  }
0x1c6: {  	vm1 =	vgt.s32 v7, $0x61A7  }
0x1c7: {  	v8 =	vadd.s32 v0, v8;
	v7 =	vsel vm1, $0x1, v5  }
0x1c8: {  	v7 =	vadd.s32 v7, v8  }
0x1c9: {  	vm1 =	vgt.s32 v7, $0x0  }
0x1ca: {  	v8 =	vnsel vm1, $0x0, v7  }
0x1cb: {  	v8 =	vmin.u32 v8, $0xF  }
0x1cc: {  	v8 =	vshll.u32 v8, $0x4  }
0x1cd: {  	v8 =	vor.u32 v4, v8;
	_ =	sdelay $0x2  }
0x1ce: {  	vm1 =	vlt.u32 v7, $0x10  }
0x1cf: {  	v7 =	vsel vm1, $0x1, v5  }
0x1d0: {  	[tilespmem:v8+s18+$0x0] =	vst.idx.add.s32.msk $0xffff, v7  }
0x1d1: {  	[spmem:s8] =	stream.linear.scatter [tilespmem:s18], [sflag:$0x2], $0x100, $0x38;
	[tilespmem:$0x1F558] =	vst v63  }
0x1d2: {  	_ =	swait.ge [sflag:s19], $0x100  }
0x1d3: {  	[sflag:s19] =	ssyncset.done $0x0  }
0x1d4: {  	[sflag:s19] =	ssyncadd.s32 $0xFFFFFF00  }
0x1d5: {  	[bflag:$0x0] =	sbarrier.arrive $0xFFFF  }
0x1d6: {  	s0 =	rddreg [dreg:$0x1]  }
0x1d7: {  	[tilespmem:s20], [sflag:$0x2] =	stream.linear.gather [spmem:s0], $0x1000, $0x38;
	[tilespmem:$0x1F558] =	vst v63  }
0x1d8: {  	_ =	swait.ge [sflag:s19], $0x1000  }
0x1d9: {  	[sflag:s19] =	ssyncset.done $0x0  }
0x1da: {  	s1 =	simm.s32 $0x0;
	s0 =	simm.s32 $0x0;
	[sflag:s19] =	ssyncadd.s32 $0xFFFFF000  }
.LBB2_27:
0x1db: {  	s5 =	sshll.u32 s1, $0x4  }
0x1dc: {  	v7 =	vimm.s32 $0x0;
	v8 =	vmov s5  }
0x1dd: {  	v9 =	vsel vm0, $0x8, v7;
	v8 =	vshrl.u32 v8, $0x4  }
0x1de: {  	v8 =	vshll.u32 v8, v9  }
0x1df: {  	v9 =	vor.u32 s0, v8  }
0x1e0: {  	v9 =	vbroadcast v9, $0x0;
	_ =	sdelay $0x1  }
0x1e1: {  	v9 =	vor.u32 v6, v9  }
0x1e2: {  	s16 =	simm.s32 $0x1  }
0x1e3: {  	v10 =	vor.u32 s16, v8  }
0x1e4: {  	v10 =	vbroadcast v10, $0x0;
	_ =	sdelay $0x1  }
0x1e5: {  	s16 =	simm.s32 $0x2;
	v10 =	vor.u32 v6, v10;
	v9 =	vld.idx.msk [tilespmem:v9+s20+$0x0], $0xffff  }
.LBB2_28:
0x1e6: {  	p0 =	sne.s32 s16, $0xF  }
.Ltmp19:
0x1e7: {  	_ = 	snop;
	(pc) =	sbr.rel @p0 .LBB2_28-.Ltmp19, $3  }
0x1e8: {  	v11 =	vor.u32 s16, v8  }
0x1e9: {  	v11 =	vbroadcast v11, $0x0;
	_ =	sdelay $0x1  }
0x1ea: {  	s16 =	sadd.s32 $0x1, s16;
	v7 =	vadd.s32 v7, v9;
	v9 =	vld.idx.msk [tilespmem:v10+s20+$0x0], $0xffff;
	v10 =	vor.u32 v6, v11  }
0x1eb: {  	_ =	sdelay $0x3  }
0x1ec: {  	v8 =	vld.idx.msk [tilespmem:v10+s20+$0x0], $0xffff;
	_ =	sdelay $0x1  }
0x1ed: {  	s1 =	sadd.s32 $0x1, s1  }
0x1ee: {  	p0 =	sne.s32 s1, $0x10  }
.Ltmp20:
0x1ef: {  	v7 =	vadd.s32 v7, v9;
	(pc) =	sbr.rel @p0 .LBB2_27-.Ltmp20, $4  }
0x1f0: {  	v7 =	vadd.s32 v7, v8  }
0x1f1: {  	v8 =	vadd.s32 $0xFF, v7  }
0x1f2: {  	[tilespmem:s5+$0x7C10] =	vst v7;
	v8 =	vand.u32 $0xFFFFFF00, v8  }
0x1f3: {  	[tilespmem:s5+$0x7B00] =	vst v8  }
0x1f4: {  	v7 =	vld [tilespmem:$0x7B00]  }
0x1f5: {  	v8 =	vld [tilespmem:$0x7B10]  }
0x1f6: {  	v9 =	vld [tilespmem:$0x7B20]  }
0x1f7: {  	v10 =	vld [tilespmem:$0x7B30]  }
0x1f8: {  	v11 =	vld [tilespmem:$0x7B40]  }
0x1f9: {  	v12 =	vld [tilespmem:$0x7B50];
	(xrf0) =	vadd.scan.msk.s32 $0xffff, v7  }
0x1fa: {  	v13 =	vld [tilespmem:$0x7B60];
	(xrf0) =	vadd.scan.msk.s32 $0xffff, v8  }
0x1fb: {  	v14 =	vld [tilespmem:$0x7B70];
	(xrf0) =	vadd.scan.msk.s32 $0xffff, v9  }
0x1fc: {  	v15 =	vld [tilespmem:$0x7B80];
	(xrf0) =	vadd.scan.msk.s32 $0xffff, v10  }
0x1fd: {  	v16 =	vld [tilespmem:$0x7B90];
	(xrf0) =	vadd.scan.msk.s32 $0xffff, v11  }
0x1fe: {  	v17 =	vld [tilespmem:$0x7BA0];
	(xrf0) =	vadd.scan.msk.s32 $0xffff, v12  }
0x1ff: {  	v19 =	vld [tilespmem:$0x7BB0];
	v18, _, _ =	vpop (xrf0);
	(xrf0) =	vadd.scan.msk.s32 $0xffff, v13  }
0x200: {  	v20 =	vld [tilespmem:$0x7BC0];
	v7 =	vsub.s32 v18, v7;
	v62, _, _ =	vpop (xrf0);
	(xrf0) =	vadd.scan.msk.s32 $0xffff, v14  }
0x201: {  	v63 =	vld [tilespmem:$0x7BD0];
	[tilespmem:$0x7D20] =	vst v7;
	v7 =	vsub.s32 v62, v8;
	v8, _, _ =	vpop (xrf0);
	(xrf0) =	vadd.scan.msk.s32 $0xffff, v15  }
0x202: {  	[tilespmem:$0x7D30] =	vst v7;
	v7 =	vsub.s32 v8, v9;
	v8, _, _ =	vpop (xrf0);
	(xrf0) =	vadd.scan.msk.s32 $0xffff, v16;
	v9 =	vld [tilespmem:$0x7BE0]  }
0x203: {  	[tilespmem:$0x7D40] =	vst v7;
	v7 =	vsub.s32 v8, v10;
	v8, _, _ =	vpop (xrf0);
	(xrf0) =	vadd.scan.msk.s32 $0xffff, v17;
	v10 =	vld [tilespmem:$0x7BF0]  }
0x204: {  	[tilespmem:$0x7D50] =	vst v7;
	v7 =	vsub.s32 v8, v11;
	v8, _, _ =	vpop (xrf0);
	(xrf0) =	vadd.scan.msk.s32 $0xffff, v19  }
0x205: {  	[tilespmem:$0x7D60] =	vst v7;
	v7 =	vsub.s32 v8, v12;
	v8, _, _ =	vpop (xrf0);
	(xrf0) =	vadd.scan.msk.s32 $0xffff, v20  }
0x206: {  	[tilespmem:$0x7D70] =	vst v7;
	v7 =	vsub.s32 v8, v13;
	v8, _, _ =	vpop (xrf0);
	(xrf0) =	vadd.scan.msk.s32 $0xffff, v63  }
0x207: {  	[tilespmem:$0x7D80] =	vst v7;
	v7 =	vsub.s32 v8, v14;
	v8, _, _ =	vpop (xrf0);
	(xrf0) =	vadd.scan.msk.s32 $0xffff, v9  }
0x208: {  	[tilespmem:$0x7D90] =	vst v7;
	v7 =	vsub.s32 v8, v15;
	v8, _, _ =	vpop (xrf0);
	(xrf0) =	vadd.scan.msk.s32 $0xffff, v10  }
0x209: {  	v11, _, _ =	vpop (xrf0);
	[tilespmem:$0x7DA0] =	vst v7;
	v7 =	vsub.s32 v8, v16  }
0x20a: {  	v8, _, _ =	vpop (xrf0);
	[tilespmem:$0x7DB0] =	vst v7;
	v7 =	vsub.s32 v11, v17  }
0x20b: {  	v11, _, _ =	vpop (xrf0);
	[tilespmem:$0x7DC0] =	vst v7;
	v7 =	vsub.s32 v8, v19  }
0x20c: {  	v8, _, _ =	vpop (xrf0);
	[tilespmem:$0x7DD0] =	vst v7;
	v7 =	vsub.s32 v11, v20  }
0x20d: {  	v11, _, _ =	vpop (xrf0);
	[tilespmem:$0x7DE0] =	vst v7;
	v7 =	vsub.s32 v8, v63  }
0x20e: {  	[tilespmem:$0x7DF0] =	vst v7;
	v7 =	vsub.s32 v11, v9;
	v8, _, _ =	vpop (xrf0)  }
0x20f: {  	[tilespmem:$0x7E00] =	vst v7;
	v7 =	vsub.s32 v8, v10  }
0x210: {  	s5 =	simm.s32 $0x0;
	[tilespmem:$0x7E10] =	vst v7  }
0x211: {  	v7 =	vld [tilespmem:s5+$0x6900];
	_ =	sdelay $0x4  }
0x212: {  	(xrf0) =	vadd.scan.msk.s32 $0xffff, v7  }
0x213: {  	s0 =	simm.s32 $0x0  }
0x214: {  	s1 =	simm.s32 $0x10;
	s26 =	simm.s32 $0x80;
	s16 =	smov.u32 s9;
	v8 =	vld.msk [tilespmem:s9+$0x0 ss:$0x0], $0xffff  }
.LBB2_31:
0x215: {  	p0 =	sne.s32 s26, $0x3C0;
	v9 =	vld [tilespmem:s1+$0x6900];
	_ =	sdelay $0x2  }
.Ltmp21:
0x216: {  	v10, _, _ =	vpop (xrf0);
	(pc) =	sbr.rel @p0 .LBB2_31-.Ltmp21, $4  }
0x217: {  	v10 =	vsub.s32 v10, v7  }
0x218: {  	(xrf0) =	vadd.scan.msk.s32 $0xffff, v9;
	v8 =	vadd.s32 v8, v10;
	v7 =	vmov v9  }
0x219: {  	s16 =	sadd.s32 $0x1, s16;
	[tilespmem:s5+$0x6A00] =	vst v8;
	s5 =	smov.u32 s1  }
0x21a: {  	s1 =	sshra.s32 s26, $0x2;
	s26 =	sadd.s32 $0x40, s26;
	v8 =	vld.msk [tilespmem:s16+$0x0 ss:$0x0], $0xffff  }
0x21b: {  	v9 =	vld [tilespmem:s1+$0x6900];
	_ =	sdelay $0x3  }
0x21c: {  	v10, _, _ =	vpop (xrf0)  }
0x21d: {  	v7 =	vsub.s32 v10, v7;
	(xrf0) =	vadd.scan.msk.s32 $0xffff, v9  }
0x21e: {  	v7 =	vadd.s32 v8, v7  }
0x21f: {  	s31 =	sadd.s32 $0x1, s16;
	[tilespmem:s5+$0x6A00] =	vst v7  }
0x220: {  	v7 =	vld.msk [tilespmem:s31+$0x0 ss:$0x0], $0xffff;
	_ =	sdelay $0x2  }
0x221: {  	v8, _, _ =	vpop (xrf0)  }
0x222: {  	v8 =	vsub.s32 v8, v9  }
0x223: {  	v7 =	vadd.s32 v7, v8  }
0x224: {  	[tilespmem:s1+$0x6A00] =	vst v7  }
.LBB2_33:
0x225: {  	p0 =	sne.s32 s0, $0x111C0  }
.Ltmp22:
0x226: {  	_ = 	snop;
	(pc) =	sbr.rel @p0 .LBB2_33-.Ltmp22, $3  }
0x227: {  	_ =	sdelay $0x1  }
0x228: {  	s1 =	sshra.s32 s0, $0x2  }
0x229: {  	s0 =	sadd.s32 $0x40, s0;
	[tilespmem:s1+$0x7E30] =	vst v3  }
0x22a: {  	s0 =	simm.s32 $0x0  }
0x22b: {  	v8 =	vld [tilespmem:s0+$0x0];
	_ =	sdelay $0x4  }
0x22c: {  	v7 =	vcvt.s32.f32 v8;
	_ =	sdelay $0x1  }
0x22d: {  	v7 =	vmul.f32 $3.999999900e-05, v7;
	_ =	sdelay $0x1  }
0x22e: {  	v7 =	vtrunc.f32 v7  }
0x22f: {  	v7 =	vcvt.f32.s32 v7;
	_ =	sdelay $0x1  }
0x230: {  	v9 =	vmul.u32 $0xFFFF9E58, v7;
	_ =	sdelay $0x1  }
0x231: {  	v9 =	vadd.s32 v8, v9  }
0x232: {  	v9 =	vshra.s32 v9, $0x1F  }
0x233: {  	v7 =	vadd.s32 v7, v9  }
0x234: {  	v9 =	vmul.u32 $0xFFFF9E58, v7;
	_ =	sdelay $0x1  }
0x235: {  	v9 =	vadd.s32 v8, v9  }
0x236: {  	vm1 =	vgt.s32 v9, $0x61A7  }
0x237: {  	v7 =	vadd.s32 v0, v7;
	v9 =	vsel vm1, $0x1, v5  }
0x238: {  	v9 =	vadd.s32 v9, v7  }
0x239: {  	vm1 =	vgt.s32 v9, $0x0  }
0x23a: {  	v7 =	vnsel vm1, $0x0, v9  }
0x23b: {  	v7 =	vmin.u32 v7, $0xF  }
0x23c: {  	v7 =	vshll.u32 v7, $0x4  }
0x23d: {  	v7 =	vor.u32 v4, v7;
	_ =	sdelay $0x4  }
0x23e: {  	v10 =	vld.idx.msk [tilespmem:v7+s21+$0x0], $0xffff;
	_ =	sdelay $0x1  }
0x23f: {  	vm1 =	vlt.u32 v9, $0x10;
	_ =	sdelay $0x1  }
0x240: {  	v9 =	vld [tilespmem:s0+$0x3480];
	_ =	sdelay $0x3  }
0x241: {  	v11 =	vsel vm1, $0x1, v5;
	[tilespmem:v10+s22+$0x0] =	vst.idx.msk vm1, v8  }
0x242: {  	s1 =	simm.s32 $0x80;
	s0 =	simm.s32 $0x40;
	v8 =	vadd.s32 v11, v10;
	[tilespmem:v10+s23+$0x0] =	vst.idx.msk vm1, v9  }
.LBB2_35:
0x243: {  	p0 =	sne.s32 s1, $0xD1C0  }
0x244: {  	s5 =	sshra.s32 s0, $0x2;
	[tilespmem:v7+s21+$0x0] =	vst.idx.msk $0xffff, v8;
	s0 =	smov.u32 s1;
	s1 =	sadd.s32 $0x40, s1  }
0x245: {  	v8 =	vld [tilespmem:s5+$0x0];
	_ =	sdelay $0x4  }
0x246: {  	v7 =	vcvt.s32.f32 v8;
	_ =	sdelay $0x1  }
0x247: {  	v7 =	vmul.f32 $3.999999900e-05, v7;
	_ =	sdelay $0x1  }
0x248: {  	v7 =	vtrunc.f32 v7  }
0x249: {  	v7 =	vcvt.f32.s32 v7;
	_ =	sdelay $0x1  }
0x24a: {  	v9 =	vmul.u32 $0xFFFF9E58, v7;
	_ =	sdelay $0x1  }
0x24b: {  	v9 =	vadd.s32 v8, v9  }
0x24c: {  	v9 =	vshra.s32 v9, $0x1F  }
0x24d: {  	v7 =	vadd.s32 v7, v9  }
0x24e: {  	v9 =	vmul.u32 $0xFFFF9E58, v7;
	_ =	sdelay $0x1  }
0x24f: {  	v9 =	vadd.s32 v8, v9  }
0x250: {  	vm1 =	vgt.s32 v9, $0x61A7  }
0x251: {  	v7 =	vadd.s32 v0, v7;
	v9 =	vsel vm1, $0x1, v5  }
0x252: {  	v9 =	vadd.s32 v9, v7  }
0x253: {  	vm1 =	vgt.s32 v9, $0x0  }
0x254: {  	v7 =	vnsel vm1, $0x0, v9  }
0x255: {  	v7 =	vmin.u32 v7, $0xF  }
0x256: {  	v7 =	vshll.u32 v7, $0x4  }
0x257: {  	v7 =	vor.u32 v4, v7;
	_ =	sdelay $0x4  }
0x258: {  	v10 =	vld.idx.msk [tilespmem:v7+s21+$0x0], $0xffff;
	_ =	sdelay $0x1  }
0x259: {  	vm1 =	vlt.u32 v9, $0x10;
	_ =	sdelay $0x1  }
0x25a: {  	v9 =	vld [tilespmem:s5+$0x3480]  }
.Ltmp23:
0x25b: {  	(pc) =	sbr.rel @p0 .LBB2_35-.Ltmp23, $3  }
0x25c: {  	_ =	sdelay $0x1  }
0x25d: {  	v11 =	vsel vm1, $0x1, v5;
	[tilespmem:v10+s22+$0x0] =	vst.idx.msk vm1, v8  }
0x25e: {  	v8 =	vadd.s32 v11, v10;
	[tilespmem:v10+s23+$0x0] =	vst.idx.msk vm1, v9  }
0x25f: {  	_ =	sdelay $0x3  }
0x260: {  	s0 =	sshra.s32 s0, $0x2;
	[tilespmem:v7+s21+$0x0] =	vst.idx.msk $0xffff, v8  }
0x261: {  	v7 =	vld [tilespmem:s0+$0x0];
	_ =	sdelay $0x4  }
0x262: {  	v8 =	vcvt.s32.f32 v7;
	_ =	sdelay $0x1  }
0x263: {  	v8 =	vmul.f32 $3.999999900e-05, v8;
	_ =	sdelay $0x1  }
0x264: {  	v8 =	vtrunc.f32 v8  }
0x265: {  	v8 =	vcvt.f32.s32 v8;
	_ =	sdelay $0x1  }
0x266: {  	v9 =	vmul.u32 $0xFFFF9E58, v8;
	_ =	sdelay $0x1  }
0x267: {  	v9 =	vadd.s32 v7, v9  }
0x268: {  	v9 =	vshra.s32 v9, $0x1F  }
0x269: {  	v8 =	vadd.s32 v8, v9  }
0x26a: {  	v9 =	vmul.u32 $0xFFFF9E58, v8;
	_ =	sdelay $0x1  }
0x26b: {  	v9 =	vadd.s32 v7, v9  }
0x26c: {  	vm1 =	vgt.s32 v9, $0x61A7  }
0x26d: {  	v8 =	vadd.s32 v0, v8;
	v9 =	vsel vm1, $0x1, v5  }
0x26e: {  	v8 =	vadd.s32 v9, v8  }
0x26f: {  	vm1 =	vgt.s32 v8, $0x0  }
0x270: {  	v9 =	vnsel vm1, $0x0, v8  }
0x271: {  	v9 =	vmin.u32 v9, $0xF  }
0x272: {  	v9 =	vshll.u32 v9, $0x4  }
0x273: {  	v9 =	vor.u32 v4, v9;
	_ =	sdelay $0x4  }
0x274: {  	v10 =	vld.idx.msk [tilespmem:v9+s21+$0x0], $0xffff;
	_ =	sdelay $0x1  }
0x275: {  	vm1 =	vlt.u32 v8, $0x10;
	_ =	sdelay $0x1  }
0x276: {  	v8 =	vld [tilespmem:s0+$0x3480];
	_ =	sdelay $0x3  }
0x277: {  	v11 =	vsel vm1, $0x1, v5;
	[tilespmem:v10+s22+$0x0] =	vst.idx.msk vm1, v7  }
0x278: {  	v7 =	vadd.s32 v11, v10;
	[tilespmem:v10+s23+$0x0] =	vst.idx.msk vm1, v8  }
0x279: {  	[tilespmem:v9+s21+$0x0] =	vst.idx.msk $0xffff, v7  }
0x27a: {  	[spmem:s10] =	stream.linear.scatter [tilespmem:s22], [sflag:$0x2], $0x4480, $0x38;
	[tilespmem:$0x1F558] =	vst v63  }
0x27b: {  	_ =	swait.ge [sflag:s19], $0x4480  }
0x27c: {  	[sflag:s19] =	ssyncset.done $0x0  }
0x27d: {  	[sflag:s19] =	ssyncadd.s32 $0xFFFFBB80  }
0x27e: {  	[spmem:s11] =	stream.linear.scatter [tilespmem:s23], [sflag:$0x2], $0x4480, $0x38;
	[tilespmem:$0x1F558] =	vst v63  }
.Ltmp24:
0x27f: {  	_ =	swait.ge [sflag:s19], $0x4480;
	(pc) =	sbr.rel .LBB2_37-.Ltmp24, $4  }
0x280: {  	[sflag:s19] =	ssyncset.done $0x0  }
0x281: {  	[sflag:s19] =	ssyncadd.s32 $0xFFFFBB80  }
0x282: {  	[bflag:$0x0] =	sbarrier.arrive $0xFFFF  }
0x283: {  	s26 =	simm.s32 $0x0  }
.LBB2_44:
0x284: {  	s26 =	sadd.s32 $0x1, s26  }
0x285: {  	p0 =	sne.s32 s26, $0x10  }
.Ltmp25:
0x286: {  	_ = 	snop;
	(pc) =	sbr.rel @!p0 .LBB2_45-.Ltmp25, $1  }
0x287: {  	_ =	sdelay $0x3  }
.LBB2_37:
0x288: {  	s0 =	sshll.u32 s26, $0x4  }
0x289: {  	s0 =	sor.u32 s4, s0  }
0x28a: {  	v7 =	vld [tilespmem:s0+$0x7D20]  }
0x28b: {  	v8 =	vld [tilespmem:s0+$0x7B00];
	_ =	sdelay $0x3  }
0x28c: {  	(v2sf) =	vpush v7, $0x0  }
0x28d: {  	(v2sf) =	vpush v8, $0x0;
	_ =	sdelay $0x1  }
0x28e: {  	v9 =	vld [tilespmem:s0+$0x7C10];
	_ =	sdelay $0x4  }
0x28f: {  	(v2sf) =	vpush v9, $0x0;
	_ =	sdelay $0x6  }
0x290: {  	s0 =	spop (v2sf)  }
0x291: {  	s1 =	spop (v2sf)  }
0x292: {  	s28 =	sshra.s32 s1, $0x8  }
0x293: {  	p0 =	slt.s32 s28, $0x1  }
.Ltmp26:
0x294: {  	_ = 	snop;
	(pc) =	sbr.rel @p0 .LBB2_44-.Ltmp26, $2  }
0x295: {  	_ =	sdelay $0x2  }
0x296: {  	s1 =	spop (v2sf)  }
.Ltmp27:
0x297: {  	(pc) =	sbr.rel .LBB2_39-.Ltmp27, $4  }
0x298: {  	_ = 	snop  }
0x299: {  	s1 =	sadd.s32 $0xF, s1;
	s5 =	smul.u32 $0x4480, s26  }
0x29a: {  	s29 =	sshra.s32 s1, $0x4  }
0x29b: {  	s30 =	sadd.s32 s5, s0;
	s31 =	smov.u32 s29;
	s0 =	simm.s32 $0x0  }
.LBB2_42:
0x29c: {  	_ =	sdelay $0x4  }
0x29d: {  	[tilespmem:v7+s24+$0x0] =	vst.idx.msk vm1, v8  }
.LBB2_43:
0x29e: {  	s0 =	sadd.s32 $0x1, s0  }
0x29f: {  	p0 =	sne.s32 s0, s28  }
.Ltmp28:
0x2a0: {  	_ = 	snop;
	(pc) =	sbr.rel @!p0 .LBB2_44-.Ltmp28, $2  }
0x2a1: {  	_ =	sdelay $0x2  }
0x2a2: {  	s31 =	sadd.s32 $0xFFFFFFF0, s31  }
.LBB2_39:
0x2a3: {  	s1 =	sshll.u32 s0, $0x8  }
0x2a4: {  	s1 =	sadd.s32 s1, s30  }
0x2a5: {  	s5 =	simm.s32 $0x16938;
	s16 =	sadd.s32 s1, s2  }
0x2a6: {  	[tilespmem:s5], [sflag:$0x1] =	stream.linear.gather [spmem:s16], $0x100, $0x38;
	[tilespmem:$0x1F558] =	vst v63  }
0x2a7: {  	s16 =	sadd.s32 s1, s3;
	s1 =	simm.s32 $0x16A38  }
0x2a8: {  	[tilespmem:s1], [sflag:$0x1] =	stream.linear.gather [spmem:s16], $0x100, $0x38;
	[tilespmem:$0x1F558] =	vst v63  }
0x2a9: {  	s16 =	sshll.u32 s0, $0x4  }
0x2aa: {  	_ =	swait.ge [sflag:s17], $0x100;
	p0 =	sle.s32 s29, s16  }
.Ltmp29:
0x2ab: {  	[sflag:s17] =	ssyncset.done $0x0;
	(pc) =	sbr.rel @p0 .LBB2_43-.Ltmp29, $4  }
0x2ac: {  	[sflag:s17] =	ssyncadd.s32 $0xFFFFFF00  }
0x2ad: {  	_ =	swait.ge [sflag:s17], $0x100  }
0x2ae: {  	[sflag:s17] =	ssyncset.done $0x0  }
0x2af: {  	[sflag:s17] =	ssyncadd.s32 $0xFFFFFF00  }
0x2b0: {  	v7 =	vld [tilespmem:s5+$0x0];
	_ =	sdelay $0x1  }
0x2b1: {  	v8 =	vld [tilespmem:s1+$0x0];
	_ =	sdelay $0x2  }
0x2b2: {  	v9 =	vsub.s32 v7, v1  }
0x2b3: {  	vm1 =	vgt.s32 v7, $0xFFFFFFFF;
	v7 =	vxor.u32 $0x80000000, v9  }
0x2b4: {  	v8 =	vnsel vm1, $0xFF7FC99E, v8;
	v7 =	vnsel vm1, $0x80000000, v7  }
0x2b5: {  	(xrf1) =	vsort.ascd.msk.u32 $0xffff, v7, v8;
	_ =	sdelay $0xd  }
0x2b6: {  	v7, v8, _ =	vpop (xrf1)  }
0x2b7: {  	v7 =	vxor.u32 $0x80000000, v7;
	[tilespmem:$0x16918] =	vst v8  }
0x2b8: {  	[tilespmem:$0x168F0] =	vst v7;
	v9 =	vld [tilespmem:$0x16917]  }
0x2b9: {  	v10 =	vld [tilespmem:$0x168EF];
	_ =	sdelay $0x4  }
0x2ba: {  	v9 =	vmax.f32 v8, v9;
	vm1 =	veq.s32 v10, v7  }
0x2bb: {  	v8 =	vsel vm1, v9, v8  }
0x2bc: {  	v9 =	vld [tilespmem:$0x168EE];
	[tilespmem:$0x16918] =	vst v8  }
0x2bd: {  	v10 =	vld [tilespmem:$0x16916];
	_ =	sdelay $0x4  }
0x2be: {  	vm1 =	veq.s32 v9, v7;
	v9 =	vmax.f32 v8, v10  }
0x2bf: {  	v10 =	vld [tilespmem:$0x168EC];
	v8 =	vsel vm1, v9, v8  }
0x2c0: {  	v9 =	vld [tilespmem:$0x168F1];
	[tilespmem:$0x16918] =	vst v8  }
0x2c1: {  	v11 =	vld [tilespmem:$0x16914];
	_ =	sdelay $0x3  }
0x2c2: {  	vm1 =	vne.s32 v9, v7  }
0x2c3: {  	vm2 =	veq.s32 v10, v7;
	v9 =	vmax.f32 v8, v11  }
0x2c4: {  	v8 =	vsel vm2, v9, v8  }
0x2c5: {  	p0 =	sgt.s32 s31, $0x1;
	s16 =	smov.u32 s31;
	v9 =	vld [tilespmem:$0x168E8];
	[tilespmem:$0x16918] =	vst v8  }
0x2c6: {  	s16 =	simm.s32 @!p0 $0x1;
	v10 =	vld [tilespmem:$0x16910]  }
0x2c7: {  	s16 =	smin.u32 s16, $0x10  }
0x2c8: {  	p0 =	sne.s32 s16, $0x1;
	v11 =	vld.idx.msk [tilespmem:v7+s24+$0x0], vm1  }
.Ltmp30:
0x2c9: {  	_ = 	snop;
	(pc) =	sbr.rel @!p0 .LBB2_42-.Ltmp30, $4  }
0x2ca: {  	_ = 	snop  }
0x2cb: {  	vm2 =	veq.s32 v9, v7;
	v9 =	vmax.f32 v8, v10  }
0x2cc: {  	v8 =	vsel vm2, v9, v8  }
0x2cd: {  	s16 =	sadd.s32 $0xFFFFFFFF, s16;
	v8 =	vmax.f32 v11, v8  }
.LBB2_41:
0x2ce: {  	p0 =	sne.s32 s16, $0x1;
	[tilespmem:v7+s24+$0x0] =	vst.idx.msk vm1, v8;
	s5 =	sadd.s32 $0x10, s5;
	s1 =	sadd.s32 $0x10, s1  }
0x2cf: {  	s16 =	sadd.s32 $0xFFFFFFFF, s16;
	v7 =	vld [tilespmem:s5+$0x0];
	_ =	sdelay $0x1  }
0x2d0: {  	v8 =	vld [tilespmem:s1+$0x0];
	_ =	sdelay $0x2  }
0x2d1: {  	v9 =	vsub.s32 v7, v1  }
0x2d2: {  	vm1 =	vgt.s32 v7, $0xFFFFFFFF;
	v7 =	vxor.u32 $0x80000000, v9  }
0x2d3: {  	v8 =	vnsel vm1, $0xFF7FC99E, v8;
	v7 =	vnsel vm1, $0x80000000, v7  }
0x2d4: {  	(xrf1) =	vsort.ascd.msk.u32 $0xffff, v7, v8;
	_ =	sdelay $0xd  }
0x2d5: {  	v7, v8, _ =	vpop (xrf1)  }
0x2d6: {  	v7 =	vxor.u32 $0x80000000, v7;
	[tilespmem:$0x16918] =	vst v8  }
0x2d7: {  	[tilespmem:$0x168F0] =	vst v7;
	v9 =	vld [tilespmem:$0x16917]  }
0x2d8: {  	v10 =	vld [tilespmem:$0x168EF];
	_ =	sdelay $0x3  }
0x2d9: {  	v9 =	vmax.f32 v8, v9  }
0x2da: {  	vm1 =	veq.s32 v10, v7  }
0x2db: {  	v8 =	vsel vm1, v9, v8  }
0x2dc: {  	[tilespmem:$0x16918] =	vst v8;
	v9 =	vld [tilespmem:$0x168EE]  }
0x2dd: {  	v10 =	vld [tilespmem:$0x16916];
	_ =	sdelay $0x3  }
0x2de: {  	vm1 =	veq.s32 v9, v7  }
0x2df: {  	v9 =	vmax.f32 v8, v10  }
0x2e0: {  	v8 =	vsel vm1, v9, v8;
	v9 =	vld [tilespmem:$0x168F1]  }
0x2e1: {  	[tilespmem:$0x16918] =	vst v8;
	v10 =	vld [tilespmem:$0x168EC]  }
0x2e2: {  	v11 =	vld [tilespmem:$0x16914];
	_ =	sdelay $0x2  }
0x2e3: {  	vm1 =	vne.s32 v9, v7  }
0x2e4: {  	vm2 =	veq.s32 v10, v7  }
0x2e5: {  	v9 =	vmax.f32 v8, v11  }
0x2e6: {  	v8 =	vsel vm2, v9, v8  }
0x2e7: {  	[tilespmem:$0x16918] =	vst v8;
	v9 =	vld [tilespmem:$0x168E8]  }
0x2e8: {  	v10 =	vld [tilespmem:$0x16910]  }
0x2e9: {  	v11 =	vld.idx.msk [tilespmem:v7+s24+$0x0], vm1;
	_ =	sdelay $0x1  }
.Ltmp31:
0x2ea: {  	(pc) =	sbr.rel @p0 .LBB2_41-.Ltmp31, $4  }
0x2eb: {  	vm2 =	veq.s32 v9, v7  }
0x2ec: {  	v9 =	vmax.f32 v8, v10  }
0x2ed: {  	v8 =	vsel vm2, v9, v8  }
0x2ee: {  	v8 =	vmax.f32 v11, v8  }
.Ltmp32:
0x2ef: {  	_ = 	snop;
	(pc) =	sbr.rel .LBB2_42-.Ltmp32, $1  }
0x2f0: {  	_ =	sdelay $0x3  }
.LBB2_46:
0x2f1: {  	_ =	sfence.sel $0x180000  }
0x2f2: {  	[bflag:$0x0] =	sbarrier.arrive $0xFFFF  }
0x2f3: {  	_ =	strace $0x90000047  }
0x2f4: {  	[bflag:$0x2] =	sbarrier.arrive $0xFFFF  }
0x2f5: {  	p0 =	sne.s32 s4, $0x0;
	s0 =	rddreg [dreg:$0x4]  }
0x2f6: {  	s0 =	sadd.s32 @!p0 $0x100000, s0  }
0x2f7: {  	[sflag:s0] =	ssyncadd.tile.s32 @!p0 $0x1;
	_ =	shalt  }
.Lfunc_end2:
_tile_overlayer_lowered:
.L_overlay_start_2:
0x2f8: {  	(tag) =	ssettag $0x2  }
0x2f9: {  	s0 =	rddreg [dreg:$0x0];
	s2 =	stileid.u32  }
0x2fa: {  	s1 =	rddreg [dreg:$0x1];
	p0 =	sne.s32 s2, $0x0  }
0x2fb: {  	s3 =	rddreg [dreg:$0x2];
	[bflag:$0x3] =	sbarrier.arrive $0xFFFF;
	s2 =	simm.s32 @!p0 $0x1C02  }
0x2fc: {  	[timem:s3], [sflag:s2] =	dma.local @!p0 [hbm:s0], s1  }
0x2fd: {  	s0 =	simm.s32 @!p0 $0x2  }
0x2fe: {  	_ =	swait.ge @!p0 [sflag:s0], s1  }
0x2ff: {  	s1 =	ssub.s32 @!p0 $0x0, s1;
	[sflag:s0] =	ssyncset.done @!p0 $0x0  }
0x300: {  	[sflag:s0] =	ssyncadd.s32 @!p0 s1  }
0x301: {  	[bflag:$0x3] =	sbarrier.arrive $0xFFFF  }
0x302: {  	_ =	shalt  }

// kernel: kernel.8.cloned.1.call-start
scs
__scs_entry_jumppad:
0x0: {  	(pc) =	sbr.rel $0x88, $3  }
0x1: {  	(tag) =	ssettag $0x0;
	lr =	simm.s32 $0x1  }
0x2: {  	[smem:$0x3F97] =	sst lr;
	_ =	strace $0xD0000000  }
0x3: {  	_ = 	snop  }
0x4: {  	_ = 	snop  }
0x5: {  	_ = 	snop  }
0x6: {  	_ = 	snop  }
0x7: {  	_ = 	snop  }
__scs_overlays_trampoline_lowered:
0x8: {  	[smem:$0x3FA6] =	sst s0  }
0x9: {  	[smem:$0x3FA7] =	sst s1  }
0xa: {  	[smem:$0x3FA8] =	sst s2  }
0xb: {  	[smem:$0x3FA9] =	sst s3  }
0xc: {  	[smem:$0x3FAA] =	sst s4  }
0xd: {  	[smem:$0x3FAB] =	sst s5  }
0xe: {  	[smem:$0x3FAC] =	sst s6  }
0xf: {  	[smem:$0x3FAD] =	sst s7  }
0x10: {  	[smem:$0x3FAE] =	sst s8  }
0x11: {  	[smem:$0x3FAF] =	sst s9;
	s0 =	simm.s32 @!p0 $0x0  }
0x12: {  	s1 =	sld [smem:$0x3F95];
	s0 =	simm.s32 @p0 $0x1  }
0x13: {  	[smem:$0x3FB0] =	sst s0;
	s0 =	simm.s32 @!p1 $0x0  }
0x14: {  	s2 =	sld [smem:$0x3F94];
	s0 =	simm.s32 @p1 $0x1  }
0x15: {  	[smem:$0x3FB1] =	sst s0;
	s0 =	simm.s32 @!p2 $0x0  }
0x16: {  	s3 =	sld [smem:$0x3FDB];
	s0 =	simm.s32 @p2 $0x1  }
0x17: {  	s4 =	simm.s32 $0x1BF5;
	[smem:$0x3FB3] =	sst s0  }
0x18: {  	s0 =	sld [smem:$0x3F96];
	_ =	swait.ge [sflag:s4], $0x0  }
0x19: {  	s7 =	sld [smem:$0x3F97]  }
0x1a: {  	s8 =	sadd.s32 $0xFFFFE003, lr  }
0x1b: {  	s9 =	sadd.s32 $0xFFFFFEF7, lr;
	s5 =	simm.s32 $0xFFFFFFFF;
	p2 =	slt.u32 s8, $0xFFFFF086  }
0x1c: {  	p1 =	slt.u32 s9, $0xF7A;
	s5 =	simm.s32 @!p2 $0x0  }
0x1d: {  	s5 =	simm.s32 @p1 $0x1;
	p0 =	seq.s32 s7, s2  }
0x1e: {  	s7 =	smul.u32 @!p0 $0xF7A, s2;
	p2 =	seq.s32 @!p0 s5, $0x0  }
0x1f: {  	s9 =	smul.u32 $0xF7A, s1;
	s8 =	simm.s32 @!p0 $0x1BF5;
	p2 =	por !p2, p0  }
0x20: {  	[sflag:s8] =	ssyncset.s32 @!p0 $0xFFFFF086;
	s6 =	sadd.s32 @!p0 s3, s7;
	s7 =	simm.s32 @!p0 $0x108  }
0x21: {  	s3 =	sadd.s32 s3, s9;
	s6 =	sadd.s32 @!p0 $0x88, s6;
	s7 =	simm.s32 @p2 $0x1082  }
0x22: {  	[simem:s7], [sflag:s8] =	dma.local @!p0 [hbm:s6], $0xF7A  }
0x23: {  	s9 =	sor.u32 $0xD0000000, s2;
	s6 =	simm.s32 $0x108;
	_ =	swait.ge @!p0 [sflag:s8], $0x0  }
0x24: {  	s3 =	sadd.s32 $0x88, s3;
	s6 =	simm.s32 @!p1 $0x1082;
	[sflag:s4] =	ssyncset.s32 $0xFFFFF086  }
0x25: {  	[simem:s6], [sflag:s4] =	dma.local [hbm:s3], $0xF7A  }
0x26: {  	[smem:$0x3F97] =	sst s1;
	(tag) =	ssettag s2;
	_ =	strace s9  }
0x27: {  	s1 =	sld [smem:$0x3FA7]  }
0x28: {  	s2 =	sld [smem:$0x3FA8]  }
0x29: {  	s4 =	sld [smem:$0x3FAA]  }
0x2a: {  	p0 =	seq.s32 s5, $0x0;
	s5 =	sld [smem:$0x3FAB]  }
0x2b: {  	s6 =	sld [smem:$0x3FAC]  }
0x2c: {  	s7 =	sld [smem:$0x3FAD]  }
0x2d: {  	s3 =	simm.s32 $0x108;
	s8 =	sld [smem:$0x3FAE]  }
0x2e: {  	s3 =	simm.s32 @!p0 $0x1082;
	s9 =	sld [smem:$0x3FAF]  }
0x2f: {  	lr =	sadd.s32 s0, s3;
	s0 =	sld [smem:$0x3FA6]  }
0x30: {  	s3 =	sld [smem:$0x3FA9]  }
0x31: {  	[smem:$0x3FB2] =	sst s10  }
0x32: {  	s10 =	sld [smem:$0x3FB0];
	_ =	sdelay $0x3  }
0x33: {  	p0 =	seq.s32 s10, $0x1;
	s10 =	sld [smem:$0x3FB2];
	_ =	sdelay $0x3  }
0x34: {  	[smem:$0x3FB2] =	sst s10  }
0x35: {  	s10 =	sld [smem:$0x3FB1];
	_ =	sdelay $0x3  }
0x36: {  	p1 =	seq.s32 s10, $0x1;
	s10 =	sld [smem:$0x3FB2];
	_ =	sdelay $0x3  }
0x37: {  	[smem:$0x3FB2] =	sst s10  }
0x38: {  	s10 =	sld [smem:$0x3FB3]  }
0x39: {  	_ = 	snop;
	(pc) =	sbr.ind lr, $3  }
0x3a: {  	_ = 	snop  }
0x3b: {  	_ = 	snop  }
0x3c: {  	p2 =	seq.s32 s10, $0x1;
	s10 =	sld [smem:$0x3FB2]  }
0x3d: {  	_ =	shalt  }
0x3e: {  	_ =	shalt  }
0x3f: {  	_ =	shalt  }
0x40: {  	_ =	shalt  }
0x41: {  	_ =	shalt  }
0x42: {  	_ =	shalt  }
0x43: {  	_ =	shalt  }
0x44: {  	_ =	shalt  }
0x45: {  	_ =	shalt  }
0x46: {  	_ =	shalt  }
0x47: {  	_ =	shalt  }
0x48: {  	_ =	shalt  }
0x49: {  	_ =	shalt  }
0x4a: {  	_ =	shalt  }
0x4b: {  	_ =	shalt  }
0x4c: {  	_ =	shalt  }
0x4d: {  	_ =	shalt  }
0x4e: {  	_ =	shalt  }
0x4f: {  	_ =	shalt  }
0x50: {  	_ =	shalt  }
0x51: {  	_ =	shalt  }
0x52: {  	_ =	shalt  }
0x53: {  	_ =	shalt  }
0x54: {  	_ =	shalt  }
0x55: {  	_ =	shalt  }
0x56: {  	_ =	shalt  }
0x57: {  	_ =	shalt  }
0x58: {  	_ =	shalt  }
0x59: {  	_ =	shalt  }
0x5a: {  	_ =	shalt  }
0x5b: {  	_ =	shalt  }
0x5c: {  	_ =	shalt  }
0x5d: {  	_ =	shalt  }
0x5e: {  	_ =	shalt  }
0x5f: {  	_ =	shalt  }
0x60: {  	_ =	shalt  }
0x61: {  	_ =	shalt  }
0x62: {  	_ =	shalt  }
0x63: {  	_ =	shalt  }
0x64: {  	_ =	shalt  }
0x65: {  	_ =	shalt  }
0x66: {  	_ =	shalt  }
0x67: {  	_ =	shalt  }
0x68: {  	_ =	shalt  }
0x69: {  	_ =	shalt  }
0x6a: {  	_ =	shalt  }
0x6b: {  	_ =	shalt  }
0x6c: {  	_ =	shalt  }
0x6d: {  	_ =	shalt  }
0x6e: {  	_ =	shalt  }
0x6f: {  	_ =	shalt  }
0x70: {  	_ =	shalt  }
0x71: {  	_ =	shalt  }
0x72: {  	_ =	shalt  }
0x73: {  	_ =	shalt  }
0x74: {  	_ =	shalt  }
0x75: {  	_ =	shalt  }
0x76: {  	_ =	shalt  }
0x77: {  	_ =	shalt  }
0x78: {  	_ =	shalt  }
0x79: {  	_ =	shalt  }
0x7a: {  	_ =	shalt  }
0x7b: {  	_ =	shalt  }
0x7c: {  	_ =	shalt  }
0x7d: {  	_ =	shalt  }
0x7e: {  	_ =	shalt  }
0x7f: {  	_ =	shalt  }
0x80: {  	_ =	shalt  }
0x81: {  	_ =	shalt  }
0x82: {  	_ =	shalt  }
0x83: {  	_ =	shalt  }
0x84: {  	_ =	shalt  }
0x85: {  	_ =	shalt  }
0x86: {  	_ =	shalt  }
0x87: {  	_ =	shalt  }
.Lfunc_end0:
.L_simem_size_0:
called_computation.1_lowered:
.L_overlay_start_0:
0x88: {  	s2 =	sld [smem:$0x3FD9]  }
0x89: {  	s3 =	sld [smem:$0x3FFE];
	_ =	sdelay $0x1  }
0x8a: {  	s1 =	srdreg.scid  }
0x8b: {  	s0 =	sand.u32 $0x1, s1  }
0x8c: {  	s17 =	sshll.u32 s0, $0xA;
	s2 =	sadd.s32 s3, s2  }
0x8d: {  	s2 =	sadd.s32 s2, s17  }
0x8e: {  	[smem:$0x3FBE] =	sst s2  }
0x8f: {  	_ = 	snop  }
0x90: {  	s2 =	sld [smem:$0x3FC9];
	(tm) =	ssettm $0x1  }
0x91: {  	s18 =	sld [smem:$0x3FFB];
	_ =	sdelay $0x3  }
0x92: {  	_ =	strace s18  }
0x93: {  	s3 =	sld [smem:$0x3FFC];
	_ =	sdelay $0x3  }
0x94: {  	_ =	strace s3  }
0x95: {  	s3 =	sld [smem:$0x3FFD];
	_ =	sdelay $0x3  }
0x96: {  	_ =	strace s3  }
0x97: {  	_ =	strace $0x8FFFFFFF  }
0x98: {  	s19 =	sld [smem:$0x3FDB];
	_ =	sdelay $0x1  }
0x99: {  	s4 =	simm.s32 $_scs_section_size  }
0x9a: {  	s5 =	simm.s32 $_size__tile_overlayer_lowered;
	s6 =	simm.s32 $_tile_overlayer_lowered  }
0x9b: {  	s22 =	simm.s32 $0x1BFF;
	s21 =	sshll.u32 s6, $0x1;
	s3 =	sadd.s32 s4, s19  }
0x9c: {  	s7 =	simm.s32 $0x0;
	s20 =	sshll.u32 s5, $0x1;
	s5 =	sadd.s32 s21, s3  }
0x9d: {  	[timem:s7], [sflag:s22] =	dma.local [hbm:s5], s20  }
0x9e: {  	_ =	swait.ge [sflag:s22], s20  }
0x9f: {  	s4 =	ssub.s32 $0x0, s20;
	[sflag:s22] =	ssyncset.done $0x0  }
0xa0: {  	[sflag:s22] =	ssyncadd.s32 s4;
	_ =	sdelay $0x1  }
0xa1: {  	s23 =	simm.s32 $0x1B8B  }
0xa2: {  	_ =	swait.ge [sflag:s23], $0x1  }
0xa3: {  	[sflag:s23] =	ssyncset.done $0x0  }
0xa4: {  	s25 =	simm.s32 $0x1B8E;
	s24 =	sld [smem:$0x3FFE];
	[sflag:s23] =	ssyncadd.s32 $0xFFFFFFFF  }
0xa5: {  	s26 =	simm.s32 $execute0_lowered;
	[smem:$0x3FD2] =	sst s25  }
0xa6: {  	s5 =	sshll.u32 s26, $0x1;
	_ =	strace $0x80000049;
	[dreg:$0x1] =	wrdreg $0xFFFFFFFF  }
0xa7: {  	s28 =	simm.s32 $_size_execute0_lowered;
	s3 =	sadd.s32 s3, s5;
	[dreg:$0x0] =	wrdreg $0x0  }
0xa8: {  	s5 =	sshll.u32 s28, $0x1;
	[dreg:$0x2] =	wrdreg s3  }
0xa9: {  	[dreg:$0x3] =	wrdreg s5  }
0xaa: {  	[dreg:$0x4] =	wrdreg $0xC0  }
0xab: {  	_ =	task [dreg:s7], $0x5FFFF  }
0xac: {  	[dreg:$0x1] =	wrdreg $0xFFFFFFFF  }
0xad: {  	[dreg:$0x0] =	wrdreg $0x60  }
0xae: {  	[dreg:$0x2] =	wrdreg s24  }
0xaf: {  	[dreg:$0x3] =	wrdreg s2  }
0xb0: {  	[dreg:$0x4] =	wrdreg $0x9  }
0xb1: {  	_ =	task.clear_ibuf [dreg:s7], $0x5FFFF;
	_ =	strace $0x90000049  }
0xb2: {  	s29 =	simm.s32 $0x9;
	_ =	strace $0x8000004B  }
0xb3: {  	_ =	swait.ge [sflag:s29], $0x1  }
0xb4: {  	[sflag:s29] =	ssyncadd.s32 $0xFFFFFFFF  }
0xb5: {  	_ =	strace $0x9000004B  }
0xb6: {  	_ =	sfence  }
0xb7: {  	s30 =	sld [smem:$0x0];
	_ =	sdelay $0x2  }
0xb8: {  	s31 =	sshll.u32 s1, $0xD;
	s1 =	sshrl.u32 s1, $0x2  }
0xb9: {  	s3 =	sand.u32 $0x4000, s31;
	s1 =	sadd.s32 s1, s30  }
0xba: {  	s0 =	sor.u32 s3, s0;
	s1 =	sshll.u32 s1, $0x11  }
0xbb: {  	s0 =	sor.u32 s1, s0  }
0xbc: {  	s0 =	sadd.s32 $0x8F2B, s0  }
0xbd: {  	[sflag:s0] =	ssyncadd.remote.s32 $0x1  }
0xbe: {  	_ =	sfence.sel $0xFFFF  }
0xbf: {  	[dreg:$0x0] =	wrdreg $0xFFFFFFFF;
	(pc) =	sbr.abs _section_cstart, $3  }
0xc0: {  	[dreg:$0x1] =	wrdreg $0xFFFFFFFF  }
0xc1: {  	_ =	task.clear_ibuf [dreg:s7], $0x2FFFF;
	_ =	strace $0x9FFFFFFF  }
0xc2: {  	(tm) =	ssettm $0x7FFFFFFF  }
0xc3: {  	_ =	shalt  }
tec
execute0_lowered:
.L_overlay_start_1:
0x0: {  	(tag) =	ssettag $0x1  }
0x1: {  	s0 =	rddreg [dreg:$0x0]  }
0x2: {  	s1 =	rddreg [dreg:$0x1];
	s2 =	simm.s32 $0x0  }
0x3: {  	s28 =	srdreg.scid;
	s7 =	stileid.u32;
	s13 =	simm.s32 $0x200  }
0x4: {  	s14 =	simm.s32 $0x1;
	s15 =	simm.s32 $0x80;
	s20 =	simm.s32 $0x280  }
0x5: {  	s25 =	simm.s32 $0x300;
	s29 =	simm.s32 $0x28;
	s12 =	simm.s32 $0xF890  }
0x6: {  	s16 =	simm.s32 $0x2;
	s17 =	simm.s32 $0xF910;
	s18 =	simm.s32 $0xF990  }
0x7: {  	s19 =	simm.s32 $0xFA10;
	s21 =	simm.s32 $0x1ED20;
	s22 =	simm.s32 $0x3  }
0x8: {  	[smem:$0x7FF] =	sst s2;
	s4 =	sadd.s32 $0x34400, s0;
	s2 =	sand.u32 $0x1, s28  }
0x9: {  	s8 =	sshll.u32 s7, $0x6;
	s3 =	ssub.s32 $0x2, s2;
	s2 =	sshll.u32 s2, $0x5  }
0xa: {  	s5 =	sadd.s32 $0x44400, s0;
	s6 =	sadd.s32 $0x1BC00, s0;
	s2 =	sor.u32 s2, s8  }
0xb: {  	_ =	strace $0x8000004A;
	[dreg:$0x3] =	wrdreg s2;
	s2 =	sshll.u32 s2, $0x6  }
0xc: {  	s7 =	sadd.s32 $0xC89400, s0;
	s10 =	sshrl.u32 s3, $0x1;
	s31 =	sadd.s32 s4, s2  }
0xd: {  	s30 =	ssub.s32 s3, s10;
	s2 =	sadd.s32 s5, s2;
	[dreg:$0x4] =	wrdreg s31  }
0xe: {  	s9 =	sadd.s32 $0x1800, s0;
	s0 =	smax.u32 s30, $0x1;
	[dreg:$0x5] =	wrdreg s2  }
0xf: {  	v0 =	vimm.f32 $0.0e+00;
	s3 =	simm.s32 $0x0;
	[dreg:$0x6] =	wrdreg s0;
	s0 =	simm.s32 $0x380  }
.LBB2_1:
0x10: {  	[tilespmem:$0x1EE50] =	vst v0  }
0x11: {  	[tilespmem:$0x1EE60] =	vst v0  }
0x12: {  	[tilespmem:$0x1EE70] =	vst v0  }
0x13: {  	[dreg:$0x7] =	wrdreg s3;
	[tilespmem:$0x1EE80] =	vst v0  }
0x14: {  	[tilespmem:$0x1EE90] =	vst v0;
	s2 =	simm.s32 $0x0;
	s23 =	rddreg [dreg:$0x4]  }
0x15: {  	[tilespmem:s2], [sflag:$0x1] =	stream.linear.gather [hbm4b:s23+s2], $0x200, $0x38;
	[tilespmem:$0x1EEA0] =	vst v63  }
0x16: {  	s24 =	rddreg [dreg:$0x5]  }
0x17: {  	[tilespmem:s13], [sflag:$0x1] =	stream.linear.gather [hbm4b:s24+s2], $0x200, $0x38;
	[tilespmem:$0x1EEA0] =	vst v63  }
0x18: {  	_ =	swait.ge [sflag:s14], $0x200  }
0x19: {  	[sflag:s14] =	ssyncset.done $0x0  }
0x1a: {  	[sflag:s14] =	ssyncadd.s32 $0xFFFFFE00  }
0x1b: {  	_ =	swait.ge [sflag:s14], $0x200  }
0x1c: {  	[sflag:s14] =	ssyncset.done $0x0  }
0x1d: {  	s26 =	simm.s32 $0x810;
	[sflag:s14] =	ssyncadd.s32 $0xFFFFFE00  }
0x1e: {  	[tilespmem:s26], [sflag:$0x1] =	stream.indirect.gather [hbm4b:s1+s15], $0x80, s2, s15, $0xb8;
	[tilespmem:$0x1EEA0] =	vst v63  }
0x1f: {  	s28 =	simm.s32 $0xDC10  }
0x20: {  	[tilespmem:s28], [sflag:$0x1] =	stream.indirect.gather [hbm4b:s7+s15], $0x10, s13, s15, $0xb8;
	[tilespmem:$0x1EEA0] =	vst v63  }
0x21: {  	s30 =	simm.s32 $0x400  }
0x22: {  	[tilespmem:s30], [sflag:$0x1] =	stream.indirect.gather [hbm4b:s6+s15], $0x1, s13, s15, $0xb8;
	[tilespmem:$0x1EEA0] =	vst v63  }
0x23: {  	s31 =	simm.s32 $0x4810  }
0x24: {  	[tilespmem:s31], [sflag:$0x1] =	stream.indirect.gather [hbm4b:s1+s15], $0x80, s15, s15, $0xb8;
	[tilespmem:$0x1EEA0] =	vst v63  }
0x25: {  	s3 =	simm.s32 $0xE410  }
0x26: {  	[tilespmem:s3], [sflag:$0x1] =	stream.indirect.gather [hbm4b:s7+s15], $0x10, s20, s15, $0xb8;
	[tilespmem:$0x1EEA0] =	vst v63  }
0x27: {  	s8 =	simm.s32 $0x480  }
0x28: {  	[tilespmem:s8], [sflag:$0x1] =	stream.indirect.gather [hbm4b:s6+s15], $0x1, s20, s15, $0xb8;
	[tilespmem:$0x1EEA0] =	vst v63  }
0x29: {  	s10 =	simm.s32 $0x100;
	s11 =	simm.s32 $0x8810  }
0x2a: {  	[tilespmem:s11], [sflag:$0x1] =	stream.indirect.gather [hbm4b:s1+s15], $0x80, s10, s15, $0xb8;
	[tilespmem:$0x1EEA0] =	vst v63  }
0x2b: {  	s23 =	simm.s32 $0xEC10  }
0x2c: {  	[tilespmem:s23], [sflag:$0x1] =	stream.indirect.gather [hbm4b:s7+s15], $0x10, s25, s15, $0xb8;
	[tilespmem:$0x1EEA0] =	vst v63  }
0x2d: {  	s24 =	simm.s32 $0x500  }
0x2e: {  	[tilespmem:s24], [sflag:$0x1] =	stream.indirect.gather [hbm4b:s6+s15], $0x1, s25, s15, $0xb8;
	[tilespmem:$0x1EEA0] =	vst v63  }
0x2f: {  	s26 =	simm.s32 $0x180;
	s28 =	simm.s32 $0xC810  }
0x30: {  	[tilespmem:s28], [sflag:$0x1] =	stream.indirect.gather [hbm4b:s1+s29], $0x80, s26, s29, $0xb8;
	[tilespmem:$0x1EEA0] =	vst v63  }
0x31: {  	s30 =	simm.s32 $0xF410  }
0x32: {  	[tilespmem:s30], [sflag:$0x1] =	stream.indirect.gather [hbm4b:s7+s29], $0x10, s0, s29, $0xb8;
	[tilespmem:$0x1EEA0] =	vst v63  }
0x33: {  	s31 =	simm.s32 $0x580;
	s23 =	simm.s32 $0x0  }
0x34: {  	[tilespmem:s31], [sflag:$0x1] =	stream.indirect.gather [hbm4b:s6+s29], $0x1, s0, s29, $0xb8;
	[tilespmem:$0x1EEA0] =	vst v63  }
.LBB2_2:
0x35: {  	s2 =	sshll.u32 s23, $0x1;
	s3 =	rddreg [dreg:$0x3]  }
0x36: {  	s26 =	sadd.s32 s3, s2  }
0x37: {  	s24 =	sor.u32 $0x1, s26  }
0x38: {  	s11 =	sshll.u32 s24, $0x6  }
0x39: {  	s2 =	sand.u32 $0x1FFFFFC0, s11  }
0x3a: {  	s28 =	simm.s32 $0x0;
	s8 =	simm.s32 $0xF690;
	s31 =	sadd.s32 s4, s2  }
0x3b: {  	[tilespmem:s8], [sflag:$0x2] =	stream.linear.gather [hbm4b:s31+s28], $0x200, $0x38;
	[tilespmem:$0x1EEA0] =	vst v63  }
0x3c: {  	s2 =	sadd.s32 s5, s2  }
0x3d: {  	[tilespmem:s12], [sflag:$0x2] =	stream.linear.gather [hbm4b:s2+s28], $0x200, $0x38;
	[tilespmem:$0x1EEA0] =	vst v63  }
0x3e: {  	_ =	swait.ge [sflag:s16], $0x200  }
0x3f: {  	[sflag:s16] =	ssyncset.done $0x0  }
0x40: {  	[sflag:s16] =	ssyncadd.s32 $0xFFFFFE00  }
0x41: {  	_ =	swait.ge [sflag:s16], $0x200  }
0x42: {  	[sflag:s16] =	ssyncset.done $0x0  }
0x43: {  	s3 =	simm.s32 $0xFEA0;
	[sflag:s16] =	ssyncadd.s32 $0xFFFFFE00  }
0x44: {  	[tilespmem:s3], [sflag:$0x2] =	stream.indirect.gather [hbm4b:s1+s15], $0x80, s8, s15, $0xb8;
	[tilespmem:$0x1EEA0] =	vst v63  }
0x45: {  	s8 =	simm.s32 $0x1D2A0  }
0x46: {  	[tilespmem:s8], [sflag:$0x2] =	stream.indirect.gather [hbm4b:s7+s15], $0x10, s12, s15, $0xb8;
	[tilespmem:$0x1EEA0] =	vst v63  }
0x47: {  	s10 =	simm.s32 $0xFA90  }
0x48: {  	[tilespmem:s10], [sflag:$0x2] =	stream.indirect.gather [hbm4b:s6+s15], $0x1, s12, s15, $0xb8;
	[tilespmem:$0x1EEA0] =	vst v63  }
0x49: {  	s11 =	simm.s32 $0xF710;
	s31 =	simm.s32 $0x13EA0  }
0x4a: {  	[tilespmem:s31], [sflag:$0x2] =	stream.indirect.gather [hbm4b:s1+s15], $0x80, s11, s15, $0xb8;
	[tilespmem:$0x1EEA0] =	vst v63  }
0x4b: {  	s3 =	simm.s32 $0x1DAA0  }
0x4c: {  	[tilespmem:s3], [sflag:$0x2] =	stream.indirect.gather [hbm4b:s7+s15], $0x10, s17, s15, $0xb8;
	[tilespmem:$0x1EEA0] =	vst v63  }
0x4d: {  	s8 =	simm.s32 $0xFB10  }
0x4e: {  	[tilespmem:s8], [sflag:$0x2] =	stream.indirect.gather [hbm4b:s6+s15], $0x1, s17, s15, $0xb8;
	[tilespmem:$0x1EEA0] =	vst v63  }
0x4f: {  	s10 =	simm.s32 $0xF790;
	s11 =	simm.s32 $0x17EA0  }
0x50: {  	[tilespmem:s11], [sflag:$0x2] =	stream.indirect.gather [hbm4b:s1+s15], $0x80, s10, s15, $0xb8;
	[tilespmem:$0x1EEA0] =	vst v63  }
0x51: {  	s31 =	simm.s32 $0x1E2A0  }
0x52: {  	[tilespmem:s31], [sflag:$0x2] =	stream.indirect.gather [hbm4b:s7+s15], $0x10, s18, s15, $0xb8;
	[tilespmem:$0x1EEA0] =	vst v63  }
0x53: {  	s3 =	simm.s32 $0xFB90  }
0x54: {  	[tilespmem:s3], [sflag:$0x2] =	stream.indirect.gather [hbm4b:s6+s15], $0x1, s18, s15, $0xb8;
	[tilespmem:$0x1EEA0] =	vst v63  }
0x55: {  	s8 =	simm.s32 $0xF810;
	s10 =	simm.s32 $0x1BEA0  }
0x56: {  	[tilespmem:s10], [sflag:$0x2] =	stream.indirect.gather [hbm4b:s1+s29], $0x80, s8, s29, $0xb8;
	[tilespmem:$0x1EEA0] =	vst v63  }
0x57: {  	s11 =	simm.s32 $0x1EAA0  }
0x58: {  	[tilespmem:s11], [sflag:$0x2] =	stream.indirect.gather [hbm4b:s7+s29], $0x10, s19, s29, $0xb8;
	[tilespmem:$0x1EEA0] =	vst v63  }
0x59: {  	s31 =	simm.s32 $0xFC10  }
0x5a: {  	[tilespmem:s31], [sflag:$0x2] =	stream.indirect.gather [hbm4b:s6+s29], $0x1, s19, s29, $0xb8;
	[tilespmem:$0x1EEA0] =	vst v63  }
0x5b: {  	_ =	swait.ge [sflag:s14], $0x4000  }
0x5c: {  	[sflag:s14] =	ssyncset.done $0x0  }
0x5d: {  	[sflag:s14] =	ssyncadd.s32 $0xFFFFC000  }
0x5e: {  	_ =	swait.ge [sflag:s14], $0x800  }
0x5f: {  	[sflag:s14] =	ssyncset.done $0x0  }
0x60: {  	[sflag:s14] =	ssyncadd.s32 $0xFFFFF800  }
0x61: {  	_ =	swait.ge [sflag:s14], $0x80  }
0x62: {  	[sflag:s14] =	ssyncset.done $0x0  }
0x63: {  	[sflag:s14] =	ssyncadd.s32 $0xFFFFFF80  }
0x64: {  	_ =	swait.ge [sflag:s14], $0x4000  }
0x65: {  	[sflag:s14] =	ssyncset.done $0x0  }
0x66: {  	[sflag:s14] =	ssyncadd.s32 $0xFFFFC000  }
0x67: {  	_ =	swait.ge [sflag:s14], $0x800  }
0x68: {  	[sflag:s14] =	ssyncset.done $0x0  }
0x69: {  	[sflag:s14] =	ssyncadd.s32 $0xFFFFF800  }
0x6a: {  	_ =	swait.ge [sflag:s14], $0x80  }
0x6b: {  	[sflag:s14] =	ssyncset.done $0x0  }
0x6c: {  	[sflag:s14] =	ssyncadd.s32 $0xFFFFFF80  }
0x6d: {  	_ =	swait.ge [sflag:s14], $0x4000  }
0x6e: {  	[sflag:s14] =	ssyncset.done $0x0  }
0x6f: {  	[sflag:s14] =	ssyncadd.s32 $0xFFFFC000  }
0x70: {  	_ =	swait.ge [sflag:s14], $0x800  }
0x71: {  	[sflag:s14] =	ssyncset.done $0x0  }
0x72: {  	[sflag:s14] =	ssyncadd.s32 $0xFFFFF800  }
0x73: {  	_ =	swait.ge [sflag:s14], $0x80  }
0x74: {  	[sflag:s14] =	ssyncset.done $0x0  }
0x75: {  	[sflag:s14] =	ssyncadd.s32 $0xFFFFFF80  }
0x76: {  	_ =	swait.ge [sflag:s14], $0x1400  }
0x77: {  	[sflag:s14] =	ssyncset.done $0x0  }
0x78: {  	[sflag:s14] =	ssyncadd.s32 $0xFFFFEC00  }
0x79: {  	_ =	swait.ge [sflag:s14], $0x280  }
0x7a: {  	[sflag:s14] =	ssyncset.done $0x0  }
0x7b: {  	[sflag:s14] =	ssyncadd.s32 $0xFFFFFD80  }
0x7c: {  	_ =	swait.ge [sflag:s14], $0x28  }
0x7d: {  	[sflag:s14] =	ssyncset.done $0x0  }
0x7e: {  	[sflag:s14] =	ssyncadd.s32 $0xFFFFFFD8  }
0x7f: {  	v1 =	vld [tilespmem:$0x0]  }
0x80: {  	v2 =	vld [tilespmem:$0x400]  }
0x81: {  	v3 =	vld [tilespmem:$0x10]  }
0x82: {  	v4 =	vld [tilespmem:$0x410]  }
0x83: {  	v5 =	vld [tilespmem:$0x20]  }
0x84: {  	v6 =	vld [tilespmem:$0x420]  }
0x85: {  	v7 =	vld [tilespmem:$0x30]  }
0x86: {  	v8 =	vld [tilespmem:$0x430]  }
0x87: {  	v9 =	vld [tilespmem:$0x40]  }
0x88: {  	v10 =	vld [tilespmem:$0x440]  }
0x89: {  	v11 =	vld [tilespmem:$0x50]  }
0x8a: {  	v12 =	vld [tilespmem:$0x450]  }
0x8b: {  	v13 =	vld [tilespmem:$0x60]  }
0x8c: {  	v14 =	vld [tilespmem:$0x460]  }
0x8d: {  	v15 =	vld [tilespmem:$0x70]  }
0x8e: {  	v16 =	vld [tilespmem:$0x470]  }
0x8f: {  	v17 =	vld [tilespmem:$0x80]  }
0x90: {  	v18 =	vld [tilespmem:$0x480]  }
0x91: {  	v19 =	vld [tilespmem:$0x90]  }
0x92: {  	v20 =	vld [tilespmem:$0x490]  }
0x93: {  	v21 =	vld [tilespmem:$0xA0]  }
0x94: {  	v22 =	vld [tilespmem:$0x4A0]  }
0x95: {  	v23 =	vld [tilespmem:$0xB0]  }
0x96: {  	v24 =	vld [tilespmem:$0x4B0]  }
0x97: {  	v25 =	vld [tilespmem:$0xC0]  }
0x98: {  	v26 =	vld [tilespmem:$0x4C0]  }
0x99: {  	v27 =	vld [tilespmem:$0xD0]  }
0x9a: {  	v28 =	vld [tilespmem:$0x4D0]  }
0x9b: {  	v29 =	vld [tilespmem:$0xE0]  }
0x9c: {  	v30 =	vld [tilespmem:$0x4E0]  }
0x9d: {  	v31 =	vld [tilespmem:$0xF0]  }
0x9e: {  	v32 =	vld [tilespmem:$0x4F0];
	vm0 =	vgt.s32 v1, $0x0  }
0x9f: {  	v33 =	vld [tilespmem:$0x100];
	vm15 =	vgt.s32 v3, $0x0;
	v2 =	vnsel vm0, $0x0, v2  }
0xa0: {  	v1 =	vld [tilespmem:$0x500];
	vm4 =	vgt.s32 v5, $0x0;
	[tilespmem:$0x600] =	vst v2;
	v2 =	vnsel vm15, $0x0, v4  }
0xa1: {  	v3 =	vld [tilespmem:$0x110];
	vm5 =	vgt.s32 v7, $0x0;
	[tilespmem:$0x610] =	vst v2;
	v2 =	vnsel vm4, $0x0, v6  }
0xa2: {  	vm6 =	vgt.s32 v9, $0x0;
	v4 =	vld [tilespmem:$0x510];
	[tilespmem:$0x620] =	vst v2;
	v2 =	vnsel vm5, $0x0, v8  }
0xa3: {  	v5 =	vld [tilespmem:$0x120];
	vm7 =	vgt.s32 v11, $0x0;
	[tilespmem:$0x630] =	vst v2;
	v2 =	vnsel vm6, $0x0, v10  }
0xa4: {  	v6 =	vld [tilespmem:$0x520];
	vm6 =	vgt.s32 v33, $0x0;
	[tilespmem:$0x640] =	vst v2;
	v2 =	vnsel vm7, $0x0, v12  }
0xa5: {  	v7 =	vld [tilespmem:$0x130];
	vm8 =	vgt.s32 v13, $0x0;
	v1 =	vnsel vm6, $0x0, v1;
	[tilespmem:$0x650] =	vst v2  }
0xa6: {  	v8 =	vld [tilespmem:$0x530];
	vm7 =	vgt.s32 v3, $0x0;
	v2 =	vnsel vm8, $0x0, v14;
	[tilespmem:$0x700] =	vst v1  }
0xa7: {  	v57 =	vld [tilespmem:$0x550];
	vm9 =	vgt.s32 v15, $0x0;
	v1 =	vnsel vm7, $0x0, v4;
	[tilespmem:$0x660] =	vst v2  }
0xa8: {  	v58 =	vld [tilespmem:$0x160];
	vm8 =	vgt.s32 v5, $0x0;
	v2 =	vnsel vm9, $0x0, v16;
	[tilespmem:$0x710] =	vst v1  }
0xa9: {  	v59 =	vld [tilespmem:$0x560];
	vm10 =	vgt.s32 v17, $0x0;
	v1 =	vnsel vm8, $0x0, v6;
	[tilespmem:$0x670] =	vst v2  }
0xaa: {  	v60 =	vld [tilespmem:$0x170];
	vm9 =	vgt.s32 v7, $0x0;
	v2 =	vnsel vm10, $0x0, v18;
	[tilespmem:$0x720] =	vst v1  }
0xab: {  	v61 =	vld [tilespmem:$0x570];
	vm11 =	vgt.s32 v19, $0x0;
	v1 =	vnsel vm9, $0x0, v8;
	[tilespmem:$0x680] =	vst v2  }
0xac: {  	v9 =	vld [tilespmem:$0x140];
	vm12 =	vgt.s32 v21, $0x0;
	v2 =	vnsel vm11, $0x0, v20;
	[tilespmem:$0x730] =	vst v1  }
0xad: {  	v11 =	vld [tilespmem:$0x150];
	vm13 =	vgt.s32 v23, $0x0;
	[tilespmem:$0x690] =	vst v2;
	v2 =	vnsel vm12, $0x0, v22  }
0xae: {  	vm14 =	vgt.s32 v25, $0x0;
	v10 =	vld [tilespmem:$0x540];
	[tilespmem:$0x6A0] =	vst v2;
	v2 =	vnsel vm13, $0x0, v24  }
0xaf: {  	v62 =	vld [tilespmem:$0x180];
	vm15 =	vgt.s32 v27, $0x0;
	[tilespmem:$0x6B0] =	vst v2;
	v2 =	vnsel vm14, $0x0, v26  }
0xb0: {  	v63 =	vld [tilespmem:$0x580];
	vm4 =	vgt.s32 v29, $0x0;
	[tilespmem:$0x6C0] =	vst v2;
	v2 =	vnsel vm15, $0x0, v28  }
0xb1: {  	vm5 =	vgt.s32 v31, $0x0;
	v4 =	vld [tilespmem:$0x1A0];
	[tilespmem:$0x6D0] =	vst v2;
	v2 =	vnsel vm4, $0x0, v30  }
0xb2: {  	v5 =	vld [tilespmem:$0x5A0];
	vm10 =	vgt.s32 v9, $0x0;
	[tilespmem:$0x6E0] =	vst v2;
	v2 =	vnsel vm5, $0x0, v32  }
0xb3: {  	vm1 =	vgt.s32 v11, $0x0;
	v1 =	vnsel vm10, $0x0, v10;
	[tilespmem:$0x6F0] =	vst v2;
	v2 =	vld [tilespmem:$0x190]  }
0xb4: {  	v3 =	vld [tilespmem:$0x590];
	v8 =	vimm.f32 $0.0e+00;
	vm11 =	vgt.s32 v58, $0x0;
	[tilespmem:$0x740] =	vst v1;
	v1 =	vnsel vm1, $0x0, v57  }
0xb5: {  	v9 =	vimm.f32 $0.0e+00;
	vm12 =	vgt.s32 v60, $0x0;
	[tilespmem:$0x750] =	vst v1;
	v1 =	vnsel vm11, $0x0, v59  }
0xb6: {  	v10 =	vimm.f32 $0.0e+00;
	v6 =	vnsel vm12, $0x0, v61;
	vm13 =	vgt.s32 v62, $0x0;
	[tilespmem:$0x760] =	vst v1  }
0xb7: {  	v1 =	vnsel vm13, $0x0, v63;
	[tilespmem:$0x770] =	vst v6;
	v6 =	vimm.f32 $0.0e+00;
	vm15 =	vgt.s32 v4, $0x0  }
0xb8: {  	[tilespmem:$0x780] =	vst v1;
	v1 =	vimm.f32 $0.0e+00;
	v7 =	vnsel vm15, $0x0, v5;
	vm14 =	vgt.s32 v2, $0x0  }
0xb9: {  	v5 =	vimm.f32 $0.0e+00;
	[tilespmem:$0x7A0] =	vst v7;
	v7 =	vimm.f32 $0.0e+00;
	v4 =	vnsel vm14, $0x0, v3  }
0xba: {  	s30 =	simm.s32 $0x600;
	s2 =	simm.s32 $0xDC10;
	s3 =	simm.s32 $0x850;
	v2 =	vimm.f32 $0.0e+00;
	v3 =	vimm.f32 $0.0e+00;
	[tilespmem:$0x790] =	vst v4;
	v4 =	vimm.f32 $0.0e+00  }
.LBB2_3:
0xbb: {  	v11 =	vld [tilespmem:s3+$0xFFFFFFC0]  }
0xbc: {  	v13 =	vld [tilespmem:s3+$0xFFFFFFD0]  }
0xbd: {  	v14 =	vld [tilespmem:s3+$0xFFFFFFE0]  }
0xbe: {  	s8 =	sadd.s32 $0x0, s30;
	v15 =	vld [tilespmem:s2+$0x0]  }
0xbf: {  	v12 =	vld.msk [tilespmem:s8+$0x0 ss:$0x0], $0xffff  }
0xc0: {  	v16 =	vld [tilespmem:s3+$0xFFFFFFF0]  }
0xc1: {  	v17 =	vld [tilespmem:s3+$0x0]  }
0xc2: {  	v24 =	vld [tilespmem:s3+$0x10];
	v23 =	vimm.f32 $0.0e+00  }
0xc3: {  	v26 =	vld [tilespmem:s3+$0x20];
	v20 =	vimm.f32 $0.0e+00;
	v21 =	vimm.f32 $0.0e+00;
	v19 =	vimm.f32 $0.0e+00  }
0xc4: {  	v27 =	vld [tilespmem:s3+$0x30];
	s10 =	sadd.s32 $0x80, s3;
	v18 =	vimm.f32 $0.0e+00;
	v28 =	vmul.f32 v11, v12;
	v11 =	vmul.f32 v15, v12  }
0xc5: {  	v22 =	vimm.f32 $0.0e+00;
	v31 =	vmul.f32 v13, v12;
	v32 =	vmul.f32 v14, v12;
	v13 =	vld [tilespmem:s10+$0xFFFFFFC0]  }
0xc6: {  	v25 =	vadd.f32 v12, v10;
	v30 =	vmul.f32 v16, v12;
	v29 =	vmul.f32 v17, v12;
	v14 =	vld [tilespmem:s10+$0xFFFFFFD0]  }
0xc7: {  	s11 =	simm.s32 $0x1;
	s31 =	smov.u32 s2;
	s8 =	simm.s32 $0x8;
	v16 =	vld [tilespmem:s10+$0xFFFFFFE0];
	v17 =	vimm.f32 $0.0e+00;
	v15 =	vimm.f32 $0.0e+00;
	v11 =	vadd.f32 v11, v10  }
.LBB2_4:
0xc8: {  	p0 =	sne.s32 s8, $0x4C;
	s11 =	sadd.s32 s11, s30;
	v33 =	vld [tilespmem:s10+$0xFFFFFFF0];
	v23 =	vadd.f32 v28, v23;
	v24 =	vmul.f32 v24, v12;
	v26 =	vmul.f32 v26, v12  }
0xc9: {  	v20 =	vadd.f32 v31, v20;
	v21 =	vadd.f32 v32, v21;
	s31 =	sadd.s32 $0x10, s31;
	v27 =	vmul.f32 v27, v12;
	v12 =	vld.msk [tilespmem:s11+$0x0 ss:$0x0], $0xffff  }
0xca: {  	v19 =	vadd.f32 v30, v19;
	v18 =	vadd.f32 v29, v18;
	v31 =	vld [tilespmem:s31+$0x0]  }
0xcb: {  	v22 =	vadd.f32 v24, v22;
	v17 =	vadd.f32 v26, v17;
	v29 =	vld [tilespmem:s10+$0x0]  }
0xcc: {  	v15 =	vadd.f32 v27, v15;
	v24 =	vld [tilespmem:s10+$0x10]  }
.Ltmp0:
0xcd: {  	v26 =	vld [tilespmem:s10+$0x20];
	(pc) =	sbr.rel @p0 .LBB2_4-.Ltmp0, $4  }
0xce: {  	v27 =	vld [tilespmem:s10+$0x30];
	s10 =	sadd.s32 $0x80, s10  }
0xcf: {  	v28 =	vmul.f32 v13, v12;
	v25 =	vadd.f32 v12, v25;
	v13 =	vld [tilespmem:s10+$0xFFFFFFC0];
	v34 =	vmul.f32 v31, v12  }
0xd0: {  	v32 =	vmul.f32 v16, v12;
	v31 =	vmul.f32 v14, v12;
	v14 =	vld [tilespmem:s10+$0xFFFFFFD0]  }
0xd1: {  	s11 =	sshra.s32 s8, $0x2;
	s8 =	sadd.s32 $0x4, s8;
	v30 =	vmul.f32 v33, v12;
	v29 =	vmul.f32 v29, v12;
	v16 =	vld [tilespmem:s10+$0xFFFFFFE0];
	v11 =	vadd.f32 v34, v11  }
0xd2: {  	s8 =	sadd.s32 s11, s30  }
0xd3: {  	v33 =	vld.msk [tilespmem:s8+$0x0 ss:$0x0], $0xffff;
	_ =	sdelay $0x4  }
0xd4: {  	v25 =	vadd.f32 v33, v25;
	_ =	sdelay $0x1  }
0xd5: {  	v25 =	vadd.f32 $9.999999970e-07, v25  }
0xd6: {  	s11 =	sadd.s32 $0x10, s31;
	v46 =	vld [tilespmem:s10+$0xFFFFFFF0]  }
0xd7: {  	s31 =	sand.u32 $0x1F, s28;
	v34 =	vld [tilespmem:s11+$0x0];
	(erf) = vrcp.f32 v25  }
0xd8: {  	v45 =	vld [tilespmem:s31+$0x790]  }
0xd9: {  	v23 =	vadd.f32 v28, v23;
	v47 =	vld [tilespmem:s10+$0x0]  }
0xda: {  	v20 =	vadd.f32 v31, v20;
	v24 =	vmul.f32 v24, v12;
	v21 =	vadd.f32 v32, v21;
	v49 =	vld [tilespmem:s10+$0x10]  }
0xdb: {  	v26 =	vmul.f32 v26, v12;
	v50 =	vld [tilespmem:s10+$0x20];
	v48 =	vmul.f32 v27, v12;
	v19 =	vadd.f32 v30, v19  }
0xdc: {  	v18 =	vadd.f32 v29, v18;
	v22 =	vadd.f32 v24, v22;
	v13 =	vmul.f32 v13, v33  }
0xdd: {  	v51 =	vld [tilespmem:s10+$0x30];
	v52 =	vmul.f32 v34, v33;
	v14 =	vmul.f32 v14, v33;
	v25 =	vadd.f32 $0.0e+00, v45  }
0xde: {  	v17 =	vadd.f32 v26, v17;
	v16 =	vmul.f32 v16, v33;
	v53 =	vmul.f32 v46, v33  }
0xdf: {  	v12 =	vadd.f32 v48, v15;
	v54 =	vmul.f32 v47, v33;
	v25 =	vbroadcast v25, $0x0  }
0xe0: {  	v55 =	vmul.f32 v49, v33;
	v24 =	vmul.f32 v50, v33;
	v11 =	vadd.f32 v52, v11;
	v56 =	vpop (erf)  }
0xe1: {  	v13 =	vadd.f32 v13, v23;
	v14 =	vadd.f32 v14, v20;
	v57 =	vmul.f32 v25, v56  }
0xe2: {  	v58 =	vmul.f32 v51, v33;
	v16 =	vadd.f32 v16, v21;
	v19 =	vadd.f32 v53, v19  }
0xe3: {  	v15 =	vadd.f32 v54, v18;
	v59 =	vadd.f32 v55, v22;
	v13 =	vmul.f32 v57, v13  }
0xe4: {  	s28 =	sadd.s32 $0x1, s28;
	v17 =	vadd.f32 v24, v17;
	v14 =	vmul.f32 v57, v14;
	v16 =	vmul.f32 v57, v16  }
0xe5: {  	p0 =	sne.s32 s28, $0x14;
	v12 =	vadd.f32 v58, v12;
	v60 =	vmul.f32 v57, v19;
	v61 =	vmul.f32 v57, v15  }
.Ltmp1:
0xe6: {  	v62 =	vmul.f32 v57, v59;
	v63 =	vmul.f32 v57, v17;
	v9 =	vadd.f32 v13, v9;
	(pc) =	sbr.rel @p0 .LBB2_3-.Ltmp1, $4  }
0xe7: {  	v12 =	vmul.f32 v57, v12;
	v8 =	vadd.f32 v14, v8;
	v7 =	vadd.f32 v16, v7  }
0xe8: {  	v11 =	vmul.f32 v57, v11;
	v6 =	vadd.f32 v60, v6;
	v5 =	vadd.f32 v61, v5  }
0xe9: {  	v4 =	vadd.f32 v62, v4;
	v3 =	vadd.f32 v63, v3  }
0xea: {  	s30 =	sadd.s32 $0x14, s30;
	s2 =	sadd.s32 $0x140, s2;
	s3 =	sadd.s32 $0xA00, s3;
	v2 =	vadd.f32 v12, v2;
	v1 =	vadd.f32 v11, v1  }
0xeb: {  	s2 =	simm.s32 $0x0  }
0xec: {  	v10 =	vld [tilespmem:s2+$0xD010]  }
0xed: {  	v11 =	vld [tilespmem:s2+$0xD020]  }
0xee: {  	v12 =	vld [tilespmem:s2+$0xD030]  }
0xef: {  	s3 =	simm.s32 $0x790;
	v14 =	vld [tilespmem:s2+$0xD040]  }
0xf0: {  	s8 =	simm.s32 $0xF510;
	v15 =	vld.msk [tilespmem:s3+$0x0 ss:$0x0], $0xffff  }
0xf1: {  	v16 =	vld [tilespmem:s8+$0x0]  }
0xf2: {  	v17 =	vld [tilespmem:s2+$0xD050]  }
0xf3: {  	v20 =	vld [tilespmem:s2+$0xD060]  }
0xf4: {  	v22 =	vld [tilespmem:s2+$0xD070]  }
0xf5: {  	v27 =	vld [tilespmem:s2+$0xD080]  }
0xf6: {  	v21 =	vmul.f32 v10, v15;
	v16 =	vmul.f32 v16, v15  }
0xf7: {  	s3 =	simm.s32 $0x80;
	v23 =	vmul.f32 v11, v15;
	v12 =	vmul.f32 v12, v15  }
0xf8: {  	v13 =	vimm.f32 $0.0e+00;
	v18 =	vld [tilespmem:s3+$0xD010];
	v29 =	vmul.f32 v14, v15;
	v26 =	vmul.f32 v17, v15  }
0xf9: {  	v19 =	vld [tilespmem:s3+$0xD020];
	v10 =	vadd.f32 v15, v13;
	v28 =	vmul.f32 v20, v15;
	v25 =	vmul.f32 v22, v15  }
0xfa: {  	v27 =	vmul.f32 v27, v15;
	v17 =	vimm.f32 $0.0e+00;
	v24 =	vadd.f32 v21, v13;
	v21 =	vld [tilespmem:s3+$0xD030]  }
0xfb: {  	s2 =	simm.s32 $0x791;
	v15 =	vimm.f32 $0.0e+00;
	v14 =	vimm.f32 $0.0e+00;
	v22 =	vadd.f32 v23, v13;
	v23 =	vld [tilespmem:s3+$0xD040]  }
0xfc: {  	s10 =	simm.s32 $0x400;
	s8 =	simm.s32 $0xF520;
	v11 =	vadd.f32 v16, v13;
	v20 =	vadd.f32 v12, v13;
	v12 =	vld.msk [tilespmem:s2+$0x0 ss:$0x0], $0xffff;
	v16 =	vimm.f32 $0.0e+00  }
.LBB2_7:
0xfd: {  	p0 =	sne.s32 s10, $0x2600;
	v30 =	vld [tilespmem:s8+$0x0];
	v13 =	vadd.f32 v29, v13;
	v17 =	vadd.f32 v26, v17  }
0xfe: {  	v16 =	vadd.f32 v28, v16;
	v15 =	vadd.f32 v25, v15;
	v26 =	vld [tilespmem:s3+$0xD050]  }
0xff: {  	v14 =	vadd.f32 v27, v14;
	v25 =	vld [tilespmem:s3+$0xD060]  }
0x100: {  	v27 =	vld [tilespmem:s3+$0xD070]  }
0x101: {  	v31 =	vld [tilespmem:s3+$0xD080];
	s3 =	sshra.s32 s10, $0x2  }
.Ltmp2:
0x102: {  	v28 =	vmul.f32 v18, v12;
	v10 =	vadd.f32 v12, v10;
	v18 =	vld [tilespmem:s3+$0xD010];
	v30 =	vmul.f32 v30, v12;
	(pc) =	sbr.rel @p0 .LBB2_7-.Ltmp2, $4  }
0x103: {  	v32 =	vmul.f32 v19, v12;
	v33 =	vmul.f32 v21, v12;
	v19 =	vld [tilespmem:s3+$0xD020]  }
0x104: {  	v29 =	vmul.f32 v23, v12;
	v26 =	vmul.f32 v26, v12;
	v21 =	vld [tilespmem:s3+$0xD030];
	v11 =	vadd.f32 v30, v11  }
0x105: {  	s2 =	sadd.s32 $0x1, s2;
	v24 =	vadd.f32 v28, v24;
	v28 =	vmul.f32 v25, v12;
	v23 =	vld [tilespmem:s3+$0xD040];
	v25 =	vmul.f32 v27, v12  }
0x106: {  	s8 =	sadd.s32 $0x10, s8;
	s10 =	sadd.s32 $0x200, s10;
	v22 =	vadd.f32 v32, v22;
	v20 =	vadd.f32 v33, v20;
	v27 =	vmul.f32 v31, v12;
	v12 =	vld.msk [tilespmem:s2+$0x0 ss:$0x0], $0xffff  }
0x107: {  	v30 =	vld [tilespmem:s8+$0x0]  }
0x108: {  	v31 =	vld [tilespmem:s3+$0xD050]  }
0x109: {  	v32 =	vld [tilespmem:s3+$0xD060]  }
0x10a: {  	v33 =	vld [tilespmem:s3+$0xD070]  }
0x10b: {  	v60 =	vld [tilespmem:s3+$0xD080];
	[tilespmem:$0x1ED20] =	vst v9  }
0x10c: {  	[tilespmem:$0x1ED30] =	vst v8  }
0x10d: {  	[tilespmem:$0x1ED40] =	vst v7  }
0x10e: {  	[tilespmem:$0x1ED50] =	vst v6  }
0x10f: {  	[tilespmem:$0x1ED60] =	vst v5  }
0x110: {  	[tilespmem:$0x1ED70] =	vst v4;
	v18 =	vmul.f32 v18, v12  }
0x111: {  	[tilespmem:$0x1ED80] =	vst v3;
	v19 =	vmul.f32 v19, v12  }
0x112: {  	[tilespmem:$0x1ED90] =	vst v2;
	v9 =	vmul.f32 v21, v12;
	v18 =	vadd.f32 v18, v24  }
0x113: {  	v8 =	vadd.f32 v29, v13;
	[tilespmem:$0x1EE20] =	vst v1;
	v61 =	vmul.f32 v23, v12;
	v19 =	vadd.f32 v19, v22  }
0x114: {  	v7 =	vadd.f32 v26, v17;
	v62 =	vmul.f32 v31, v12;
	v9 =	vadd.f32 v9, v20;
	[tilespmem:$0x1EDA0] =	vst v18  }
0x115: {  	v3 =	vmul.f32 v30, v12;
	v8 =	vadd.f32 v61, v8;
	[tilespmem:$0x1EDB0] =	vst v19  }
0x116: {  	v7 =	vadd.f32 v62, v7;
	[tilespmem:$0x1EDC0] =	vst v9  }
0x117: {  	v6 =	vadd.f32 v28, v16;
	v2 =	vadd.f32 v3, v11;
	v9 =	vmul.f32 v32, v12;
	[tilespmem:$0x1EDD0] =	vst v8  }
0x118: {  	v5 =	vadd.f32 v25, v15;
	v3 =	vadd.f32 v12, v10;
	v8 =	vmul.f32 v33, v12;
	[tilespmem:$0x1EDE0] =	vst v7  }
0x119: {  	v4 =	vadd.f32 v27, v14;
	v7 =	vmul.f32 v60, v12;
	[tilespmem:$0x1EE30] =	vst v2;
	v6 =	vadd.f32 v9, v6  }
0x11a: {  	[tilespmem:$0x1EE40] =	vst v3;
	v5 =	vadd.f32 v8, v5  }
0x11b: {  	s2 =	smul.u32 $0x30, s26;
	v4 =	vadd.f32 v7, v4;
	[tilespmem:$0x1EDF0] =	vst v6  }
0x11c: {  	[tilespmem:$0x1EE00] =	vst v5  }
0x11d: {  	s28 =	simm.s32 $0x0;
	s10 =	smin.u32 s26, $0x3FD;
	s2 =	sadd.s32 s9, s2;
	[tilespmem:$0x1EE10] =	vst v4  }
0x11e: {  	[hbm4b:s2+s28] =	stream.linear.scatter [tilespmem:s21], [sflag:$0x3], $0x180, $0x38;
	[tilespmem:$0x1EEA0] =	vst v63  }
0x11f: {  	s2 =	sshll.u32 s10, $0x6;
	_ =	swait.ge [sflag:s22], $0x180  }
0x120: {  	s2 =	sadd.s32 $0x80, s2;
	[sflag:s22] =	ssyncset.done $0x0  }
0x121: {  	s11 =	sadd.s32 s4, s2;
	[sflag:s22] =	ssyncadd.s32 $0xFFFFFE80  }
0x122: {  	[tilespmem:s28], [sflag:$0x1] =	stream.linear.gather [hbm4b:s11+s28], $0x200, $0x38;
	[tilespmem:$0x1EEA0] =	vst v63  }
0x123: {  	s2 =	sadd.s32 s5, s2  }
0x124: {  	[tilespmem:s13], [sflag:$0x1] =	stream.linear.gather [hbm4b:s2+s28], $0x200, $0x38;
	[tilespmem:$0x1EEA0] =	vst v63  }
0x125: {  	_ =	swait.ge [sflag:s14], $0x200  }
0x126: {  	[sflag:s14] =	ssyncset.done $0x0  }
0x127: {  	[sflag:s14] =	ssyncadd.s32 $0xFFFFFE00  }
0x128: {  	_ =	swait.ge [sflag:s14], $0x200  }
0x129: {  	[sflag:s14] =	ssyncset.done $0x0  }
0x12a: {  	s26 =	simm.s32 $0x810;
	[sflag:s14] =	ssyncadd.s32 $0xFFFFFE00  }
0x12b: {  	[tilespmem:s26], [sflag:$0x1] =	stream.indirect.gather [hbm4b:s1+s15], $0x80, s28, s15, $0xb8;
	[tilespmem:$0x1EEA0] =	vst v63  }
0x12c: {  	s31 =	simm.s32 $0xDC10  }
0x12d: {  	[tilespmem:s31], [sflag:$0x1] =	stream.indirect.gather [hbm4b:s7+s15], $0x10, s13, s15, $0xb8;
	[tilespmem:$0x1EEA0] =	vst v63  }
0x12e: {  	s3 =	simm.s32 $0x400  }
0x12f: {  	[tilespmem:s3], [sflag:$0x1] =	stream.indirect.gather [hbm4b:s6+s15], $0x1, s13, s15, $0xb8;
	[tilespmem:$0x1EEA0] =	vst v63  }
0x130: {  	s8 =	simm.s32 $0x4810  }
0x131: {  	[tilespmem:s8], [sflag:$0x1] =	stream.indirect.gather [hbm4b:s1+s15], $0x80, s15, s15, $0xb8;
	[tilespmem:$0x1EEA0] =	vst v63  }
0x132: {  	s10 =	simm.s32 $0xE410  }
0x133: {  	[tilespmem:s10], [sflag:$0x1] =	stream.indirect.gather [hbm4b:s7+s15], $0x10, s20, s15, $0xb8;
	[tilespmem:$0x1EEA0] =	vst v63  }
0x134: {  	s11 =	simm.s32 $0x480  }
0x135: {  	[tilespmem:s11], [sflag:$0x1] =	stream.indirect.gather [hbm4b:s6+s15], $0x1, s20, s15, $0xb8;
	[tilespmem:$0x1EEA0] =	vst v63  }
0x136: {  	s26 =	simm.s32 $0x100;
	s31 =	simm.s32 $0x8810  }
0x137: {  	[tilespmem:s31], [sflag:$0x1] =	stream.indirect.gather [hbm4b:s1+s15], $0x80, s26, s15, $0xb8;
	[tilespmem:$0x1EEA0] =	vst v63  }
0x138: {  	s3 =	simm.s32 $0xEC10  }
0x139: {  	[tilespmem:s3], [sflag:$0x1] =	stream.indirect.gather [hbm4b:s7+s15], $0x10, s25, s15, $0xb8;
	[tilespmem:$0x1EEA0] =	vst v63  }
0x13a: {  	s8 =	simm.s32 $0x500  }
0x13b: {  	[tilespmem:s8], [sflag:$0x1] =	stream.indirect.gather [hbm4b:s6+s15], $0x1, s25, s15, $0xb8;
	[tilespmem:$0x1EEA0] =	vst v63  }
0x13c: {  	s10 =	simm.s32 $0x180;
	s11 =	simm.s32 $0xC810  }
0x13d: {  	[tilespmem:s11], [sflag:$0x1] =	stream.indirect.gather [hbm4b:s1+s29], $0x80, s10, s29, $0xb8;
	[tilespmem:$0x1EEA0] =	vst v63  }
0x13e: {  	s26 =	simm.s32 $0xF410  }
0x13f: {  	[tilespmem:s26], [sflag:$0x1] =	stream.indirect.gather [hbm4b:s7+s29], $0x10, s0, s29, $0xb8;
	[tilespmem:$0x1EEA0] =	vst v63  }
0x140: {  	s31 =	simm.s32 $0x580  }
0x141: {  	[tilespmem:s31], [sflag:$0x1] =	stream.indirect.gather [hbm4b:s6+s29], $0x1, s0, s29, $0xb8;
	[tilespmem:$0x1EEA0] =	vst v63  }
0x142: {  	_ =	swait.ge [sflag:s16], $0x4000  }
0x143: {  	[sflag:s16] =	ssyncset.done $0x0  }
0x144: {  	[sflag:s16] =	ssyncadd.s32 $0xFFFFC000  }
0x145: {  	_ =	swait.ge [sflag:s16], $0x800  }
0x146: {  	[sflag:s16] =	ssyncset.done $0x0  }
0x147: {  	[sflag:s16] =	ssyncadd.s32 $0xFFFFF800  }
0x148: {  	_ =	swait.ge [sflag:s16], $0x80  }
0x149: {  	[sflag:s16] =	ssyncset.done $0x0  }
0x14a: {  	[sflag:s16] =	ssyncadd.s32 $0xFFFFFF80  }
0x14b: {  	_ =	swait.ge [sflag:s16], $0x4000  }
0x14c: {  	[sflag:s16] =	ssyncset.done $0x0  }
0x14d: {  	[sflag:s16] =	ssyncadd.s32 $0xFFFFC000  }
0x14e: {  	_ =	swait.ge [sflag:s16], $0x800  }
0x14f: {  	[sflag:s16] =	ssyncset.done $0x0  }
0x150: {  	[sflag:s16] =	ssyncadd.s32 $0xFFFFF800  }
0x151: {  	_ =	swait.ge [sflag:s16], $0x80  }
0x152: {  	[sflag:s16] =	ssyncset.done $0x0  }
0x153: {  	[sflag:s16] =	ssyncadd.s32 $0xFFFFFF80  }
0x154: {  	_ =	swait.ge [sflag:s16], $0x4000  }
0x155: {  	[sflag:s16] =	ssyncset.done $0x0  }
0x156: {  	[sflag:s16] =	ssyncadd.s32 $0xFFFFC000  }
0x157: {  	_ =	swait.ge [sflag:s16], $0x800  }
0x158: {  	[sflag:s16] =	ssyncset.done $0x0  }
0x159: {  	[sflag:s16] =	ssyncadd.s32 $0xFFFFF800  }
0x15a: {  	_ =	swait.ge [sflag:s16], $0x80  }
0x15b: {  	[sflag:s16] =	ssyncset.done $0x0  }
0x15c: {  	[sflag:s16] =	ssyncadd.s32 $0xFFFFFF80  }
0x15d: {  	_ =	swait.ge [sflag:s16], $0x1400  }
0x15e: {  	[sflag:s16] =	ssyncset.done $0x0  }
0x15f: {  	[sflag:s16] =	ssyncadd.s32 $0xFFFFEC00  }
0x160: {  	_ =	swait.ge [sflag:s16], $0x280  }
0x161: {  	[sflag:s16] =	ssyncset.done $0x0  }
0x162: {  	[sflag:s16] =	ssyncadd.s32 $0xFFFFFD80  }
0x163: {  	_ =	swait.ge [sflag:s16], $0x28  }
0x164: {  	[sflag:s16] =	ssyncset.done $0x0  }
0x165: {  	[sflag:s16] =	ssyncadd.s32 $0xFFFFFFD8  }
0x166: {  	v1 =	vld [tilespmem:$0xF690]  }
0x167: {  	v2 =	vld [tilespmem:$0xFA90]  }
0x168: {  	v3 =	vld [tilespmem:$0xF6A0]  }
0x169: {  	v4 =	vld [tilespmem:$0xFAA0]  }
0x16a: {  	v5 =	vld [tilespmem:$0xF6B0]  }
0x16b: {  	v6 =	vld [tilespmem:$0xFAB0]  }
0x16c: {  	v7 =	vld [tilespmem:$0xF6C0]  }
0x16d: {  	v8 =	vld [tilespmem:$0xFAC0]  }
0x16e: {  	v9 =	vld [tilespmem:$0xF6D0]  }
0x16f: {  	v10 =	vld [tilespmem:$0xFAD0]  }
0x170: {  	v11 =	vld [tilespmem:$0xF6E0]  }
0x171: {  	v63 =	vld [tilespmem:$0xFAE0]  }
0x172: {  	v36 =	vld [tilespmem:$0xF6F0]  }
0x173: {  	v37 =	vld [tilespmem:$0xFAF0]  }
0x174: {  	v38 =	vld [tilespmem:$0xF700]  }
0x175: {  	v39 =	vld [tilespmem:$0xFB00]  }
0x176: {  	v40 =	vld [tilespmem:$0xF710]  }
0x177: {  	v41 =	vld [tilespmem:$0xFB10]  }
0x178: {  	v42 =	vld [tilespmem:$0xF720]  }
0x179: {  	v43 =	vld [tilespmem:$0xFB20]  }
0x17a: {  	v44 =	vld [tilespmem:$0xF730]  }
0x17b: {  	v45 =	vld [tilespmem:$0xFB30]  }
0x17c: {  	v46 =	vld [tilespmem:$0xF740]  }
0x17d: {  	v47 =	vld [tilespmem:$0xFB40]  }
0x17e: {  	v48 =	vld [tilespmem:$0xF750]  }
0x17f: {  	v49 =	vld [tilespmem:$0xFB50]  }
0x180: {  	v50 =	vld [tilespmem:$0xF760]  }
0x181: {  	v51 =	vld [tilespmem:$0xFB60]  }
0x182: {  	v52 =	vld [tilespmem:$0xF770]  }
0x183: {  	v53 =	vld [tilespmem:$0xFB70]  }
0x184: {  	v54 =	vld [tilespmem:$0xF780]  }
0x185: {  	v56 =	vld [tilespmem:$0xF790];
	vm0 =	vgt.s32 v1, $0x0  }
0x186: {  	v60 =	vld [tilespmem:$0xF800];
	vm15 =	vgt.s32 v3, $0x0;
	v2 =	vnsel vm0, $0x0, v2  }
0x187: {  	v1 =	vld [tilespmem:$0xFB90];
	vm4 =	vgt.s32 v5, $0x0;
	[tilespmem:$0xFC90] =	vst v2;
	v2 =	vnsel vm15, $0x0, v4  }
0x188: {  	v3 =	vld [tilespmem:$0xF7A0];
	vm5 =	vgt.s32 v7, $0x0;
	[tilespmem:$0xFCA0] =	vst v2;
	v2 =	vnsel vm4, $0x0, v6  }
0x189: {  	vm6 =	vgt.s32 v9, $0x0;
	v4 =	vld [tilespmem:$0xFBA0];
	[tilespmem:$0xFCB0] =	vst v2;
	v2 =	vnsel vm5, $0x0, v8  }
0x18a: {  	v5 =	vld [tilespmem:$0xF7B0];
	vm7 =	vgt.s32 v11, $0x0;
	[tilespmem:$0xFCC0] =	vst v2;
	v2 =	vnsel vm6, $0x0, v10  }
0x18b: {  	v6 =	vld [tilespmem:$0xFBB0];
	vm6 =	vgt.s32 v56, $0x0;
	[tilespmem:$0xFCD0] =	vst v2;
	v2 =	vnsel vm7, $0x0, v63  }
0x18c: {  	v61 =	vld [tilespmem:$0xFC00];
	vm8 =	vgt.s32 v36, $0x0;
	v1 =	vnsel vm6, $0x0, v1;
	[tilespmem:$0xFCE0] =	vst v2  }
0x18d: {  	v55 =	vld [tilespmem:$0xFB80];
	vm7 =	vgt.s32 v3, $0x0;
	v2 =	vnsel vm8, $0x0, v37;
	[tilespmem:$0xFD90] =	vst v1  }
0x18e: {  	v57 =	vld [tilespmem:$0xFBE0];
	vm9 =	vgt.s32 v38, $0x0;
	v1 =	vnsel vm7, $0x0, v4;
	[tilespmem:$0xFCF0] =	vst v2  }
0x18f: {  	v58 =	vld [tilespmem:$0xF7F0];
	vm8 =	vgt.s32 v5, $0x0;
	v2 =	vnsel vm9, $0x0, v39;
	[tilespmem:$0xFDA0] =	vst v1  }
0x190: {  	v59 =	vld [tilespmem:$0xFBF0];
	vm1 =	vgt.s32 v60, $0x0;
	v1 =	vnsel vm8, $0x0, v6;
	[tilespmem:$0xFD00] =	vst v2  }
0x191: {  	v62 =	vld [tilespmem:$0xF810];
	vm10 =	vgt.s32 v40, $0x0;
	v6 =	vnsel vm1, $0x0, v61;
	[tilespmem:$0xFDB0] =	vst v1  }
0x192: {  	v7 =	vld [tilespmem:$0xF7C0];
	vm11 =	vgt.s32 v42, $0x0;
	v2 =	vnsel vm10, $0x0, v41;
	[tilespmem:$0xFE00] =	vst v6  }
0x193: {  	v9 =	vld [tilespmem:$0xF7D0];
	vm12 =	vgt.s32 v44, $0x0;
	[tilespmem:$0xFD10] =	vst v2;
	v2 =	vnsel vm11, $0x0, v43  }
0x194: {  	v11 =	vld [tilespmem:$0xF7E0];
	vm13 =	vgt.s32 v46, $0x0;
	[tilespmem:$0xFD20] =	vst v2;
	v2 =	vnsel vm12, $0x0, v45  }
0x195: {  	vm14 =	vgt.s32 v48, $0x0;
	v8 =	vld [tilespmem:$0xFBC0];
	[tilespmem:$0xFD30] =	vst v2;
	v2 =	vnsel vm13, $0x0, v47  }
0x196: {  	vm15 =	vgt.s32 v50, $0x0;
	v10 =	vld [tilespmem:$0xFBD0];
	[tilespmem:$0xFD40] =	vst v2;
	v2 =	vnsel vm14, $0x0, v49  }
0x197: {  	vm4 =	vgt.s32 v52, $0x0;
	v63 =	vld [tilespmem:$0xFC10];
	[tilespmem:$0xFD50] =	vst v2;
	v2 =	vnsel vm15, $0x0, v51  }
0x198: {  	vm5 =	vgt.s32 v54, $0x0;
	v4 =	vld [tilespmem:$0xF830];
	[tilespmem:$0xFD60] =	vst v2;
	v2 =	vnsel vm4, $0x0, v53  }
0x199: {  	v5 =	vld [tilespmem:$0xFC30];
	vm9 =	vgt.s32 v7, $0x0;
	[tilespmem:$0xFD70] =	vst v2;
	v2 =	vnsel vm5, $0x0, v55  }
0x19a: {  	v1 =	vnsel vm9, $0x0, v8;
	vm10 =	vgt.s32 v9, $0x0;
	[tilespmem:$0xFD80] =	vst v2;
	v2 =	vld [tilespmem:$0xF820]  }
0x19b: {  	v3 =	vld [tilespmem:$0xFC20];
	v6 =	vimm.f32 $0.0e+00;
	[tilespmem:$0xFDC0] =	vst v1;
	v1 =	vnsel vm10, $0x0, v10;
	vm11 =	vgt.s32 v11, $0x0  }
0x19c: {  	v8 =	vimm.f32 $0.0e+00;
	[tilespmem:$0xFDD0] =	vst v1;
	v1 =	vnsel vm11, $0x0, v57;
	vm12 =	vgt.s32 v58, $0x0  }
0x19d: {  	v9 =	vimm.f32 $0.0e+00;
	[tilespmem:$0xFDE0] =	vst v1;
	v1 =	vnsel vm12, $0x0, v59;
	vm13 =	vgt.s32 v62, $0x0  }
0x19e: {  	v10 =	vimm.f32 $0.0e+00;
	[tilespmem:$0xFDF0] =	vst v1;
	v1 =	vnsel vm13, $0x0, v63;
	vm15 =	vgt.s32 v4, $0x0  }
0x19f: {  	[tilespmem:$0xFE10] =	vst v1;
	v1 =	vimm.f32 $0.0e+00;
	v7 =	vnsel vm15, $0x0, v5;
	vm14 =	vgt.s32 v2, $0x0  }
0x1a0: {  	v5 =	vimm.f32 $0.0e+00;
	[tilespmem:$0xFE30] =	vst v7;
	v7 =	vimm.f32 $0.0e+00;
	v4 =	vnsel vm14, $0x0, v3  }
0x1a1: {  	s30 =	simm.s32 $0x1D2A0;
	s3 =	simm.s32 $0xFEE0;
	s26 =	simm.s32 $0xFC90;
	v2 =	vimm.f32 $0.0e+00;
	v3 =	vimm.f32 $0.0e+00;
	[tilespmem:$0xFE20] =	vst v4;
	v4 =	vimm.f32 $0.0e+00  }
.LBB2_9:
0x1a2: {  	v11 =	vld [tilespmem:s3+$0xFFFFFFC0]  }
0x1a3: {  	v13 =	vld [tilespmem:s3+$0xFFFFFFD0]  }
0x1a4: {  	v14 =	vld [tilespmem:s3+$0xFFFFFFE0]  }
0x1a5: {  	s2 =	sadd.s32 $0x0, s26;
	v15 =	vld [tilespmem:s30+$0x0]  }
0x1a6: {  	v12 =	vld.msk [tilespmem:s2+$0x0 ss:$0x0], $0xffff  }
0x1a7: {  	v16 =	vld [tilespmem:s3+$0xFFFFFFF0]  }
0x1a8: {  	v17 =	vld [tilespmem:s3+$0x0]  }
0x1a9: {  	v24 =	vld [tilespmem:s3+$0x10];
	v23 =	vimm.f32 $0.0e+00  }
0x1aa: {  	v26 =	vld [tilespmem:s3+$0x20];
	v20 =	vimm.f32 $0.0e+00;
	v21 =	vimm.f32 $0.0e+00;
	v19 =	vimm.f32 $0.0e+00  }
0x1ab: {  	v27 =	vld [tilespmem:s3+$0x30];
	s10 =	sadd.s32 $0x80, s3;
	v18 =	vimm.f32 $0.0e+00;
	v28 =	vmul.f32 v11, v12;
	v11 =	vmul.f32 v15, v12  }
0x1ac: {  	v22 =	vimm.f32 $0.0e+00;
	v31 =	vmul.f32 v13, v12;
	v32 =	vmul.f32 v14, v12;
	v13 =	vld [tilespmem:s10+$0xFFFFFFC0]  }
0x1ad: {  	v25 =	vadd.f32 v12, v10;
	v30 =	vmul.f32 v16, v12;
	v29 =	vmul.f32 v17, v12;
	v14 =	vld [tilespmem:s10+$0xFFFFFFD0]  }
0x1ae: {  	s11 =	simm.s32 $0x1;
	s8 =	simm.s32 $0x8;
	s2 =	smov.u32 s30;
	v16 =	vld [tilespmem:s10+$0xFFFFFFE0];
	v17 =	vimm.f32 $0.0e+00;
	v15 =	vimm.f32 $0.0e+00;
	v11 =	vadd.f32 v11, v10  }
.LBB2_10:
0x1af: {  	p0 =	sne.s32 s8, $0x4C;
	s11 =	sadd.s32 s11, s26;
	v33 =	vld [tilespmem:s10+$0xFFFFFFF0];
	v23 =	vadd.f32 v28, v23;
	v24 =	vmul.f32 v24, v12;
	v26 =	vmul.f32 v26, v12  }
0x1b0: {  	v20 =	vadd.f32 v31, v20;
	v21 =	vadd.f32 v32, v21;
	s2 =	sadd.s32 $0x10, s2;
	v27 =	vmul.f32 v27, v12;
	v12 =	vld.msk [tilespmem:s11+$0x0 ss:$0x0], $0xffff  }
0x1b1: {  	v19 =	vadd.f32 v30, v19;
	v18 =	vadd.f32 v29, v18;
	v31 =	vld [tilespmem:s2+$0x0]  }
0x1b2: {  	v22 =	vadd.f32 v24, v22;
	v17 =	vadd.f32 v26, v17;
	v29 =	vld [tilespmem:s10+$0x0]  }
0x1b3: {  	v15 =	vadd.f32 v27, v15;
	v24 =	vld [tilespmem:s10+$0x10]  }
.Ltmp3:
0x1b4: {  	v26 =	vld [tilespmem:s10+$0x20];
	(pc) =	sbr.rel @p0 .LBB2_10-.Ltmp3, $4  }
0x1b5: {  	v27 =	vld [tilespmem:s10+$0x30];
	s10 =	sadd.s32 $0x80, s10  }
0x1b6: {  	v28 =	vmul.f32 v13, v12;
	v25 =	vadd.f32 v12, v25;
	v13 =	vld [tilespmem:s10+$0xFFFFFFC0];
	v34 =	vmul.f32 v31, v12  }
0x1b7: {  	v32 =	vmul.f32 v16, v12;
	v31 =	vmul.f32 v14, v12;
	v14 =	vld [tilespmem:s10+$0xFFFFFFD0]  }
0x1b8: {  	s11 =	sshra.s32 s8, $0x2;
	s8 =	sadd.s32 $0x4, s8;
	v30 =	vmul.f32 v33, v12;
	v29 =	vmul.f32 v29, v12;
	v16 =	vld [tilespmem:s10+$0xFFFFFFE0];
	v11 =	vadd.f32 v34, v11  }
0x1b9: {  	s8 =	sadd.s32 s11, s26  }
0x1ba: {  	v33 =	vld.msk [tilespmem:s8+$0x0 ss:$0x0], $0xffff;
	_ =	sdelay $0x4  }
0x1bb: {  	v25 =	vadd.f32 v33, v25;
	_ =	sdelay $0x1  }
0x1bc: {  	v25 =	vadd.f32 $9.999999970e-07, v25  }
0x1bd: {  	s2 =	sadd.s32 $0x10, s2;
	v46 =	vld [tilespmem:s10+$0xFFFFFFF0]  }
0x1be: {  	s31 =	sand.u32 $0x1F, s28;
	v34 =	vld [tilespmem:s2+$0x0];
	(erf) = vrcp.f32 v25  }
0x1bf: {  	v45 =	vld [tilespmem:s31+$0xFE20]  }
0x1c0: {  	v23 =	vadd.f32 v28, v23;
	v47 =	vld [tilespmem:s10+$0x0]  }
0x1c1: {  	v20 =	vadd.f32 v31, v20;
	v24 =	vmul.f32 v24, v12;
	v21 =	vadd.f32 v32, v21;
	v49 =	vld [tilespmem:s10+$0x10]  }
0x1c2: {  	v26 =	vmul.f32 v26, v12;
	v50 =	vld [tilespmem:s10+$0x20];
	v48 =	vmul.f32 v27, v12;
	v19 =	vadd.f32 v30, v19  }
0x1c3: {  	v18 =	vadd.f32 v29, v18;
	v22 =	vadd.f32 v24, v22;
	v13 =	vmul.f32 v13, v33  }
0x1c4: {  	v51 =	vld [tilespmem:s10+$0x30];
	v52 =	vmul.f32 v34, v33;
	v14 =	vmul.f32 v14, v33;
	v25 =	vadd.f32 $0.0e+00, v45  }
0x1c5: {  	v17 =	vadd.f32 v26, v17;
	v16 =	vmul.f32 v16, v33;
	v53 =	vmul.f32 v46, v33  }
0x1c6: {  	v12 =	vadd.f32 v48, v15;
	v54 =	vmul.f32 v47, v33;
	v25 =	vbroadcast v25, $0x0  }
0x1c7: {  	v55 =	vmul.f32 v49, v33;
	v24 =	vmul.f32 v50, v33;
	v11 =	vadd.f32 v52, v11;
	v56 =	vpop (erf)  }
0x1c8: {  	v13 =	vadd.f32 v13, v23;
	v14 =	vadd.f32 v14, v20;
	v57 =	vmul.f32 v25, v56  }
0x1c9: {  	v58 =	vmul.f32 v51, v33;
	v16 =	vadd.f32 v16, v21;
	v19 =	vadd.f32 v53, v19  }
0x1ca: {  	v15 =	vadd.f32 v54, v18;
	v59 =	vadd.f32 v55, v22;
	v13 =	vmul.f32 v57, v13  }
0x1cb: {  	s28 =	sadd.s32 $0x1, s28;
	v17 =	vadd.f32 v24, v17;
	v14 =	vmul.f32 v57, v14;
	v16 =	vmul.f32 v57, v16  }
0x1cc: {  	p0 =	sne.s32 s28, $0x14;
	v12 =	vadd.f32 v58, v12;
	v60 =	vmul.f32 v57, v19;
	v61 =	vmul.f32 v57, v15  }
.Ltmp4:
0x1cd: {  	v62 =	vmul.f32 v57, v59;
	v63 =	vmul.f32 v57, v17;
	v9 =	vadd.f32 v13, v9;
	(pc) =	sbr.rel @p0 .LBB2_9-.Ltmp4, $4  }
0x1ce: {  	v12 =	vmul.f32 v57, v12;
	v8 =	vadd.f32 v14, v8;
	v7 =	vadd.f32 v16, v7  }
0x1cf: {  	v11 =	vmul.f32 v57, v11;
	v6 =	vadd.f32 v60, v6;
	v5 =	vadd.f32 v61, v5  }
0x1d0: {  	v4 =	vadd.f32 v62, v4;
	v3 =	vadd.f32 v63, v3  }
0x1d1: {  	s26 =	sadd.s32 $0x14, s26;
	s30 =	sadd.s32 $0x140, s30;
	s3 =	sadd.s32 $0xA00, s3;
	v2 =	vadd.f32 v12, v2;
	v1 =	vadd.f32 v11, v1  }
0x1d2: {  	s2 =	simm.s32 $0x0  }
0x1d3: {  	v10 =	vld [tilespmem:s2+$0x1C6A0]  }
0x1d4: {  	v11 =	vld [tilespmem:s2+$0x1C6B0]  }
0x1d5: {  	v12 =	vld [tilespmem:s2+$0x1C6C0]  }
0x1d6: {  	s3 =	simm.s32 $0xFE20;
	v14 =	vld [tilespmem:s2+$0x1C6D0]  }
0x1d7: {  	s8 =	simm.s32 $0x1EBA0;
	v15 =	vld.msk [tilespmem:s3+$0x0 ss:$0x0], $0xffff  }
0x1d8: {  	v16 =	vld [tilespmem:s8+$0x0]  }
0x1d9: {  	v17 =	vld [tilespmem:s2+$0x1C6E0]  }
0x1da: {  	v21 =	vld [tilespmem:s2+$0x1C6F0]  }
0x1db: {  	v22 =	vld [tilespmem:s2+$0x1C700]  }
0x1dc: {  	v27 =	vld [tilespmem:s2+$0x1C710]  }
0x1dd: {  	v20 =	vmul.f32 v10, v15;
	v16 =	vmul.f32 v16, v15  }
0x1de: {  	s3 =	simm.s32 $0x80;
	v24 =	vmul.f32 v11, v15;
	v12 =	vmul.f32 v12, v15  }
0x1df: {  	v13 =	vimm.f32 $0.0e+00;
	v18 =	vld [tilespmem:s3+$0x1C6A0];
	v29 =	vmul.f32 v14, v15;
	v26 =	vmul.f32 v17, v15  }
0x1e0: {  	v19 =	vld [tilespmem:s3+$0x1C6B0];
	v10 =	vadd.f32 v15, v13;
	v28 =	vmul.f32 v21, v15;
	v25 =	vmul.f32 v22, v15  }
0x1e1: {  	v22 =	vld [tilespmem:s3+$0x1C6D0];
	v27 =	vmul.f32 v27, v15;
	v17 =	vimm.f32 $0.0e+00;
	v15 =	vimm.f32 $0.0e+00  }
0x1e2: {  	s2 =	simm.s32 $0xFE21;
	v14 =	vimm.f32 $0.0e+00;
	v11 =	vadd.f32 v16, v13;
	v23 =	vadd.f32 v20, v13;
	v20 =	vld [tilespmem:s3+$0x1C6C0]  }
0x1e3: {  	s10 =	simm.s32 $0x400;
	s8 =	simm.s32 $0x1EBB0;
	v24 =	vadd.f32 v24, v13;
	v21 =	vadd.f32 v12, v13;
	v12 =	vld.msk [tilespmem:s2+$0x0 ss:$0x0], $0xffff;
	v16 =	vimm.f32 $0.0e+00  }
.LBB2_13:
0x1e4: {  	p0 =	sne.s32 s10, $0x2600;
	v30 =	vld [tilespmem:s8+$0x0];
	v13 =	vadd.f32 v29, v13;
	v17 =	vadd.f32 v26, v17  }
0x1e5: {  	v16 =	vadd.f32 v28, v16;
	v15 =	vadd.f32 v25, v15;
	v26 =	vld [tilespmem:s3+$0x1C6E0]  }
0x1e6: {  	v14 =	vadd.f32 v27, v14;
	v25 =	vld [tilespmem:s3+$0x1C6F0]  }
0x1e7: {  	v27 =	vld [tilespmem:s3+$0x1C700]  }
0x1e8: {  	v31 =	vld [tilespmem:s3+$0x1C710];
	s3 =	sshra.s32 s10, $0x2  }
.Ltmp5:
0x1e9: {  	v28 =	vmul.f32 v18, v12;
	v10 =	vadd.f32 v12, v10;
	v18 =	vld [tilespmem:s3+$0x1C6A0];
	v30 =	vmul.f32 v30, v12;
	(pc) =	sbr.rel @p0 .LBB2_13-.Ltmp5, $4  }
0x1ea: {  	v32 =	vmul.f32 v19, v12;
	v33 =	vmul.f32 v20, v12;
	v19 =	vld [tilespmem:s3+$0x1C6B0]  }
0x1eb: {  	v29 =	vmul.f32 v22, v12;
	v26 =	vmul.f32 v26, v12;
	v20 =	vld [tilespmem:s3+$0x1C6C0];
	v11 =	vadd.f32 v30, v11  }
0x1ec: {  	s2 =	sadd.s32 $0x1, s2;
	v23 =	vadd.f32 v28, v23;
	v28 =	vmul.f32 v25, v12;
	v22 =	vld [tilespmem:s3+$0x1C6D0];
	v25 =	vmul.f32 v27, v12  }
0x1ed: {  	s8 =	sadd.s32 $0x10, s8;
	s10 =	sadd.s32 $0x200, s10;
	v24 =	vadd.f32 v32, v24;
	v21 =	vadd.f32 v33, v21;
	v27 =	vmul.f32 v31, v12;
	v12 =	vld.msk [tilespmem:s2+$0x0 ss:$0x0], $0xffff  }
0x1ee: {  	v30 =	vld [tilespmem:s8+$0x0]  }
0x1ef: {  	v31 =	vld [tilespmem:s3+$0x1C6E0]  }
0x1f0: {  	v32 =	vld [tilespmem:s3+$0x1C6F0]  }
0x1f1: {  	v33 =	vld [tilespmem:s3+$0x1C700]  }
0x1f2: {  	v51 =	vld [tilespmem:s3+$0x1C710];
	[tilespmem:$0x1ED20] =	vst v9  }
0x1f3: {  	[tilespmem:$0x1ED30] =	vst v8  }
0x1f4: {  	[tilespmem:$0x1ED40] =	vst v7  }
0x1f5: {  	[tilespmem:$0x1ED50] =	vst v6  }
0x1f6: {  	[tilespmem:$0x1ED60] =	vst v5  }
0x1f7: {  	[tilespmem:$0x1ED70] =	vst v4;
	v18 =	vmul.f32 v18, v12  }
0x1f8: {  	[tilespmem:$0x1ED80] =	vst v3;
	v19 =	vmul.f32 v19, v12  }
0x1f9: {  	v54 =	vadd.f32 v29, v13;
	[tilespmem:$0x1ED90] =	vst v2;
	v55 =	vmul.f32 v22, v12;
	v18 =	vadd.f32 v18, v23  }
0x1fa: {  	v56 =	vadd.f32 v26, v17;
	[tilespmem:$0x1EE20] =	vst v1;
	v57 =	vmul.f32 v31, v12;
	v52 =	vadd.f32 v19, v24  }
0x1fb: {  	v58 =	vadd.f32 v28, v16;
	v59 =	vmul.f32 v32, v12;
	v8 =	vadd.f32 v55, v54;
	[tilespmem:$0x1EDA0] =	vst v18  }
0x1fc: {  	v60 =	vadd.f32 v25, v15;
	v61 =	vmul.f32 v33, v12;
	v7 =	vadd.f32 v57, v56;
	[tilespmem:$0x1EDB0] =	vst v52  }
0x1fd: {  	v62 =	vadd.f32 v27, v14;
	v63 =	vmul.f32 v51, v12;
	v6 =	vadd.f32 v59, v58;
	[tilespmem:$0x1EDD0] =	vst v8  }
0x1fe: {  	v3 =	vmul.f32 v30, v12;
	v5 =	vadd.f32 v61, v60;
	[tilespmem:$0x1EDE0] =	vst v7  }
0x1ff: {  	v4 =	vadd.f32 v63, v62;
	[tilespmem:$0x1EDF0] =	vst v6  }
0x200: {  	v53 =	vmul.f32 v20, v12;
	v2 =	vadd.f32 v3, v11;
	[tilespmem:$0x1EE00] =	vst v5  }
0x201: {  	v3 =	vadd.f32 v12, v10;
	[tilespmem:$0x1EE10] =	vst v4  }
0x202: {  	s2 =	smul.u32 $0x30, s24;
	s23 =	sadd.s32 $0x1, s23;
	v18 =	vadd.f32 v53, v21;
	[tilespmem:$0x1EE30] =	vst v2  }
0x203: {  	p0 =	sne.s32 s23, $0x10;
	[tilespmem:$0x1EE40] =	vst v3  }
.Ltmp6:
0x204: {  	s31 =	simm.s32 $0x0;
	s2 =	sadd.s32 s9, s2;
	[tilespmem:$0x1EDC0] =	vst v18;
	(pc) =	sbr.rel @p0 .LBB2_2-.Ltmp6, $4  }
0x205: {  	[hbm4b:s2+s31] =	stream.linear.scatter [tilespmem:s21], [sflag:$0x3], $0x180, $0x38;
	[tilespmem:$0x1EEA0] =	vst v63  }
0x206: {  	_ =	swait.ge [sflag:s22], $0x180  }
0x207: {  	[sflag:s22] =	ssyncset.done $0x0  }
0x208: {  	[sflag:s22] =	ssyncadd.s32 $0xFFFFFE80  }
0x209: {  	_ =	swait.ge [sflag:s14], $0x4000  }
0x20a: {  	[sflag:s14] =	ssyncset.done $0x0  }
0x20b: {  	[sflag:s14] =	ssyncadd.s32 $0xFFFFC000  }
0x20c: {  	_ =	swait.ge [sflag:s14], $0x800  }
0x20d: {  	[sflag:s14] =	ssyncset.done $0x0  }
0x20e: {  	[sflag:s14] =	ssyncadd.s32 $0xFFFFF800  }
0x20f: {  	_ =	swait.ge [sflag:s14], $0x80  }
0x210: {  	[sflag:s14] =	ssyncset.done $0x0  }
0x211: {  	[sflag:s14] =	ssyncadd.s32 $0xFFFFFF80  }
0x212: {  	_ =	swait.ge [sflag:s14], $0x4000  }
0x213: {  	[sflag:s14] =	ssyncset.done $0x0  }
0x214: {  	[sflag:s14] =	ssyncadd.s32 $0xFFFFC000  }
0x215: {  	_ =	swait.ge [sflag:s14], $0x800  }
0x216: {  	[sflag:s14] =	ssyncset.done $0x0  }
0x217: {  	[sflag:s14] =	ssyncadd.s32 $0xFFFFF800  }
0x218: {  	_ =	swait.ge [sflag:s14], $0x80  }
0x219: {  	[sflag:s14] =	ssyncset.done $0x0  }
0x21a: {  	[sflag:s14] =	ssyncadd.s32 $0xFFFFFF80  }
0x21b: {  	_ =	swait.ge [sflag:s14], $0x4000  }
0x21c: {  	[sflag:s14] =	ssyncset.done $0x0  }
0x21d: {  	[sflag:s14] =	ssyncadd.s32 $0xFFFFC000  }
0x21e: {  	_ =	swait.ge [sflag:s14], $0x800  }
0x21f: {  	[sflag:s14] =	ssyncset.done $0x0  }
0x220: {  	[sflag:s14] =	ssyncadd.s32 $0xFFFFF800  }
0x221: {  	_ =	swait.ge [sflag:s14], $0x80  }
0x222: {  	[sflag:s14] =	ssyncset.done $0x0  }
0x223: {  	[sflag:s14] =	ssyncadd.s32 $0xFFFFFF80  }
0x224: {  	_ =	swait.ge [sflag:s14], $0x1400  }
0x225: {  	[sflag:s14] =	ssyncset.done $0x0  }
0x226: {  	[sflag:s14] =	ssyncadd.s32 $0xFFFFEC00  }
0x227: {  	_ =	swait.ge [sflag:s14], $0x280  }
0x228: {  	[sflag:s14] =	ssyncset.done $0x0  }
0x229: {  	[sflag:s14] =	ssyncadd.s32 $0xFFFFFD80  }
0x22a: {  	_ =	swait.ge [sflag:s14], $0x28  }
0x22b: {  	s3 =	rddreg [dreg:$0x7]  }
0x22c: {  	s2 =	rddreg [dreg:$0x6];
	s3 =	sadd.s32 $0x1, s3  }
0x22d: {  	p0 =	sne.s32 s3, s2  }
.Ltmp7:
0x22e: {  	_ = 	snop;
	(pc) =	sbr.rel @p0 .LBB2_1-.Ltmp7, $3  }
0x22f: {  	_ =	sdelay $0x1  }
0x230: {  	[sflag:s14] =	ssyncset.done $0x0  }
0x231: {  	[sflag:s14] =	ssyncadd.s32 $0xFFFFFFD8  }
0x232: {  	_ =	sfence.sel $0x180000  }
0x233: {  	[bflag:$0x0] =	sbarrier.arrive $0xFFFF  }
0x234: {  	_ =	strace $0x9000004A  }
0x235: {  	s0 =	stileid.u32;
	[bflag:$0x2] =	sbarrier.arrive $0xFFFF  }
0x236: {  	p0 =	sne.s32 s0, $0x0;
	s0 =	rddreg [dreg:$0x2]  }
0x237: {  	s0 =	sadd.s32 @!p0 $0x100000, s0  }
0x238: {  	[sflag:s0] =	ssyncadd.tile.s32 @!p0 $0x1;
	_ =	shalt  }
.Lfunc_end2:
_tile_overlayer_lowered:
.L_overlay_start_2:
0x239: {  	(tag) =	ssettag $0x2  }
0x23a: {  	s0 =	rddreg [dreg:$0x0];
	s2 =	stileid.u32  }
0x23b: {  	s1 =	rddreg [dreg:$0x1];
	p0 =	sne.s32 s2, $0x0  }
0x23c: {  	s3 =	rddreg [dreg:$0x2];
	[bflag:$0x3] =	sbarrier.arrive $0xFFFF;
	s2 =	simm.s32 @!p0 $0x1C03  }
0x23d: {  	[timem:s3], [sflag:s2] =	dma.local @!p0 [hbm:s0], s1  }
0x23e: {  	s0 =	simm.s32 @!p0 $0x3  }
0x23f: {  	_ =	swait.ge @!p0 [sflag:s0], s1  }
0x240: {  	s1 =	ssub.s32 @!p0 $0x0, s1;
	[sflag:s0] =	ssyncset.done @!p0 $0x0  }
0x241: {  	[sflag:s0] =	ssyncadd.s32 @!p0 s1  }
0x242: {  	[bflag:$0x3] =	sbarrier.arrive $0xFFFF  }
0x243: {  	_ =	shalt  }

</sc_bundles>
